<compile_context>
chip_gen: v7x
topology: tpu7x:2x2x1
jax: 0.10.2.dev20260603
libtpu: 0.0.44.dev20260713+nightly
codegen_flags: <defaults>
</compile_context>

<pallas_src>
import functools

import jax
import jax.numpy as jnp
from jax import lax
from jax.experimental import pallas as pl
from jax.experimental.pallas import tpu as pltpu
from jax.experimental.pallas import tpu_sc as plsc

N = 10000
E = 320000
D = 128
M = 256

NC = 2
NS = 16
NW = NC * NS
EPAD = 327680
NP = 10240
RPT = NP // NS

_MESH = plsc.VectorSubcoreMesh(
    core_axis_name="c", subcore_axis_name="s", num_cores=NC, num_subcores=NS)

DC = 128
DCH = 80
DNG = DCH // 8
SC_ = 80
SCH = 128
SNG = SCH // 8


@functools.partial(
    pl.kernel,
    out_type=jax.ShapeDtypeStruct((NC, NP, 16), jnp.float32),
    mesh=_MESH,
    scratch_types=[
        pltpu.VMEM_SHARED((NP, 16), jnp.float32),
        pltpu.VMEM((3, 8, DC), jnp.int32),
        pltpu.VMEM((DC, 16), jnp.float32),
        pltpu.SemaphoreType.DMA,
        pltpu.SemaphoreType.DMA,
    ],
)
def _sc_deg(edges, out, deg_tbl, dstb, ones, isem, asem):
    c = lax.axis_index("c")
    s = lax.axis_index("s")
    w = c * NS + s

    def fill(val):
        def body(i, _):
            ones[i, :] = jnp.full((16,), val, jnp.float32)
            return 0
        lax.fori_loop(0, DC, body, 0)

    fill(0.0)
    for k in range(RPT // DC):
        pltpu.make_async_copy(
            ones, deg_tbl.at[pl.ds(s * RPT + k * DC, DC)], asem).start()
    for k in range(RPT // DC):
        pltpu.make_async_copy(
            ones, deg_tbl.at[pl.ds(s * RPT + k * DC, DC)], asem).wait()
    plsc.subcore_barrier()
    fill(1.0)

    def idx_copy(t, ib):
        return pltpu.make_async_copy(
            edges.at[1, pl.ds(w * DCH + 8 * t, 8)], dstb.at[ib], isem)

    def add_copy(ib, u):
        return pltpu.make_async_copy(
            ones, deg_tbl.at[dstb.at[ib].at[u]], asem)

    idx_copy(0, 0).start()
    idx_copy(0, 0).wait()

    def group(t, ib):
        @pl.when(t >= 2)
        def _():
            for u in range(8):
                add_copy((ib + 1) % 3, u).wait()

        @pl.when(t + 1 < DNG)
        def _():
            idx_copy(t + 1, (ib + 1) % 3).start()

        @pl.when(t >= 1)
        def _():
            idx_copy(t, ib).wait()
        for u in range(8):
            add_copy(ib, u).start(add=True)

    def triple(i, _):
        group(3 * i, 0)
        group(3 * i + 1, 1)
        group(3 * i + 2, 2)
        return 0
    lax.fori_loop(0, DNG // 3, triple, 0)
    group(DNG - 1, (DNG - 1) % 3)
    for u in range(8):
        add_copy((DNG - 2) % 3, u).wait()
        add_copy((DNG - 1) % 3, u).wait()

    plsc.subcore_barrier()
    pltpu.sync_copy(deg_tbl.at[pl.ds(s * RPT, RPT)],
                    out.at[c, pl.ds(s * RPT, RPT)])


@functools.partial(
    pl.kernel,
    out_type=jax.ShapeDtypeStruct((NC, NP, D), jnp.float32),
    mesh=_MESH,
    scratch_types=[
        pltpu.VMEM_SHARED((NP, D), jnp.float32),
        pltpu.VMEM((2, 8, SC_), jnp.int32),
        pltpu.VMEM((2, 8, SC_), jnp.int32),
        pltpu.VMEM((4, SC_, D), jnp.float32),
        [pltpu.SemaphoreType.DMA] * 4,
        [pltpu.SemaphoreType.DMA] * 4,
        pltpu.SemaphoreType.DMA,
    ],
)
def _sc_scatter(edges, y, out, acc, srcb, dstb, rows, gsems, ssems, isem):
    c = lax.axis_index("c")
    s = lax.axis_index("s")
    w = c * NS + s

    def fill_zeros(i, _):
        for k in range(D // 16):
            rows[0, i, pl.ds(k * 16, 16)] = jnp.zeros((16,), jnp.float32)
        return 0
    lax.fori_loop(0, SC_, fill_zeros, 0)
    for k in range(RPT // SC_):
        pltpu.make_async_copy(
            rows.at[0], acc.at[pl.ds(s * RPT + k * SC_, SC_)], isem).start()
    for k in range(RPT // SC_):
        pltpu.make_async_copy(
            rows.at[0], acc.at[pl.ds(s * RPT + k * SC_, SC_)], isem).wait()
    plsc.subcore_barrier()

    def idx_copies(t, ib):
        return (pltpu.make_async_copy(
                    edges.at[0, pl.ds(w * SCH + 8 * t, 8)], srcb.at[ib], isem),
                pltpu.make_async_copy(
                    edges.at[1, pl.ds(w * SCH + 8 * t, 8)], dstb.at[ib], isem))

    def g_copy(ib, u, b):
        return pltpu.make_async_copy(
            y.at[srcb.at[ib].at[u]], rows.at[b], gsems[b])

    def s_copy(ib, u, b):
        return pltpu.make_async_copy(
            rows.at[b], acc.at[dstb.at[ib].at[u]], ssems[b])

    for cp in idx_copies(0, 0):
        cp.start()
    for cp in idx_copies(0, 0):
        cp.wait()
    g_copy(0, 0, 0).start()
    g_copy(0, 1, 1).start()

    def group(t, ib):
        for u in range(8):
            j = 8 * t + u
            b = u % 4
            b2 = (u + 2) % 4
            pib = ib ^ 1 if u < 2 else ib

            @pl.when(j >= 2)
            def _():
                s_copy(pib, (u + 6) % 8, b2).wait()
            if u == 2:
                @pl.when(t + 1 < SNG)
                def _():
                    for cp in idx_copies(t + 1, ib ^ 1):
                        cp.start()
            nib = ib ^ 1 if u >= 6 else ib

            @pl.when(j + 2 < SCH)
            def _():
                if u == 6:
                    for cp in idx_copies(t + 1, ib ^ 1):
                        cp.wait()
                g_copy(nib, (u + 2) % 8, b2).start()
            g_copy(ib, u, b).wait()
            s_copy(ib, u, b).start(add=True)

    def pair(i, _):
        group(2 * i, 0)
        group(2 * i + 1, 1)
        return 0
    lax.fori_loop(0, SNG // 2, pair, 0)
    s_copy(1, 6, 2).wait()
    s_copy(1, 7, 3).wait()

    plsc.subcore_barrier()
    pltpu.sync_copy(acc.at[pl.ds(s * RPT, RPT)],
                    out.at[c, pl.ds(s * RPT, RPT)])


def _tc_scale_body(x_ref, w_ref, degp_ref, y_ref, dinv_ref):
    deg = degp_ref[0, :, 0:1] + degp_ref[1, :, 0:1] + 1.0
    dinv = lax.rsqrt(deg)
    xw = jnp.dot(x_ref[...], w_ref[...], preferred_element_type=jnp.float32)
    y_ref[...] = dinv * xw
    dinv_ref[...] = dinv


def _tc_scale(x, conv_W, deg_parts):
    BN = 2000
    return pl.pallas_call(
        _tc_scale_body,
        grid=(N // BN,),
        in_specs=[
            pl.BlockSpec((BN, D), lambda i: (i, 0)),
            pl.BlockSpec((D, D), lambda i: (0, 0)),
            pl.BlockSpec((NC, BN, 16), lambda i: (0, i, 0)),
        ],
        out_specs=[
            pl.BlockSpec((BN, D), lambda i: (i, 0)),
            pl.BlockSpec((BN, 1), lambda i: (i, 0)),
        ],
        out_shape=[
            jax.ShapeDtypeStruct((N, D), jnp.float32),
            jax.ShapeDtypeStruct((N, 1), jnp.float32),
        ],
    )(x, conv_W, deg_parts)


def _tc_head_body(x_ref, y_ref, dinv_ref, acc_ref, cb_ref,
                  w1_ref, b1_ref, w2_ref, b2_ref, w3_ref, b3_ref, out_ref):
    g = dinv_ref[...] * (acc_ref[0] + acc_ref[1] + y_ref[...]) + cb_ref[...]
    h = jnp.maximum(g, 0.0) + x_ref[...]
    h1 = jnp.maximum(
        jnp.dot(h, w1_ref[...], preferred_element_type=jnp.float32)
        + b1_ref[...], 0.0)
    h2 = jnp.maximum(
        jnp.dot(h1, w2_ref[...], preferred_element_type=jnp.float32)
        + b2_ref[...], 0.0)
    out_ref[...] = (
        jnp.dot(h2, w3_ref[...], preferred_element_type=jnp.float32)
        + b3_ref[...])


def _tc_head(x, y, dinv, acc, conv_b, lin1_W, lin1_b, lin2_W, lin2_b,
             lin3_W, lin3_b):
    BN = 2000
    full = lambda shape: pl.BlockSpec(shape, lambda i: tuple(0 for _ in shape))
    return pl.pallas_call(
        _tc_head_body,
        grid=(N // BN,),
        in_specs=[
            pl.BlockSpec((BN, D), lambda i: (i, 0)),
            pl.BlockSpec((BN, D), lambda i: (i, 0)),
            pl.BlockSpec((BN, 1), lambda i: (i, 0)),
            pl.BlockSpec((NC, BN, D), lambda i: (0, i, 0)),
            full((1, D)),
            full((D, M)),
            full((1, M)),
            full((M, M)),
            full((1, M)),
            full((M, 1)),
            full((1, 1)),
        ],
        out_specs=pl.BlockSpec((BN, 1), lambda i: (i, 0)),
        out_shape=jax.ShapeDtypeStruct((N, 1), jnp.float32),
    )(x, y, dinv, acc, conv_b.reshape(1, D), lin1_W, lin1_b.reshape(1, M),
      lin2_W, lin2_b.reshape(1, M), lin3_W, lin3_b.reshape(1, 1))


def kernel(x, edge_index, conv_W, conv_b, lin1_W, lin1_b, lin2_W, lin2_b,
           lin3_W, lin3_b):
    ar = jnp.arange(EPAD - E, dtype=jnp.int32)
    pad_src = (ar * 997) % N
    pad_dst = N + (ar % (NP - N))
    epad = jnp.concatenate([edge_index, jnp.stack([pad_src, pad_dst])], axis=1)
    deg_parts = _sc_deg(epad.reshape(2, NW * DCH, DC))
    y, dinv = _tc_scale(x, conv_W, deg_parts)
    acc = _sc_scatter(epad.reshape(2, NW * SCH, SC_), y)
    return _tc_head(x, y, dinv, acc, conv_b, lin1_W, lin1_b,
                    lin2_W, lin2_b, lin3_W, lin3_b)

# --- scband reference (transcript-rebuilt; emitter-appended) ---
"""Pipeline reference for scband-gnnactor-base-16509854285899 (READ-ONLY COPY).

The authoritative reference and input builder live on the scoring server;
editing this copy changes nothing except your own understanding.
"""

import jax, jax.numpy as jnp
import numpy as np

N = 10000
E = 320000
D = 128
M = 256


def setup_inputs(seed: int = 0) -> dict:
    key = jax.random.key(seed)
    ks = jax.random.split(key, 10)
    x = jax.random.normal(ks[0], (N, D), dtype=jnp.float32)
    edge_index = jax.random.randint(ks[1], (2, E), 0, N, dtype=jnp.int32)
    conv_W = jax.random.normal(ks[2], (D, D), dtype=jnp.float32) * (D ** -0.5)
    conv_b = jnp.zeros((D,), dtype=jnp.float32)
    lin1_W = jax.random.normal(ks[3], (D, M), dtype=jnp.float32) * (D ** -0.5)
    lin1_b = jnp.zeros((M,), dtype=jnp.float32)
    lin2_W = jax.random.normal(ks[4], (M, M), dtype=jnp.float32) * (M ** -0.5)
    lin2_b = jnp.zeros((M,), dtype=jnp.float32)
    lin3_W = jax.random.normal(ks[5], (M, 1), dtype=jnp.float32) * (M ** -0.5)
    lin3_b = jnp.zeros((1,), dtype=jnp.float32)
    return {
        "x": x,
        "edge_index": edge_index,
        "conv_W": conv_W,
        "conv_b": conv_b,
        "lin1_W": lin1_W,
        "lin1_b": lin1_b,
        "lin2_W": lin2_W,
        "lin2_b": lin2_b,
        "lin3_W": lin3_W,
        "lin3_b": lin3_b,
    }


def gcn_conv(x, edge_index, W, b):
    # PyG GCNConv with add_self_loops=True, symmetric normalization, bias after aggregation
    n = x.shape[0]
    loop = jnp.arange(n, dtype=edge_index.dtype)
    src = jnp.concatenate([edge_index[0], loop])
    dst = jnp.concatenate([edge_index[1], loop])
    deg = jnp.zeros((n,), dtype=x.dtype).at[dst].add(1.0)
    d_inv_sqrt = jnp.where(deg > 0, jax.lax.rsqrt(jnp.maximum(deg, 1e-12)), 0.0)
    norm = d_inv_sqrt[src] * d_inv_sqrt[dst]
    xw = x @ W
    msg = xw[src] * norm[:, None]
    out = jnp.zeros_like(xw).at[dst].add(msg)
    return out + b


def reference(x, edge_index, conv_W, conv_b, lin1_W, lin1_b, lin2_W, lin2_b, lin3_W, lin3_b):
    out = jax.nn.relu(gcn_conv(x, edge_index, conv_W, conv_b))
    h = out + x
    h = jax.nn.relu(h @ lin1_W + lin1_b)
    h = jax.nn.relu(h @ lin2_W + lin2_b)
    h = h @ lin3_W + lin3_b
    return h

if __name__ == "__main__":
    import jax
    _d = setup_inputs()
    print(jax.jit(kernel)(*tuple(_d.values())))

</pallas_src>

<mosaic_0001>
#map = affine_map<(d0, d1) -> (0, 0, 0)>
#map1 = affine_map<(d0, d1) -> (0, 0)>
module attributes {stable_mosaic.version = 14 : i64} {
  func.func @_sc_scatter(%arg0: i32, %arg1: i32, %arg2: memref<2x4096x80xi32, #tpu.memory_space<hbm>>, %arg3: memref<10000x128xf32, #tpu.memory_space<hbm>>, %arg4: memref<2x10240x128xf32, #tpu.memory_space<hbm>>, %arg5: memref<10240x128xf32, #tpu.memory_space<vmem_shared>>, %arg6: memref<2x8x80xi32, #tpu.memory_space<vmem>>, %arg7: memref<2x8x80xi32, #tpu.memory_space<vmem>>, %arg8: memref<4x80x128xf32, #tpu.memory_space<vmem>>, %arg9: memref<!tpu.dma_semaphore, #tpu.memory_space<semaphore_mem>>, %arg10: memref<!tpu.dma_semaphore, #tpu.memory_space<semaphore_mem>>, %arg11: memref<!tpu.dma_semaphore, #tpu.memory_space<semaphore_mem>>, %arg12: memref<!tpu.dma_semaphore, #tpu.memory_space<semaphore_mem>>, %arg13: memref<!tpu.dma_semaphore, #tpu.memory_space<semaphore_mem>>, %arg14: memref<!tpu.dma_semaphore, #tpu.memory_space<semaphore_mem>>, %arg15: memref<!tpu.dma_semaphore, #tpu.memory_space<semaphore_mem>>, %arg16: memref<!tpu.dma_semaphore, #tpu.memory_space<semaphore_mem>>, %arg17: memref<!tpu.dma_semaphore, #tpu.memory_space<semaphore_mem>>) attributes {dimension_semantics = [#tpu.dimension_semantics<core_parallel>, #tpu.dimension_semantics<subcore_parallel>], iteration_bounds = array<i64: 2, 16>, scalar_prefetch = 0 : i64, scratch_operands = 13 : i64, tpu.core_type = #tpu.core_type<sc_vector_subcore>, window_params = [{transform_indices = #map}, {transform_indices = #map1}, {transform_indices = #map}]} {
    %mul3A = arith.constant 16 : i32
    %mul3A_0 = arith.muli %arg0, %mul3A : i32
    %add3A = arith.addi %mul3A_0, %arg1 : i32
    %scan3A = arith.constant 0 : i32
    %scan3A_1 = arith.constant 0 : i32
    %scan3A_2 = arith.constant 80 : i32
    %scan3A_3 = arith.addi %scan3A_1, %scan3A_2 : i32
    %scan3A_4 = arith.constant 1 : i32
    %scan3A_5 = scf.for %scan3A_437 = %scan3A_1 to %scan3A_3 step %scan3A_4 iter_args(%scan3A_438 = %scan3A) -> (i32)  : i32 {
      %broadcast_in_dim3A = arith.constant 0.000000e+00 : f32
      %broadcast_in_dim3A_439 = vector.broadcast %broadcast_in_dim3A : f32 to vector<16xf32>
      %swap3A = arith.constant 0 : i32
      %swap3A_440 = arith.index_cast %swap3A : i32 to index
      %swap3A_441 = arith.index_cast %scan3A_437 : i32 to index
      %swap3A_442 = arith.constant 0 : index
      %swap3A_443 = tpu.vector_load %arg8[%swap3A_440, %swap3A_441, %swap3A_442] {strides = array<i32>} : memref<4x80x128xf32, #tpu.memory_space<vmem>>, vector<1x1x16xf32>,
      %swap3A_444 = vector.shape_cast %swap3A_443 : vector<1x1x16xf32> to vector<16xf32>
      %swap3A_445 = vector.shape_cast %broadcast_in_dim3A_439 : vector<16xf32> to vector<1x1x16xf32>
      tpu.vector_store %arg8[%swap3A_440, %swap3A_441, %swap3A_442], %swap3A_445 {strides = array<i32>} : memref<4x80x128xf32, #tpu.memory_space<vmem>>, vector<1x1x16xf32>,
      %broadcast_in_dim3A_446 = arith.constant 0.000000e+00 : f32
      %broadcast_in_dim3A_447 = vector.broadcast %broadcast_in_dim3A_446 : f32 to vector<16xf32>
      %swap3A_448 = arith.constant 0 : i32
      %swap3A_449 = arith.index_cast %swap3A_448 : i32 to index
      %swap3A_450 = arith.index_cast %scan3A_437 : i32 to index
      %swap3A_451 = arith.constant 16 : index
      %swap3A_452 = tpu.vector_load %arg8[%swap3A_449, %swap3A_450, %swap3A_451] {strides = array<i32>} : memref<4x80x128xf32, #tpu.memory_space<vmem>>, vector<1x1x16xf32>,
      %swap3A_453 = vector.shape_cast %swap3A_452 : vector<1x1x16xf32> to vector<16xf32>
      %swap3A_454 = vector.shape_cast %broadcast_in_dim3A_447 : vector<16xf32> to vector<1x1x16xf32>
      tpu.vector_store %arg8[%swap3A_449, %swap3A_450, %swap3A_451], %swap3A_454 {strides = array<i32>} : memref<4x80x128xf32, #tpu.memory_space<vmem>>, vector<1x1x16xf32>,
      %broadcast_in_dim3A_455 = arith.constant 0.000000e+00 : f32
      %broadcast_in_dim3A_456 = vector.broadcast %broadcast_in_dim3A_455 : f32 to vector<16xf32>
      %swap3A_457 = arith.constant 0 : i32
      %swap3A_458 = arith.index_cast %swap3A_457 : i32 to index
      %swap3A_459 = arith.index_cast %scan3A_437 : i32 to index
      %swap3A_460 = arith.constant 32 : index
      %swap3A_461 = tpu.vector_load %arg8[%swap3A_458, %swap3A_459, %swap3A_460] {strides = array<i32>} : memref<4x80x128xf32, #tpu.memory_space<vmem>>, vector<1x1x16xf32>,
      %swap3A_462 = vector.shape_cast %swap3A_461 : vector<1x1x16xf32> to vector<16xf32>
      %swap3A_463 = vector.shape_cast %broadcast_in_dim3A_456 : vector<16xf32> to vector<1x1x16xf32>
      tpu.vector_store %arg8[%swap3A_458, %swap3A_459, %swap3A_460], %swap3A_463 {strides = array<i32>} : memref<4x80x128xf32, #tpu.memory_space<vmem>>, vector<1x1x16xf32>,
      %broadcast_in_dim3A_464 = arith.constant 0.000000e+00 : f32
      %broadcast_in_dim3A_465 = vector.broadcast %broadcast_in_dim3A_464 : f32 to vector<16xf32>
      %swap3A_466 = arith.constant 0 : i32
      %swap3A_467 = arith.index_cast %swap3A_466 : i32 to index
      %swap3A_468 = arith.index_cast %scan3A_437 : i32 to index
      %swap3A_469 = arith.constant 48 : index
      %swap3A_470 = tpu.vector_load %arg8[%swap3A_467, %swap3A_468, %swap3A_469] {strides = array<i32>} : memref<4x80x128xf32, #tpu.memory_space<vmem>>, vector<1x1x16xf32>,
      %swap3A_471 = vector.shape_cast %swap3A_470 : vector<1x1x16xf32> to vector<16xf32>
      %swap3A_472 = vector.shape_cast %broadcast_in_dim3A_465 : vector<16xf32> to vector<1x1x16xf32>
      tpu.vector_store %arg8[%swap3A_467, %swap3A_468, %swap3A_469], %swap3A_472 {strides = array<i32>} : memref<4x80x128xf32, #tpu.memory_space<vmem>>, vector<1x1x16xf32>,
      %broadcast_in_dim3A_473 = arith.constant 0.000000e+00 : f32
      %broadcast_in_dim3A_474 = vector.broadcast %broadcast_in_dim3A_473 : f32 to vector<16xf32>
      %swap3A_475 = arith.constant 0 : i32
      %swap3A_476 = arith.index_cast %swap3A_475 : i32 to index
      %swap3A_477 = arith.index_cast %scan3A_437 : i32 to index
      %swap3A_478 = arith.constant 64 : index
      %swap3A_479 = tpu.vector_load %arg8[%swap3A_476, %swap3A_477, %swap3A_478] {strides = array<i32>} : memref<4x80x128xf32, #tpu.memory_space<vmem>>, vector<1x1x16xf32>,
      %swap3A_480 = vector.shape_cast %swap3A_479 : vector<1x1x16xf32> to vector<16xf32>
      %swap3A_481 = vector.shape_cast %broadcast_in_dim3A_474 : vector<16xf32> to vector<1x1x16xf32>
      tpu.vector_store %arg8[%swap3A_476, %swap3A_477, %swap3A_478], %swap3A_481 {strides = array<i32>} : memref<4x80x128xf32, #tpu.memory_space<vmem>>, vector<1x1x16xf32>,
      %broadcast_in_dim3A_482 = arith.constant 0.000000e+00 : f32
      %broadcast_in_dim3A_483 = vector.broadcast %broadcast_in_dim3A_482 : f32 to vector<16xf32>
      %swap3A_484 = arith.constant 0 : i32
      %swap3A_485 = arith.index_cast %swap3A_484 : i32 to index
      %swap3A_486 = arith.index_cast %scan3A_437 : i32 to index
      %swap3A_487 = arith.constant 80 : index
      %swap3A_488 = tpu.vector_load %arg8[%swap3A_485, %swap3A_486, %swap3A_487] {strides = array<i32>} : memref<4x80x128xf32, #tpu.memory_space<vmem>>, vector<1x1x16xf32>,
      %swap3A_489 = vector.shape_cast %swap3A_488 : vector<1x1x16xf32> to vector<16xf32>
      %swap3A_490 = vector.shape_cast %broadcast_in_dim3A_483 : vector<16xf32> to vector<1x1x16xf32>
      tpu.vector_store %arg8[%swap3A_485, %swap3A_486, %swap3A_487], %swap3A_490 {strides = array<i32>} : memref<4x80x128xf32, #tpu.memory_space<vmem>>, vector<1x1x16xf32>,
      %broadcast_in_dim3A_491 = arith.constant 0.000000e+00 : f32
      %broadcast_in_dim3A_492 = vector.broadcast %broadcast_in_dim3A_491 : f32 to vector<16xf32>
      %swap3A_493 = arith.constant 0 : i32
      %swap3A_494 = arith.index_cast %swap3A_493 : i32 to index
      %swap3A_495 = arith.index_cast %scan3A_437 : i32 to index
      %swap3A_496 = arith.constant 96 : index
      %swap3A_497 = tpu.vector_load %arg8[%swap3A_494, %swap3A_495, %swap3A_496] {strides = array<i32>} : memref<4x80x128xf32, #tpu.memory_space<vmem>>, vector<1x1x16xf32>,
      %swap3A_498 = vector.shape_cast %swap3A_497 : vector<1x1x16xf32> to vector<16xf32>
      %swap3A_499 = vector.shape_cast %broadcast_in_dim3A_492 : vector<16xf32> to vector<1x1x16xf32>
      tpu.vector_store %arg8[%swap3A_494, %swap3A_495, %swap3A_496], %swap3A_499 {strides = array<i32>} : memref<4x80x128xf32, #tpu.memory_space<vmem>>, vector<1x1x16xf32>,
      %broadcast_in_dim3A_500 = arith.constant 0.000000e+00 : f32
      %broadcast_in_dim3A_501 = vector.broadcast %broadcast_in_dim3A_500 : f32 to vector<16xf32>
      %swap3A_502 = arith.constant 0 : i32
      %swap3A_503 = arith.index_cast %swap3A_502 : i32 to index
      %swap3A_504 = arith.index_cast %scan3A_437 : i32 to index
      %swap3A_505 = arith.constant 112 : index
      %swap3A_506 = tpu.vector_load %arg8[%swap3A_503, %swap3A_504, %swap3A_505] {strides = array<i32>} : memref<4x80x128xf32, #tpu.memory_space<vmem>>, vector<1x1x16xf32>,
      %swap3A_507 = vector.shape_cast %swap3A_506 : vector<1x1x16xf32> to vector<16xf32>
      %swap3A_508 = vector.shape_cast %broadcast_in_dim3A_501 : vector<16xf32> to vector<1x1x16xf32>
      tpu.vector_store %arg8[%swap3A_503, %swap3A_504, %swap3A_505], %swap3A_508 {strides = array<i32>} : memref<4x80x128xf32, #tpu.memory_space<vmem>>, vector<1x1x16xf32>,
      %scan3A_509 = arith.constant 0 : i32
      scf.yield %scan3A_509 : i32
    }
    %scan3A_6 = arith.constant 80 : i32
    %mul3A_7 = arith.constant 640 : i32
    %mul3A_8 = arith.muli %arg1, %mul3A_7 : i32
    %add3A_9 = arith.constant 0 : i32
    %add3A_10 = arith.addi %mul3A_8, %add3A_9 : i32
    %dma_start3A = arith.constant 0 : i32
    %dma_start3A_11 = arith.constant 0 : i32
    %dma_start3A_12 = arith.constant 0 : i32
    %dma_start3A_13 = tpu.memref_slice %arg8[%dma_start3A, %dma_start3A_11, %dma_start3A_12] : memref<4x80x128xf32, #tpu.memory_space<vmem>> -> memref<1x80x128xf32, #tpu.memory_space<vmem>>
    %dma_start3A_14 = tpu.memref_squeeze %dma_start3A_13 : memref<1x80x128xf32, #tpu.memory_space<vmem>> -> memref<80x128xf32, #tpu.memory_space<vmem>>
    %dma_start3A_15 = arith.constant 0 : i32
    %dma_start3A_16 = tpu.memref_slice %arg5[%add3A_10, %dma_start3A_15] : memref<10240x128xf32, #tpu.memory_space<vmem_shared>> -> memref<80x128xf32, #tpu.memory_space<vmem_shared>>
    %dma_start3A_17 = arith.constant 0 : i32
    %dma_start3A_18 = tpu.memref_slice %arg5[%add3A_10, %dma_start3A_17] : memref<10240x128xf32, #tpu.memory_space<vmem_shared>> -> memref<80x128xf32, #tpu.memory_space<vmem_shared>>
    %dma_start3A_19 = arith.constant 0 : i32
    %dma_start3A_20 = arith.constant 0 : i32
    %dma_start3A_21 = tpu.memref_slice %arg8[%dma_start3A, %dma_start3A_19, %dma_start3A_20] : memref<4x80x128xf32, #tpu.memory_space<vmem>> -> memref<1x80x128xf32, #tpu.memory_space<vmem>>
    %dma_start3A_22 = tpu.memref_squeeze %dma_start3A_21 : memref<1x80x128xf32, #tpu.memory_space<vmem>> -> memref<80x128xf32, #tpu.memory_space<vmem>>
    tpu.enqueue_dma source(%dma_start3A_22 : memref<80x128xf32, #tpu.memory_space<vmem>>) target(%dma_start3A_18 : memref<80x128xf32, #tpu.memory_space<vmem_shared>>) target_semaphore(%arg17 : memref<!tpu.dma_semaphore, #tpu.memory_space<semaphore_mem>>)
    %mul3A_23 = arith.constant 640 : i32
    %mul3A_24 = arith.muli %arg1, %mul3A_23 : i32
    %add3A_25 = arith.constant 80 : i32
    %add3A_26 = arith.addi %mul3A_24, %add3A_25 : i32
    %dma_start3A_27 = arith.constant 0 : i32
    %dma_start3A_28 = arith.constant 0 : i32
    %dma_start3A_29 = arith.constant 0 : i32
    %dma_start3A_30 = tpu.memref_slice %arg8[%dma_start3A_27, %dma_start3A_28, %dma_start3A_29] : memref<4x80x128xf32, #tpu.memory_space<vmem>> -> memref<1x80x128xf32, #tpu.memory_space<vmem>>
    %dma_start3A_31 = tpu.memref_squeeze %dma_start3A_30 : memref<1x80x128xf32, #tpu.memory_space<vmem>> -> memref<80x128xf32, #tpu.memory_space<vmem>>
    %dma_start3A_32 = arith.constant 0 : i32
    %dma_start3A_33 = tpu.memref_slice %arg5[%add3A_26, %dma_start3A_32] : memref<10240x128xf32, #tpu.memory_space<vmem_shared>> -> memref<80x128xf32, #tpu.memory_space<vmem_shared>>
    %dma_start3A_34 = arith.constant 0 : i32
    %dma_start3A_35 = tpu.memref_slice %arg5[%add3A_26, %dma_start3A_34] : memref<10240x128xf32, #tpu.memory_space<vmem_shared>> -> memref<80x128xf32, #tpu.memory_space<vmem_shared>>
    %dma_start3A_36 = arith.constant 0 : i32
    %dma_start3A_37 = arith.constant 0 : i32
    %dma_start3A_38 = tpu.memref_slice %arg8[%dma_start3A_27, %dma_start3A_36, %dma_start3A_37] : memref<4x80x128xf32, #tpu.memory_space<vmem>> -> memref<1x80x128xf32, #tpu.memory_space<vmem>>
    %dma_start3A_39 = tpu.memref_squeeze %dma_start3A_38 : memref<1x80x128xf32, #tpu.memory_space<vmem>> -> memref<80x128xf32, #tpu.memory_space<vmem>>
    tpu.enqueue_dma source(%dma_start3A_39 : memref<80x128xf32, #tpu.memory_space<vmem>>) target(%dma_start3A_35 : memref<80x128xf32, #tpu.memory_space<vmem_shared>>) target_semaphore(%arg17 : memref<!tpu.dma_semaphore, #tpu.memory_space<semaphore_mem>>)
    %mul3A_40 = arith.constant 640 : i32
    %mul3A_41 = arith.muli %arg1, %mul3A_40 : i32
    %add3A_42 = arith.constant 160 : i32
    %add3A_43 = arith.addi %mul3A_41, %add3A_42 : i32
    %dma_start3A_44 = arith.constant 0 : i32
    %dma_start3A_45 = arith.constant 0 : i32
    %dma_start3A_46 = arith.constant 0 : i32
    %dma_start3A_47 = tpu.memref_slice %arg8[%dma_start3A_44, %dma_start3A_45, %dma_start3A_46] : memref<4x80x128xf32, #tpu.memory_space<vmem>> -> memref<1x80x128xf32, #tpu.memory_space<vmem>>
    %dma_start3A_48 = tpu.memref_squeeze %dma_start3A_47 : memref<1x80x128xf32, #tpu.memory_space<vmem>> -> memref<80x128xf32, #tpu.memory_space<vmem>>
    %dma_start3A_49 = arith.constant 0 : i32
    %dma_start3A_50 = tpu.memref_slice %arg5[%add3A_43, %dma_start3A_49] : memref<10240x128xf32, #tpu.memory_space<vmem_shared>> -> memref<80x128xf32, #tpu.memory_space<vmem_shared>>
    %dma_start3A_51 = arith.constant 0 : i32
    %dma_start3A_52 = tpu.memref_slice %arg5[%add3A_43, %dma_start3A_51] : memref<10240x128xf32, #tpu.memory_space<vmem_shared>> -> memref<80x128xf32, #tpu.memory_space<vmem_shared>>
    %dma_start3A_53 = arith.constant 0 : i32
    %dma_start3A_54 = arith.constant 0 : i32
    %dma_start3A_55 = tpu.memref_slice %arg8[%dma_start3A_44, %dma_start3A_53, %dma_start3A_54] : memref<4x80x128xf32, #tpu.memory_space<vmem>> -> memref<1x80x128xf32, #tpu.memory_space<vmem>>
    %dma_start3A_56 = tpu.memref_squeeze %dma_start3A_55 : memref<1x80x128xf32, #tpu.memory_space<vmem>> -> memref<80x128xf32, #tpu.memory_space<vmem>>
    tpu.enqueue_dma source(%dma_start3A_56 : memref<80x128xf32, #tpu.memory_space<vmem>>) target(%dma_start3A_52 : memref<80x128xf32, #tpu.memory_space<vmem_shared>>) target_semaphore(%arg17 : memref<!tpu.dma_semaphore, #tpu.memory_space<semaphore_mem>>)
    %mul3A_57 = arith.constant 640 : i32
    %mul3A_58 = arith.muli %arg1, %mul3A_57 : i32
    %add3A_59 = arith.constant 240 : i32
    %add3A_60 = arith.addi %mul3A_58, %add3A_59 : i32
    %dma_start3A_61 = arith.constant 0 : i32
    %dma_start3A_62 = arith.constant 0 : i32
    %dma_start3A_63 = arith.constant 0 : i32
    %dma_start3A_64 = tpu.memref_slice %arg8[%dma_start3A_61, %dma_start3A_62, %dma_start3A_63] : memref<4x80x128xf32, #tpu.memory_space<vmem>> -> memref<1x80x128xf32, #tpu.memory_space<vmem>>
    %dma_start3A_65 = tpu.memref_squeeze %dma_start3A_64 : memref<1x80x128xf32, #tpu.memory_space<vmem>> -> memref<80x128xf32, #tpu.memory_space<vmem>>
    %dma_start3A_66 = arith.constant 0 : i32
    %dma_start3A_67 = tpu.memref_slice %arg5[%add3A_60, %dma_start3A_66] : memref<10240x128xf32, #tpu.memory_space<vmem_shared>> -> memref<80x128xf32, #tpu.memory_space<vmem_shared>>
    %dma_start3A_68 = arith.constant 0 : i32
    %dma_start3A_69 = tpu.memref_slice %arg5[%add3A_60, %dma_start3A_68] : memref<10240x128xf32, #tpu.memory_space<vmem_shared>> -> memref<80x128xf32, #tpu.memory_space<vmem_shared>>
    %dma_start3A_70 = arith.constant 0 : i32
    %dma_start3A_71 = arith.constant 0 : i32
    %dma_start3A_72 = tpu.memref_slice %arg8[%dma_start3A_61, %dma_start3A_70, %dma_start3A_71] : memref<4x80x128xf32, #tpu.memory_space<vmem>> -> memref<1x80x128xf32, #tpu.memory_space<vmem>>
    %dma_start3A_73 = tpu.memref_squeeze %dma_start3A_72 : memref<1x80x128xf32, #tpu.memory_space<vmem>> -> memref<80x128xf32, #tpu.memory_space<vmem>>
    tpu.enqueue_dma source(%dma_start3A_73 : memref<80x128xf32, #tpu.memory_space<vmem>>) target(%dma_start3A_69 : memref<80x128xf32, #tpu.memory_space<vmem_shared>>) target_semaphore(%arg17 : memref<!tpu.dma_semaphore, #tpu.memory_space<semaphore_mem>>)
    %mul3A_74 = arith.constant 640 : i32
    %mul3A_75 = arith.muli %arg1, %mul3A_74 : i32
    %add3A_76 = arith.constant 320 : i32
    %add3A_77 = arith.addi %mul3A_75, %add3A_76 : i32
    %dma_start3A_78 = arith.constant 0 : i32
    %dma_start3A_79 = arith.constant 0 : i32
    %dma_start3A_80 = arith.constant 0 : i32
    %dma_start3A_81 = tpu.memref_slice %arg8[%dma_start3A_78, %dma_start3A_79, %dma_start3A_80] : memref<4x80x128xf32, #tpu.memory_space<vmem>> -> memref<1x80x128xf32, #tpu.memory_space<vmem>>
    %dma_start3A_82 = tpu.memref_squeeze %dma_start3A_81 : memref<1x80x128xf32, #tpu.memory_space<vmem>> -> memref<80x128xf32, #tpu.memory_space<vmem>>
    %dma_start3A_83 = arith.constant 0 : i32
    %dma_start3A_84 = tpu.memref_slice %arg5[%add3A_77, %dma_start3A_83] : memref<10240x128xf32, #tpu.memory_space<vmem_shared>> -> memref<80x128xf32, #tpu.memory_space<vmem_shared>>
    %dma_start3A_85 = arith.constant 0 : i32
    %dma_start3A_86 = tpu.memref_slice %arg5[%add3A_77, %dma_start3A_85] : memref<10240x128xf32, #tpu.memory_space<vmem_shared>> -> memref<80x128xf32, #tpu.memory_space<vmem_shared>>
    %dma_start3A_87 = arith.constant 0 : i32
    %dma_start3A_88 = arith.constant 0 : i32
    %dma_start3A_89 = tpu.memref_slice %arg8[%dma_start3A_78, %dma_start3A_87, %dma_start3A_88] : memref<4x80x128xf32, #tpu.memory_space<vmem>> -> memref<1x80x128xf32, #tpu.memory_space<vmem>>
    %dma_start3A_90 = tpu.memref_squeeze %dma_start3A_89 : memref<1x80x128xf32, #tpu.memory_space<vmem>> -> memref<80x128xf32, #tpu.memory_space<vmem>>
    tpu.enqueue_dma source(%dma_start3A_90 : memref<80x128xf32, #tpu.memory_space<vmem>>) target(%dma_start3A_86 : memref<80x128xf32, #tpu.memory_space<vmem_shared>>) target_semaphore(%arg17 : memref<!tpu.dma_semaphore, #tpu.memory_space<semaphore_mem>>)
    %mul3A_91 = arith.constant 640 : i32
    %mul3A_92 = arith.muli %arg1, %mul3A_91 : i32
    %add3A_93 = arith.constant 400 : i32
    %add3A_94 = arith.addi %mul3A_92, %add3A_93 : i32
    %dma_start3A_95 = arith.constant 0 : i32
    %dma_start3A_96 = arith.constant 0 : i32
    %dma_start3A_97 = arith.constant 0 : i32
    %dma_start3A_98 = tpu.memref_slice %arg8[%dma_start3A_95, %dma_start3A_96, %dma_start3A_97] : memref<4x80x128xf32, #tpu.memory_space<vmem>> -> memref<1x80x128xf32, #tpu.memory_space<vmem>>
    %dma_start3A_99 = tpu.memref_squeeze %dma_start3A_98 : memref<1x80x128xf32, #tpu.memory_space<vmem>> -> memref<80x128xf32, #tpu.memory_space<vmem>>
    %dma_start3A_100 = arith.constant 0 : i32
    %dma_start3A_101 = tpu.memref_slice %arg5[%add3A_94, %dma_start3A_100] : memref<10240x128xf32, #tpu.memory_space<vmem_shared>> -> memref<80x128xf32, #tpu.memory_space<vmem_shared>>
    %dma_start3A_102 = arith.constant 0 : i32
    %dma_start3A_103 = tpu.memref_slice %arg5[%add3A_94, %dma_start3A_102] : memref<10240x128xf32, #tpu.memory_space<vmem_shared>> -> memref<80x128xf32, #tpu.memory_space<vmem_shared>>
    %dma_start3A_104 = arith.constant 0 : i32
    %dma_start3A_105 = arith.constant 0 : i32
    %dma_start3A_106 = tpu.memref_slice %arg8[%dma_start3A_95, %dma_start3A_104, %dma_start3A_105] : memref<4x80x128xf32, #tpu.memory_space<vmem>> -> memref<1x80x128xf32, #tpu.memory_space<vmem>>
    %dma_start3A_107 = tpu.memref_squeeze %dma_start3A_106 : memref<1x80x128xf32, #tpu.memory_space<vmem>> -> memref<80x128xf32, #tpu.memory_space<vmem>>
    tpu.enqueue_dma source(%dma_start3A_107 : memref<80x128xf32, #tpu.memory_space<vmem>>) target(%dma_start3A_103 : memref<80x128xf32, #tpu.memory_space<vmem_shared>>) target_semaphore(%arg17 : memref<!tpu.dma_semaphore, #tpu.memory_space<semaphore_mem>>)
    %mul3A_108 = arith.constant 640 : i32
    %mul3A_109 = arith.muli %arg1, %mul3A_108 : i32
    %add3A_110 = arith.constant 480 : i32
    %add3A_111 = arith.addi %mul3A_109, %add3A_110 : i32
    %dma_start3A_112 = arith.constant 0 : i32
    %dma_start3A_113 = arith.constant 0 : i32
    %dma_start3A_114 = arith.constant 0 : i32
    %dma_start3A_115 = tpu.memref_slice %arg8[%dma_start3A_112, %dma_start3A_113, %dma_start3A_114] : memref<4x80x128xf32, #tpu.memory_space<vmem>> -> memref<1x80x128xf32, #tpu.memory_space<vmem>>
    %dma_start3A_116 = tpu.memref_squeeze %dma_start3A_115 : memref<1x80x128xf32, #tpu.memory_space<vmem>> -> memref<80x128xf32, #tpu.memory_space<vmem>>
    %dma_start3A_117 = arith.constant 0 : i32
    %dma_start3A_118 = tpu.memref_slice %arg5[%add3A_111, %dma_start3A_117] : memref<10240x128xf32, #tpu.memory_space<vmem_shared>> -> memref<80x128xf32, #tpu.memory_space<vmem_shared>>
    %dma_start3A_119 = arith.constant 0 : i32
    %dma_start3A_120 = tpu.memref_slice %arg5[%add3A_111, %dma_start3A_119] : memref<10240x128xf32, #tpu.memory_space<vmem_shared>> -> memref<80x128xf32, #tpu.memory_space<vmem_shared>>
    %dma_start3A_121 = arith.constant 0 : i32
    %dma_start3A_122 = arith.constant 0 : i32
    %dma_start3A_123 = tpu.memref_slice %arg8[%dma_start3A_112, %dma_start3A_121, %dma_start3A_122] : memref<4x80x128xf32, #tpu.memory_space<vmem>> -> memref<1x80x128xf32, #tpu.memory_space<vmem>>
    %dma_start3A_124 = tpu.memref_squeeze %dma_start3A_123 : memref<1x80x128xf32, #tpu.memory_space<vmem>> -> memref<80x128xf32, #tpu.memory_space<vmem>>
    tpu.enqueue_dma source(%dma_start3A_124 : memref<80x128xf32, #tpu.memory_space<vmem>>) target(%dma_start3A_120 : memref<80x128xf32, #tpu.memory_space<vmem_shared>>) target_semaphore(%arg17 : memref<!tpu.dma_semaphore, #tpu.memory_space<semaphore_mem>>)
    %mul3A_125 = arith.constant 640 : i32
    %mul3A_126 = arith.muli %arg1, %mul3A_125 : i32
    %add3A_127 = arith.constant 560 : i32
    %add3A_128 = arith.addi %mul3A_126, %add3A_127 : i32
    %dma_start3A_129 = arith.constant 0 : i32
    %dma_start3A_130 = arith.constant 0 : i32
    %dma_start3A_131 = arith.constant 0 : i32
    %dma_start3A_132 = tpu.memref_slice %arg8[%dma_start3A_129, %dma_start3A_130, %dma_start3A_131] : memref<4x80x128xf32, #tpu.memory_space<vmem>> -> memref<1x80x128xf32, #tpu.memory_space<vmem>>
    %dma_start3A_133 = tpu.memref_squeeze %dma_start3A_132 : memref<1x80x128xf32, #tpu.memory_space<vmem>> -> memref<80x128xf32, #tpu.memory_space<vmem>>
    %dma_start3A_134 = arith.constant 0 : i32
    %dma_start3A_135 = tpu.memref_slice %arg5[%add3A_128, %dma_start3A_134] : memref<10240x128xf32, #tpu.memory_space<vmem_shared>> -> memref<80x128xf32, #tpu.memory_space<vmem_shared>>
    %dma_start3A_136 = arith.constant 0 : i32
    %dma_start3A_137 = tpu.memref_slice %arg5[%add3A_128, %dma_start3A_136] : memref<10240x128xf32, #tpu.memory_space<vmem_shared>> -> memref<80x128xf32, #tpu.memory_space<vmem_shared>>
    %dma_start3A_138 = arith.constant 0 : i32
    %dma_start3A_139 = arith.constant 0 : i32
    %dma_start3A_140 = tpu.memref_slice %arg8[%dma_start3A_129, %dma_start3A_138, %dma_start3A_139] : memref<4x80x128xf32, #tpu.memory_space<vmem>> -> memref<1x80x128xf32, #tpu.memory_space<vmem>>
    %dma_start3A_141 = tpu.memref_squeeze %dma_start3A_140 : memref<1x80x128xf32, #tpu.memory_space<vmem>> -> memref<80x128xf32, #tpu.memory_space<vmem>>
    tpu.enqueue_dma source(%dma_start3A_141 : memref<80x128xf32, #tpu.memory_space<vmem>>) target(%dma_start3A_137 : memref<80x128xf32, #tpu.memory_space<vmem_shared>>) target_semaphore(%arg17 : memref<!tpu.dma_semaphore, #tpu.memory_space<semaphore_mem>>)
    %mul3A_142 = arith.constant 640 : i32
    %mul3A_143 = arith.muli %arg1, %mul3A_142 : i32
    %add3A_144 = arith.constant 0 : i32
    %add3A_145 = arith.addi %mul3A_143, %add3A_144 : i32
    %dma_wait3A = arith.constant 0 : i32
    %dma_wait3A_146 = arith.constant 0 : i32
    %dma_wait3A_147 = arith.constant 0 : i32
    %dma_wait3A_148 = tpu.memref_slice %arg8[%dma_wait3A, %dma_wait3A_146, %dma_wait3A_147] : memref<4x80x128xf32, #tpu.memory_space<vmem>> -> memref<1x80x128xf32, #tpu.memory_space<vmem>>
    %dma_wait3A_149 = tpu.memref_squeeze %dma_wait3A_148 : memref<1x80x128xf32, #tpu.memory_space<vmem>> -> memref<80x128xf32, #tpu.memory_space<vmem>>
    %dma_wait3A_150 = arith.constant 0 : i32
    %dma_wait3A_151 = tpu.memref_slice %arg5[%add3A_145, %dma_wait3A_150] : memref<10240x128xf32, #tpu.memory_space<vmem_shared>> -> memref<80x128xf32, #tpu.memory_space<vmem_shared>>
    %dma_wait3A_152 = arith.constant 0 : i32
    %dma_wait3A_153 = tpu.memref_slice %arg5[%add3A_145, %dma_wait3A_152] : memref<10240x128xf32, #tpu.memory_space<vmem_shared>> -> memref<80x128xf32, #tpu.memory_space<vmem_shared>>
    %dma_wait3A_154 = arith.constant 0 : i32
    %dma_wait3A_155 = arith.constant 0 : i32
    %dma_wait3A_156 = tpu.memref_slice %arg8[%dma_wait3A, %dma_wait3A_154, %dma_wait3A_155] : memref<4x80x128xf32, #tpu.memory_space<vmem>> -> memref<1x80x128xf32, #tpu.memory_space<vmem>>
    %dma_wait3A_157 = tpu.memref_squeeze %dma_wait3A_156 : memref<1x80x128xf32, #tpu.memory_space<vmem>> -> memref<80x128xf32, #tpu.memory_space<vmem>>
    tpu.wait_dma2 semaphore(%arg17 : memref<!tpu.dma_semaphore, #tpu.memory_space<semaphore_mem>>) src(%dma_wait3A_157 : memref<80x128xf32, #tpu.memory_space<vmem>>) dst(%dma_wait3A_153 : memref<80x128xf32, #tpu.memory_space<vmem_shared>>)
    %mul3A_158 = arith.constant 640 : i32
    %mul3A_159 = arith.muli %arg1, %mul3A_158 : i32
    %add3A_160 = arith.constant 80 : i32
    %add3A_161 = arith.addi %mul3A_159, %add3A_160 : i32
    %dma_wait3A_162 = arith.constant 0 : i32
    %dma_wait3A_163 = arith.constant 0 : i32
    %dma_wait3A_164 = arith.constant 0 : i32
    %dma_wait3A_165 = tpu.memref_slice %arg8[%dma_wait3A_162, %dma_wait3A_163, %dma_wait3A_164] : memref<4x80x128xf32, #tpu.memory_space<vmem>> -> memref<1x80x128xf32, #tpu.memory_space<vmem>>
    %dma_wait3A_166 = tpu.memref_squeeze %dma_wait3A_165 : memref<1x80x128xf32, #tpu.memory_space<vmem>> -> memref<80x128xf32, #tpu.memory_space<vmem>>
    %dma_wait3A_167 = arith.constant 0 : i32
    %dma_wait3A_168 = tpu.memref_slice %arg5[%add3A_161, %dma_wait3A_167] : memref<10240x128xf32, #tpu.memory_space<vmem_shared>> -> memref<80x128xf32, #tpu.memory_space<vmem_shared>>
    %dma_wait3A_169 = arith.constant 0 : i32
    %dma_wait3A_170 = tpu.memref_slice %arg5[%add3A_161, %dma_wait3A_169] : memref<10240x128xf32, #tpu.memory_space<vmem_shared>> -> memref<80x128xf32, #tpu.memory_space<vmem_shared>>
    %dma_wait3A_171 = arith.constant 0 : i32
    %dma_wait3A_172 = arith.constant 0 : i32
    %dma_wait3A_173 = tpu.memref_slice %arg8[%dma_wait3A_162, %dma_wait3A_171, %dma_wait3A_172] : memref<4x80x128xf32, #tpu.memory_space<vmem>> -> memref<1x80x128xf32, #tpu.memory_space<vmem>>
    %dma_wait3A_174 = tpu.memref_squeeze %dma_wait3A_173 : memref<1x80x128xf32, #tpu.memory_space<vmem>> -> memref<80x128xf32, #tpu.memory_space<vmem>>
    tpu.wait_dma2 semaphore(%arg17 : memref<!tpu.dma_semaphore, #tpu.memory_space<semaphore_mem>>) src(%dma_wait3A_174 : memref<80x128xf32, #tpu.memory_space<vmem>>) dst(%dma_wait3A_170 : memref<80x128xf32, #tpu.memory_space<vmem_shared>>)
    %mul3A_175 = arith.constant 640 : i32
    %mul3A_176 = arith.muli %arg1, %mul3A_175 : i32
    %add3A_177 = arith.constant 160 : i32
    %add3A_178 = arith.addi %mul3A_176, %add3A_177 : i32
    %dma_wait3A_179 = arith.constant 0 : i32
    %dma_wait3A_180 = arith.constant 0 : i32
    %dma_wait3A_181 = arith.constant 0 : i32
    %dma_wait3A_182 = tpu.memref_slice %arg8[%dma_wait3A_179, %dma_wait3A_180, %dma_wait3A_181] : memref<4x80x128xf32, #tpu.memory_space<vmem>> -> memref<1x80x128xf32, #tpu.memory_space<vmem>>
    %dma_wait3A_183 = tpu.memref_squeeze %dma_wait3A_182 : memref<1x80x128xf32, #tpu.memory_space<vmem>> -> memref<80x128xf32, #tpu.memory_space<vmem>>
    %dma_wait3A_184 = arith.constant 0 : i32
    %dma_wait3A_185 = tpu.memref_slice %arg5[%add3A_178, %dma_wait3A_184] : memref<10240x128xf32, #tpu.memory_space<vmem_shared>> -> memref<80x128xf32, #tpu.memory_space<vmem_shared>>
    %dma_wait3A_186 = arith.constant 0 : i32
    %dma_wait3A_187 = tpu.memref_slice %arg5[%add3A_178, %dma_wait3A_186] : memref<10240x128xf32, #tpu.memory_space<vmem_shared>> -> memref<80x128xf32, #tpu.memory_space<vmem_shared>>
    %dma_wait3A_188 = arith.constant 0 : i32
    %dma_wait3A_189 = arith.constant 0 : i32
    %dma_wait3A_190 = tpu.memref_slice %arg8[%dma_wait3A_179, %dma_wait3A_188, %dma_wait3A_189] : memref<4x80x128xf32, #tpu.memory_space<vmem>> -> memref<1x80x128xf32, #tpu.memory_space<vmem>>
    %dma_wait3A_191 = tpu.memref_squeeze %dma_wait3A_190 : memref<1x80x128xf32, #tpu.memory_space<vmem>> -> memref<80x128xf32, #tpu.memory_space<vmem>>
    tpu.wait_dma2 semaphore(%arg17 : memref<!tpu.dma_semaphore, #tpu.memory_space<semaphore_mem>>) src(%dma_wait3A_191 : memref<80x128xf32, #tpu.memory_space<vmem>>) dst(%dma_wait3A_187 : memref<80x128xf32, #tpu.memory_space<vmem_shared>>)
    %mul3A_192 = arith.constant 640 : i32
    %mul3A_193 = arith.muli %arg1, %mul3A_192 : i32
    %add3A_194 = arith.constant 240 : i32
    %add3A_195 = arith.addi %mul3A_193, %add3A_194 : i32
    %dma_wait3A_196 = arith.constant 0 : i32
    %dma_wait3A_197 = arith.constant 0 : i32
    %dma_wait3A_198 = arith.constant 0 : i32
    %dma_wait3A_199 = tpu.memref_slice %arg8[%dma_wait3A_196, %dma_wait3A_197, %dma_wait3A_198] : memref<4x80x128xf32, #tpu.memory_space<vmem>> -> memref<1x80x128xf32, #tpu.memory_space<vmem>>
    %dma_wait3A_200 = tpu.memref_squeeze %dma_wait3A_199 : memref<1x80x128xf32, #tpu.memory_space<vmem>> -> memref<80x128xf32, #tpu.memory_space<vmem>>
    %dma_wait3A_201 = arith.constant 0 : i32
    %dma_wait3A_202 = tpu.memref_slice %arg5[%add3A_195, %dma_wait3A_201] : memref<10240x128xf32, #tpu.memory_space<vmem_shared>> -> memref<80x128xf32, #tpu.memory_space<vmem_shared>>
    %dma_wait3A_203 = arith.constant 0 : i32
    %dma_wait3A_204 = tpu.memref_slice %arg5[%add3A_195, %dma_wait3A_203] : memref<10240x128xf32, #tpu.memory_space<vmem_shared>> -> memref<80x128xf32, #tpu.memory_space<vmem_shared>>
    %dma_wait3A_205 = arith.constant 0 : i32
    %dma_wait3A_206 = arith.constant 0 : i32
    %dma_wait3A_207 = tpu.memref_slice %arg8[%dma_wait3A_196, %dma_wait3A_205, %dma_wait3A_206] : memref<4x80x128xf32, #tpu.memory_space<vmem>> -> memref<1x80x128xf32, #tpu.memory_space<vmem>>
    %dma_wait3A_208 = tpu.memref_squeeze %dma_wait3A_207 : memref<1x80x128xf32, #tpu.memory_space<vmem>> -> memref<80x128xf32, #tpu.memory_space<vmem>>
    tpu.wait_dma2 semaphore(%arg17 : memref<!tpu.dma_semaphore, #tpu.memory_space<semaphore_mem>>) src(%dma_wait3A_208 : memref<80x128xf32, #tpu.memory_space<vmem>>) dst(%dma_wait3A_204 : memref<80x128xf32, #tpu.memory_space<vmem_shared>>)
    %mul3A_209 = arith.constant 640 : i32
    %mul3A_210 = arith.muli %arg1, %mul3A_209 : i32
    %add3A_211 = arith.constant 320 : i32
    %add3A_212 = arith.addi %mul3A_210, %add3A_211 : i32
    %dma_wait3A_213 = arith.constant 0 : i32
    %dma_wait3A_214 = arith.constant 0 : i32
    %dma_wait3A_215 = arith.constant 0 : i32
    %dma_wait3A_216 = tpu.memref_slice %arg8[%dma_wait3A_213, %dma_wait3A_214, %dma_wait3A_215] : memref<4x80x128xf32, #tpu.memory_space<vmem>> -> memref<1x80x128xf32, #tpu.memory_space<vmem>>
    %dma_wait3A_217 = tpu.memref_squeeze %dma_wait3A_216 : memref<1x80x128xf32, #tpu.memory_space<vmem>> -> memref<80x128xf32, #tpu.memory_space<vmem>>
    %dma_wait3A_218 = arith.constant 0 : i32
    %dma_wait3A_219 = tpu.memref_slice %arg5[%add3A_212, %dma_wait3A_218] : memref<10240x128xf32, #tpu.memory_space<vmem_shared>> -> memref<80x128xf32, #tpu.memory_space<vmem_shared>>
    %dma_wait3A_220 = arith.constant 0 : i32
    %dma_wait3A_221 = tpu.memref_slice %arg5[%add3A_212, %dma_wait3A_220] : memref<10240x128xf32, #tpu.memory_space<vmem_shared>> -> memref<80x128xf32, #tpu.memory_space<vmem_shared>>
    %dma_wait3A_222 = arith.constant 0 : i32
    %dma_wait3A_223 = arith.constant 0 : i32
    %dma_wait3A_224 = tpu.memref_slice %arg8[%dma_wait3A_213, %dma_wait3A_222, %dma_wait3A_223] : memref<4x80x128xf32, #tpu.memory_space<vmem>> -> memref<1x80x128xf32, #tpu.memory_space<vmem>>
    %dma_wait3A_225 = tpu.memref_squeeze %dma_wait3A_224 : memref<1x80x128xf32, #tpu.memory_space<vmem>> -> memref<80x128xf32, #tpu.memory_space<vmem>>
    tpu.wait_dma2 semaphore(%arg17 : memref<!tpu.dma_semaphore, #tpu.memory_space<semaphore_mem>>) src(%dma_wait3A_225 : memref<80x128xf32, #tpu.memory_space<vmem>>) dst(%dma_wait3A_221 : memref<80x128xf32, #tpu.memory_space<vmem_shared>>)
    %mul3A_226 = arith.constant 640 : i32
    %mul3A_227 = arith.muli %arg1, %mul3A_226 : i32
    %add3A_228 = arith.constant 400 : i32
    %add3A_229 = arith.addi %mul3A_227, %add3A_228 : i32
    %dma_wait3A_230 = arith.constant 0 : i32
    %dma_wait3A_231 = arith.constant 0 : i32
    %dma_wait3A_232 = arith.constant 0 : i32
    %dma_wait3A_233 = tpu.memref_slice %arg8[%dma_wait3A_230, %dma_wait3A_231, %dma_wait3A_232] : memref<4x80x128xf32, #tpu.memory_space<vmem>> -> memref<1x80x128xf32, #tpu.memory_space<vmem>>
    %dma_wait3A_234 = tpu.memref_squeeze %dma_wait3A_233 : memref<1x80x128xf32, #tpu.memory_space<vmem>> -> memref<80x128xf32, #tpu.memory_space<vmem>>
    %dma_wait3A_235 = arith.constant 0 : i32
    %dma_wait3A_236 = tpu.memref_slice %arg5[%add3A_229, %dma_wait3A_235] : memref<10240x128xf32, #tpu.memory_space<vmem_shared>> -> memref<80x128xf32, #tpu.memory_space<vmem_shared>>
    %dma_wait3A_237 = arith.constant 0 : i32
    %dma_wait3A_238 = tpu.memref_slice %arg5[%add3A_229, %dma_wait3A_237] : memref<10240x128xf32, #tpu.memory_space<vmem_shared>> -> memref<80x128xf32, #tpu.memory_space<vmem_shared>>
    %dma_wait3A_239 = arith.constant 0 : i32
    %dma_wait3A_240 = arith.constant 0 : i32
    %dma_wait3A_241 = tpu.memref_slice %arg8[%dma_wait3A_230, %dma_wait3A_239, %dma_wait3A_240] : memref<4x80x128xf32, #tpu.memory_space<vmem>> -> memref<1x80x128xf32, #tpu.memory_space<vmem>>
    %dma_wait3A_242 = tpu.memref_squeeze %dma_wait3A_241 : memref<1x80x128xf32, #tpu.memory_space<vmem>> -> memref<80x128xf32, #tpu.memory_space<vmem>>
    tpu.wait_dma2 semaphore(%arg17 : memref<!tpu.dma_semaphore, #tpu.memory_space<semaphore_mem>>) src(%dma_wait3A_242 : memref<80x128xf32, #tpu.memory_space<vmem>>) dst(%dma_wait3A_238 : memref<80x128xf32, #tpu.memory_space<vmem_shared>>)
    %mul3A_243 = arith.constant 640 : i32
    %mul3A_244 = arith.muli %arg1, %mul3A_243 : i32
    %add3A_245 = arith.constant 480 : i32
    %add3A_246 = arith.addi %mul3A_244, %add3A_245 : i32
    %dma_wait3A_247 = arith.constant 0 : i32
    %dma_wait3A_248 = arith.constant 0 : i32
    %dma_wait3A_249 = arith.constant 0 : i32
    %dma_wait3A_250 = tpu.memref_slice %arg8[%dma_wait3A_247, %dma_wait3A_248, %dma_wait3A_249] : memref<4x80x128xf32, #tpu.memory_space<vmem>> -> memref<1x80x128xf32, #tpu.memory_space<vmem>>
    %dma_wait3A_251 = tpu.memref_squeeze %dma_wait3A_250 : memref<1x80x128xf32, #tpu.memory_space<vmem>> -> memref<80x128xf32, #tpu.memory_space<vmem>>
    %dma_wait3A_252 = arith.constant 0 : i32
    %dma_wait3A_253 = tpu.memref_slice %arg5[%add3A_246, %dma_wait3A_252] : memref<10240x128xf32, #tpu.memory_space<vmem_shared>> -> memref<80x128xf32, #tpu.memory_space<vmem_shared>>
    %dma_wait3A_254 = arith.constant 0 : i32
    %dma_wait3A_255 = tpu.memref_slice %arg5[%add3A_246, %dma_wait3A_254] : memref<10240x128xf32, #tpu.memory_space<vmem_shared>> -> memref<80x128xf32, #tpu.memory_space<vmem_shared>>
    %dma_wait3A_256 = arith.constant 0 : i32
    %dma_wait3A_257 = arith.constant 0 : i32
    %dma_wait3A_258 = tpu.memref_slice %arg8[%dma_wait3A_247, %dma_wait3A_256, %dma_wait3A_257] : memref<4x80x128xf32, #tpu.memory_space<vmem>> -> memref<1x80x128xf32, #tpu.memory_space<vmem>>
    %dma_wait3A_259 = tpu.memref_squeeze %dma_wait3A_258 : memref<1x80x128xf32, #tpu.memory_space<vmem>> -> memref<80x128xf32, #tpu.memory_space<vmem>>
    tpu.wait_dma2 semaphore(%arg17 : memref<!tpu.dma_semaphore, #tpu.memory_space<semaphore_mem>>) src(%dma_wait3A_259 : memref<80x128xf32, #tpu.memory_space<vmem>>) dst(%dma_wait3A_255 : memref<80x128xf32, #tpu.memory_space<vmem_shared>>)
    %mul3A_260 = arith.constant 640 : i32
    %mul3A_261 = arith.muli %arg1, %mul3A_260 : i32
    %add3A_262 = arith.constant 560 : i32
    %add3A_263 = arith.addi %mul3A_261, %add3A_262 : i32
    %dma_wait3A_264 = arith.constant 0 : i32
    %dma_wait3A_265 = arith.constant 0 : i32
    %dma_wait3A_266 = arith.constant 0 : i32
    %dma_wait3A_267 = tpu.memref_slice %arg8[%dma_wait3A_264, %dma_wait3A_265, %dma_wait3A_266] : memref<4x80x128xf32, #tpu.memory_space<vmem>> -> memref<1x80x128xf32, #tpu.memory_space<vmem>>
    %dma_wait3A_268 = tpu.memref_squeeze %dma_wait3A_267 : memref<1x80x128xf32, #tpu.memory_space<vmem>> -> memref<80x128xf32, #tpu.memory_space<vmem>>
    %dma_wait3A_269 = arith.constant 0 : i32
    %dma_wait3A_270 = tpu.memref_slice %arg5[%add3A_263, %dma_wait3A_269] : memref<10240x128xf32, #tpu.memory_space<vmem_shared>> -> memref<80x128xf32, #tpu.memory_space<vmem_shared>>
    %dma_wait3A_271 = arith.constant 0 : i32
    %dma_wait3A_272 = tpu.memref_slice %arg5[%add3A_263, %dma_wait3A_271] : memref<10240x128xf32, #tpu.memory_space<vmem_shared>> -> memref<80x128xf32, #tpu.memory_space<vmem_shared>>
    %dma_wait3A_273 = arith.constant 0 : i32
    %dma_wait3A_274 = arith.constant 0 : i32
    %dma_wait3A_275 = tpu.memref_slice %arg8[%dma_wait3A_264, %dma_wait3A_273, %dma_wait3A_274] : memref<4x80x128xf32, #tpu.memory_space<vmem>> -> memref<1x80x128xf32, #tpu.memory_space<vmem>>
    %dma_wait3A_276 = tpu.memref_squeeze %dma_wait3A_275 : memref<1x80x128xf32, #tpu.memory_space<vmem>> -> memref<80x128xf32, #tpu.memory_space<vmem>>
    tpu.wait_dma2 semaphore(%arg17 : memref<!tpu.dma_semaphore, #tpu.memory_space<semaphore_mem>>) src(%dma_wait3A_276 : memref<80x128xf32, #tpu.memory_space<vmem>>) dst(%dma_wait3A_272 : memref<80x128xf32, #tpu.memory_space<vmem_shared>>)
    %barrier3A = arith.constant 0 : index
    tpu.barrier barrier_id(%barrier3A)
    %mul3A_277 = arith.constant 128 : i32
    %mul3A_278 = arith.muli %add3A, %mul3A_277 : i32
    %add3A_279 = arith.constant 0 : i32
    %add3A_280 = arith.addi %mul3A_278, %add3A_279 : i32
    %mul3A_281 = arith.constant 128 : i32
    %mul3A_282 = arith.muli %add3A, %mul3A_281 : i32
    %add3A_283 = arith.constant 0 : i32
    %add3A_284 = arith.addi %mul3A_282, %add3A_283 : i32
    %dma_start3A_285 = arith.constant 0 : i32
    %dma_start3A_286 = arith.constant 0 : i32
    %dma_start3A_287 = arith.constant 0 : i32
    %dma_start3A_288 = arith.constant 0 : i32
    %dma_start3A_289 = tpu.memref_slice %arg6[%dma_start3A_286, %dma_start3A_287, %dma_start3A_288] : memref<2x8x80xi32, #tpu.memory_space<vmem>> -> memref<1x8x80xi32, #tpu.memory_space<vmem>>
    %dma_start3A_290 = tpu.memref_squeeze %dma_start3A_289 : memref<1x8x80xi32, #tpu.memory_space<vmem>> -> memref<8x80xi32, #tpu.memory_space<vmem>>
    %dma_start3A_291 = arith.constant 0 : i32
    %dma_start3A_292 = tpu.memref_slice %arg2[%dma_start3A_285, %add3A_280, %dma_start3A_291] : memref<2x4096x80xi32, #tpu.memory_space<hbm>> -> memref<1x8x80xi32, #tpu.memory_space<hbm>>
    %dma_start3A_293 = tpu.memref_squeeze %dma_start3A_292 : memref<1x8x80xi32, #tpu.memory_space<hbm>> -> memref<8x80xi32, #tpu.memory_space<hbm>>
    %dma_start3A_294 = arith.constant 0 : i32
    %dma_start3A_295 = arith.constant 0 : i32
    %dma_start3A_296 = tpu.memref_slice %arg6[%dma_start3A_286, %dma_start3A_294, %dma_start3A_295] : memref<2x8x80xi32, #tpu.memory_space<vmem>> -> memref<1x8x80xi32, #tpu.memory_space<vmem>>
    %dma_start3A_297 = tpu.memref_squeeze %dma_start3A_296 : memref<1x8x80xi32, #tpu.memory_space<vmem>> -> memref<8x80xi32, #tpu.memory_space<vmem>>
    %dma_start3A_298 = arith.constant 0 : i32
    %dma_start3A_299 = tpu.memref_slice %arg2[%dma_start3A_285, %add3A_280, %dma_start3A_298] : memref<2x4096x80xi32, #tpu.memory_space<hbm>> -> memref<1x8x80xi32, #tpu.memory_space<hbm>>
    %dma_start3A_300 = tpu.memref_squeeze %dma_start3A_299 : memref<1x8x80xi32, #tpu.memory_space<hbm>> -> memref<8x80xi32, #tpu.memory_space<hbm>>
    tpu.enqueue_dma source(%dma_start3A_300 : memref<8x80xi32, #tpu.memory_space<hbm>>) target(%dma_start3A_297 : memref<8x80xi32, #tpu.memory_space<vmem>>) target_semaphore(%arg17 : memref<!tpu.dma_semaphore, #tpu.memory_space<semaphore_mem>>)
    %dma_start3A_301 = arith.constant 1 : i32
    %dma_start3A_302 = arith.constant 0 : i32
    %dma_start3A_303 = arith.constant 0 : i32
    %dma_start3A_304 = arith.constant 0 : i32
    %dma_start3A_305 = tpu.memref_slice %arg7[%dma_start3A_302, %dma_start3A_303, %dma_start3A_304] : memref<2x8x80xi32, #tpu.memory_space<vmem>> -> memref<1x8x80xi32, #tpu.memory_space<vmem>>
    %dma_start3A_306 = tpu.memref_squeeze %dma_start3A_305 : memref<1x8x80xi32, #tpu.memory_space<vmem>> -> memref<8x80xi32, #tpu.memory_space<vmem>>
    %dma_start3A_307 = arith.constant 0 : i32
    %dma_start3A_308 = tpu.memref_slice %arg2[%dma_start3A_301, %add3A_284, %dma_start3A_307] : memref<2x4096x80xi32, #tpu.memory_space<hbm>> -> memref<1x8x80xi32, #tpu.memory_space<hbm>>
    %dma_start3A_309 = tpu.memref_squeeze %dma_start3A_308 : memref<1x8x80xi32, #tpu.memory_space<hbm>> -> memref<8x80xi32, #tpu.memory_space<hbm>>
    %dma_start3A_310 = arith.constant 0 : i32
    %dma_start3A_311 = arith.constant 0 : i32
    %dma_start3A_312 = tpu.memref_slice %arg7[%dma_start3A_302, %dma_start3A_310, %dma_start3A_311] : memref<2x8x80xi32, #tpu.memory_space<vmem>> -> memref<1x8x80xi32, #tpu.memory_space<vmem>>
    %dma_start3A_313 = tpu.memref_squeeze %dma_start3A_312 : memref<1x8x80xi32, #tpu.memory_space<vmem>> -> memref<8x80xi32, #tpu.memory_space<vmem>>
    %dma_start3A_314 = arith.constant 0 : i32
    %dma_start3A_315 = tpu.memref_slice %arg2[%dma_start3A_301, %add3A_284, %dma_start3A_314] : memref<2x4096x80xi32, #tpu.memory_space<hbm>> -> memref<1x8x80xi32, #tpu.memory_space<hbm>>
    %dma_start3A_316 = tpu.memref_squeeze %dma_start3A_315 : memref<1x8x80xi32, #tpu.memory_space<hbm>> -> memref<8x80xi32, #tpu.memory_space<hbm>>
    tpu.enqueue_dma source(%dma_start3A_316 : memref<8x80xi32, #tpu.memory_space<hbm>>) target(%dma_start3A_313 : memref<8x80xi32, #tpu.memory_space<vmem>>) target_semaphore(%arg17 : memref<!tpu.dma_semaphore, #tpu.memory_space<semaphore_mem>>)
    %mul3A_317 = arith.constant 128 : i32
    %mul3A_318 = arith.muli %add3A, %mul3A_317 : i32
    %add3A_319 = arith.constant 0 : i32
    %add3A_320 = arith.addi %mul3A_318, %add3A_319 : i32
    %mul3A_321 = arith.constant 128 : i32
    %mul3A_322 = arith.muli %add3A, %mul3A_321 : i32
    %add3A_323 = arith.constant 0 : i32
    %add3A_324 = arith.addi %mul3A_322, %add3A_323 : i32
    %dma_wait3A_325 = arith.constant 0 : i32
    %dma_wait3A_326 = arith.constant 0 : i32
    %dma_wait3A_327 = arith.constant 0 : i32
    %dma_wait3A_328 = arith.constant 0 : i32
    %dma_wait3A_329 = tpu.memref_slice %arg6[%dma_wait3A_326, %dma_wait3A_327, %dma_wait3A_328] : memref<2x8x80xi32, #tpu.memory_space<vmem>> -> memref<1x8x80xi32, #tpu.memory_space<vmem>>
    %dma_wait3A_330 = tpu.memref_squeeze %dma_wait3A_329 : memref<1x8x80xi32, #tpu.memory_space<vmem>> -> memref<8x80xi32, #tpu.memory_space<vmem>>
    %dma_wait3A_331 = arith.constant 0 : i32
    %dma_wait3A_332 = tpu.memref_slice %arg2[%dma_wait3A_325, %add3A_320, %dma_wait3A_331] : memref<2x4096x80xi32, #tpu.memory_space<hbm>> -> memref<1x8x80xi32, #tpu.memory_space<hbm>>
    %dma_wait3A_333 = tpu.memref_squeeze %dma_wait3A_332 : memref<1x8x80xi32, #tpu.memory_space<hbm>> -> memref<8x80xi32, #tpu.memory_space<hbm>>
    %dma_wait3A_334 = arith.constant 0 : i32
    %dma_wait3A_335 = arith.constant 0 : i32
    %dma_wait3A_336 = tpu.memref_slice %arg6[%dma_wait3A_326, %dma_wait3A_334, %dma_wait3A_335] : memref<2x8x80xi32, #tpu.memory_space<vmem>> -> memref<1x8x80xi32, #tpu.memory_space<vmem>>
    %dma_wait3A_337 = tpu.memref_squeeze %dma_wait3A_336 : memref<1x8x80xi32, #tpu.memory_space<vmem>> -> memref<8x80xi32, #tpu.memory_space<vmem>>
    %dma_wait3A_338 = arith.constant 0 : i32
    %dma_wait3A_339 = tpu.memref_slice %arg2[%dma_wait3A_325, %add3A_320, %dma_wait3A_338] : memref<2x4096x80xi32, #tpu.memory_space<hbm>> -> memref<1x8x80xi32, #tpu.memory_space<hbm>>
    %dma_wait3A_340 = tpu.memref_squeeze %dma_wait3A_339 : memref<1x8x80xi32, #tpu.memory_space<hbm>> -> memref<8x80xi32, #tpu.memory_space<hbm>>
    tpu.wait_dma2 semaphore(%arg17 : memref<!tpu.dma_semaphore, #tpu.memory_space<semaphore_mem>>) src(%dma_wait3A_340 : memref<8x80xi32, #tpu.memory_space<hbm>>) dst(%dma_wait3A_337 : memref<8x80xi32, #tpu.memory_space<vmem>>)
    %dma_wait3A_341 = arith.constant 1 : i32
    %dma_wait3A_342 = arith.constant 0 : i32
    %dma_wait3A_343 = arith.constant 0 : i32
    %dma_wait3A_344 = arith.constant 0 : i32
    %dma_wait3A_345 = tpu.memref_slice %arg7[%dma_wait3A_342, %dma_wait3A_343, %dma_wait3A_344] : memref<2x8x80xi32, #tpu.memory_space<vmem>> -> memref<1x8x80xi32, #tpu.memory_space<vmem>>
    %dma_wait3A_346 = tpu.memref_squeeze %dma_wait3A_345 : memref<1x8x80xi32, #tpu.memory_space<vmem>> -> memref<8x80xi32, #tpu.memory_space<vmem>>
    %dma_wait3A_347 = arith.constant 0 : i32
    %dma_wait3A_348 = tpu.memref_slice %arg2[%dma_wait3A_341, %add3A_324, %dma_wait3A_347] : memref<2x4096x80xi32, #tpu.memory_space<hbm>> -> memref<1x8x80xi32, #tpu.memory_space<hbm>>
    %dma_wait3A_349 = tpu.memref_squeeze %dma_wait3A_348 : memref<1x8x80xi32, #tpu.memory_space<hbm>> -> memref<8x80xi32, #tpu.memory_space<hbm>>
    %dma_wait3A_350 = arith.constant 0 : i32
    %dma_wait3A_351 = arith.constant 0 : i32
    %dma_wait3A_352 = tpu.memref_slice %arg7[%dma_wait3A_342, %dma_wait3A_350, %dma_wait3A_351] : memref<2x8x80xi32, #tpu.memory_space<vmem>> -> memref<1x8x80xi32, #tpu.memory_space<vmem>>
    %dma_wait3A_353 = tpu.memref_squeeze %dma_wait3A_352 : memref<1x8x80xi32, #tpu.memory_space<vmem>> -> memref<8x80xi32, #tpu.memory_space<vmem>>
    %dma_wait3A_354 = arith.constant 0 : i32
    %dma_wait3A_355 = tpu.memref_slice %arg2[%dma_wait3A_341, %add3A_324, %dma_wait3A_354] : memref<2x4096x80xi32, #tpu.memory_space<hbm>> -> memref<1x8x80xi32, #tpu.memory_space<hbm>>
    %dma_wait3A_356 = tpu.memref_squeeze %dma_wait3A_355 : memref<1x8x80xi32, #tpu.memory_space<hbm>> -> memref<8x80xi32, #tpu.memory_space<hbm>>
    tpu.wait_dma2 semaphore(%arg17 : memref<!tpu.dma_semaphore, #tpu.memory_space<semaphore_mem>>) src(%dma_wait3A_356 : memref<8x80xi32, #tpu.memory_space<hbm>>) dst(%dma_wait3A_353 : memref<8x80xi32, #tpu.memory_space<vmem>>)
    %dma_start3A_357 = arith.constant 0 : i32
    %dma_start3A_358 = arith.constant 0 : i32
    %dma_start3A_359 = arith.constant 0 : i32
    %dma_start3A_360 = arith.constant 0 : i32
    %dma_start3A_361 = arith.constant 0 : i32
    %dma_start3A_362 = tpu.memref_slice %arg8[%dma_start3A_359, %dma_start3A_360, %dma_start3A_361] : memref<4x80x128xf32, #tpu.memory_space<vmem>> -> memref<1x80x128xf32, #tpu.memory_space<vmem>>
    %dma_start3A_363 = tpu.memref_squeeze %dma_start3A_362 : memref<1x80x128xf32, #tpu.memory_space<vmem>> -> memref<80x128xf32, #tpu.memory_space<vmem>>
    %dma_start3A_364 = arith.constant 0 : i32
    %dma_start3A_365 = arith.constant 0 : i32
    %dma_start3A_366 = tpu.memref_slice %arg6[%dma_start3A_357, %dma_start3A_364, %dma_start3A_365] : memref<2x8x80xi32, #tpu.memory_space<vmem>> -> memref<1x8x80xi32, #tpu.memory_space<vmem>>
    %dma_start3A_367 = tpu.memref_squeeze %dma_start3A_366 : memref<1x8x80xi32, #tpu.memory_space<vmem>> -> memref<8x80xi32, #tpu.memory_space<vmem>>
    %dma_start3A_368 = arith.constant 0 : i32
    %dma_start3A_369 = tpu.memref_slice %dma_start3A_367[%dma_start3A_358, %dma_start3A_368] : memref<8x80xi32, #tpu.memory_space<vmem>> -> memref<1x80xi32, #tpu.memory_space<vmem>>
    %dma_start3A_370 = tpu.memref_squeeze %dma_start3A_369 : memref<1x80xi32, #tpu.memory_space<vmem>> -> memref<80xi32, #tpu.memory_space<vmem>>
    %dma_start3A_371 = arith.constant 0 : i32
    %dma_start3A_372 = arith.constant 0 : i32
    %dma_start3A_373 = tpu.memref_slice %arg3[%dma_start3A_371, %dma_start3A_372] : memref<10000x128xf32, #tpu.memory_space<hbm>> -> memref<10000x128xf32, #tpu.memory_space<hbm>>
    tpu.enqueue_indirect_dma source(%dma_start3A_373 : memref<10000x128xf32, #tpu.memory_space<hbm>>) target(%dma_start3A_363 : memref<80x128xf32, #tpu.memory_space<vmem>>) offsets(%dma_start3A_370 : memref<80xi32, #tpu.memory_space<vmem>>) semaphore(%arg9 : memref<!tpu.dma_semaphore, #tpu.memory_space<semaphore_mem>>)
    %dma_start3A_374 = arith.constant 0 : i32
    %dma_start3A_375 = arith.constant 1 : i32
    %dma_start3A_376 = arith.constant 1 : i32
    %dma_start3A_377 = arith.constant 0 : i32
    %dma_start3A_378 = arith.constant 0 : i32
    %dma_start3A_379 = tpu.memref_slice %arg8[%dma_start3A_376, %dma_start3A_377, %dma_start3A_378] : memref<4x80x128xf32, #tpu.memory_space<vmem>> -> memref<1x80x128xf32, #tpu.memory_space<vmem>>
    %dma_start3A_380 = tpu.memref_squeeze %dma_start3A_379 : memref<1x80x128xf32, #tpu.memory_space<vmem>> -> memref<80x128xf32, #tpu.memory_space<vmem>>
    %dma_start3A_381 = arith.constant 0 : i32
    %dma_start3A_382 = arith.constant 0 : i32
    %dma_start3A_383 = tpu.memref_slice %arg6[%dma_start3A_374, %dma_start3A_381, %dma_start3A_382] : memref<2x8x80xi32, #tpu.memory_space<vmem>> -> memref<1x8x80xi32, #tpu.memory_space<vmem>>
    %dma_start3A_384 = tpu.memref_squeeze %dma_start3A_383 : memref<1x8x80xi32, #tpu.memory_space<vmem>> -> memref<8x80xi32, #tpu.memory_space<vmem>>
    %dma_start3A_385 = arith.constant 0 : i32
    %dma_start3A_386 = tpu.memref_slice %dma_start3A_384[%dma_start3A_375, %dma_start3A_385] : memref<8x80xi32, #tpu.memory_space<vmem>> -> memref<1x80xi32, #tpu.memory_space<vmem>>
    %dma_start3A_387 = tpu.memref_squeeze %dma_start3A_386 : memref<1x80xi32, #tpu.memory_space<vmem>> -> memref<80xi32, #tpu.memory_space<vmem>>
    %dma_start3A_388 = arith.constant 0 : i32
    %dma_start3A_389 = arith.constant 0 : i32
    %dma_start3A_390 = tpu.memref_slice %arg3[%dma_start3A_388, %dma_start3A_389] : memref<10000x128xf32, #tpu.memory_space<hbm>> -> memref<10000x128xf32, #tpu.memory_space<hbm>>
    tpu.enqueue_indirect_dma source(%dma_start3A_390 : memref<10000x128xf32, #tpu.memory_space<hbm>>) target(%dma_start3A_380 : memref<80x128xf32, #tpu.memory_space<vmem>>) offsets(%dma_start3A_387 : memref<80xi32, #tpu.memory_space<vmem>>) semaphore(%arg10 : memref<!tpu.dma_semaphore, #tpu.memory_space<semaphore_mem>>)
    %scan3A_391 = arith.constant 0 : i32
    %scan3A_392 = arith.constant 0 : i32
    %scan3A_393 = arith.constant 8 : i32
    %scan3A_394 = arith.addi %scan3A_392, %scan3A_393 : i32
    %scan3A_395 = arith.constant 1 : i32
    %scan3A_396 = scf.for %scan3A_437 = %scan3A_392 to %scan3A_394 step %scan3A_395 iter_args(%scan3A_438 = %scan3A_391) -> (i32)  : i32 {
      %mul3A_439 = arith.constant 2 : i32
      %mul3A_440 = arith.muli %mul3A_439, %scan3A_437 : i32
      %mul3A_441 = arith.constant 8 : i32
      %mul3A_442 = arith.muli %mul3A_441, %mul3A_440 : i32
      %add3A_443 = arith.constant 0 : i32
      %add3A_444 = arith.addi %mul3A_442, %add3A_443 : i32
      %ge3A = arith.constant 2 : i32
      %ge3A_445 = arith.cmpi sge, %add3A_444, %ge3A : i32
      %convert_element_type3A = arith.extui %ge3A_445 : i1 to i32
      %cond3A = arith.constant 0 : i32
      %cond3A_446 = arith.cmpi ne, %convert_element_type3A, %cond3A : i32
      scf.if %cond3A_446 {
        %dma_wait3A_1256 = arith.constant 2 : i32
        %dma_wait3A_1257 = arith.constant 1 : i32
        %dma_wait3A_1258 = arith.constant 6 : i32
        %dma_wait3A_1259 = arith.constant 0 : i32
        %dma_wait3A_1260 = arith.constant 0 : i32
        %dma_wait3A_1261 = tpu.memref_slice %arg8[%dma_wait3A_1256, %dma_wait3A_1259, %dma_wait3A_1260] : memref<4x80x128xf32, #tpu.memory_space<vmem>> -> memref<1x80x128xf32, #tpu.memory_space<vmem>>
        %dma_wait3A_1262 = tpu.memref_squeeze %dma_wait3A_1261 : memref<1x80x128xf32, #tpu.memory_space<vmem>> -> memref<80x128xf32, #tpu.memory_space<vmem>>
        %dma_wait3A_1263 = arith.constant 0 : i32
        %dma_wait3A_1264 = arith.constant 0 : i32
        %dma_wait3A_1265 = tpu.memref_slice %arg7[%dma_wait3A_1257, %dma_wait3A_1263, %dma_wait3A_1264] : memref<2x8x80xi32, #tpu.memory_space<vmem>> -> memref<1x8x80xi32, #tpu.memory_space<vmem>>
        %dma_wait3A_1266 = tpu.memref_squeeze %dma_wait3A_1265 : memref<1x8x80xi32, #tpu.memory_space<vmem>> -> memref<8x80xi32, #tpu.memory_space<vmem>>
        %dma_wait3A_1267 = arith.constant 0 : i32
        %dma_wait3A_1268 = tpu.memref_slice %dma_wait3A_1266[%dma_wait3A_1258, %dma_wait3A_1267] : memref<8x80xi32, #tpu.memory_space<vmem>> -> memref<1x80xi32, #tpu.memory_space<vmem>>
        %dma_wait3A_1269 = tpu.memref_squeeze %dma_wait3A_1268 : memref<1x80xi32, #tpu.memory_space<vmem>> -> memref<80xi32, #tpu.memory_space<vmem>>
        %dma_wait3A_1270 = arith.constant 0 : i32
        %dma_wait3A_1271 = arith.constant 0 : i32
        %dma_wait3A_1272 = tpu.memref_slice %arg5[%dma_wait3A_1270, %dma_wait3A_1271] : memref<10240x128xf32, #tpu.memory_space<vmem_shared>> -> memref<10240x128xf32, #tpu.memory_space<vmem_shared>>
        tpu.wait_indirect_dma semaphore(%arg15 : memref<!tpu.dma_semaphore, #tpu.memory_space<semaphore_mem>>) src(%dma_wait3A_1262 : memref<80x128xf32, #tpu.memory_space<vmem>>) dst(%dma_wait3A_1272 : memref<10240x128xf32, #tpu.memory_space<vmem_shared>>)
      } else {
      }
      %add3A_447 = arith.constant 2 : i32
      %add3A_448 = arith.addi %add3A_444, %add3A_447 : i32
      %lt3A = arith.constant 128 : i32
      %lt3A_449 = arith.cmpi slt, %add3A_448, %lt3A : i32
      %convert_element_type3A_450 = arith.extui %lt3A_449 : i1 to i32
      %cond3A_451 = arith.constant 0 : i32
      %cond3A_452 = arith.cmpi ne, %convert_element_type3A_450, %cond3A_451 : i32
      scf.if %cond3A_452 {
        %dma_start3A_1256 = arith.constant 0 : i32
        %dma_start3A_1257 = arith.constant 2 : i32
        %dma_start3A_1258 = arith.constant 2 : i32
        %dma_start3A_1259 = arith.constant 0 : i32
        %dma_start3A_1260 = arith.constant 0 : i32
        %dma_start3A_1261 = tpu.memref_slice %arg8[%dma_start3A_1258, %dma_start3A_1259, %dma_start3A_1260] : memref<4x80x128xf32, #tpu.memory_space<vmem>> -> memref<1x80x128xf32, #tpu.memory_space<vmem>>
        %dma_start3A_1262 = tpu.memref_squeeze %dma_start3A_1261 : memref<1x80x128xf32, #tpu.memory_space<vmem>> -> memref<80x128xf32, #tpu.memory_space<vmem>>
        %dma_start3A_1263 = arith.constant 0 : i32
        %dma_start3A_1264 = arith.constant 0 : i32
        %dma_start3A_1265 = tpu.memref_slice %arg6[%dma_start3A_1256, %dma_start3A_1263, %dma_start3A_1264] : memref<2x8x80xi32, #tpu.memory_space<vmem>> -> memref<1x8x80xi32, #tpu.memory_space<vmem>>
        %dma_start3A_1266 = tpu.memref_squeeze %dma_start3A_1265 : memref<1x8x80xi32, #tpu.memory_space<vmem>> -> memref<8x80xi32, #tpu.memory_space<vmem>>
        %dma_start3A_1267 = arith.constant 0 : i32
        %dma_start3A_1268 = tpu.memref_slice %dma_start3A_1266[%dma_start3A_1257, %dma_start3A_1267] : memref<8x80xi32, #tpu.memory_space<vmem>> -> memref<1x80xi32, #tpu.memory_space<vmem>>
        %dma_start3A_1269 = tpu.memref_squeeze %dma_start3A_1268 : memref<1x80xi32, #tpu.memory_space<vmem>> -> memref<80xi32, #tpu.memory_space<vmem>>
        %dma_start3A_1270 = arith.constant 0 : i32
        %dma_start3A_1271 = arith.constant 0 : i32
        %dma_start3A_1272 = tpu.memref_slice %arg3[%dma_start3A_1270, %dma_start3A_1271] : memref<10000x128xf32, #tpu.memory_space<hbm>> -> memref<10000x128xf32, #tpu.memory_space<hbm>>
        tpu.enqueue_indirect_dma source(%dma_start3A_1272 : memref<10000x128xf32, #tpu.memory_space<hbm>>) target(%dma_start3A_1262 : memref<80x128xf32, #tpu.memory_space<vmem>>) offsets(%dma_start3A_1269 : memref<80xi32, #tpu.memory_space<vmem>>) semaphore(%arg11 : memref<!tpu.dma_semaphore, #tpu.memory_space<semaphore_mem>>)
      } else {
      }
      %dma_wait3A_453 = arith.constant 0 : i32
      %dma_wait3A_454 = arith.constant 0 : i32
      %dma_wait3A_455 = arith.constant 0 : i32
      %dma_wait3A_456 = arith.constant 0 : i32
      %dma_wait3A_457 = arith.constant 0 : i32
      %dma_wait3A_458 = tpu.memref_slice %arg8[%dma_wait3A_455, %dma_wait3A_456, %dma_wait3A_457] : memref<4x80x128xf32, #tpu.memory_space<vmem>> -> memref<1x80x128xf32, #tpu.memory_space<vmem>>
      %dma_wait3A_459 = tpu.memref_squeeze %dma_wait3A_458 : memref<1x80x128xf32, #tpu.memory_space<vmem>> -> memref<80x128xf32, #tpu.memory_space<vmem>>
      %dma_wait3A_460 = arith.constant 0 : i32
      %dma_wait3A_461 = arith.constant 0 : i32
      %dma_wait3A_462 = tpu.memref_slice %arg6[%dma_wait3A_453, %dma_wait3A_460, %dma_wait3A_461] : memref<2x8x80xi32, #tpu.memory_space<vmem>> -> memref<1x8x80xi32, #tpu.memory_space<vmem>>
      %dma_wait3A_463 = tpu.memref_squeeze %dma_wait3A_462 : memref<1x8x80xi32, #tpu.memory_space<vmem>> -> memref<8x80xi32, #tpu.memory_space<vmem>>
      %dma_wait3A_464 = arith.constant 0 : i32
      %dma_wait3A_465 = tpu.memref_slice %dma_wait3A_463[%dma_wait3A_454, %dma_wait3A_464] : memref<8x80xi32, #tpu.memory_space<vmem>> -> memref<1x80xi32, #tpu.memory_space<vmem>>
      %dma_wait3A_466 = tpu.memref_squeeze %dma_wait3A_465 : memref<1x80xi32, #tpu.memory_space<vmem>> -> memref<80xi32, #tpu.memory_space<vmem>>
      %dma_wait3A_467 = arith.constant 0 : i32
      %dma_wait3A_468 = arith.constant 0 : i32
      %dma_wait3A_469 = tpu.memref_slice %arg3[%dma_wait3A_467, %dma_wait3A_468] : memref<10000x128xf32, #tpu.memory_space<hbm>> -> memref<10000x128xf32, #tpu.memory_space<hbm>>
      tpu.wait_indirect_dma semaphore(%arg9 : memref<!tpu.dma_semaphore, #tpu.memory_space<semaphore_mem>>) src(%dma_wait3A_469 : memref<10000x128xf32, #tpu.memory_space<hbm>>) dst(%dma_wait3A_459 : memref<80x128xf32, #tpu.memory_space<vmem>>)
      %dma_start3A_470 = arith.constant 0 : i32
      %dma_start3A_471 = arith.constant 0 : i32
      %dma_start3A_472 = arith.constant 0 : i32
      %dma_start3A_473 = arith.constant 0 : i32
      %dma_start3A_474 = arith.constant 0 : i32
      %dma_start3A_475 = tpu.memref_slice %arg8[%dma_start3A_470, %dma_start3A_473, %dma_start3A_474] : memref<4x80x128xf32, #tpu.memory_space<vmem>> -> memref<1x80x128xf32, #tpu.memory_space<vmem>>
      %dma_start3A_476 = tpu.memref_squeeze %dma_start3A_475 : memref<1x80x128xf32, #tpu.memory_space<vmem>> -> memref<80x128xf32, #tpu.memory_space<vmem>>
      %dma_start3A_477 = arith.constant 0 : i32
      %dma_start3A_478 = arith.constant 0 : i32
      %dma_start3A_479 = tpu.memref_slice %arg7[%dma_start3A_471, %dma_start3A_477, %dma_start3A_478] : memref<2x8x80xi32, #tpu.memory_space<vmem>> -> memref<1x8x80xi32, #tpu.memory_space<vmem>>
      %dma_start3A_480 = tpu.memref_squeeze %dma_start3A_479 : memref<1x8x80xi32, #tpu.memory_space<vmem>> -> memref<8x80xi32, #tpu.memory_space<vmem>>
      %dma_start3A_481 = arith.constant 0 : i32
      %dma_start3A_482 = tpu.memref_slice %dma_start3A_480[%dma_start3A_472, %dma_start3A_481] : memref<8x80xi32, #tpu.memory_space<vmem>> -> memref<1x80xi32, #tpu.memory_space<vmem>>
      %dma_start3A_483 = tpu.memref_squeeze %dma_start3A_482 : memref<1x80xi32, #tpu.memory_space<vmem>> -> memref<80xi32, #tpu.memory_space<vmem>>
      %dma_start3A_484 = arith.constant 0 : i32
      %dma_start3A_485 = arith.constant 0 : i32
      %dma_start3A_486 = tpu.memref_slice %arg5[%dma_start3A_484, %dma_start3A_485] : memref<10240x128xf32, #tpu.memory_space<vmem_shared>> -> memref<10240x128xf32, #tpu.memory_space<vmem_shared>>
      tpu.enqueue_indirect_dma source(%dma_start3A_476 : memref<80x128xf32, #tpu.memory_space<vmem>>) target(%dma_start3A_486 : memref<10240x128xf32, #tpu.memory_space<vmem_shared>>) offsets(%dma_start3A_483 : memref<80xi32, #tpu.memory_space<vmem>>) semaphore(%arg13 : memref<!tpu.dma_semaphore, #tpu.memory_space<semaphore_mem>>) {add = true}
      %mul3A_487 = arith.constant 8 : i32
      %mul3A_488 = arith.muli %mul3A_487, %mul3A_440 : i32
      %add3A_489 = arith.constant 1 : i32
      %add3A_490 = arith.addi %mul3A_488, %add3A_489 : i32
      %ge3A_491 = arith.constant 2 : i32
      %ge3A_492 = arith.cmpi sge, %add3A_490, %ge3A_491 : i32
      %convert_element_type3A_493 = arith.extui %ge3A_492 : i1 to i32
      %cond3A_494 = arith.constant 0 : i32
      %cond3A_495 = arith.cmpi ne, %convert_element_type3A_493, %cond3A_494 : i32
      scf.if %cond3A_495 {
        %dma_wait3A_1256 = arith.constant 3 : i32
        %dma_wait3A_1257 = arith.constant 1 : i32
        %dma_wait3A_1258 = arith.constant 7 : i32
        %dma_wait3A_1259 = arith.constant 0 : i32
        %dma_wait3A_1260 = arith.constant 0 : i32
        %dma_wait3A_1261 = tpu.memref_slice %arg8[%dma_wait3A_1256, %dma_wait3A_1259, %dma_wait3A_1260] : memref<4x80x128xf32, #tpu.memory_space<vmem>> -> memref<1x80x128xf32, #tpu.memory_space<vmem>>
        %dma_wait3A_1262 = tpu.memref_squeeze %dma_wait3A_1261 : memref<1x80x128xf32, #tpu.memory_space<vmem>> -> memref<80x128xf32, #tpu.memory_space<vmem>>
        %dma_wait3A_1263 = arith.constant 0 : i32
        %dma_wait3A_1264 = arith.constant 0 : i32
        %dma_wait3A_1265 = tpu.memref_slice %arg7[%dma_wait3A_1257, %dma_wait3A_1263, %dma_wait3A_1264] : memref<2x8x80xi32, #tpu.memory_space<vmem>> -> memref<1x8x80xi32, #tpu.memory_space<vmem>>
        %dma_wait3A_1266 = tpu.memref_squeeze %dma_wait3A_1265 : memref<1x8x80xi32, #tpu.memory_space<vmem>> -> memref<8x80xi32, #tpu.memory_space<vmem>>
        %dma_wait3A_1267 = arith.constant 0 : i32
        %dma_wait3A_1268 = tpu.memref_slice %dma_wait3A_1266[%dma_wait3A_1258, %dma_wait3A_1267] : memref<8x80xi32, #tpu.memory_space<vmem>> -> memref<1x80xi32, #tpu.memory_space<vmem>>
        %dma_wait3A_1269 = tpu.memref_squeeze %dma_wait3A_1268 : memref<1x80xi32, #tpu.memory_space<vmem>> -> memref<80xi32, #tpu.memory_space<vmem>>
        %dma_wait3A_1270 = arith.constant 0 : i32
        %dma_wait3A_1271 = arith.constant 0 : i32
        %dma_wait3A_1272 = tpu.memref_slice %arg5[%dma_wait3A_1270, %dma_wait3A_1271] : memref<10240x128xf32, #tpu.memory_space<vmem_shared>> -> memref<10240x128xf32, #tpu.memory_space<vmem_shared>>
        tpu.wait_indirect_dma semaphore(%arg16 : memref<!tpu.dma_semaphore, #tpu.memory_space<semaphore_mem>>) src(%dma_wait3A_1262 : memref<80x128xf32, #tpu.memory_space<vmem>>) dst(%dma_wait3A_1272 : memref<10240x128xf32, #tpu.memory_space<vmem_shared>>)
      } else {
      }
      %add3A_496 = arith.constant 2 : i32
      %add3A_497 = arith.addi %add3A_490, %add3A_496 : i32
      %lt3A_498 = arith.constant 128 : i32
      %lt3A_499 = arith.cmpi slt, %add3A_497, %lt3A_498 : i32
      %convert_element_type3A_500 = arith.extui %lt3A_499 : i1 to i32
      %cond3A_501 = arith.constant 0 : i32
      %cond3A_502 = arith.cmpi ne, %convert_element_type3A_500, %cond3A_501 : i32
      scf.if %cond3A_502 {
        %dma_start3A_1256 = arith.constant 0 : i32
        %dma_start3A_1257 = arith.constant 3 : i32
        %dma_start3A_1258 = arith.constant 3 : i32
        %dma_start3A_1259 = arith.constant 0 : i32
        %dma_start3A_1260 = arith.constant 0 : i32
        %dma_start3A_1261 = tpu.memref_slice %arg8[%dma_start3A_1258, %dma_start3A_1259, %dma_start3A_1260] : memref<4x80x128xf32, #tpu.memory_space<vmem>> -> memref<1x80x128xf32, #tpu.memory_space<vmem>>
        %dma_start3A_1262 = tpu.memref_squeeze %dma_start3A_1261 : memref<1x80x128xf32, #tpu.memory_space<vmem>> -> memref<80x128xf32, #tpu.memory_space<vmem>>
        %dma_start3A_1263 = arith.constant 0 : i32
        %dma_start3A_1264 = arith.constant 0 : i32
        %dma_start3A_1265 = tpu.memref_slice %arg6[%dma_start3A_1256, %dma_start3A_1263, %dma_start3A_1264] : memref<2x8x80xi32, #tpu.memory_space<vmem>> -> memref<1x8x80xi32, #tpu.memory_space<vmem>>
        %dma_start3A_1266 = tpu.memref_squeeze %dma_start3A_1265 : memref<1x8x80xi32, #tpu.memory_space<vmem>> -> memref<8x80xi32, #tpu.memory_space<vmem>>
        %dma_start3A_1267 = arith.constant 0 : i32
        %dma_start3A_1268 = tpu.memref_slice %dma_start3A_1266[%dma_start3A_1257, %dma_start3A_1267] : memref<8x80xi32, #tpu.memory_space<vmem>> -> memref<1x80xi32, #tpu.memory_space<vmem>>
        %dma_start3A_1269 = tpu.memref_squeeze %dma_start3A_1268 : memref<1x80xi32, #tpu.memory_space<vmem>> -> memref<80xi32, #tpu.memory_space<vmem>>
        %dma_start3A_1270 = arith.constant 0 : i32
        %dma_start3A_1271 = arith.constant 0 : i32
        %dma_start3A_1272 = tpu.memref_slice %arg3[%dma_start3A_1270, %dma_start3A_1271] : memref<10000x128xf32, #tpu.memory_space<hbm>> -> memref<10000x128xf32, #tpu.memory_space<hbm>>
        tpu.enqueue_indirect_dma source(%dma_start3A_1272 : memref<10000x128xf32, #tpu.memory_space<hbm>>) target(%dma_start3A_1262 : memref<80x128xf32, #tpu.memory_space<vmem>>) offsets(%dma_start3A_1269 : memref<80xi32, #tpu.memory_space<vmem>>) semaphore(%arg12 : memref<!tpu.dma_semaphore, #tpu.memory_space<semaphore_mem>>)
      } else {
      }
      %dma_wait3A_503 = arith.constant 0 : i32
      %dma_wait3A_504 = arith.constant 1 : i32
      %dma_wait3A_505 = arith.constant 1 : i32
      %dma_wait3A_506 = arith.constant 0 : i32
      %dma_wait3A_507 = arith.constant 0 : i32
      %dma_wait3A_508 = tpu.memref_slice %arg8[%dma_wait3A_505, %dma_wait3A_506, %dma_wait3A_507] : memref<4x80x128xf32, #tpu.memory_space<vmem>> -> memref<1x80x128xf32, #tpu.memory_space<vmem>>
      %dma_wait3A_509 = tpu.memref_squeeze %dma_wait3A_508 : memref<1x80x128xf32, #tpu.memory_space<vmem>> -> memref<80x128xf32, #tpu.memory_space<vmem>>
      %dma_wait3A_510 = arith.constant 0 : i32
      %dma_wait3A_511 = arith.constant 0 : i32
      %dma_wait3A_512 = tpu.memref_slice %arg6[%dma_wait3A_503, %dma_wait3A_510, %dma_wait3A_511] : memref<2x8x80xi32, #tpu.memory_space<vmem>> -> memref<1x8x80xi32, #tpu.memory_space<vmem>>
      %dma_wait3A_513 = tpu.memref_squeeze %dma_wait3A_512 : memref<1x8x80xi32, #tpu.memory_space<vmem>> -> memref<8x80xi32, #tpu.memory_space<vmem>>
      %dma_wait3A_514 = arith.constant 0 : i32
      %dma_wait3A_515 = tpu.memref_slice %dma_wait3A_513[%dma_wait3A_504, %dma_wait3A_514] : memref<8x80xi32, #tpu.memory_space<vmem>> -> memref<1x80xi32, #tpu.memory_space<vmem>>
      %dma_wait3A_516 = tpu.memref_squeeze %dma_wait3A_515 : memref<1x80xi32, #tpu.memory_space<vmem>> -> memref<80xi32, #tpu.memory_space<vmem>>
      %dma_wait3A_517 = arith.constant 0 : i32
      %dma_wait3A_518 = arith.constant 0 : i32
      %dma_wait3A_519 = tpu.memref_slice %arg3[%dma_wait3A_517, %dma_wait3A_518] : memref<10000x128xf32, #tpu.memory_space<hbm>> -> memref<10000x128xf32, #tpu.memory_space<hbm>>
      tpu.wait_indirect_dma semaphore(%arg10 : memref<!tpu.dma_semaphore, #tpu.memory_space<semaphore_mem>>) src(%dma_wait3A_519 : memref<10000x128xf32, #tpu.memory_space<hbm>>) dst(%dma_wait3A_509 : memref<80x128xf32, #tpu.memory_space<vmem>>)
      %dma_start3A_520 = arith.constant 1 : i32
      %dma_start3A_521 = arith.constant 0 : i32
      %dma_start3A_522 = arith.constant 1 : i32
      %dma_start3A_523 = arith.constant 0 : i32
      %dma_start3A_524 = arith.constant 0 : i32
      %dma_start3A_525 = tpu.memref_slice %arg8[%dma_start3A_520, %dma_start3A_523, %dma_start3A_524] : memref<4x80x128xf32, #tpu.memory_space<vmem>> -> memref<1x80x128xf32, #tpu.memory_space<vmem>>
      %dma_start3A_526 = tpu.memref_squeeze %dma_start3A_525 : memref<1x80x128xf32, #tpu.memory_space<vmem>> -> memref<80x128xf32, #tpu.memory_space<vmem>>
      %dma_start3A_527 = arith.constant 0 : i32
      %dma_start3A_528 = arith.constant 0 : i32
      %dma_start3A_529 = tpu.memref_slice %arg7[%dma_start3A_521, %dma_start3A_527, %dma_start3A_528] : memref<2x8x80xi32, #tpu.memory_space<vmem>> -> memref<1x8x80xi32, #tpu.memory_space<vmem>>
      %dma_start3A_530 = tpu.memref_squeeze %dma_start3A_529 : memref<1x8x80xi32, #tpu.memory_space<vmem>> -> memref<8x80xi32, #tpu.memory_space<vmem>>
      %dma_start3A_531 = arith.constant 0 : i32
      %dma_start3A_532 = tpu.memref_slice %dma_start3A_530[%dma_start3A_522, %dma_start3A_531] : memref<8x80xi32, #tpu.memory_space<vmem>> -> memref<1x80xi32, #tpu.memory_space<vmem>>
      %dma_start3A_533 = tpu.memref_squeeze %dma_start3A_532 : memref<1x80xi32, #tpu.memory_space<vmem>> -> memref<80xi32, #tpu.memory_space<vmem>>
      %dma_start3A_534 = arith.constant 0 : i32
      %dma_start3A_535 = arith.constant 0 : i32
      %dma_start3A_536 = tpu.memref_slice %arg5[%dma_start3A_534, %dma_start3A_535] : memref<10240x128xf32, #tpu.memory_space<vmem_shared>> -> memref<10240x128xf32, #tpu.memory_space<vmem_shared>>
      tpu.enqueue_indirect_dma source(%dma_start3A_526 : memref<80x128xf32, #tpu.memory_space<vmem>>) target(%dma_start3A_536 : memref<10240x128xf32, #tpu.memory_space<vmem_shared>>) offsets(%dma_start3A_533 : memref<80xi32, #tpu.memory_space<vmem>>) semaphore(%arg14 : memref<!tpu.dma_semaphore, #tpu.memory_space<semaphore_mem>>) {add = true}
      %mul3A_537 = arith.constant 8 : i32
      %mul3A_538 = arith.muli %mul3A_537, %mul3A_440 : i32
      %add3A_539 = arith.constant 2 : i32
      %add3A_540 = arith.addi %mul3A_538, %add3A_539 : i32
      %ge3A_541 = arith.constant 2 : i32
      %ge3A_542 = arith.cmpi sge, %add3A_540, %ge3A_541 : i32
      %convert_element_type3A_543 = arith.extui %ge3A_542 : i1 to i32
      %cond3A_544 = arith.constant 0 : i32
      %cond3A_545 = arith.cmpi ne, %convert_element_type3A_543, %cond3A_544 : i32
      scf.if %cond3A_545 {
        %dma_wait3A_1256 = arith.constant 0 : i32
        %dma_wait3A_1257 = arith.constant 0 : i32
        %dma_wait3A_1258 = arith.constant 0 : i32
        %dma_wait3A_1259 = arith.constant 0 : i32
        %dma_wait3A_1260 = arith.constant 0 : i32
        %dma_wait3A_1261 = tpu.memref_slice %arg8[%dma_wait3A_1256, %dma_wait3A_1259, %dma_wait3A_1260] : memref<4x80x128xf32, #tpu.memory_space<vmem>> -> memref<1x80x128xf32, #tpu.memory_space<vmem>>
        %dma_wait3A_1262 = tpu.memref_squeeze %dma_wait3A_1261 : memref<1x80x128xf32, #tpu.memory_space<vmem>> -> memref<80x128xf32, #tpu.memory_space<vmem>>
        %dma_wait3A_1263 = arith.constant 0 : i32
        %dma_wait3A_1264 = arith.constant 0 : i32
        %dma_wait3A_1265 = tpu.memref_slice %arg7[%dma_wait3A_1257, %dma_wait3A_1263, %dma_wait3A_1264] : memref<2x8x80xi32, #tpu.memory_space<vmem>> -> memref<1x8x80xi32, #tpu.memory_space<vmem>>
        %dma_wait3A_1266 = tpu.memref_squeeze %dma_wait3A_1265 : memref<1x8x80xi32, #tpu.memory_space<vmem>> -> memref<8x80xi32, #tpu.memory_space<vmem>>
        %dma_wait3A_1267 = arith.constant 0 : i32
        %dma_wait3A_1268 = tpu.memref_slice %dma_wait3A_1266[%dma_wait3A_1258, %dma_wait3A_1267] : memref<8x80xi32, #tpu.memory_space<vmem>> -> memref<1x80xi32, #tpu.memory_space<vmem>>
        %dma_wait3A_1269 = tpu.memref_squeeze %dma_wait3A_1268 : memref<1x80xi32, #tpu.memory_space<vmem>> -> memref<80xi32, #tpu.memory_space<vmem>>
        %dma_wait3A_1270 = arith.constant 0 : i32
        %dma_wait3A_1271 = arith.constant 0 : i32
        %dma_wait3A_1272 = tpu.memref_slice %arg5[%dma_wait3A_1270, %dma_wait3A_1271] : memref<10240x128xf32, #tpu.memory_space<vmem_shared>> -> memref<10240x128xf32, #tpu.memory_space<vmem_shared>>
        tpu.wait_indirect_dma semaphore(%arg13 : memref<!tpu.dma_semaphore, #tpu.memory_space<semaphore_mem>>) src(%dma_wait3A_1262 : memref<80x128xf32, #tpu.memory_space<vmem>>) dst(%dma_wait3A_1272 : memref<10240x128xf32, #tpu.memory_space<vmem_shared>>)
      } else {
      }
      %add3A_546 = arith.constant 1 : i32
      %add3A_547 = arith.addi %mul3A_440, %add3A_546 : i32
      %lt3A_548 = arith.constant 16 : i32
      %lt3A_549 = arith.cmpi slt, %add3A_547, %lt3A_548 : i32
      %convert_element_type3A_550 = arith.extui %lt3A_549 : i1 to i32
      %cond3A_551 = arith.constant 0 : i32
      %cond3A_552 = arith.cmpi ne, %convert_element_type3A_550, %cond3A_551 : i32
      scf.if %cond3A_552 {
        %add3A_1256 = arith.constant 1 : i32
        %add3A_1257 = arith.addi %mul3A_440, %add3A_1256 : i32
        %mul3A_1258 = arith.constant 128 : i32
        %mul3A_1259 = arith.muli %add3A, %mul3A_1258 : i32
        %mul3A_1260 = arith.constant 8 : i32
        %mul3A_1261 = arith.muli %mul3A_1260, %add3A_1257 : i32
        %add3A_1262 = arith.addi %mul3A_1259, %mul3A_1261 : i32
        %mul3A_1263 = arith.constant 128 : i32
        %mul3A_1264 = arith.muli %add3A, %mul3A_1263 : i32
        %mul3A_1265 = arith.constant 8 : i32
        %mul3A_1266 = arith.muli %mul3A_1265, %add3A_1257 : i32
        %add3A_1267 = arith.addi %mul3A_1264, %mul3A_1266 : i32
        %dma_start3A_1268 = arith.constant 0 : i32
        %dma_start3A_1269 = arith.constant 1 : i32
        %dma_start3A_1270 = arith.constant 0 : i32
        %dma_start3A_1271 = arith.constant 0 : i32
        %dma_start3A_1272 = tpu.memref_slice %arg6[%dma_start3A_1269, %dma_start3A_1270, %dma_start3A_1271] : memref<2x8x80xi32, #tpu.memory_space<vmem>> -> memref<1x8x80xi32, #tpu.memory_space<vmem>>
        %dma_start3A_1273 = tpu.memref_squeeze %dma_start3A_1272 : memref<1x8x80xi32, #tpu.memory_space<vmem>> -> memref<8x80xi32, #tpu.memory_space<vmem>>
        %dma_start3A_1274 = arith.constant 0 : i32
        %dma_start3A_1275 = tpu.memref_slice %arg2[%dma_start3A_1268, %add3A_1262, %dma_start3A_1274] : memref<2x4096x80xi32, #tpu.memory_space<hbm>> -> memref<1x8x80xi32, #tpu.memory_space<hbm>>
        %dma_start3A_1276 = tpu.memref_squeeze %dma_start3A_1275 : memref<1x8x80xi32, #tpu.memory_space<hbm>> -> memref<8x80xi32, #tpu.memory_space<hbm>>
        %dma_start3A_1277 = arith.constant 0 : i32
        %dma_start3A_1278 = arith.constant 0 : i32
        %dma_start3A_1279 = tpu.memref_slice %arg6[%dma_start3A_1269, %dma_start3A_1277, %dma_start3A_1278] : memref<2x8x80xi32, #tpu.memory_space<vmem>> -> memref<1x8x80xi32, #tpu.memory_space<vmem>>
        %dma_start3A_1280 = tpu.memref_squeeze %dma_start3A_1279 : memref<1x8x80xi32, #tpu.memory_space<vmem>> -> memref<8x80xi32, #tpu.memory_space<vmem>>
        %dma_start3A_1281 = arith.constant 0 : i32
        %dma_start3A_1282 = tpu.memref_slice %arg2[%dma_start3A_1268, %add3A_1262, %dma_start3A_1281] : memref<2x4096x80xi32, #tpu.memory_space<hbm>> -> memref<1x8x80xi32, #tpu.memory_space<hbm>>
        %dma_start3A_1283 = tpu.memref_squeeze %dma_start3A_1282 : memref<1x8x80xi32, #tpu.memory_space<hbm>> -> memref<8x80xi32, #tpu.memory_space<hbm>>
        tpu.enqueue_dma source(%dma_start3A_1283 : memref<8x80xi32, #tpu.memory_space<hbm>>) target(%dma_start3A_1280 : memref<8x80xi32, #tpu.memory_space<vmem>>) target_semaphore(%arg17 : memref<!tpu.dma_semaphore, #tpu.memory_space<semaphore_mem>>)
        %dma_start3A_1284 = arith.constant 1 : i32
        %dma_start3A_1285 = arith.constant 1 : i32
        %dma_start3A_1286 = arith.constant 0 : i32
        %dma_start3A_1287 = arith.constant 0 : i32
        %dma_start3A_1288 = tpu.memref_slice %arg7[%dma_start3A_1285, %dma_start3A_1286, %dma_start3A_1287] : memref<2x8x80xi32, #tpu.memory_space<vmem>> -> memref<1x8x80xi32, #tpu.memory_space<vmem>>
        %dma_start3A_1289 = tpu.memref_squeeze %dma_start3A_1288 : memref<1x8x80xi32, #tpu.memory_space<vmem>> -> memref<8x80xi32, #tpu.memory_space<vmem>>
        %dma_start3A_1290 = arith.constant 0 : i32
        %dma_start3A_1291 = tpu.memref_slice %arg2[%dma_start3A_1284, %add3A_1267, %dma_start3A_1290] : memref<2x4096x80xi32, #tpu.memory_space<hbm>> -> memref<1x8x80xi32, #tpu.memory_space<hbm>>
        %dma_start3A_1292 = tpu.memref_squeeze %dma_start3A_1291 : memref<1x8x80xi32, #tpu.memory_space<hbm>> -> memref<8x80xi32, #tpu.memory_space<hbm>>
        %dma_start3A_1293 = arith.constant 0 : i32
        %dma_start3A_1294 = arith.constant 0 : i32
        %dma_start3A_1295 = tpu.memref_slice %arg7[%dma_start3A_1285, %dma_start3A_1293, %dma_start3A_1294] : memref<2x8x80xi32, #tpu.memory_space<vmem>> -> memref<1x8x80xi32, #tpu.memory_space<vmem>>
        %dma_start3A_1296 = tpu.memref_squeeze %dma_start3A_1295 : memref<1x8x80xi32, #tpu.memory_space<vmem>> -> memref<8x80xi32, #tpu.memory_space<vmem>>
        %dma_start3A_1297 = arith.constant 0 : i32
        %dma_start3A_1298 = tpu.memref_slice %arg2[%dma_start3A_1284, %add3A_1267, %dma_start3A_1297] : memref<2x4096x80xi32, #tpu.memory_space<hbm>> -> memref<1x8x80xi32, #tpu.memory_space<hbm>>
        %dma_start3A_1299 = tpu.memref_squeeze %dma_start3A_1298 : memref<1x8x80xi32, #tpu.memory_space<hbm>> -> memref<8x80xi32, #tpu.memory_space<hbm>>
        tpu.enqueue_dma source(%dma_start3A_1299 : memref<8x80xi32, #tpu.memory_space<hbm>>) target(%dma_start3A_1296 : memref<8x80xi32, #tpu.memory_space<vmem>>) target_semaphore(%arg17 : memref<!tpu.dma_semaphore, #tpu.memory_space<semaphore_mem>>)
      } else {
      }
      %add3A_553 = arith.constant 2 : i32
      %add3A_554 = arith.addi %add3A_540, %add3A_553 : i32
      %lt3A_555 = arith.constant 128 : i32
      %lt3A_556 = arith.cmpi slt, %add3A_554, %lt3A_555 : i32
      %convert_element_type3A_557 = arith.extui %lt3A_556 : i1 to i32
      %cond3A_558 = arith.constant 0 : i32
      %cond3A_559 = arith.cmpi ne, %convert_element_type3A_557, %cond3A_558 : i32
      scf.if %cond3A_559 {
        %dma_start3A_1256 = arith.constant 0 : i32
        %dma_start3A_1257 = arith.constant 4 : i32
        %dma_start3A_1258 = arith.constant 0 : i32
        %dma_start3A_1259 = arith.constant 0 : i32
        %dma_start3A_1260 = arith.constant 0 : i32
        %dma_start3A_1261 = tpu.memref_slice %arg8[%dma_start3A_1258, %dma_start3A_1259, %dma_start3A_1260] : memref<4x80x128xf32, #tpu.memory_space<vmem>> -> memref<1x80x128xf32, #tpu.memory_space<vmem>>
        %dma_start3A_1262 = tpu.memref_squeeze %dma_start3A_1261 : memref<1x80x128xf32, #tpu.memory_space<vmem>> -> memref<80x128xf32, #tpu.memory_space<vmem>>
        %dma_start3A_1263 = arith.constant 0 : i32
        %dma_start3A_1264 = arith.constant 0 : i32
        %dma_start3A_1265 = tpu.memref_slice %arg6[%dma_start3A_1256, %dma_start3A_1263, %dma_start3A_1264] : memref<2x8x80xi32, #tpu.memory_space<vmem>> -> memref<1x8x80xi32, #tpu.memory_space<vmem>>
        %dma_start3A_1266 = tpu.memref_squeeze %dma_start3A_1265 : memref<1x8x80xi32, #tpu.memory_space<vmem>> -> memref<8x80xi32, #tpu.memory_space<vmem>>
        %dma_start3A_1267 = arith.constant 0 : i32
        %dma_start3A_1268 = tpu.memref_slice %dma_start3A_1266[%dma_start3A_1257, %dma_start3A_1267] : memref<8x80xi32, #tpu.memory_space<vmem>> -> memref<1x80xi32, #tpu.memory_space<vmem>>
        %dma_start3A_1269 = tpu.memref_squeeze %dma_start3A_1268 : memref<1x80xi32, #tpu.memory_space<vmem>> -> memref<80xi32, #tpu.memory_space<vmem>>
        %dma_start3A_1270 = arith.constant 0 : i32
        %dma_start3A_1271 = arith.constant 0 : i32
        %dma_start3A_1272 = tpu.memref_slice %arg3[%dma_start3A_1270, %dma_start3A_1271] : memref<10000x128xf32, #tpu.memory_space<hbm>> -> memref<10000x128xf32, #tpu.memory_space<hbm>>
        tpu.enqueue_indirect_dma source(%dma_start3A_1272 : memref<10000x128xf32, #tpu.memory_space<hbm>>) target(%dma_start3A_1262 : memref<80x128xf32, #tpu.memory_space<vmem>>) offsets(%dma_start3A_1269 : memref<80xi32, #tpu.memory_space<vmem>>) semaphore(%arg9 : memref<!tpu.dma_semaphore, #tpu.memory_space<semaphore_mem>>)
      } else {
      }
      %dma_wait3A_560 = arith.constant 0 : i32
      %dma_wait3A_561 = arith.constant 2 : i32
      %dma_wait3A_562 = arith.constant 2 : i32
      %dma_wait3A_563 = arith.constant 0 : i32
      %dma_wait3A_564 = arith.constant 0 : i32
      %dma_wait3A_565 = tpu.memref_slice %arg8[%dma_wait3A_562, %dma_wait3A_563, %dma_wait3A_564] : memref<4x80x128xf32, #tpu.memory_space<vmem>> -> memref<1x80x128xf32, #tpu.memory_space<vmem>>
      %dma_wait3A_566 = tpu.memref_squeeze %dma_wait3A_565 : memref<1x80x128xf32, #tpu.memory_space<vmem>> -> memref<80x128xf32, #tpu.memory_space<vmem>>
      %dma_wait3A_567 = arith.constant 0 : i32
      %dma_wait3A_568 = arith.constant 0 : i32
      %dma_wait3A_569 = tpu.memref_slice %arg6[%dma_wait3A_560, %dma_wait3A_567, %dma_wait3A_568] : memref<2x8x80xi32, #tpu.memory_space<vmem>> -> memref<1x8x80xi32, #tpu.memory_space<vmem>>
      %dma_wait3A_570 = tpu.memref_squeeze %dma_wait3A_569 : memref<1x8x80xi32, #tpu.memory_space<vmem>> -> memref<8x80xi32, #tpu.memory_space<vmem>>
      %dma_wait3A_571 = arith.constant 0 : i32
      %dma_wait3A_572 = tpu.memref_slice %dma_wait3A_570[%dma_wait3A_561, %dma_wait3A_571] : memref<8x80xi32, #tpu.memory_space<vmem>> -> memref<1x80xi32, #tpu.memory_space<vmem>>
      %dma_wait3A_573 = tpu.memref_squeeze %dma_wait3A_572 : memref<1x80xi32, #tpu.memory_space<vmem>> -> memref<80xi32, #tpu.memory_space<vmem>>
      %dma_wait3A_574 = arith.constant 0 : i32
      %dma_wait3A_575 = arith.constant 0 : i32
      %dma_wait3A_576 = tpu.memref_slice %arg3[%dma_wait3A_574, %dma_wait3A_575] : memref<10000x128xf32, #tpu.memory_space<hbm>> -> memref<10000x128xf32, #tpu.memory_space<hbm>>
      tpu.wait_indirect_dma semaphore(%arg11 : memref<!tpu.dma_semaphore, #tpu.memory_space<semaphore_mem>>) src(%dma_wait3A_576 : memref<10000x128xf32, #tpu.memory_space<hbm>>) dst(%dma_wait3A_566 : memref<80x128xf32, #tpu.memory_space<vmem>>)
      %dma_start3A_577 = arith.constant 2 : i32
      %dma_start3A_578 = arith.constant 0 : i32
      %dma_start3A_579 = arith.constant 2 : i32
      %dma_start3A_580 = arith.constant 0 : i32
      %dma_start3A_581 = arith.constant 0 : i32
      %dma_start3A_582 = tpu.memref_slice %arg8[%dma_start3A_577, %dma_start3A_580, %dma_start3A_581] : memref<4x80x128xf32, #tpu.memory_space<vmem>> -> memref<1x80x128xf32, #tpu.memory_space<vmem>>
      %dma_start3A_583 = tpu.memref_squeeze %dma_start3A_582 : memref<1x80x128xf32, #tpu.memory_space<vmem>> -> memref<80x128xf32, #tpu.memory_space<vmem>>
      %dma_start3A_584 = arith.constant 0 : i32
      %dma_start3A_585 = arith.constant 0 : i32
      %dma_start3A_586 = tpu.memref_slice %arg7[%dma_start3A_578, %dma_start3A_584, %dma_start3A_585] : memref<2x8x80xi32, #tpu.memory_space<vmem>> -> memref<1x8x80xi32, #tpu.memory_space<vmem>>
      %dma_start3A_587 = tpu.memref_squeeze %dma_start3A_586 : memref<1x8x80xi32, #tpu.memory_space<vmem>> -> memref<8x80xi32, #tpu.memory_space<vmem>>
      %dma_start3A_588 = arith.constant 0 : i32
      %dma_start3A_589 = tpu.memref_slice %dma_start3A_587[%dma_start3A_579, %dma_start3A_588] : memref<8x80xi32, #tpu.memory_space<vmem>> -> memref<1x80xi32, #tpu.memory_space<vmem>>
      %dma_start3A_590 = tpu.memref_squeeze %dma_start3A_589 : memref<1x80xi32, #tpu.memory_space<vmem>> -> memref<80xi32, #tpu.memory_space<vmem>>
      %dma_start3A_591 = arith.constant 0 : i32
      %dma_start3A_592 = arith.constant 0 : i32
      %dma_start3A_593 = tpu.memref_slice %arg5[%dma_start3A_591, %dma_start3A_592] : memref<10240x128xf32, #tpu.memory_space<vmem_shared>> -> memref<10240x128xf32, #tpu.memory_space<vmem_shared>>
      tpu.enqueue_indirect_dma source(%dma_start3A_583 : memref<80x128xf32, #tpu.memory_space<vmem>>) target(%dma_start3A_593 : memref<10240x128xf32, #tpu.memory_space<vmem_shared>>) offsets(%dma_start3A_590 : memref<80xi32, #tpu.memory_space<vmem>>) semaphore(%arg15 : memref<!tpu.dma_semaphore, #tpu.memory_space<semaphore_mem>>) {add = true}
      %mul3A_594 = arith.constant 8 : i32
      %mul3A_595 = arith.muli %mul3A_594, %mul3A_440 : i32
      %add3A_596 = arith.constant 3 : i32
      %add3A_597 = arith.addi %mul3A_595, %add3A_596 : i32
      %ge3A_598 = arith.constant 2 : i32
      %ge3A_599 = arith.cmpi sge, %add3A_597, %ge3A_598 : i32
      %convert_element_type3A_600 = arith.extui %ge3A_599 : i1 to i32
      %cond3A_601 = arith.constant 0 : i32
      %cond3A_602 = arith.cmpi ne, %convert_element_type3A_600, %cond3A_601 : i32
      scf.if %cond3A_602 {
        %dma_wait3A_1256 = arith.constant 1 : i32
        %dma_wait3A_1257 = arith.constant 0 : i32
        %dma_wait3A_1258 = arith.constant 1 : i32
        %dma_wait3A_1259 = arith.constant 0 : i32
        %dma_wait3A_1260 = arith.constant 0 : i32
        %dma_wait3A_1261 = tpu.memref_slice %arg8[%dma_wait3A_1256, %dma_wait3A_1259, %dma_wait3A_1260] : memref<4x80x128xf32, #tpu.memory_space<vmem>> -> memref<1x80x128xf32, #tpu.memory_space<vmem>>
        %dma_wait3A_1262 = tpu.memref_squeeze %dma_wait3A_1261 : memref<1x80x128xf32, #tpu.memory_space<vmem>> -> memref<80x128xf32, #tpu.memory_space<vmem>>
        %dma_wait3A_1263 = arith.constant 0 : i32
        %dma_wait3A_1264 = arith.constant 0 : i32
        %dma_wait3A_1265 = tpu.memref_slice %arg7[%dma_wait3A_1257, %dma_wait3A_1263, %dma_wait3A_1264] : memref<2x8x80xi32, #tpu.memory_space<vmem>> -> memref<1x8x80xi32, #tpu.memory_space<vmem>>
        %dma_wait3A_1266 = tpu.memref_squeeze %dma_wait3A_1265 : memref<1x8x80xi32, #tpu.memory_space<vmem>> -> memref<8x80xi32, #tpu.memory_space<vmem>>
        %dma_wait3A_1267 = arith.constant 0 : i32
        %dma_wait3A_1268 = tpu.memref_slice %dma_wait3A_1266[%dma_wait3A_1258, %dma_wait3A_1267] : memref<8x80xi32, #tpu.memory_space<vmem>> -> memref<1x80xi32, #tpu.memory_space<vmem>>
        %dma_wait3A_1269 = tpu.memref_squeeze %dma_wait3A_1268 : memref<1x80xi32, #tpu.memory_space<vmem>> -> memref<80xi32, #tpu.memory_space<vmem>>
        %dma_wait3A_1270 = arith.constant 0 : i32
        %dma_wait3A_1271 = arith.constant 0 : i32
        %dma_wait3A_1272 = tpu.memref_slice %arg5[%dma_wait3A_1270, %dma_wait3A_1271] : memref<10240x128xf32, #tpu.memory_space<vmem_shared>> -> memref<10240x128xf32, #tpu.memory_space<vmem_shared>>
        tpu.wait_indirect_dma semaphore(%arg14 : memref<!tpu.dma_semaphore, #tpu.memory_space<semaphore_mem>>) src(%dma_wait3A_1262 : memref<80x128xf32, #tpu.memory_space<vmem>>) dst(%dma_wait3A_1272 : memref<10240x128xf32, #tpu.memory_space<vmem_shared>>)
      } else {
      }
      %add3A_603 = arith.constant 2 : i32
      %add3A_604 = arith.addi %add3A_597, %add3A_603 : i32
      %lt3A_605 = arith.constant 128 : i32
      %lt3A_606 = arith.cmpi slt, %add3A_604, %lt3A_605 : i32
      %convert_element_type3A_607 = arith.extui %lt3A_606 : i1 to i32
      %cond3A_608 = arith.constant 0 : i32
      %cond3A_609 = arith.cmpi ne, %convert_element_type3A_607, %cond3A_608 : i32
      scf.if %cond3A_609 {
        %dma_start3A_1256 = arith.constant 0 : i32
        %dma_start3A_1257 = arith.constant 5 : i32
        %dma_start3A_1258 = arith.constant 1 : i32
        %dma_start3A_1259 = arith.constant 0 : i32
        %dma_start3A_1260 = arith.constant 0 : i32
        %dma_start3A_1261 = tpu.memref_slice %arg8[%dma_start3A_1258, %dma_start3A_1259, %dma_start3A_1260] : memref<4x80x128xf32, #tpu.memory_space<vmem>> -> memref<1x80x128xf32, #tpu.memory_space<vmem>>
        %dma_start3A_1262 = tpu.memref_squeeze %dma_start3A_1261 : memref<1x80x128xf32, #tpu.memory_space<vmem>> -> memref<80x128xf32, #tpu.memory_space<vmem>>
        %dma_start3A_1263 = arith.constant 0 : i32
        %dma_start3A_1264 = arith.constant 0 : i32
        %dma_start3A_1265 = tpu.memref_slice %arg6[%dma_start3A_1256, %dma_start3A_1263, %dma_start3A_1264] : memref<2x8x80xi32, #tpu.memory_space<vmem>> -> memref<1x8x80xi32, #tpu.memory_space<vmem>>
        %dma_start3A_1266 = tpu.memref_squeeze %dma_start3A_1265 : memref<1x8x80xi32, #tpu.memory_space<vmem>> -> memref<8x80xi32, #tpu.memory_space<vmem>>
        %dma_start3A_1267 = arith.constant 0 : i32
        %dma_start3A_1268 = tpu.memref_slice %dma_start3A_1266[%dma_start3A_1257, %dma_start3A_1267] : memref<8x80xi32, #tpu.memory_space<vmem>> -> memref<1x80xi32, #tpu.memory_space<vmem>>
        %dma_start3A_1269 = tpu.memref_squeeze %dma_start3A_1268 : memref<1x80xi32, #tpu.memory_space<vmem>> -> memref<80xi32, #tpu.memory_space<vmem>>
        %dma_start3A_1270 = arith.constant 0 : i32
        %dma_start3A_1271 = arith.constant 0 : i32
        %dma_start3A_1272 = tpu.memref_slice %arg3[%dma_start3A_1270, %dma_start3A_1271] : memref<10000x128xf32, #tpu.memory_space<hbm>> -> memref<10000x128xf32, #tpu.memory_space<hbm>>
        tpu.enqueue_indirect_dma source(%dma_start3A_1272 : memref<10000x128xf32, #tpu.memory_space<hbm>>) target(%dma_start3A_1262 : memref<80x128xf32, #tpu.memory_space<vmem>>) offsets(%dma_start3A_1269 : memref<80xi32, #tpu.memory_space<vmem>>) semaphore(%arg10 : memref<!tpu.dma_semaphore, #tpu.memory_space<semaphore_mem>>)
      } else {
      }
      %dma_wait3A_610 = arith.constant 0 : i32
      %dma_wait3A_611 = arith.constant 3 : i32
      %dma_wait3A_612 = arith.constant 3 : i32
      %dma_wait3A_613 = arith.constant 0 : i32
      %dma_wait3A_614 = arith.constant 0 : i32
      %dma_wait3A_615 = tpu.memref_slice %arg8[%dma_wait3A_612, %dma_wait3A_613, %dma_wait3A_614] : memref<4x80x128xf32, #tpu.memory_space<vmem>> -> memref<1x80x128xf32, #tpu.memory_space<vmem>>
      %dma_wait3A_616 = tpu.memref_squeeze %dma_wait3A_615 : memref<1x80x128xf32, #tpu.memory_space<vmem>> -> memref<80x128xf32, #tpu.memory_space<vmem>>
      %dma_wait3A_617 = arith.constant 0 : i32
      %dma_wait3A_618 = arith.constant 0 : i32
      %dma_wait3A_619 = tpu.memref_slice %arg6[%dma_wait3A_610, %dma_wait3A_617, %dma_wait3A_618] : memref<2x8x80xi32, #tpu.memory_space<vmem>> -> memref<1x8x80xi32, #tpu.memory_space<vmem>>
      %dma_wait3A_620 = tpu.memref_squeeze %dma_wait3A_619 : memref<1x8x80xi32, #tpu.memory_space<vmem>> -> memref<8x80xi32, #tpu.memory_space<vmem>>
      %dma_wait3A_621 = arith.constant 0 : i32
      %dma_wait3A_622 = tpu.memref_slice %dma_wait3A_620[%dma_wait3A_611, %dma_wait3A_621] : memref<8x80xi32, #tpu.memory_space<vmem>> -> memref<1x80xi32, #tpu.memory_space<vmem>>
      %dma_wait3A_623 = tpu.memref_squeeze %dma_wait3A_622 : memref<1x80xi32, #tpu.memory_space<vmem>> -> memref<80xi32, #tpu.memory_space<vmem>>
      %dma_wait3A_624 = arith.constant 0 : i32
      %dma_wait3A_625 = arith.constant 0 : i32
      %dma_wait3A_626 = tpu.memref_slice %arg3[%dma_wait3A_624, %dma_wait3A_625] : memref<10000x128xf32, #tpu.memory_space<hbm>> -> memref<10000x128xf32, #tpu.memory_space<hbm>>
      tpu.wait_indirect_dma semaphore(%arg12 : memref<!tpu.dma_semaphore, #tpu.memory_space<semaphore_mem>>) src(%dma_wait3A_626 : memref<10000x128xf32, #tpu.memory_space<hbm>>) dst(%dma_wait3A_616 : memref<80x128xf32, #tpu.memory_space<vmem>>)
      %dma_start3A_627 = arith.constant 3 : i32
      %dma_start3A_628 = arith.constant 0 : i32
      %dma_start3A_629 = arith.constant 3 : i32
      %dma_start3A_630 = arith.constant 0 : i32
      %dma_start3A_631 = arith.constant 0 : i32
      %dma_start3A_632 = tpu.memref_slice %arg8[%dma_start3A_627, %dma_start3A_630, %dma_start3A_631] : memref<4x80x128xf32, #tpu.memory_space<vmem>> -> memref<1x80x128xf32, #tpu.memory_space<vmem>>
      %dma_start3A_633 = tpu.memref_squeeze %dma_start3A_632 : memref<1x80x128xf32, #tpu.memory_space<vmem>> -> memref<80x128xf32, #tpu.memory_space<vmem>>
      %dma_start3A_634 = arith.constant 0 : i32
      %dma_start3A_635 = arith.constant 0 : i32
      %dma_start3A_636 = tpu.memref_slice %arg7[%dma_start3A_628, %dma_start3A_634, %dma_start3A_635] : memref<2x8x80xi32, #tpu.memory_space<vmem>> -> memref<1x8x80xi32, #tpu.memory_space<vmem>>
      %dma_start3A_637 = tpu.memref_squeeze %dma_start3A_636 : memref<1x8x80xi32, #tpu.memory_space<vmem>> -> memref<8x80xi32, #tpu.memory_space<vmem>>
      %dma_start3A_638 = arith.constant 0 : i32
      %dma_start3A_639 = tpu.memref_slice %dma_start3A_637[%dma_start3A_629, %dma_start3A_638] : memref<8x80xi32, #tpu.memory_space<vmem>> -> memref<1x80xi32, #tpu.memory_space<vmem>>
      %dma_start3A_640 = tpu.memref_squeeze %dma_start3A_639 : memref<1x80xi32, #tpu.memory_space<vmem>> -> memref<80xi32, #tpu.memory_space<vmem>>
      %dma_start3A_641 = arith.constant 0 : i32
      %dma_start3A_642 = arith.constant 0 : i32
      %dma_start3A_643 = tpu.memref_slice %arg5[%dma_start3A_641, %dma_start3A_642] : memref<10240x128xf32, #tpu.memory_space<vmem_shared>> -> memref<10240x128xf32, #tpu.memory_space<vmem_shared>>
      tpu.enqueue_indirect_dma source(%dma_start3A_633 : memref<80x128xf32, #tpu.memory_space<vmem>>) target(%dma_start3A_643 : memref<10240x128xf32, #tpu.memory_space<vmem_shared>>) offsets(%dma_start3A_640 : memref<80xi32, #tpu.memory_space<vmem>>) semaphore(%arg16 : memref<!tpu.dma_semaphore, #tpu.memory_space<semaphore_mem>>) {add = true}
      %mul3A_644 = arith.constant 8 : i32
      %mul3A_645 = arith.muli %mul3A_644, %mul3A_440 : i32
      %add3A_646 = arith.constant 4 : i32
      %add3A_647 = arith.addi %mul3A_645, %add3A_646 : i32
      %ge3A_648 = arith.constant 2 : i32
      %ge3A_649 = arith.cmpi sge, %add3A_647, %ge3A_648 : i32
      %convert_element_type3A_650 = arith.extui %ge3A_649 : i1 to i32
      %cond3A_651 = arith.constant 0 : i32
      %cond3A_652 = arith.cmpi ne, %convert_element_type3A_650, %cond3A_651 : i32
      scf.if %cond3A_652 {
        %dma_wait3A_1256 = arith.constant 2 : i32
        %dma_wait3A_1257 = arith.constant 0 : i32
        %dma_wait3A_1258 = arith.constant 2 : i32
        %dma_wait3A_1259 = arith.constant 0 : i32
        %dma_wait3A_1260 = arith.constant 0 : i32
        %dma_wait3A_1261 = tpu.memref_slice %arg8[%dma_wait3A_1256, %dma_wait3A_1259, %dma_wait3A_1260] : memref<4x80x128xf32, #tpu.memory_space<vmem>> -> memref<1x80x128xf32, #tpu.memory_space<vmem>>
        %dma_wait3A_1262 = tpu.memref_squeeze %dma_wait3A_1261 : memref<1x80x128xf32, #tpu.memory_space<vmem>> -> memref<80x128xf32, #tpu.memory_space<vmem>>
        %dma_wait3A_1263 = arith.constant 0 : i32
        %dma_wait3A_1264 = arith.constant 0 : i32
        %dma_wait3A_1265 = tpu.memref_slice %arg7[%dma_wait3A_1257, %dma_wait3A_1263, %dma_wait3A_1264] : memref<2x8x80xi32, #tpu.memory_space<vmem>> -> memref<1x8x80xi32, #tpu.memory_space<vmem>>
        %dma_wait3A_1266 = tpu.memref_squeeze %dma_wait3A_1265 : memref<1x8x80xi32, #tpu.memory_space<vmem>> -> memref<8x80xi32, #tpu.memory_space<vmem>>
        %dma_wait3A_1267 = arith.constant 0 : i32
        %dma_wait3A_1268 = tpu.memref_slice %dma_wait3A_1266[%dma_wait3A_1258, %dma_wait3A_1267] : memref<8x80xi32, #tpu.memory_space<vmem>> -> memref<1x80xi32, #tpu.memory_space<vmem>>
        %dma_wait3A_1269 = tpu.memref_squeeze %dma_wait3A_1268 : memref<1x80xi32, #tpu.memory_space<vmem>> -> memref<80xi32, #tpu.memory_space<vmem>>
        %dma_wait3A_1270 = arith.constant 0 : i32
        %dma_wait3A_1271 = arith.constant 0 : i32
        %dma_wait3A_1272 = tpu.memref_slice %arg5[%dma_wait3A_1270, %dma_wait3A_1271] : memref<10240x128xf32, #tpu.memory_space<vmem_shared>> -> memref<10240x128xf32, #tpu.memory_space<vmem_shared>>
        tpu.wait_indirect_dma semaphore(%arg15 : memref<!tpu.dma_semaphore, #tpu.memory_space<semaphore_mem>>) src(%dma_wait3A_1262 : memref<80x128xf32, #tpu.memory_space<vmem>>) dst(%dma_wait3A_1272 : memref<10240x128xf32, #tpu.memory_space<vmem_shared>>)
      } else {
      }
      %add3A_653 = arith.constant 2 : i32
      %add3A_654 = arith.addi %add3A_647, %add3A_653 : i32
      %lt3A_655 = arith.constant 128 : i32
      %lt3A_656 = arith.cmpi slt, %add3A_654, %lt3A_655 : i32
      %convert_element_type3A_657 = arith.extui %lt3A_656 : i1 to i32
      %cond3A_658 = arith.constant 0 : i32
      %cond3A_659 = arith.cmpi ne, %convert_element_type3A_657, %cond3A_658 : i32
      scf.if %cond3A_659 {
        %dma_start3A_1256 = arith.constant 0 : i32
        %dma_start3A_1257 = arith.constant 6 : i32
        %dma_start3A_1258 = arith.constant 2 : i32
        %dma_start3A_1259 = arith.constant 0 : i32
        %dma_start3A_1260 = arith.constant 0 : i32
        %dma_start3A_1261 = tpu.memref_slice %arg8[%dma_start3A_1258, %dma_start3A_1259, %dma_start3A_1260] : memref<4x80x128xf32, #tpu.memory_space<vmem>> -> memref<1x80x128xf32, #tpu.memory_space<vmem>>
        %dma_start3A_1262 = tpu.memref_squeeze %dma_start3A_1261 : memref<1x80x128xf32, #tpu.memory_space<vmem>> -> memref<80x128xf32, #tpu.memory_space<vmem>>
        %dma_start3A_1263 = arith.constant 0 : i32
        %dma_start3A_1264 = arith.constant 0 : i32
        %dma_start3A_1265 = tpu.memref_slice %arg6[%dma_start3A_1256, %dma_start3A_1263, %dma_start3A_1264] : memref<2x8x80xi32, #tpu.memory_space<vmem>> -> memref<1x8x80xi32, #tpu.memory_space<vmem>>
        %dma_start3A_1266 = tpu.memref_squeeze %dma_start3A_1265 : memref<1x8x80xi32, #tpu.memory_space<vmem>> -> memref<8x80xi32, #tpu.memory_space<vmem>>
        %dma_start3A_1267 = arith.constant 0 : i32
        %dma_start3A_1268 = tpu.memref_slice %dma_start3A_1266[%dma_start3A_1257, %dma_start3A_1267] : memref<8x80xi32, #tpu.memory_space<vmem>> -> memref<1x80xi32, #tpu.memory_space<vmem>>
        %dma_start3A_1269 = tpu.memref_squeeze %dma_start3A_1268 : memref<1x80xi32, #tpu.memory_space<vmem>> -> memref<80xi32, #tpu.memory_space<vmem>>
        %dma_start3A_1270 = arith.constant 0 : i32
        %dma_start3A_1271 = arith.constant 0 : i32
        %dma_start3A_1272 = tpu.memref_slice %arg3[%dma_start3A_1270, %dma_start3A_1271] : memref<10000x128xf32, #tpu.memory_space<hbm>> -> memref<10000x128xf32, #tpu.memory_space<hbm>>
        tpu.enqueue_indirect_dma source(%dma_start3A_1272 : memref<10000x128xf32, #tpu.memory_space<hbm>>) target(%dma_start3A_1262 : memref<80x128xf32, #tpu.memory_space<vmem>>) offsets(%dma_start3A_1269 : memref<80xi32, #tpu.memory_space<vmem>>) semaphore(%arg11 : memref<!tpu.dma_semaphore, #tpu.memory_space<semaphore_mem>>)
      } else {
      }
      %dma_wait3A_660 = arith.constant 0 : i32
      %dma_wait3A_661 = arith.constant 4 : i32
      %dma_wait3A_662 = arith.constant 0 : i32
      %dma_wait3A_663 = arith.constant 0 : i32
      %dma_wait3A_664 = arith.constant 0 : i32
      %dma_wait3A_665 = tpu.memref_slice %arg8[%dma_wait3A_662, %dma_wait3A_663, %dma_wait3A_664] : memref<4x80x128xf32, #tpu.memory_space<vmem>> -> memref<1x80x128xf32, #tpu.memory_space<vmem>>
      %dma_wait3A_666 = tpu.memref_squeeze %dma_wait3A_665 : memref<1x80x128xf32, #tpu.memory_space<vmem>> -> memref<80x128xf32, #tpu.memory_space<vmem>>
      %dma_wait3A_667 = arith.constant 0 : i32
      %dma_wait3A_668 = arith.constant 0 : i32
      %dma_wait3A_669 = tpu.memref_slice %arg6[%dma_wait3A_660, %dma_wait3A_667, %dma_wait3A_668] : memref<2x8x80xi32, #tpu.memory_space<vmem>> -> memref<1x8x80xi32, #tpu.memory_space<vmem>>
      %dma_wait3A_670 = tpu.memref_squeeze %dma_wait3A_669 : memref<1x8x80xi32, #tpu.memory_space<vmem>> -> memref<8x80xi32, #tpu.memory_space<vmem>>
      %dma_wait3A_671 = arith.constant 0 : i32
      %dma_wait3A_672 = tpu.memref_slice %dma_wait3A_670[%dma_wait3A_661, %dma_wait3A_671] : memref<8x80xi32, #tpu.memory_space<vmem>> -> memref<1x80xi32, #tpu.memory_space<vmem>>
      %dma_wait3A_673 = tpu.memref_squeeze %dma_wait3A_672 : memref<1x80xi32, #tpu.memory_space<vmem>> -> memref<80xi32, #tpu.memory_space<vmem>>
      %dma_wait3A_674 = arith.constant 0 : i32
      %dma_wait3A_675 = arith.constant 0 : i32
      %dma_wait3A_676 = tpu.memref_slice %arg3[%dma_wait3A_674, %dma_wait3A_675] : memref<10000x128xf32, #tpu.memory_space<hbm>> -> memref<10000x128xf32, #tpu.memory_space<hbm>>
      tpu.wait_indirect_dma semaphore(%arg9 : memref<!tpu.dma_semaphore, #tpu.memory_space<semaphore_mem>>) src(%dma_wait3A_676 : memref<10000x128xf32, #tpu.memory_space<hbm>>) dst(%dma_wait3A_666 : memref<80x128xf32, #tpu.memory_space<vmem>>)
      %dma_start3A_677 = arith.constant 0 : i32
      %dma_start3A_678 = arith.constant 0 : i32
      %dma_start3A_679 = arith.constant 4 : i32
      %dma_start3A_680 = arith.constant 0 : i32
      %dma_start3A_681 = arith.constant 0 : i32
      %dma_start3A_682 = tpu.memref_slice %arg8[%dma_start3A_677, %dma_start3A_680, %dma_start3A_681] : memref<4x80x128xf32, #tpu.memory_space<vmem>> -> memref<1x80x128xf32, #tpu.memory_space<vmem>>
      %dma_start3A_683 = tpu.memref_squeeze %dma_start3A_682 : memref<1x80x128xf32, #tpu.memory_space<vmem>> -> memref<80x128xf32, #tpu.memory_space<vmem>>
      %dma_start3A_684 = arith.constant 0 : i32
      %dma_start3A_685 = arith.constant 0 : i32
      %dma_start3A_686 = tpu.memref_slice %arg7[%dma_start3A_678, %dma_start3A_684, %dma_start3A_685] : memref<2x8x80xi32, #tpu.memory_space<vmem>> -> memref<1x8x80xi32, #tpu.memory_space<vmem>>
      %dma_start3A_687 = tpu.memref_squeeze %dma_start3A_686 : memref<1x8x80xi32, #tpu.memory_space<vmem>> -> memref<8x80xi32, #tpu.memory_space<vmem>>
      %dma_start3A_688 = arith.constant 0 : i32
      %dma_start3A_689 = tpu.memref_slice %dma_start3A_687[%dma_start3A_679, %dma_start3A_688] : memref<8x80xi32, #tpu.memory_space<vmem>> -> memref<1x80xi32, #tpu.memory_space<vmem>>
      %dma_start3A_690 = tpu.memref_squeeze %dma_start3A_689 : memref<1x80xi32, #tpu.memory_space<vmem>> -> memref<80xi32, #tpu.memory_space<vmem>>
      %dma_start3A_691 = arith.constant 0 : i32
      %dma_start3A_692 = arith.constant 0 : i32
      %dma_start3A_693 = tpu.memref_slice %arg5[%dma_start3A_691, %dma_start3A_692] : memref<10240x128xf32, #tpu.memory_space<vmem_shared>> -> memref<10240x128xf32, #tpu.memory_space<vmem_shared>>
      tpu.enqueue_indirect_dma source(%dma_start3A_683 : memref<80x128xf32, #tpu.memory_space<vmem>>) target(%dma_start3A_693 : memref<10240x128xf32, #tpu.memory_space<vmem_shared>>) offsets(%dma_start3A_690 : memref<80xi32, #tpu.memory_space<vmem>>) semaphore(%arg13 : memref<!tpu.dma_semaphore, #tpu.memory_space<semaphore_mem>>) {add = true}
      %mul3A_694 = arith.constant 8 : i32
      %mul3A_695 = arith.muli %mul3A_694, %mul3A_440 : i32
      %add3A_696 = arith.constant 5 : i32
      %add3A_697 = arith.addi %mul3A_695, %add3A_696 : i32
      %ge3A_698 = arith.constant 2 : i32
      %ge3A_699 = arith.cmpi sge, %add3A_697, %ge3A_698 : i32
      %convert_element_type3A_700 = arith.extui %ge3A_699 : i1 to i32
      %cond3A_701 = arith.constant 0 : i32
      %cond3A_702 = arith.cmpi ne, %convert_element_type3A_700, %cond3A_701 : i32
      scf.if %cond3A_702 {
        %dma_wait3A_1256 = arith.constant 3 : i32
        %dma_wait3A_1257 = arith.constant 0 : i32
        %dma_wait3A_1258 = arith.constant 3 : i32
        %dma_wait3A_1259 = arith.constant 0 : i32
        %dma_wait3A_1260 = arith.constant 0 : i32
        %dma_wait3A_1261 = tpu.memref_slice %arg8[%dma_wait3A_1256, %dma_wait3A_1259, %dma_wait3A_1260] : memref<4x80x128xf32, #tpu.memory_space<vmem>> -> memref<1x80x128xf32, #tpu.memory_space<vmem>>
        %dma_wait3A_1262 = tpu.memref_squeeze %dma_wait3A_1261 : memref<1x80x128xf32, #tpu.memory_space<vmem>> -> memref<80x128xf32, #tpu.memory_space<vmem>>
        %dma_wait3A_1263 = arith.constant 0 : i32
        %dma_wait3A_1264 = arith.constant 0 : i32
        %dma_wait3A_1265 = tpu.memref_slice %arg7[%dma_wait3A_1257, %dma_wait3A_1263, %dma_wait3A_1264] : memref<2x8x80xi32, #tpu.memory_space<vmem>> -> memref<1x8x80xi32, #tpu.memory_space<vmem>>
        %dma_wait3A_1266 = tpu.memref_squeeze %dma_wait3A_1265 : memref<1x8x80xi32, #tpu.memory_space<vmem>> -> memref<8x80xi32, #tpu.memory_space<vmem>>
        %dma_wait3A_1267 = arith.constant 0 : i32
        %dma_wait3A_1268 = tpu.memref_slice %dma_wait3A_1266[%dma_wait3A_1258, %dma_wait3A_1267] : memref<8x80xi32, #tpu.memory_space<vmem>> -> memref<1x80xi32, #tpu.memory_space<vmem>>
        %dma_wait3A_1269 = tpu.memref_squeeze %dma_wait3A_1268 : memref<1x80xi32, #tpu.memory_space<vmem>> -> memref<80xi32, #tpu.memory_space<vmem>>
        %dma_wait3A_1270 = arith.constant 0 : i32
        %dma_wait3A_1271 = arith.constant 0 : i32
        %dma_wait3A_1272 = tpu.memref_slice %arg5[%dma_wait3A_1270, %dma_wait3A_1271] : memref<10240x128xf32, #tpu.memory_space<vmem_shared>> -> memref<10240x128xf32, #tpu.memory_space<vmem_shared>>
        tpu.wait_indirect_dma semaphore(%arg16 : memref<!tpu.dma_semaphore, #tpu.memory_space<semaphore_mem>>) src(%dma_wait3A_1262 : memref<80x128xf32, #tpu.memory_space<vmem>>) dst(%dma_wait3A_1272 : memref<10240x128xf32, #tpu.memory_space<vmem_shared>>)
      } else {
      }
      %add3A_703 = arith.constant 2 : i32
      %add3A_704 = arith.addi %add3A_697, %add3A_703 : i32
      %lt3A_705 = arith.constant 128 : i32
      %lt3A_706 = arith.cmpi slt, %add3A_704, %lt3A_705 : i32
      %convert_element_type3A_707 = arith.extui %lt3A_706 : i1 to i32
      %cond3A_708 = arith.constant 0 : i32
      %cond3A_709 = arith.cmpi ne, %convert_element_type3A_707, %cond3A_708 : i32
      scf.if %cond3A_709 {
        %dma_start3A_1256 = arith.constant 0 : i32
        %dma_start3A_1257 = arith.constant 7 : i32
        %dma_start3A_1258 = arith.constant 3 : i32
        %dma_start3A_1259 = arith.constant 0 : i32
        %dma_start3A_1260 = arith.constant 0 : i32
        %dma_start3A_1261 = tpu.memref_slice %arg8[%dma_start3A_1258, %dma_start3A_1259, %dma_start3A_1260] : memref<4x80x128xf32, #tpu.memory_space<vmem>> -> memref<1x80x128xf32, #tpu.memory_space<vmem>>
        %dma_start3A_1262 = tpu.memref_squeeze %dma_start3A_1261 : memref<1x80x128xf32, #tpu.memory_space<vmem>> -> memref<80x128xf32, #tpu.memory_space<vmem>>
        %dma_start3A_1263 = arith.constant 0 : i32
        %dma_start3A_1264 = arith.constant 0 : i32
        %dma_start3A_1265 = tpu.memref_slice %arg6[%dma_start3A_1256, %dma_start3A_1263, %dma_start3A_1264] : memref<2x8x80xi32, #tpu.memory_space<vmem>> -> memref<1x8x80xi32, #tpu.memory_space<vmem>>
        %dma_start3A_1266 = tpu.memref_squeeze %dma_start3A_1265 : memref<1x8x80xi32, #tpu.memory_space<vmem>> -> memref<8x80xi32, #tpu.memory_space<vmem>>
        %dma_start3A_1267 = arith.constant 0 : i32
        %dma_start3A_1268 = tpu.memref_slice %dma_start3A_1266[%dma_start3A_1257, %dma_start3A_1267] : memref<8x80xi32, #tpu.memory_space<vmem>> -> memref<1x80xi32, #tpu.memory_space<vmem>>
        %dma_start3A_1269 = tpu.memref_squeeze %dma_start3A_1268 : memref<1x80xi32, #tpu.memory_space<vmem>> -> memref<80xi32, #tpu.memory_space<vmem>>
        %dma_start3A_1270 = arith.constant 0 : i32
        %dma_start3A_1271 = arith.constant 0 : i32
        %dma_start3A_1272 = tpu.memref_slice %arg3[%dma_start3A_1270, %dma_start3A_1271] : memref<10000x128xf32, #tpu.memory_space<hbm>> -> memref<10000x128xf32, #tpu.memory_space<hbm>>
        tpu.enqueue_indirect_dma source(%dma_start3A_1272 : memref<10000x128xf32, #tpu.memory_space<hbm>>) target(%dma_start3A_1262 : memref<80x128xf32, #tpu.memory_space<vmem>>) offsets(%dma_start3A_1269 : memref<80xi32, #tpu.memory_space<vmem>>) semaphore(%arg12 : memref<!tpu.dma_semaphore, #tpu.memory_space<semaphore_mem>>)
      } else {
      }
      %dma_wait3A_710 = arith.constant 0 : i32
      %dma_wait3A_711 = arith.constant 5 : i32
      %dma_wait3A_712 = arith.constant 1 : i32
      %dma_wait3A_713 = arith.constant 0 : i32
      %dma_wait3A_714 = arith.constant 0 : i32
      %dma_wait3A_715 = tpu.memref_slice %arg8[%dma_wait3A_712, %dma_wait3A_713, %dma_wait3A_714] : memref<4x80x128xf32, #tpu.memory_space<vmem>> -> memref<1x80x128xf32, #tpu.memory_space<vmem>>
      %dma_wait3A_716 = tpu.memref_squeeze %dma_wait3A_715 : memref<1x80x128xf32, #tpu.memory_space<vmem>> -> memref<80x128xf32, #tpu.memory_space<vmem>>
      %dma_wait3A_717 = arith.constant 0 : i32
      %dma_wait3A_718 = arith.constant 0 : i32
      %dma_wait3A_719 = tpu.memref_slice %arg6[%dma_wait3A_710, %dma_wait3A_717, %dma_wait3A_718] : memref<2x8x80xi32, #tpu.memory_space<vmem>> -> memref<1x8x80xi32, #tpu.memory_space<vmem>>
      %dma_wait3A_720 = tpu.memref_squeeze %dma_wait3A_719 : memref<1x8x80xi32, #tpu.memory_space<vmem>> -> memref<8x80xi32, #tpu.memory_space<vmem>>
      %dma_wait3A_721 = arith.constant 0 : i32
      %dma_wait3A_722 = tpu.memref_slice %dma_wait3A_720[%dma_wait3A_711, %dma_wait3A_721] : memref<8x80xi32, #tpu.memory_space<vmem>> -> memref<1x80xi32, #tpu.memory_space<vmem>>
      %dma_wait3A_723 = tpu.memref_squeeze %dma_wait3A_722 : memref<1x80xi32, #tpu.memory_space<vmem>> -> memref<80xi32, #tpu.memory_space<vmem>>
      %dma_wait3A_724 = arith.constant 0 : i32
      %dma_wait3A_725 = arith.constant 0 : i32
      %dma_wait3A_726 = tpu.memref_slice %arg3[%dma_wait3A_724, %dma_wait3A_725] : memref<10000x128xf32, #tpu.memory_space<hbm>> -> memref<10000x128xf32, #tpu.memory_space<hbm>>
      tpu.wait_indirect_dma semaphore(%arg10 : memref<!tpu.dma_semaphore, #tpu.memory_space<semaphore_mem>>) src(%dma_wait3A_726 : memref<10000x128xf32, #tpu.memory_space<hbm>>) dst(%dma_wait3A_716 : memref<80x128xf32, #tpu.memory_space<vmem>>)
      %dma_start3A_727 = arith.constant 1 : i32
      %dma_start3A_728 = arith.constant 0 : i32
      %dma_start3A_729 = arith.constant 5 : i32
      %dma_start3A_730 = arith.constant 0 : i32
      %dma_start3A_731 = arith.constant 0 : i32
      %dma_start3A_732 = tpu.memref_slice %arg8[%dma_start3A_727, %dma_start3A_730, %dma_start3A_731] : memref<4x80x128xf32, #tpu.memory_space<vmem>> -> memref<1x80x128xf32, #tpu.memory_space<vmem>>
      %dma_start3A_733 = tpu.memref_squeeze %dma_start3A_732 : memref<1x80x128xf32, #tpu.memory_space<vmem>> -> memref<80x128xf32, #tpu.memory_space<vmem>>
      %dma_start3A_734 = arith.constant 0 : i32
      %dma_start3A_735 = arith.constant 0 : i32
      %dma_start3A_736 = tpu.memref_slice %arg7[%dma_start3A_728, %dma_start3A_734, %dma_start3A_735] : memref<2x8x80xi32, #tpu.memory_space<vmem>> -> memref<1x8x80xi32, #tpu.memory_space<vmem>>
      %dma_start3A_737 = tpu.memref_squeeze %dma_start3A_736 : memref<1x8x80xi32, #tpu.memory_space<vmem>> -> memref<8x80xi32, #tpu.memory_space<vmem>>
      %dma_start3A_738 = arith.constant 0 : i32
      %dma_start3A_739 = tpu.memref_slice %dma_start3A_737[%dma_start3A_729, %dma_start3A_738] : memref<8x80xi32, #tpu.memory_space<vmem>> -> memref<1x80xi32, #tpu.memory_space<vmem>>
      %dma_start3A_740 = tpu.memref_squeeze %dma_start3A_739 : memref<1x80xi32, #tpu.memory_space<vmem>> -> memref<80xi32, #tpu.memory_space<vmem>>
      %dma_start3A_741 = arith.constant 0 : i32
      %dma_start3A_742 = arith.constant 0 : i32
      %dma_start3A_743 = tpu.memref_slice %arg5[%dma_start3A_741, %dma_start3A_742] : memref<10240x128xf32, #tpu.memory_space<vmem_shared>> -> memref<10240x128xf32, #tpu.memory_space<vmem_shared>>
      tpu.enqueue_indirect_dma source(%dma_start3A_733 : memref<80x128xf32, #tpu.memory_space<vmem>>) target(%dma_start3A_743 : memref<10240x128xf32, #tpu.memory_space<vmem_shared>>) offsets(%dma_start3A_740 : memref<80xi32, #tpu.memory_space<vmem>>) semaphore(%arg14 : memref<!tpu.dma_semaphore, #tpu.memory_space<semaphore_mem>>) {add = true}
      %mul3A_744 = arith.constant 8 : i32
      %mul3A_745 = arith.muli %mul3A_744, %mul3A_440 : i32
      %add3A_746 = arith.constant 6 : i32
      %add3A_747 = arith.addi %mul3A_745, %add3A_746 : i32
      %ge3A_748 = arith.constant 2 : i32
      %ge3A_749 = arith.cmpi sge, %add3A_747, %ge3A_748 : i32
      %convert_element_type3A_750 = arith.extui %ge3A_749 : i1 to i32
      %cond3A_751 = arith.constant 0 : i32
      %cond3A_752 = arith.cmpi ne, %convert_element_type3A_750, %cond3A_751 : i32
      scf.if %cond3A_752 {
        %dma_wait3A_1256 = arith.constant 0 : i32
        %dma_wait3A_1257 = arith.constant 0 : i32
        %dma_wait3A_1258 = arith.constant 4 : i32
        %dma_wait3A_1259 = arith.constant 0 : i32
        %dma_wait3A_1260 = arith.constant 0 : i32
        %dma_wait3A_1261 = tpu.memref_slice %arg8[%dma_wait3A_1256, %dma_wait3A_1259, %dma_wait3A_1260] : memref<4x80x128xf32, #tpu.memory_space<vmem>> -> memref<1x80x128xf32, #tpu.memory_space<vmem>>
        %dma_wait3A_1262 = tpu.memref_squeeze %dma_wait3A_1261 : memref<1x80x128xf32, #tpu.memory_space<vmem>> -> memref<80x128xf32, #tpu.memory_space<vmem>>
        %dma_wait3A_1263 = arith.constant 0 : i32
        %dma_wait3A_1264 = arith.constant 0 : i32
        %dma_wait3A_1265 = tpu.memref_slice %arg7[%dma_wait3A_1257, %dma_wait3A_1263, %dma_wait3A_1264] : memref<2x8x80xi32, #tpu.memory_space<vmem>> -> memref<1x8x80xi32, #tpu.memory_space<vmem>>
        %dma_wait3A_1266 = tpu.memref_squeeze %dma_wait3A_1265 : memref<1x8x80xi32, #tpu.memory_space<vmem>> -> memref<8x80xi32, #tpu.memory_space<vmem>>
        %dma_wait3A_1267 = arith.constant 0 : i32
        %dma_wait3A_1268 = tpu.memref_slice %dma_wait3A_1266[%dma_wait3A_1258, %dma_wait3A_1267] : memref<8x80xi32, #tpu.memory_space<vmem>> -> memref<1x80xi32, #tpu.memory_space<vmem>>
        %dma_wait3A_1269 = tpu.memref_squeeze %dma_wait3A_1268 : memref<1x80xi32, #tpu.memory_space<vmem>> -> memref<80xi32, #tpu.memory_space<vmem>>
        %dma_wait3A_1270 = arith.constant 0 : i32
        %dma_wait3A_1271 = arith.constant 0 : i32
        %dma_wait3A_1272 = tpu.memref_slice %arg5[%dma_wait3A_1270, %dma_wait3A_1271] : memref<10240x128xf32, #tpu.memory_space<vmem_shared>> -> memref<10240x128xf32, #tpu.memory_space<vmem_shared>>
        tpu.wait_indirect_dma semaphore(%arg13 : memref<!tpu.dma_semaphore, #tpu.memory_space<semaphore_mem>>) src(%dma_wait3A_1262 : memref<80x128xf32, #tpu.memory_space<vmem>>) dst(%dma_wait3A_1272 : memref<10240x128xf32, #tpu.memory_space<vmem_shared>>)
      } else {
      }
      %add3A_753 = arith.constant 2 : i32
      %add3A_754 = arith.addi %add3A_747, %add3A_753 : i32
      %lt3A_755 = arith.constant 128 : i32
      %lt3A_756 = arith.cmpi slt, %add3A_754, %lt3A_755 : i32
      %convert_element_type3A_757 = arith.extui %lt3A_756 : i1 to i32
      %cond3A_758 = arith.constant 0 : i32
      %cond3A_759 = arith.cmpi ne, %convert_element_type3A_757, %cond3A_758 : i32
      scf.if %cond3A_759 {
        %add3A_1256 = arith.constant 1 : i32
        %add3A_1257 = arith.addi %mul3A_440, %add3A_1256 : i32
        %mul3A_1258 = arith.constant 128 : i32
        %mul3A_1259 = arith.muli %add3A, %mul3A_1258 : i32
        %mul3A_1260 = arith.constant 8 : i32
        %mul3A_1261 = arith.muli %mul3A_1260, %add3A_1257 : i32
        %add3A_1262 = arith.addi %mul3A_1259, %mul3A_1261 : i32
        %mul3A_1263 = arith.constant 128 : i32
        %mul3A_1264 = arith.muli %add3A, %mul3A_1263 : i32
        %mul3A_1265 = arith.constant 8 : i32
        %mul3A_1266 = arith.muli %mul3A_1265, %add3A_1257 : i32
        %add3A_1267 = arith.addi %mul3A_1264, %mul3A_1266 : i32
        %dma_wait3A_1268 = arith.constant 0 : i32
        %dma_wait3A_1269 = arith.constant 1 : i32
        %dma_wait3A_1270 = arith.constant 0 : i32
        %dma_wait3A_1271 = arith.constant 0 : i32
        %dma_wait3A_1272 = tpu.memref_slice %arg6[%dma_wait3A_1269, %dma_wait3A_1270, %dma_wait3A_1271] : memref<2x8x80xi32, #tpu.memory_space<vmem>> -> memref<1x8x80xi32, #tpu.memory_space<vmem>>
        %dma_wait3A_1273 = tpu.memref_squeeze %dma_wait3A_1272 : memref<1x8x80xi32, #tpu.memory_space<vmem>> -> memref<8x80xi32, #tpu.memory_space<vmem>>
        %dma_wait3A_1274 = arith.constant 0 : i32
        %dma_wait3A_1275 = tpu.memref_slice %arg2[%dma_wait3A_1268, %add3A_1262, %dma_wait3A_1274] : memref<2x4096x80xi32, #tpu.memory_space<hbm>> -> memref<1x8x80xi32, #tpu.memory_space<hbm>>
        %dma_wait3A_1276 = tpu.memref_squeeze %dma_wait3A_1275 : memref<1x8x80xi32, #tpu.memory_space<hbm>> -> memref<8x80xi32, #tpu.memory_space<hbm>>
        %dma_wait3A_1277 = arith.constant 0 : i32
        %dma_wait3A_1278 = arith.constant 0 : i32
        %dma_wait3A_1279 = tpu.memref_slice %arg6[%dma_wait3A_1269, %dma_wait3A_1277, %dma_wait3A_1278] : memref<2x8x80xi32, #tpu.memory_space<vmem>> -> memref<1x8x80xi32, #tpu.memory_space<vmem>>
        %dma_wait3A_1280 = tpu.memref_squeeze %dma_wait3A_1279 : memref<1x8x80xi32, #tpu.memory_space<vmem>> -> memref<8x80xi32, #tpu.memory_space<vmem>>
        %dma_wait3A_1281 = arith.constant 0 : i32
        %dma_wait3A_1282 = tpu.memref_slice %arg2[%dma_wait3A_1268, %add3A_1262, %dma_wait3A_1281] : memref<2x4096x80xi32, #tpu.memory_space<hbm>> -> memref<1x8x80xi32, #tpu.memory_space<hbm>>
        %dma_wait3A_1283 = tpu.memref_squeeze %dma_wait3A_1282 : memref<1x8x80xi32, #tpu.memory_space<hbm>> -> memref<8x80xi32, #tpu.memory_space<hbm>>
        tpu.wait_dma2 semaphore(%arg17 : memref<!tpu.dma_semaphore, #tpu.memory_space<semaphore_mem>>) src(%dma_wait3A_1283 : memref<8x80xi32, #tpu.memory_space<hbm>>) dst(%dma_wait3A_1280 : memref<8x80xi32, #tpu.memory_space<vmem>>)
        %dma_wait3A_1284 = arith.constant 1 : i32
        %dma_wait3A_1285 = arith.constant 1 : i32
        %dma_wait3A_1286 = arith.constant 0 : i32
        %dma_wait3A_1287 = arith.constant 0 : i32
        %dma_wait3A_1288 = tpu.memref_slice %arg7[%dma_wait3A_1285, %dma_wait3A_1286, %dma_wait3A_1287] : memref<2x8x80xi32, #tpu.memory_space<vmem>> -> memref<1x8x80xi32, #tpu.memory_space<vmem>>
        %dma_wait3A_1289 = tpu.memref_squeeze %dma_wait3A_1288 : memref<1x8x80xi32, #tpu.memory_space<vmem>> -> memref<8x80xi32, #tpu.memory_space<vmem>>
        %dma_wait3A_1290 = arith.constant 0 : i32
        %dma_wait3A_1291 = tpu.memref_slice %arg2[%dma_wait3A_1284, %add3A_1267, %dma_wait3A_1290] : memref<2x4096x80xi32, #tpu.memory_space<hbm>> -> memref<1x8x80xi32, #tpu.memory_space<hbm>>
        %dma_wait3A_1292 = tpu.memref_squeeze %dma_wait3A_1291 : memref<1x8x80xi32, #tpu.memory_space<hbm>> -> memref<8x80xi32, #tpu.memory_space<hbm>>
        %dma_wait3A_1293 = arith.constant 0 : i32
        %dma_wait3A_1294 = arith.constant 0 : i32
        %dma_wait3A_1295 = tpu.memref_slice %arg7[%dma_wait3A_1285, %dma_wait3A_1293, %dma_wait3A_1294] : memref<2x8x80xi32, #tpu.memory_space<vmem>> -> memref<1x8x80xi32, #tpu.memory_space<vmem>>
        %dma_wait3A_1296 = tpu.memref_squeeze %dma_wait3A_1295 : memref<1x8x80xi32, #tpu.memory_space<vmem>> -> memref<8x80xi32, #tpu.memory_space<vmem>>
        %dma_wait3A_1297 = arith.constant 0 : i32
        %dma_wait3A_1298 = tpu.memref_slice %arg2[%dma_wait3A_1284, %add3A_1267, %dma_wait3A_1297] : memref<2x4096x80xi32, #tpu.memory_space<hbm>> -> memref<1x8x80xi32, #tpu.memory_space<hbm>>
        %dma_wait3A_1299 = tpu.memref_squeeze %dma_wait3A_1298 : memref<1x8x80xi32, #tpu.memory_space<hbm>> -> memref<8x80xi32, #tpu.memory_space<hbm>>
        tpu.wait_dma2 semaphore(%arg17 : memref<!tpu.dma_semaphore, #tpu.memory_space<semaphore_mem>>) src(%dma_wait3A_1299 : memref<8x80xi32, #tpu.memory_space<hbm>>) dst(%dma_wait3A_1296 : memref<8x80xi32, #tpu.memory_space<vmem>>)
        %dma_start3A_1300 = arith.constant 1 : i32
        %dma_start3A_1301 = arith.constant 0 : i32
        %dma_start3A_1302 = arith.constant 0 : i32
        %dma_start3A_1303 = arith.constant 0 : i32
        %dma_start3A_1304 = arith.constant 0 : i32
        %dma_start3A_1305 = tpu.memref_slice %arg8[%dma_start3A_1302, %dma_start3A_1303, %dma_start3A_1304] : memref<4x80x128xf32, #tpu.memory_space<vmem>> -> memref<1x80x128xf32, #tpu.memory_space<vmem>>
        %dma_start3A_1306 = tpu.memref_squeeze %dma_start3A_1305 : memref<1x80x128xf32, #tpu.memory_space<vmem>> -> memref<80x128xf32, #tpu.memory_space<vmem>>
        %dma_start3A_1307 = arith.constant 0 : i32
        %dma_start3A_1308 = arith.constant 0 : i32
        %dma_start3A_1309 = tpu.memref_slice %arg6[%dma_start3A_1300, %dma_start3A_1307, %dma_start3A_1308] : memref<2x8x80xi32, #tpu.memory_space<vmem>> -> memref<1x8x80xi32, #tpu.memory_space<vmem>>
        %dma_start3A_1310 = tpu.memref_squeeze %dma_start3A_1309 : memref<1x8x80xi32, #tpu.memory_space<vmem>> -> memref<8x80xi32, #tpu.memory_space<vmem>>
        %dma_start3A_1311 = arith.constant 0 : i32
        %dma_start3A_1312 = tpu.memref_slice %dma_start3A_1310[%dma_start3A_1301, %dma_start3A_1311] : memref<8x80xi32, #tpu.memory_space<vmem>> -> memref<1x80xi32, #tpu.memory_space<vmem>>
        %dma_start3A_1313 = tpu.memref_squeeze %dma_start3A_1312 : memref<1x80xi32, #tpu.memory_space<vmem>> -> memref<80xi32, #tpu.memory_space<vmem>>
        %dma_start3A_1314 = arith.constant 0 : i32
        %dma_start3A_1315 = arith.constant 0 : i32
        %dma_start3A_1316 = tpu.memref_slice %arg3[%dma_start3A_1314, %dma_start3A_1315] : memref<10000x128xf32, #tpu.memory_space<hbm>> -> memref<10000x128xf32, #tpu.memory_space<hbm>>
        tpu.enqueue_indirect_dma source(%dma_start3A_1316 : memref<10000x128xf32, #tpu.memory_space<hbm>>) target(%dma_start3A_1306 : memref<80x128xf32, #tpu.memory_space<vmem>>) offsets(%dma_start3A_1313 : memref<80xi32, #tpu.memory_space<vmem>>) semaphore(%arg9 : memref<!tpu.dma_semaphore, #tpu.memory_space<semaphore_mem>>)
      } else {
      }
      %dma_wait3A_760 = arith.constant 0 : i32
      %dma_wait3A_761 = arith.constant 6 : i32
      %dma_wait3A_762 = arith.constant 2 : i32
      %dma_wait3A_763 = arith.constant 0 : i32
      %dma_wait3A_764 = arith.constant 0 : i32
      %dma_wait3A_765 = tpu.memref_slice %arg8[%dma_wait3A_762, %dma_wait3A_763, %dma_wait3A_764] : memref<4x80x128xf32, #tpu.memory_space<vmem>> -> memref<1x80x128xf32, #tpu.memory_space<vmem>>
      %dma_wait3A_766 = tpu.memref_squeeze %dma_wait3A_765 : memref<1x80x128xf32, #tpu.memory_space<vmem>> -> memref<80x128xf32, #tpu.memory_space<vmem>>
      %dma_wait3A_767 = arith.constant 0 : i32
      %dma_wait3A_768 = arith.constant 0 : i32
      %dma_wait3A_769 = tpu.memref_slice %arg6[%dma_wait3A_760, %dma_wait3A_767, %dma_wait3A_768] : memref<2x8x80xi32, #tpu.memory_space<vmem>> -> memref<1x8x80xi32, #tpu.memory_space<vmem>>
      %dma_wait3A_770 = tpu.memref_squeeze %dma_wait3A_769 : memref<1x8x80xi32, #tpu.memory_space<vmem>> -> memref<8x80xi32, #tpu.memory_space<vmem>>
      %dma_wait3A_771 = arith.constant 0 : i32
      %dma_wait3A_772 = tpu.memref_slice %dma_wait3A_770[%dma_wait3A_761, %dma_wait3A_771] : memref<8x80xi32, #tpu.memory_space<vmem>> -> memref<1x80xi32, #tpu.memory_space<vmem>>
      %dma_wait3A_773 = tpu.memref_squeeze %dma_wait3A_772 : memref<1x80xi32, #tpu.memory_space<vmem>> -> memref<80xi32, #tpu.memory_space<vmem>>
      %dma_wait3A_774 = arith.constant 0 : i32
      %dma_wait3A_775 = arith.constant 0 : i32
      %dma_wait3A_776 = tpu.memref_slice %arg3[%dma_wait3A_774, %dma_wait3A_775] : memref<10000x128xf32, #tpu.memory_space<hbm>> -> memref<10000x128xf32, #tpu.memory_space<hbm>>
      tpu.wait_indirect_dma semaphore(%arg11 : memref<!tpu.dma_semaphore, #tpu.memory_space<semaphore_mem>>) src(%dma_wait3A_776 : memref<10000x128xf32, #tpu.memory_space<hbm>>) dst(%dma_wait3A_766 : memref<80x128xf32, #tpu.memory_space<vmem>>)
      %dma_start3A_777 = arith.constant 2 : i32
      %dma_start3A_778 = arith.constant 0 : i32
      %dma_start3A_779 = arith.constant 6 : i32
      %dma_start3A_780 = arith.constant 0 : i32
      %dma_start3A_781 = arith.constant 0 : i32
      %dma_start3A_782 = tpu.memref_slice %arg8[%dma_start3A_777, %dma_start3A_780, %dma_start3A_781] : memref<4x80x128xf32, #tpu.memory_space<vmem>> -> memref<1x80x128xf32, #tpu.memory_space<vmem>>
      %dma_start3A_783 = tpu.memref_squeeze %dma_start3A_782 : memref<1x80x128xf32, #tpu.memory_space<vmem>> -> memref<80x128xf32, #tpu.memory_space<vmem>>
      %dma_start3A_784 = arith.constant 0 : i32
      %dma_start3A_785 = arith.constant 0 : i32
      %dma_start3A_786 = tpu.memref_slice %arg7[%dma_start3A_778, %dma_start3A_784, %dma_start3A_785] : memref<2x8x80xi32, #tpu.memory_space<vmem>> -> memref<1x8x80xi32, #tpu.memory_space<vmem>>
      %dma_start3A_787 = tpu.memref_squeeze %dma_start3A_786 : memref<1x8x80xi32, #tpu.memory_space<vmem>> -> memref<8x80xi32, #tpu.memory_space<vmem>>
      %dma_start3A_788 = arith.constant 0 : i32
      %dma_start3A_789 = tpu.memref_slice %dma_start3A_787[%dma_start3A_779, %dma_start3A_788] : memref<8x80xi32, #tpu.memory_space<vmem>> -> memref<1x80xi32, #tpu.memory_space<vmem>>
      %dma_start3A_790 = tpu.memref_squeeze %dma_start3A_789 : memref<1x80xi32, #tpu.memory_space<vmem>> -> memref<80xi32, #tpu.memory_space<vmem>>
      %dma_start3A_791 = arith.constant 0 : i32
      %dma_start3A_792 = arith.constant 0 : i32
      %dma_start3A_793 = tpu.memref_slice %arg5[%dma_start3A_791, %dma_start3A_792] : memref<10240x128xf32, #tpu.memory_space<vmem_shared>> -> memref<10240x128xf32, #tpu.memory_space<vmem_shared>>
      tpu.enqueue_indirect_dma source(%dma_start3A_783 : memref<80x128xf32, #tpu.memory_space<vmem>>) target(%dma_start3A_793 : memref<10240x128xf32, #tpu.memory_space<vmem_shared>>) offsets(%dma_start3A_790 : memref<80xi32, #tpu.memory_space<vmem>>) semaphore(%arg15 : memref<!tpu.dma_semaphore, #tpu.memory_space<semaphore_mem>>) {add = true}
      %mul3A_794 = arith.constant 8 : i32
      %mul3A_795 = arith.muli %mul3A_794, %mul3A_440 : i32
      %add3A_796 = arith.constant 7 : i32
      %add3A_797 = arith.addi %mul3A_795, %add3A_796 : i32
      %ge3A_798 = arith.constant 2 : i32
      %ge3A_799 = arith.cmpi sge, %add3A_797, %ge3A_798 : i32
      %convert_element_type3A_800 = arith.extui %ge3A_799 : i1 to i32
      %cond3A_801 = arith.constant 0 : i32
      %cond3A_802 = arith.cmpi ne, %convert_element_type3A_800, %cond3A_801 : i32
      scf.if %cond3A_802 {
        %dma_wait3A_1256 = arith.constant 1 : i32
        %dma_wait3A_1257 = arith.constant 0 : i32
        %dma_wait3A_1258 = arith.constant 5 : i32
        %dma_wait3A_1259 = arith.constant 0 : i32
        %dma_wait3A_1260 = arith.constant 0 : i32
        %dma_wait3A_1261 = tpu.memref_slice %arg8[%dma_wait3A_1256, %dma_wait3A_1259, %dma_wait3A_1260] : memref<4x80x128xf32, #tpu.memory_space<vmem>> -> memref<1x80x128xf32, #tpu.memory_space<vmem>>
        %dma_wait3A_1262 = tpu.memref_squeeze %dma_wait3A_1261 : memref<1x80x128xf32, #tpu.memory_space<vmem>> -> memref<80x128xf32, #tpu.memory_space<vmem>>
        %dma_wait3A_1263 = arith.constant 0 : i32
        %dma_wait3A_1264 = arith.constant 0 : i32
        %dma_wait3A_1265 = tpu.memref_slice %arg7[%dma_wait3A_1257, %dma_wait3A_1263, %dma_wait3A_1264] : memref<2x8x80xi32, #tpu.memory_space<vmem>> -> memref<1x8x80xi32, #tpu.memory_space<vmem>>
        %dma_wait3A_1266 = tpu.memref_squeeze %dma_wait3A_1265 : memref<1x8x80xi32, #tpu.memory_space<vmem>> -> memref<8x80xi32, #tpu.memory_space<vmem>>
        %dma_wait3A_1267 = arith.constant 0 : i32
        %dma_wait3A_1268 = tpu.memref_slice %dma_wait3A_1266[%dma_wait3A_1258, %dma_wait3A_1267] : memref<8x80xi32, #tpu.memory_space<vmem>> -> memref<1x80xi32, #tpu.memory_space<vmem>>
        %dma_wait3A_1269 = tpu.memref_squeeze %dma_wait3A_1268 : memref<1x80xi32, #tpu.memory_space<vmem>> -> memref<80xi32, #tpu.memory_space<vmem>>
        %dma_wait3A_1270 = arith.constant 0 : i32
        %dma_wait3A_1271 = arith.constant 0 : i32
        %dma_wait3A_1272 = tpu.memref_slice %arg5[%dma_wait3A_1270, %dma_wait3A_1271] : memref<10240x128xf32, #tpu.memory_space<vmem_shared>> -> memref<10240x128xf32, #tpu.memory_space<vmem_shared>>
        tpu.wait_indirect_dma semaphore(%arg14 : memref<!tpu.dma_semaphore, #tpu.memory_space<semaphore_mem>>) src(%dma_wait3A_1262 : memref<80x128xf32, #tpu.memory_space<vmem>>) dst(%dma_wait3A_1272 : memref<10240x128xf32, #tpu.memory_space<vmem_shared>>)
      } else {
      }
      %add3A_803 = arith.constant 2 : i32
      %add3A_804 = arith.addi %add3A_797, %add3A_803 : i32
      %lt3A_805 = arith.constant 128 : i32
      %lt3A_806 = arith.cmpi slt, %add3A_804, %lt3A_805 : i32
      %convert_element_type3A_807 = arith.extui %lt3A_806 : i1 to i32
      %cond3A_808 = arith.constant 0 : i32
      %cond3A_809 = arith.cmpi ne, %convert_element_type3A_807, %cond3A_808 : i32
      scf.if %cond3A_809 {
        %dma_start3A_1256 = arith.constant 1 : i32
        %dma_start3A_1257 = arith.constant 1 : i32
        %dma_start3A_1258 = arith.constant 1 : i32
        %dma_start3A_1259 = arith.constant 0 : i32
        %dma_start3A_1260 = arith.constant 0 : i32
        %dma_start3A_1261 = tpu.memref_slice %arg8[%dma_start3A_1258, %dma_start3A_1259, %dma_start3A_1260] : memref<4x80x128xf32, #tpu.memory_space<vmem>> -> memref<1x80x128xf32, #tpu.memory_space<vmem>>
        %dma_start3A_1262 = tpu.memref_squeeze %dma_start3A_1261 : memref<1x80x128xf32, #tpu.memory_space<vmem>> -> memref<80x128xf32, #tpu.memory_space<vmem>>
        %dma_start3A_1263 = arith.constant 0 : i32
        %dma_start3A_1264 = arith.constant 0 : i32
        %dma_start3A_1265 = tpu.memref_slice %arg6[%dma_start3A_1256, %dma_start3A_1263, %dma_start3A_1264] : memref<2x8x80xi32, #tpu.memory_space<vmem>> -> memref<1x8x80xi32, #tpu.memory_space<vmem>>
        %dma_start3A_1266 = tpu.memref_squeeze %dma_start3A_1265 : memref<1x8x80xi32, #tpu.memory_space<vmem>> -> memref<8x80xi32, #tpu.memory_space<vmem>>
        %dma_start3A_1267 = arith.constant 0 : i32
        %dma_start3A_1268 = tpu.memref_slice %dma_start3A_1266[%dma_start3A_1257, %dma_start3A_1267] : memref<8x80xi32, #tpu.memory_space<vmem>> -> memref<1x80xi32, #tpu.memory_space<vmem>>
        %dma_start3A_1269 = tpu.memref_squeeze %dma_start3A_1268 : memref<1x80xi32, #tpu.memory_space<vmem>> -> memref<80xi32, #tpu.memory_space<vmem>>
        %dma_start3A_1270 = arith.constant 0 : i32
        %dma_start3A_1271 = arith.constant 0 : i32
        %dma_start3A_1272 = tpu.memref_slice %arg3[%dma_start3A_1270, %dma_start3A_1271] : memref<10000x128xf32, #tpu.memory_space<hbm>> -> memref<10000x128xf32, #tpu.memory_space<hbm>>
        tpu.enqueue_indirect_dma source(%dma_start3A_1272 : memref<10000x128xf32, #tpu.memory_space<hbm>>) target(%dma_start3A_1262 : memref<80x128xf32, #tpu.memory_space<vmem>>) offsets(%dma_start3A_1269 : memref<80xi32, #tpu.memory_space<vmem>>) semaphore(%arg10 : memref<!tpu.dma_semaphore, #tpu.memory_space<semaphore_mem>>)
      } else {
      }
      %dma_wait3A_810 = arith.constant 0 : i32
      %dma_wait3A_811 = arith.constant 7 : i32
      %dma_wait3A_812 = arith.constant 3 : i32
      %dma_wait3A_813 = arith.constant 0 : i32
      %dma_wait3A_814 = arith.constant 0 : i32
      %dma_wait3A_815 = tpu.memref_slice %arg8[%dma_wait3A_812, %dma_wait3A_813, %dma_wait3A_814] : memref<4x80x128xf32, #tpu.memory_space<vmem>> -> memref<1x80x128xf32, #tpu.memory_space<vmem>>
      %dma_wait3A_816 = tpu.memref_squeeze %dma_wait3A_815 : memref<1x80x128xf32, #tpu.memory_space<vmem>> -> memref<80x128xf32, #tpu.memory_space<vmem>>
      %dma_wait3A_817 = arith.constant 0 : i32
      %dma_wait3A_818 = arith.constant 0 : i32
      %dma_wait3A_819 = tpu.memref_slice %arg6[%dma_wait3A_810, %dma_wait3A_817, %dma_wait3A_818] : memref<2x8x80xi32, #tpu.memory_space<vmem>> -> memref<1x8x80xi32, #tpu.memory_space<vmem>>
      %dma_wait3A_820 = tpu.memref_squeeze %dma_wait3A_819 : memref<1x8x80xi32, #tpu.memory_space<vmem>> -> memref<8x80xi32, #tpu.memory_space<vmem>>
      %dma_wait3A_821 = arith.constant 0 : i32
      %dma_wait3A_822 = tpu.memref_slice %dma_wait3A_820[%dma_wait3A_811, %dma_wait3A_821] : memref<8x80xi32, #tpu.memory_space<vmem>> -> memref<1x80xi32, #tpu.memory_space<vmem>>
      %dma_wait3A_823 = tpu.memref_squeeze %dma_wait3A_822 : memref<1x80xi32, #tpu.memory_space<vmem>> -> memref<80xi32, #tpu.memory_space<vmem>>
      %dma_wait3A_824 = arith.constant 0 : i32
      %dma_wait3A_825 = arith.constant 0 : i32
      %dma_wait3A_826 = tpu.memref_slice %arg3[%dma_wait3A_824, %dma_wait3A_825] : memref<10000x128xf32, #tpu.memory_space<hbm>> -> memref<10000x128xf32, #tpu.memory_space<hbm>>
      tpu.wait_indirect_dma semaphore(%arg12 : memref<!tpu.dma_semaphore, #tpu.memory_space<semaphore_mem>>) src(%dma_wait3A_826 : memref<10000x128xf32, #tpu.memory_space<hbm>>) dst(%dma_wait3A_816 : memref<80x128xf32, #tpu.memory_space<vmem>>)
      %dma_start3A_827 = arith.constant 3 : i32
      %dma_start3A_828 = arith.constant 0 : i32
      %dma_start3A_829 = arith.constant 7 : i32
      %dma_start3A_830 = arith.constant 0 : i32
      %dma_start3A_831 = arith.constant 0 : i32
      %dma_start3A_832 = tpu.memref_slice %arg8[%dma_start3A_827, %dma_start3A_830, %dma_start3A_831] : memref<4x80x128xf32, #tpu.memory_space<vmem>> -> memref<1x80x128xf32, #tpu.memory_space<vmem>>
      %dma_start3A_833 = tpu.memref_squeeze %dma_start3A_832 : memref<1x80x128xf32, #tpu.memory_space<vmem>> -> memref<80x128xf32, #tpu.memory_space<vmem>>
      %dma_start3A_834 = arith.constant 0 : i32
      %dma_start3A_835 = arith.constant 0 : i32
      %dma_start3A_836 = tpu.memref_slice %arg7[%dma_start3A_828, %dma_start3A_834, %dma_start3A_835] : memref<2x8x80xi32, #tpu.memory_space<vmem>> -> memref<1x8x80xi32, #tpu.memory_space<vmem>>
      %dma_start3A_837 = tpu.memref_squeeze %dma_start3A_836 : memref<1x8x80xi32, #tpu.memory_space<vmem>> -> memref<8x80xi32, #tpu.memory_space<vmem>>
      %dma_start3A_838 = arith.constant 0 : i32
      %dma_start3A_839 = tpu.memref_slice %dma_start3A_837[%dma_start3A_829, %dma_start3A_838] : memref<8x80xi32, #tpu.memory_space<vmem>> -> memref<1x80xi32, #tpu.memory_space<vmem>>
      %dma_start3A_840 = tpu.memref_squeeze %dma_start3A_839 : memref<1x80xi32, #tpu.memory_space<vmem>> -> memref<80xi32, #tpu.memory_space<vmem>>
      %dma_start3A_841 = arith.constant 0 : i32
      %dma_start3A_842 = arith.constant 0 : i32
      %dma_start3A_843 = tpu.memref_slice %arg5[%dma_start3A_841, %dma_start3A_842] : memref<10240x128xf32, #tpu.memory_space<vmem_shared>> -> memref<10240x128xf32, #tpu.memory_space<vmem_shared>>
      tpu.enqueue_indirect_dma source(%dma_start3A_833 : memref<80x128xf32, #tpu.memory_space<vmem>>) target(%dma_start3A_843 : memref<10240x128xf32, #tpu.memory_space<vmem_shared>>) offsets(%dma_start3A_840 : memref<80xi32, #tpu.memory_space<vmem>>) semaphore(%arg16 : memref<!tpu.dma_semaphore, #tpu.memory_space<semaphore_mem>>) {add = true}
      %mul3A_844 = arith.constant 2 : i32
      %mul3A_845 = arith.muli %mul3A_844, %scan3A_437 : i32
      %add3A_846 = arith.constant 1 : i32
      %add3A_847 = arith.addi %mul3A_845, %add3A_846 : i32
      %mul3A_848 = arith.constant 8 : i32
      %mul3A_849 = arith.muli %mul3A_848, %add3A_847 : i32
      %add3A_850 = arith.constant 0 : i32
      %add3A_851 = arith.addi %mul3A_849, %add3A_850 : i32
      %ge3A_852 = arith.constant 2 : i32
      %ge3A_853 = arith.cmpi sge, %add3A_851, %ge3A_852 : i32
      %convert_element_type3A_854 = arith.extui %ge3A_853 : i1 to i32
      %cond3A_855 = arith.constant 0 : i32
      %cond3A_856 = arith.cmpi ne, %convert_element_type3A_854, %cond3A_855 : i32
      scf.if %cond3A_856 {
        %dma_wait3A_1256 = arith.constant 2 : i32
        %dma_wait3A_1257 = arith.constant 0 : i32
        %dma_wait3A_1258 = arith.constant 6 : i32
        %dma_wait3A_1259 = arith.constant 0 : i32
        %dma_wait3A_1260 = arith.constant 0 : i32
        %dma_wait3A_1261 = tpu.memref_slice %arg8[%dma_wait3A_1256, %dma_wait3A_1259, %dma_wait3A_1260] : memref<4x80x128xf32, #tpu.memory_space<vmem>> -> memref<1x80x128xf32, #tpu.memory_space<vmem>>
        %dma_wait3A_1262 = tpu.memref_squeeze %dma_wait3A_1261 : memref<1x80x128xf32, #tpu.memory_space<vmem>> -> memref<80x128xf32, #tpu.memory_space<vmem>>
        %dma_wait3A_1263 = arith.constant 0 : i32
        %dma_wait3A_1264 = arith.constant 0 : i32
        %dma_wait3A_1265 = tpu.memref_slice %arg7[%dma_wait3A_1257, %dma_wait3A_1263, %dma_wait3A_1264] : memref<2x8x80xi32, #tpu.memory_space<vmem>> -> memref<1x8x80xi32, #tpu.memory_space<vmem>>
        %dma_wait3A_1266 = tpu.memref_squeeze %dma_wait3A_1265 : memref<1x8x80xi32, #tpu.memory_space<vmem>> -> memref<8x80xi32, #tpu.memory_space<vmem>>
        %dma_wait3A_1267 = arith.constant 0 : i32
        %dma_wait3A_1268 = tpu.memref_slice %dma_wait3A_1266[%dma_wait3A_1258, %dma_wait3A_1267] : memref<8x80xi32, #tpu.memory_space<vmem>> -> memref<1x80xi32, #tpu.memory_space<vmem>>
        %dma_wait3A_1269 = tpu.memref_squeeze %dma_wait3A_1268 : memref<1x80xi32, #tpu.memory_space<vmem>> -> memref<80xi32, #tpu.memory_space<vmem>>
        %dma_wait3A_1270 = arith.constant 0 : i32
        %dma_wait3A_1271 = arith.constant 0 : i32
        %dma_wait3A_1272 = tpu.memref_slice %arg5[%dma_wait3A_1270, %dma_wait3A_1271] : memref<10240x128xf32, #tpu.memory_space<vmem_shared>> -> memref<10240x128xf32, #tpu.memory_space<vmem_shared>>
        tpu.wait_indirect_dma semaphore(%arg15 : memref<!tpu.dma_semaphore, #tpu.memory_space<semaphore_mem>>) src(%dma_wait3A_1262 : memref<80x128xf32, #tpu.memory_space<vmem>>) dst(%dma_wait3A_1272 : memref<10240x128xf32, #tpu.memory_space<vmem_shared>>)
      } else {
      }
      %add3A_857 = arith.constant 2 : i32
      %add3A_858 = arith.addi %add3A_851, %add3A_857 : i32
      %lt3A_859 = arith.constant 128 : i32
      %lt3A_860 = arith.cmpi slt, %add3A_858, %lt3A_859 : i32
      %convert_element_type3A_861 = arith.extui %lt3A_860 : i1 to i32
      %cond3A_862 = arith.constant 0 : i32
      %cond3A_863 = arith.cmpi ne, %convert_element_type3A_861, %cond3A_862 : i32
      scf.if %cond3A_863 {
        %dma_start3A_1256 = arith.constant 1 : i32
        %dma_start3A_1257 = arith.constant 2 : i32
        %dma_start3A_1258 = arith.constant 2 : i32
        %dma_start3A_1259 = arith.constant 0 : i32
        %dma_start3A_1260 = arith.constant 0 : i32
        %dma_start3A_1261 = tpu.memref_slice %arg8[%dma_start3A_1258, %dma_start3A_1259, %dma_start3A_1260] : memref<4x80x128xf32, #tpu.memory_space<vmem>> -> memref<1x80x128xf32, #tpu.memory_space<vmem>>
        %dma_start3A_1262 = tpu.memref_squeeze %dma_start3A_1261 : memref<1x80x128xf32, #tpu.memory_space<vmem>> -> memref<80x128xf32, #tpu.memory_space<vmem>>
        %dma_start3A_1263 = arith.constant 0 : i32
        %dma_start3A_1264 = arith.constant 0 : i32
        %dma_start3A_1265 = tpu.memref_slice %arg6[%dma_start3A_1256, %dma_start3A_1263, %dma_start3A_1264] : memref<2x8x80xi32, #tpu.memory_space<vmem>> -> memref<1x8x80xi32, #tpu.memory_space<vmem>>
        %dma_start3A_1266 = tpu.memref_squeeze %dma_start3A_1265 : memref<1x8x80xi32, #tpu.memory_space<vmem>> -> memref<8x80xi32, #tpu.memory_space<vmem>>
        %dma_start3A_1267 = arith.constant 0 : i32
        %dma_start3A_1268 = tpu.memref_slice %dma_start3A_1266[%dma_start3A_1257, %dma_start3A_1267] : memref<8x80xi32, #tpu.memory_space<vmem>> -> memref<1x80xi32, #tpu.memory_space<vmem>>
        %dma_start3A_1269 = tpu.memref_squeeze %dma_start3A_1268 : memref<1x80xi32, #tpu.memory_space<vmem>> -> memref<80xi32, #tpu.memory_space<vmem>>
        %dma_start3A_1270 = arith.constant 0 : i32
        %dma_start3A_1271 = arith.constant 0 : i32
        %dma_start3A_1272 = tpu.memref_slice %arg3[%dma_start3A_1270, %dma_start3A_1271] : memref<10000x128xf32, #tpu.memory_space<hbm>> -> memref<10000x128xf32, #tpu.memory_space<hbm>>
        tpu.enqueue_indirect_dma source(%dma_start3A_1272 : memref<10000x128xf32, #tpu.memory_space<hbm>>) target(%dma_start3A_1262 : memref<80x128xf32, #tpu.memory_space<vmem>>) offsets(%dma_start3A_1269 : memref<80xi32, #tpu.memory_space<vmem>>) semaphore(%arg11 : memref<!tpu.dma_semaphore, #tpu.memory_space<semaphore_mem>>)
      } else {
      }
      %dma_wait3A_864 = arith.constant 1 : i32
      %dma_wait3A_865 = arith.constant 0 : i32
      %dma_wait3A_866 = arith.constant 0 : i32
      %dma_wait3A_867 = arith.constant 0 : i32
      %dma_wait3A_868 = arith.constant 0 : i32
      %dma_wait3A_869 = tpu.memref_slice %arg8[%dma_wait3A_866, %dma_wait3A_867, %dma_wait3A_868] : memref<4x80x128xf32, #tpu.memory_space<vmem>> -> memref<1x80x128xf32, #tpu.memory_space<vmem>>
      %dma_wait3A_870 = tpu.memref_squeeze %dma_wait3A_869 : memref<1x80x128xf32, #tpu.memory_space<vmem>> -> memref<80x128xf32, #tpu.memory_space<vmem>>
      %dma_wait3A_871 = arith.constant 0 : i32
      %dma_wait3A_872 = arith.constant 0 : i32
      %dma_wait3A_873 = tpu.memref_slice %arg6[%dma_wait3A_864, %dma_wait3A_871, %dma_wait3A_872] : memref<2x8x80xi32, #tpu.memory_space<vmem>> -> memref<1x8x80xi32, #tpu.memory_space<vmem>>
      %dma_wait3A_874 = tpu.memref_squeeze %dma_wait3A_873 : memref<1x8x80xi32, #tpu.memory_space<vmem>> -> memref<8x80xi32, #tpu.memory_space<vmem>>
      %dma_wait3A_875 = arith.constant 0 : i32
      %dma_wait3A_876 = tpu.memref_slice %dma_wait3A_874[%dma_wait3A_865, %dma_wait3A_875] : memref<8x80xi32, #tpu.memory_space<vmem>> -> memref<1x80xi32, #tpu.memory_space<vmem>>
      %dma_wait3A_877 = tpu.memref_squeeze %dma_wait3A_876 : memref<1x80xi32, #tpu.memory_space<vmem>> -> memref<80xi32, #tpu.memory_space<vmem>>
      %dma_wait3A_878 = arith.constant 0 : i32
      %dma_wait3A_879 = arith.constant 0 : i32
      %dma_wait3A_880 = tpu.memref_slice %arg3[%dma_wait3A_878, %dma_wait3A_879] : memref<10000x128xf32, #tpu.memory_space<hbm>> -> memref<10000x128xf32, #tpu.memory_space<hbm>>
      tpu.wait_indirect_dma semaphore(%arg9 : memref<!tpu.dma_semaphore, #tpu.memory_space<semaphore_mem>>) src(%dma_wait3A_880 : memref<10000x128xf32, #tpu.memory_space<hbm>>) dst(%dma_wait3A_870 : memref<80x128xf32, #tpu.memory_space<vmem>>)
      %dma_start3A_881 = arith.constant 0 : i32
      %dma_start3A_882 = arith.constant 1 : i32
      %dma_start3A_883 = arith.constant 0 : i32
      %dma_start3A_884 = arith.constant 0 : i32
      %dma_start3A_885 = arith.constant 0 : i32
      %dma_start3A_886 = tpu.memref_slice %arg8[%dma_start3A_881, %dma_start3A_884, %dma_start3A_885] : memref<4x80x128xf32, #tpu.memory_space<vmem>> -> memref<1x80x128xf32, #tpu.memory_space<vmem>>
      %dma_start3A_887 = tpu.memref_squeeze %dma_start3A_886 : memref<1x80x128xf32, #tpu.memory_space<vmem>> -> memref<80x128xf32, #tpu.memory_space<vmem>>
      %dma_start3A_888 = arith.constant 0 : i32
      %dma_start3A_889 = arith.constant 0 : i32
      %dma_start3A_890 = tpu.memref_slice %arg7[%dma_start3A_882, %dma_start3A_888, %dma_start3A_889] : memref<2x8x80xi32, #tpu.memory_space<vmem>> -> memref<1x8x80xi32, #tpu.memory_space<vmem>>
      %dma_start3A_891 = tpu.memref_squeeze %dma_start3A_890 : memref<1x8x80xi32, #tpu.memory_space<vmem>> -> memref<8x80xi32, #tpu.memory_space<vmem>>
      %dma_start3A_892 = arith.constant 0 : i32
      %dma_start3A_893 = tpu.memref_slice %dma_start3A_891[%dma_start3A_883, %dma_start3A_892] : memref<8x80xi32, #tpu.memory_space<vmem>> -> memref<1x80xi32, #tpu.memory_space<vmem>>
      %dma_start3A_894 = tpu.memref_squeeze %dma_start3A_893 : memref<1x80xi32, #tpu.memory_space<vmem>> -> memref<80xi32, #tpu.memory_space<vmem>>
      %dma_start3A_895 = arith.constant 0 : i32
      %dma_start3A_896 = arith.constant 0 : i32
      %dma_start3A_897 = tpu.memref_slice %arg5[%dma_start3A_895, %dma_start3A_896] : memref<10240x128xf32, #tpu.memory_space<vmem_shared>> -> memref<10240x128xf32, #tpu.memory_space<vmem_shared>>
      tpu.enqueue_indirect_dma source(%dma_start3A_887 : memref<80x128xf32, #tpu.memory_space<vmem>>) target(%dma_start3A_897 : memref<10240x128xf32, #tpu.memory_space<vmem_shared>>) offsets(%dma_start3A_894 : memref<80xi32, #tpu.memory_space<vmem>>) semaphore(%arg13 : memref<!tpu.dma_semaphore, #tpu.memory_space<semaphore_mem>>) {add = true}
      %mul3A_898 = arith.constant 8 : i32
      %mul3A_899 = arith.muli %mul3A_898, %add3A_847 : i32
      %add3A_900 = arith.constant 1 : i32
      %add3A_901 = arith.addi %mul3A_899, %add3A_900 : i32
      %ge3A_902 = arith.constant 2 : i32
      %ge3A_903 = arith.cmpi sge, %add3A_901, %ge3A_902 : i32
      %convert_element_type3A_904 = arith.extui %ge3A_903 : i1 to i32
      %cond3A_905 = arith.constant 0 : i32
      %cond3A_906 = arith.cmpi ne, %convert_element_type3A_904, %cond3A_905 : i32
      scf.if %cond3A_906 {
        %dma_wait3A_1256 = arith.constant 3 : i32
        %dma_wait3A_1257 = arith.constant 0 : i32
        %dma_wait3A_1258 = arith.constant 7 : i32
        %dma_wait3A_1259 = arith.constant 0 : i32
        %dma_wait3A_1260 = arith.constant 0 : i32
        %dma_wait3A_1261 = tpu.memref_slice %arg8[%dma_wait3A_1256, %dma_wait3A_1259, %dma_wait3A_1260] : memref<4x80x128xf32, #tpu.memory_space<vmem>> -> memref<1x80x128xf32, #tpu.memory_space<vmem>>
        %dma_wait3A_1262 = tpu.memref_squeeze %dma_wait3A_1261 : memref<1x80x128xf32, #tpu.memory_space<vmem>> -> memref<80x128xf32, #tpu.memory_space<vmem>>
        %dma_wait3A_1263 = arith.constant 0 : i32
        %dma_wait3A_1264 = arith.constant 0 : i32
        %dma_wait3A_1265 = tpu.memref_slice %arg7[%dma_wait3A_1257, %dma_wait3A_1263, %dma_wait3A_1264] : memref<2x8x80xi32, #tpu.memory_space<vmem>> -> memref<1x8x80xi32, #tpu.memory_space<vmem>>
        %dma_wait3A_1266 = tpu.memref_squeeze %dma_wait3A_1265 : memref<1x8x80xi32, #tpu.memory_space<vmem>> -> memref<8x80xi32, #tpu.memory_space<vmem>>
        %dma_wait3A_1267 = arith.constant 0 : i32
        %dma_wait3A_1268 = tpu.memref_slice %dma_wait3A_1266[%dma_wait3A_1258, %dma_wait3A_1267] : memref<8x80xi32, #tpu.memory_space<vmem>> -> memref<1x80xi32, #tpu.memory_space<vmem>>
        %dma_wait3A_1269 = tpu.memref_squeeze %dma_wait3A_1268 : memref<1x80xi32, #tpu.memory_space<vmem>> -> memref<80xi32, #tpu.memory_space<vmem>>
        %dma_wait3A_1270 = arith.constant 0 : i32
        %dma_wait3A_1271 = arith.constant 0 : i32
        %dma_wait3A_1272 = tpu.memref_slice %arg5[%dma_wait3A_1270, %dma_wait3A_1271] : memref<10240x128xf32, #tpu.memory_space<vmem_shared>> -> memref<10240x128xf32, #tpu.memory_space<vmem_shared>>
        tpu.wait_indirect_dma semaphore(%arg16 : memref<!tpu.dma_semaphore, #tpu.memory_space<semaphore_mem>>) src(%dma_wait3A_1262 : memref<80x128xf32, #tpu.memory_space<vmem>>) dst(%dma_wait3A_1272 : memref<10240x128xf32, #tpu.memory_space<vmem_shared>>)
      } else {
      }
      %add3A_907 = arith.constant 2 : i32
      %add3A_908 = arith.addi %add3A_901, %add3A_907 : i32
      %lt3A_909 = arith.constant 128 : i32
      %lt3A_910 = arith.cmpi slt, %add3A_908, %lt3A_909 : i32
      %convert_element_type3A_911 = arith.extui %lt3A_910 : i1 to i32
      %cond3A_912 = arith.constant 0 : i32
      %cond3A_913 = arith.cmpi ne, %convert_element_type3A_911, %cond3A_912 : i32
      scf.if %cond3A_913 {
        %dma_start3A_1256 = arith.constant 1 : i32
        %dma_start3A_1257 = arith.constant 3 : i32
        %dma_start3A_1258 = arith.constant 3 : i32
        %dma_start3A_1259 = arith.constant 0 : i32
        %dma_start3A_1260 = arith.constant 0 : i32
        %dma_start3A_1261 = tpu.memref_slice %arg8[%dma_start3A_1258, %dma_start3A_1259, %dma_start3A_1260] : memref<4x80x128xf32, #tpu.memory_space<vmem>> -> memref<1x80x128xf32, #tpu.memory_space<vmem>>
        %dma_start3A_1262 = tpu.memref_squeeze %dma_start3A_1261 : memref<1x80x128xf32, #tpu.memory_space<vmem>> -> memref<80x128xf32, #tpu.memory_space<vmem>>
        %dma_start3A_1263 = arith.constant 0 : i32
        %dma_start3A_1264 = arith.constant 0 : i32
        %dma_start3A_1265 = tpu.memref_slice %arg6[%dma_start3A_1256, %dma_start3A_1263, %dma_start3A_1264] : memref<2x8x80xi32, #tpu.memory_space<vmem>> -> memref<1x8x80xi32, #tpu.memory_space<vmem>>
        %dma_start3A_1266 = tpu.memref_squeeze %dma_start3A_1265 : memref<1x8x80xi32, #tpu.memory_space<vmem>> -> memref<8x80xi32, #tpu.memory_space<vmem>>
        %dma_start3A_1267 = arith.constant 0 : i32
        %dma_start3A_1268 = tpu.memref_slice %dma_start3A_1266[%dma_start3A_1257, %dma_start3A_1267] : memref<8x80xi32, #tpu.memory_space<vmem>> -> memref<1x80xi32, #tpu.memory_space<vmem>>
        %dma_start3A_1269 = tpu.memref_squeeze %dma_start3A_1268 : memref<1x80xi32, #tpu.memory_space<vmem>> -> memref<80xi32, #tpu.memory_space<vmem>>
        %dma_start3A_1270 = arith.constant 0 : i32
        %dma_start3A_1271 = arith.constant 0 : i32
        %dma_start3A_1272 = tpu.memref_slice %arg3[%dma_start3A_1270, %dma_start3A_1271] : memref<10000x128xf32, #tpu.memory_space<hbm>> -> memref<10000x128xf32, #tpu.memory_space<hbm>>
        tpu.enqueue_indirect_dma source(%dma_start3A_1272 : memref<10000x128xf32, #tpu.memory_space<hbm>>) target(%dma_start3A_1262 : memref<80x128xf32, #tpu.memory_space<vmem>>) offsets(%dma_start3A_1269 : memref<80xi32, #tpu.memory_space<vmem>>) semaphore(%arg12 : memref<!tpu.dma_semaphore, #tpu.memory_space<semaphore_mem>>)
      } else {
      }
      %dma_wait3A_914 = arith.constant 1 : i32
      %dma_wait3A_915 = arith.constant 1 : i32
      %dma_wait3A_916 = arith.constant 1 : i32
      %dma_wait3A_917 = arith.constant 0 : i32
      %dma_wait3A_918 = arith.constant 0 : i32
      %dma_wait3A_919 = tpu.memref_slice %arg8[%dma_wait3A_916, %dma_wait3A_917, %dma_wait3A_918] : memref<4x80x128xf32, #tpu.memory_space<vmem>> -> memref<1x80x128xf32, #tpu.memory_space<vmem>>
      %dma_wait3A_920 = tpu.memref_squeeze %dma_wait3A_919 : memref<1x80x128xf32, #tpu.memory_space<vmem>> -> memref<80x128xf32, #tpu.memory_space<vmem>>
      %dma_wait3A_921 = arith.constant 0 : i32
      %dma_wait3A_922 = arith.constant 0 : i32
      %dma_wait3A_923 = tpu.memref_slice %arg6[%dma_wait3A_914, %dma_wait3A_921, %dma_wait3A_922] : memref<2x8x80xi32, #tpu.memory_space<vmem>> -> memref<1x8x80xi32, #tpu.memory_space<vmem>>
      %dma_wait3A_924 = tpu.memref_squeeze %dma_wait3A_923 : memref<1x8x80xi32, #tpu.memory_space<vmem>> -> memref<8x80xi32, #tpu.memory_space<vmem>>
      %dma_wait3A_925 = arith.constant 0 : i32
      %dma_wait3A_926 = tpu.memref_slice %dma_wait3A_924[%dma_wait3A_915, %dma_wait3A_925] : memref<8x80xi32, #tpu.memory_space<vmem>> -> memref<1x80xi32, #tpu.memory_space<vmem>>
      %dma_wait3A_927 = tpu.memref_squeeze %dma_wait3A_926 : memref<1x80xi32, #tpu.memory_space<vmem>> -> memref<80xi32, #tpu.memory_space<vmem>>
      %dma_wait3A_928 = arith.constant 0 : i32
      %dma_wait3A_929 = arith.constant 0 : i32
      %dma_wait3A_930 = tpu.memref_slice %arg3[%dma_wait3A_928, %dma_wait3A_929] : memref<10000x128xf32, #tpu.memory_space<hbm>> -> memref<10000x128xf32, #tpu.memory_space<hbm>>
      tpu.wait_indirect_dma semaphore(%arg10 : memref<!tpu.dma_semaphore, #tpu.memory_space<semaphore_mem>>) src(%dma_wait3A_930 : memref<10000x128xf32, #tpu.memory_space<hbm>>) dst(%dma_wait3A_920 : memref<80x128xf32, #tpu.memory_space<vmem>>)
      %dma_start3A_931 = arith.constant 1 : i32
      %dma_start3A_932 = arith.constant 1 : i32
      %dma_start3A_933 = arith.constant 1 : i32
      %dma_start3A_934 = arith.constant 0 : i32
      %dma_start3A_935 = arith.constant 0 : i32
      %dma_start3A_936 = tpu.memref_slice %arg8[%dma_start3A_931, %dma_start3A_934, %dma_start3A_935] : memref<4x80x128xf32, #tpu.memory_space<vmem>> -> memref<1x80x128xf32, #tpu.memory_space<vmem>>
      %dma_start3A_937 = tpu.memref_squeeze %dma_start3A_936 : memref<1x80x128xf32, #tpu.memory_space<vmem>> -> memref<80x128xf32, #tpu.memory_space<vmem>>
      %dma_start3A_938 = arith.constant 0 : i32
      %dma_start3A_939 = arith.constant 0 : i32
      %dma_start3A_940 = tpu.memref_slice %arg7[%dma_start3A_932, %dma_start3A_938, %dma_start3A_939] : memref<2x8x80xi32, #tpu.memory_space<vmem>> -> memref<1x8x80xi32, #tpu.memory_space<vmem>>
      %dma_start3A_941 = tpu.memref_squeeze %dma_start3A_940 : memref<1x8x80xi32, #tpu.memory_space<vmem>> -> memref<8x80xi32, #tpu.memory_space<vmem>>
      %dma_start3A_942 = arith.constant 0 : i32
      %dma_start3A_943 = tpu.memref_slice %dma_start3A_941[%dma_start3A_933, %dma_start3A_942] : memref<8x80xi32, #tpu.memory_space<vmem>> -> memref<1x80xi32, #tpu.memory_space<vmem>>
      %dma_start3A_944 = tpu.memref_squeeze %dma_start3A_943 : memref<1x80xi32, #tpu.memory_space<vmem>> -> memref<80xi32, #tpu.memory_space<vmem>>
      %dma_start3A_945 = arith.constant 0 : i32
      %dma_start3A_946 = arith.constant 0 : i32
      %dma_start3A_947 = tpu.memref_slice %arg5[%dma_start3A_945, %dma_start3A_946] : memref<10240x128xf32, #tpu.memory_space<vmem_shared>> -> memref<10240x128xf32, #tpu.memory_space<vmem_shared>>
      tpu.enqueue_indirect_dma source(%dma_start3A_937 : memref<80x128xf32, #tpu.memory_space<vmem>>) target(%dma_start3A_947 : memref<10240x128xf32, #tpu.memory_space<vmem_shared>>) offsets(%dma_start3A_944 : memref<80xi32, #tpu.memory_space<vmem>>) semaphore(%arg14 : memref<!tpu.dma_semaphore, #tpu.memory_space<semaphore_mem>>) {add = true}
      %mul3A_948 = arith.constant 8 : i32
      %mul3A_949 = arith.muli %mul3A_948, %add3A_847 : i32
      %add3A_950 = arith.constant 2 : i32
      %add3A_951 = arith.addi %mul3A_949, %add3A_950 : i32
      %ge3A_952 = arith.constant 2 : i32
      %ge3A_953 = arith.cmpi sge, %add3A_951, %ge3A_952 : i32
      %convert_element_type3A_954 = arith.extui %ge3A_953 : i1 to i32
      %cond3A_955 = arith.constant 0 : i32
      %cond3A_956 = arith.cmpi ne, %convert_element_type3A_954, %cond3A_955 : i32
      scf.if %cond3A_956 {
        %dma_wait3A_1256 = arith.constant 0 : i32
        %dma_wait3A_1257 = arith.constant 1 : i32
        %dma_wait3A_1258 = arith.constant 0 : i32
        %dma_wait3A_1259 = arith.constant 0 : i32
        %dma_wait3A_1260 = arith.constant 0 : i32
        %dma_wait3A_1261 = tpu.memref_slice %arg8[%dma_wait3A_1256, %dma_wait3A_1259, %dma_wait3A_1260] : memref<4x80x128xf32, #tpu.memory_space<vmem>> -> memref<1x80x128xf32, #tpu.memory_space<vmem>>
        %dma_wait3A_1262 = tpu.memref_squeeze %dma_wait3A_1261 : memref<1x80x128xf32, #tpu.memory_space<vmem>> -> memref<80x128xf32, #tpu.memory_space<vmem>>
        %dma_wait3A_1263 = arith.constant 0 : i32
        %dma_wait3A_1264 = arith.constant 0 : i32
        %dma_wait3A_1265 = tpu.memref_slice %arg7[%dma_wait3A_1257, %dma_wait3A_1263, %dma_wait3A_1264] : memref<2x8x80xi32, #tpu.memory_space<vmem>> -> memref<1x8x80xi32, #tpu.memory_space<vmem>>
        %dma_wait3A_1266 = tpu.memref_squeeze %dma_wait3A_1265 : memref<1x8x80xi32, #tpu.memory_space<vmem>> -> memref<8x80xi32, #tpu.memory_space<vmem>>
        %dma_wait3A_1267 = arith.constant 0 : i32
        %dma_wait3A_1268 = tpu.memref_slice %dma_wait3A_1266[%dma_wait3A_1258, %dma_wait3A_1267] : memref<8x80xi32, #tpu.memory_space<vmem>> -> memref<1x80xi32, #tpu.memory_space<vmem>>
        %dma_wait3A_1269 = tpu.memref_squeeze %dma_wait3A_1268 : memref<1x80xi32, #tpu.memory_space<vmem>> -> memref<80xi32, #tpu.memory_space<vmem>>
        %dma_wait3A_1270 = arith.constant 0 : i32
        %dma_wait3A_1271 = arith.constant 0 : i32
        %dma_wait3A_1272 = tpu.memref_slice %arg5[%dma_wait3A_1270, %dma_wait3A_1271] : memref<10240x128xf32, #tpu.memory_space<vmem_shared>> -> memref<10240x128xf32, #tpu.memory_space<vmem_shared>>
        tpu.wait_indirect_dma semaphore(%arg13 : memref<!tpu.dma_semaphore, #tpu.memory_space<semaphore_mem>>) src(%dma_wait3A_1262 : memref<80x128xf32, #tpu.memory_space<vmem>>) dst(%dma_wait3A_1272 : memref<10240x128xf32, #tpu.memory_space<vmem_shared>>)
      } else {
      }
      %add3A_957 = arith.constant 1 : i32
      %add3A_958 = arith.addi %add3A_847, %add3A_957 : i32
      %lt3A_959 = arith.constant 16 : i32
      %lt3A_960 = arith.cmpi slt, %add3A_958, %lt3A_959 : i32
      %convert_element_type3A_961 = arith.extui %lt3A_960 : i1 to i32
      %cond3A_962 = arith.constant 0 : i32
      %cond3A_963 = arith.cmpi ne, %convert_element_type3A_961, %cond3A_962 : i32
      scf.if %cond3A_963 {
        %add3A_1256 = arith.constant 1 : i32
        %add3A_1257 = arith.addi %add3A_847, %add3A_1256 : i32
        %mul3A_1258 = arith.constant 128 : i32
        %mul3A_1259 = arith.muli %add3A, %mul3A_1258 : i32
        %mul3A_1260 = arith.constant 8 : i32
        %mul3A_1261 = arith.muli %mul3A_1260, %add3A_1257 : i32
        %add3A_1262 = arith.addi %mul3A_1259, %mul3A_1261 : i32
        %mul3A_1263 = arith.constant 128 : i32
        %mul3A_1264 = arith.muli %add3A, %mul3A_1263 : i32
        %mul3A_1265 = arith.constant 8 : i32
        %mul3A_1266 = arith.muli %mul3A_1265, %add3A_1257 : i32
        %add3A_1267 = arith.addi %mul3A_1264, %mul3A_1266 : i32
        %dma_start3A_1268 = arith.constant 0 : i32
        %dma_start3A_1269 = arith.constant 0 : i32
        %dma_start3A_1270 = arith.constant 0 : i32
        %dma_start3A_1271 = arith.constant 0 : i32
        %dma_start3A_1272 = tpu.memref_slice %arg6[%dma_start3A_1269, %dma_start3A_1270, %dma_start3A_1271] : memref<2x8x80xi32, #tpu.memory_space<vmem>> -> memref<1x8x80xi32, #tpu.memory_space<vmem>>
        %dma_start3A_1273 = tpu.memref_squeeze %dma_start3A_1272 : memref<1x8x80xi32, #tpu.memory_space<vmem>> -> memref<8x80xi32, #tpu.memory_space<vmem>>
        %dma_start3A_1274 = arith.constant 0 : i32
        %dma_start3A_1275 = tpu.memref_slice %arg2[%dma_start3A_1268, %add3A_1262, %dma_start3A_1274] : memref<2x4096x80xi32, #tpu.memory_space<hbm>> -> memref<1x8x80xi32, #tpu.memory_space<hbm>>
        %dma_start3A_1276 = tpu.memref_squeeze %dma_start3A_1275 : memref<1x8x80xi32, #tpu.memory_space<hbm>> -> memref<8x80xi32, #tpu.memory_space<hbm>>
        %dma_start3A_1277 = arith.constant 0 : i32
        %dma_start3A_1278 = arith.constant 0 : i32
        %dma_start3A_1279 = tpu.memref_slice %arg6[%dma_start3A_1269, %dma_start3A_1277, %dma_start3A_1278] : memref<2x8x80xi32, #tpu.memory_space<vmem>> -> memref<1x8x80xi32, #tpu.memory_space<vmem>>
        %dma_start3A_1280 = tpu.memref_squeeze %dma_start3A_1279 : memref<1x8x80xi32, #tpu.memory_space<vmem>> -> memref<8x80xi32, #tpu.memory_space<vmem>>
        %dma_start3A_1281 = arith.constant 0 : i32
        %dma_start3A_1282 = tpu.memref_slice %arg2[%dma_start3A_1268, %add3A_1262, %dma_start3A_1281] : memref<2x4096x80xi32, #tpu.memory_space<hbm>> -> memref<1x8x80xi32, #tpu.memory_space<hbm>>
        %dma_start3A_1283 = tpu.memref_squeeze %dma_start3A_1282 : memref<1x8x80xi32, #tpu.memory_space<hbm>> -> memref<8x80xi32, #tpu.memory_space<hbm>>
        tpu.enqueue_dma source(%dma_start3A_1283 : memref<8x80xi32, #tpu.memory_space<hbm>>) target(%dma_start3A_1280 : memref<8x80xi32, #tpu.memory_space<vmem>>) target_semaphore(%arg17 : memref<!tpu.dma_semaphore, #tpu.memory_space<semaphore_mem>>)
        %dma_start3A_1284 = arith.constant 1 : i32
        %dma_start3A_1285 = arith.constant 0 : i32
        %dma_start3A_1286 = arith.constant 0 : i32
        %dma_start3A_1287 = arith.constant 0 : i32
        %dma_start3A_1288 = tpu.memref_slice %arg7[%dma_start3A_1285, %dma_start3A_1286, %dma_start3A_1287] : memref<2x8x80xi32, #tpu.memory_space<vmem>> -> memref<1x8x80xi32, #tpu.memory_space<vmem>>
        %dma_start3A_1289 = tpu.memref_squeeze %dma_start3A_1288 : memref<1x8x80xi32, #tpu.memory_space<vmem>> -> memref<8x80xi32, #tpu.memory_space<vmem>>
        %dma_start3A_1290 = arith.constant 0 : i32
        %dma_start3A_1291 = tpu.memref_slice %arg2[%dma_start3A_1284, %add3A_1267, %dma_start3A_1290] : memref<2x4096x80xi32, #tpu.memory_space<hbm>> -> memref<1x8x80xi32, #tpu.memory_space<hbm>>
        %dma_start3A_1292 = tpu.memref_squeeze %dma_start3A_1291 : memref<1x8x80xi32, #tpu.memory_space<hbm>> -> memref<8x80xi32, #tpu.memory_space<hbm>>
        %dma_start3A_1293 = arith.constant 0 : i32
        %dma_start3A_1294 = arith.constant 0 : i32
        %dma_start3A_1295 = tpu.memref_slice %arg7[%dma_start3A_1285, %dma_start3A_1293, %dma_start3A_1294] : memref<2x8x80xi32, #tpu.memory_space<vmem>> -> memref<1x8x80xi32, #tpu.memory_space<vmem>>
        %dma_start3A_1296 = tpu.memref_squeeze %dma_start3A_1295 : memref<1x8x80xi32, #tpu.memory_space<vmem>> -> memref<8x80xi32, #tpu.memory_space<vmem>>
        %dma_start3A_1297 = arith.constant 0 : i32
        %dma_start3A_1298 = tpu.memref_slice %arg2[%dma_start3A_1284, %add3A_1267, %dma_start3A_1297] : memref<2x4096x80xi32, #tpu.memory_space<hbm>> -> memref<1x8x80xi32, #tpu.memory_space<hbm>>
        %dma_start3A_1299 = tpu.memref_squeeze %dma_start3A_1298 : memref<1x8x80xi32, #tpu.memory_space<hbm>> -> memref<8x80xi32, #tpu.memory_space<hbm>>
        tpu.enqueue_dma source(%dma_start3A_1299 : memref<8x80xi32, #tpu.memory_space<hbm>>) target(%dma_start3A_1296 : memref<8x80xi32, #tpu.memory_space<vmem>>) target_semaphore(%arg17 : memref<!tpu.dma_semaphore, #tpu.memory_space<semaphore_mem>>)
      } else {
      }
      %add3A_964 = arith.constant 2 : i32
      %add3A_965 = arith.addi %add3A_951, %add3A_964 : i32
      %lt3A_966 = arith.constant 128 : i32
      %lt3A_967 = arith.cmpi slt, %add3A_965, %lt3A_966 : i32
      %convert_element_type3A_968 = arith.extui %lt3A_967 : i1 to i32
      %cond3A_969 = arith.constant 0 : i32
      %cond3A_970 = arith.cmpi ne, %convert_element_type3A_968, %cond3A_969 : i32
      scf.if %cond3A_970 {
        %dma_start3A_1256 = arith.constant 1 : i32
        %dma_start3A_1257 = arith.constant 4 : i32
        %dma_start3A_1258 = arith.constant 0 : i32
        %dma_start3A_1259 = arith.constant 0 : i32
        %dma_start3A_1260 = arith.constant 0 : i32
        %dma_start3A_1261 = tpu.memref_slice %arg8[%dma_start3A_1258, %dma_start3A_1259, %dma_start3A_1260] : memref<4x80x128xf32, #tpu.memory_space<vmem>> -> memref<1x80x128xf32, #tpu.memory_space<vmem>>
        %dma_start3A_1262 = tpu.memref_squeeze %dma_start3A_1261 : memref<1x80x128xf32, #tpu.memory_space<vmem>> -> memref<80x128xf32, #tpu.memory_space<vmem>>
        %dma_start3A_1263 = arith.constant 0 : i32
        %dma_start3A_1264 = arith.constant 0 : i32
        %dma_start3A_1265 = tpu.memref_slice %arg6[%dma_start3A_1256, %dma_start3A_1263, %dma_start3A_1264] : memref<2x8x80xi32, #tpu.memory_space<vmem>> -> memref<1x8x80xi32, #tpu.memory_space<vmem>>
        %dma_start3A_1266 = tpu.memref_squeeze %dma_start3A_1265 : memref<1x8x80xi32, #tpu.memory_space<vmem>> -> memref<8x80xi32, #tpu.memory_space<vmem>>
        %dma_start3A_1267 = arith.constant 0 : i32
        %dma_start3A_1268 = tpu.memref_slice %dma_start3A_1266[%dma_start3A_1257, %dma_start3A_1267] : memref<8x80xi32, #tpu.memory_space<vmem>> -> memref<1x80xi32, #tpu.memory_space<vmem>>
        %dma_start3A_1269 = tpu.memref_squeeze %dma_start3A_1268 : memref<1x80xi32, #tpu.memory_space<vmem>> -> memref<80xi32, #tpu.memory_space<vmem>>
        %dma_start3A_1270 = arith.constant 0 : i32
        %dma_start3A_1271 = arith.constant 0 : i32
        %dma_start3A_1272 = tpu.memref_slice %arg3[%dma_start3A_1270, %dma_start3A_1271] : memref<10000x128xf32, #tpu.memory_space<hbm>> -> memref<10000x128xf32, #tpu.memory_space<hbm>>
        tpu.enqueue_indirect_dma source(%dma_start3A_1272 : memref<10000x128xf32, #tpu.memory_space<hbm>>) target(%dma_start3A_1262 : memref<80x128xf32, #tpu.memory_space<vmem>>) offsets(%dma_start3A_1269 : memref<80xi32, #tpu.memory_space<vmem>>) semaphore(%arg9 : memref<!tpu.dma_semaphore, #tpu.memory_space<semaphore_mem>>)
      } else {
      }
      %dma_wait3A_971 = arith.constant 1 : i32
      %dma_wait3A_972 = arith.constant 2 : i32
      %dma_wait3A_973 = arith.constant 2 : i32
      %dma_wait3A_974 = arith.constant 0 : i32
      %dma_wait3A_975 = arith.constant 0 : i32
      %dma_wait3A_976 = tpu.memref_slice %arg8[%dma_wait3A_973, %dma_wait3A_974, %dma_wait3A_975] : memref<4x80x128xf32, #tpu.memory_space<vmem>> -> memref<1x80x128xf32, #tpu.memory_space<vmem>>
      %dma_wait3A_977 = tpu.memref_squeeze %dma_wait3A_976 : memref<1x80x128xf32, #tpu.memory_space<vmem>> -> memref<80x128xf32, #tpu.memory_space<vmem>>
      %dma_wait3A_978 = arith.constant 0 : i32
      %dma_wait3A_979 = arith.constant 0 : i32
      %dma_wait3A_980 = tpu.memref_slice %arg6[%dma_wait3A_971, %dma_wait3A_978, %dma_wait3A_979] : memref<2x8x80xi32, #tpu.memory_space<vmem>> -> memref<1x8x80xi32, #tpu.memory_space<vmem>>
      %dma_wait3A_981 = tpu.memref_squeeze %dma_wait3A_980 : memref<1x8x80xi32, #tpu.memory_space<vmem>> -> memref<8x80xi32, #tpu.memory_space<vmem>>
      %dma_wait3A_982 = arith.constant 0 : i32
      %dma_wait3A_983 = tpu.memref_slice %dma_wait3A_981[%dma_wait3A_972, %dma_wait3A_982] : memref<8x80xi32, #tpu.memory_space<vmem>> -> memref<1x80xi32, #tpu.memory_space<vmem>>
      %dma_wait3A_984 = tpu.memref_squeeze %dma_wait3A_983 : memref<1x80xi32, #tpu.memory_space<vmem>> -> memref<80xi32, #tpu.memory_space<vmem>>
      %dma_wait3A_985 = arith.constant 0 : i32
      %dma_wait3A_986 = arith.constant 0 : i32
      %dma_wait3A_987 = tpu.memref_slice %arg3[%dma_wait3A_985, %dma_wait3A_986] : memref<10000x128xf32, #tpu.memory_space<hbm>> -> memref<10000x128xf32, #tpu.memory_space<hbm>>
      tpu.wait_indirect_dma semaphore(%arg11 : memref<!tpu.dma_semaphore, #tpu.memory_space<semaphore_mem>>) src(%dma_wait3A_987 : memref<10000x128xf32, #tpu.memory_space<hbm>>) dst(%dma_wait3A_977 : memref<80x128xf32, #tpu.memory_space<vmem>>)
      %dma_start3A_988 = arith.constant 2 : i32
      %dma_start3A_989 = arith.constant 1 : i32
      %dma_start3A_990 = arith.constant 2 : i32
      %dma_start3A_991 = arith.constant 0 : i32
      %dma_start3A_992 = arith.constant 0 : i32
      %dma_start3A_993 = tpu.memref_slice %arg8[%dma_start3A_988, %dma_start3A_991, %dma_start3A_992] : memref<4x80x128xf32, #tpu.memory_space<vmem>> -> memref<1x80x128xf32, #tpu.memory_space<vmem>>
      %dma_start3A_994 = tpu.memref_squeeze %dma_start3A_993 : memref<1x80x128xf32, #tpu.memory_space<vmem>> -> memref<80x128xf32, #tpu.memory_space<vmem>>
      %dma_start3A_995 = arith.constant 0 : i32
      %dma_start3A_996 = arith.constant 0 : i32
      %dma_start3A_997 = tpu.memref_slice %arg7[%dma_start3A_989, %dma_start3A_995, %dma_start3A_996] : memref<2x8x80xi32, #tpu.memory_space<vmem>> -> memref<1x8x80xi32, #tpu.memory_space<vmem>>
      %dma_start3A_998 = tpu.memref_squeeze %dma_start3A_997 : memref<1x8x80xi32, #tpu.memory_space<vmem>> -> memref<8x80xi32, #tpu.memory_space<vmem>>
      %dma_start3A_999 = arith.constant 0 : i32
      %dma_start3A_1000 = tpu.memref_slice %dma_start3A_998[%dma_start3A_990, %dma_start3A_999] : memref<8x80xi32, #tpu.memory_space<vmem>> -> memref<1x80xi32, #tpu.memory_space<vmem>>
      %dma_start3A_1001 = tpu.memref_squeeze %dma_start3A_1000 : memref<1x80xi32, #tpu.memory_space<vmem>> -> memref<80xi32, #tpu.memory_space<vmem>>
      %dma_start3A_1002 = arith.constant 0 : i32
      %dma_start3A_1003 = arith.constant 0 : i32
      %dma_start3A_1004 = tpu.memref_slice %arg5[%dma_start3A_1002, %dma_start3A_1003] : memref<10240x128xf32, #tpu.memory_space<vmem_shared>> -> memref<10240x128xf32, #tpu.memory_space<vmem_shared>>
      tpu.enqueue_indirect_dma source(%dma_start3A_994 : memref<80x128xf32, #tpu.memory_space<vmem>>) target(%dma_start3A_1004 : memref<10240x128xf32, #tpu.memory_space<vmem_shared>>) offsets(%dma_start3A_1001 : memref<80xi32, #tpu.memory_space<vmem>>) semaphore(%arg15 : memref<!tpu.dma_semaphore, #tpu.memory_space<semaphore_mem>>) {add = true}
      %mul3A_1005 = arith.constant 8 : i32
      %mul3A_1006 = arith.muli %mul3A_1005, %add3A_847 : i32
      %add3A_1007 = arith.constant 3 : i32
      %add3A_1008 = arith.addi %mul3A_1006, %add3A_1007 : i32
      %ge3A_1009 = arith.constant 2 : i32
      %ge3A_1010 = arith.cmpi sge, %add3A_1008, %ge3A_1009 : i32
      %convert_element_type3A_1011 = arith.extui %ge3A_1010 : i1 to i32
      %cond3A_1012 = arith.constant 0 : i32
      %cond3A_1013 = arith.cmpi ne, %convert_element_type3A_1011, %cond3A_1012 : i32
      scf.if %cond3A_1013 {
        %dma_wait3A_1256 = arith.constant 1 : i32
        %dma_wait3A_1257 = arith.constant 1 : i32
        %dma_wait3A_1258 = arith.constant 1 : i32
        %dma_wait3A_1259 = arith.constant 0 : i32
        %dma_wait3A_1260 = arith.constant 0 : i32
        %dma_wait3A_1261 = tpu.memref_slice %arg8[%dma_wait3A_1256, %dma_wait3A_1259, %dma_wait3A_1260] : memref<4x80x128xf32, #tpu.memory_space<vmem>> -> memref<1x80x128xf32, #tpu.memory_space<vmem>>
        %dma_wait3A_1262 = tpu.memref_squeeze %dma_wait3A_1261 : memref<1x80x128xf32, #tpu.memory_space<vmem>> -> memref<80x128xf32, #tpu.memory_space<vmem>>
        %dma_wait3A_1263 = arith.constant 0 : i32
        %dma_wait3A_1264 = arith.constant 0 : i32
        %dma_wait3A_1265 = tpu.memref_slice %arg7[%dma_wait3A_1257, %dma_wait3A_1263, %dma_wait3A_1264] : memref<2x8x80xi32, #tpu.memory_space<vmem>> -> memref<1x8x80xi32, #tpu.memory_space<vmem>>
        %dma_wait3A_1266 = tpu.memref_squeeze %dma_wait3A_1265 : memref<1x8x80xi32, #tpu.memory_space<vmem>> -> memref<8x80xi32, #tpu.memory_space<vmem>>
        %dma_wait3A_1267 = arith.constant 0 : i32
        %dma_wait3A_1268 = tpu.memref_slice %dma_wait3A_1266[%dma_wait3A_1258, %dma_wait3A_1267] : memref<8x80xi32, #tpu.memory_space<vmem>> -> memref<1x80xi32, #tpu.memory_space<vmem>>
        %dma_wait3A_1269 = tpu.memref_squeeze %dma_wait3A_1268 : memref<1x80xi32, #tpu.memory_space<vmem>> -> memref<80xi32, #tpu.memory_space<vmem>>
        %dma_wait3A_1270 = arith.constant 0 : i32
        %dma_wait3A_1271 = arith.constant 0 : i32
        %dma_wait3A_1272 = tpu.memref_slice %arg5[%dma_wait3A_1270, %dma_wait3A_1271] : memref<10240x128xf32, #tpu.memory_space<vmem_shared>> -> memref<10240x128xf32, #tpu.memory_space<vmem_shared>>
        tpu.wait_indirect_dma semaphore(%arg14 : memref<!tpu.dma_semaphore, #tpu.memory_space<semaphore_mem>>) src(%dma_wait3A_1262 : memref<80x128xf32, #tpu.memory_space<vmem>>) dst(%dma_wait3A_1272 : memref<10240x128xf32, #tpu.memory_space<vmem_shared>>)
      } else {
      }
      %add3A_1014 = arith.constant 2 : i32
      %add3A_1015 = arith.addi %add3A_1008, %add3A_1014 : i32
      %lt3A_1016 = arith.constant 128 : i32
      %lt3A_1017 = arith.cmpi slt, %add3A_1015, %lt3A_1016 : i32
      %convert_element_type3A_1018 = arith.extui %lt3A_1017 : i1 to i32
      %cond3A_1019 = arith.constant 0 : i32
      %cond3A_1020 = arith.cmpi ne, %convert_element_type3A_1018, %cond3A_1019 : i32
      scf.if %cond3A_1020 {
        %dma_start3A_1256 = arith.constant 1 : i32
        %dma_start3A_1257 = arith.constant 5 : i32
        %dma_start3A_1258 = arith.constant 1 : i32
        %dma_start3A_1259 = arith.constant 0 : i32
        %dma_start3A_1260 = arith.constant 0 : i32
        %dma_start3A_1261 = tpu.memref_slice %arg8[%dma_start3A_1258, %dma_start3A_1259, %dma_start3A_1260] : memref<4x80x128xf32, #tpu.memory_space<vmem>> -> memref<1x80x128xf32, #tpu.memory_space<vmem>>
        %dma_start3A_1262 = tpu.memref_squeeze %dma_start3A_1261 : memref<1x80x128xf32, #tpu.memory_space<vmem>> -> memref<80x128xf32, #tpu.memory_space<vmem>>
        %dma_start3A_1263 = arith.constant 0 : i32
        %dma_start3A_1264 = arith.constant 0 : i32
        %dma_start3A_1265 = tpu.memref_slice %arg6[%dma_start3A_1256, %dma_start3A_1263, %dma_start3A_1264] : memref<2x8x80xi32, #tpu.memory_space<vmem>> -> memref<1x8x80xi32, #tpu.memory_space<vmem>>
        %dma_start3A_1266 = tpu.memref_squeeze %dma_start3A_1265 : memref<1x8x80xi32, #tpu.memory_space<vmem>> -> memref<8x80xi32, #tpu.memory_space<vmem>>
        %dma_start3A_1267 = arith.constant 0 : i32
        %dma_start3A_1268 = tpu.memref_slice %dma_start3A_1266[%dma_start3A_1257, %dma_start3A_1267] : memref<8x80xi32, #tpu.memory_space<vmem>> -> memref<1x80xi32, #tpu.memory_space<vmem>>
        %dma_start3A_1269 = tpu.memref_squeeze %dma_start3A_1268 : memref<1x80xi32, #tpu.memory_space<vmem>> -> memref<80xi32, #tpu.memory_space<vmem>>
        %dma_start3A_1270 = arith.constant 0 : i32
        %dma_start3A_1271 = arith.constant 0 : i32
        %dma_start3A_1272 = tpu.memref_slice %arg3[%dma_start3A_1270, %dma_start3A_1271] : memref<10000x128xf32, #tpu.memory_space<hbm>> -> memref<10000x128xf32, #tpu.memory_space<hbm>>
        tpu.enqueue_indirect_dma source(%dma_start3A_1272 : memref<10000x128xf32, #tpu.memory_space<hbm>>) target(%dma_start3A_1262 : memref<80x128xf32, #tpu.memory_space<vmem>>) offsets(%dma_start3A_1269 : memref<80xi32, #tpu.memory_space<vmem>>) semaphore(%arg10 : memref<!tpu.dma_semaphore, #tpu.memory_space<semaphore_mem>>)
      } else {
      }
      %dma_wait3A_1021 = arith.constant 1 : i32
      %dma_wait3A_1022 = arith.constant 3 : i32
      %dma_wait3A_1023 = arith.constant 3 : i32
      %dma_wait3A_1024 = arith.constant 0 : i32
      %dma_wait3A_1025 = arith.constant 0 : i32
      %dma_wait3A_1026 = tpu.memref_slice %arg8[%dma_wait3A_1023, %dma_wait3A_1024, %dma_wait3A_1025] : memref<4x80x128xf32, #tpu.memory_space<vmem>> -> memref<1x80x128xf32, #tpu.memory_space<vmem>>
      %dma_wait3A_1027 = tpu.memref_squeeze %dma_wait3A_1026 : memref<1x80x128xf32, #tpu.memory_space<vmem>> -> memref<80x128xf32, #tpu.memory_space<vmem>>
      %dma_wait3A_1028 = arith.constant 0 : i32
      %dma_wait3A_1029 = arith.constant 0 : i32
      %dma_wait3A_1030 = tpu.memref_slice %arg6[%dma_wait3A_1021, %dma_wait3A_1028, %dma_wait3A_1029] : memref<2x8x80xi32, #tpu.memory_space<vmem>> -> memref<1x8x80xi32, #tpu.memory_space<vmem>>
      %dma_wait3A_1031 = tpu.memref_squeeze %dma_wait3A_1030 : memref<1x8x80xi32, #tpu.memory_space<vmem>> -> memref<8x80xi32, #tpu.memory_space<vmem>>
      %dma_wait3A_1032 = arith.constant 0 : i32
      %dma_wait3A_1033 = tpu.memref_slice %dma_wait3A_1031[%dma_wait3A_1022, %dma_wait3A_1032] : memref<8x80xi32, #tpu.memory_space<vmem>> -> memref<1x80xi32, #tpu.memory_space<vmem>>
      %dma_wait3A_1034 = tpu.memref_squeeze %dma_wait3A_1033 : memref<1x80xi32, #tpu.memory_space<vmem>> -> memref<80xi32, #tpu.memory_space<vmem>>
      %dma_wait3A_1035 = arith.constant 0 : i32
      %dma_wait3A_1036 = arith.constant 0 : i32
      %dma_wait3A_1037 = tpu.memref_slice %arg3[%dma_wait3A_1035, %dma_wait3A_1036] : memref<10000x128xf32, #tpu.memory_space<hbm>> -> memref<10000x128xf32, #tpu.memory_space<hbm>>
      tpu.wait_indirect_dma semaphore(%arg12 : memref<!tpu.dma_semaphore, #tpu.memory_space<semaphore_mem>>) src(%dma_wait3A_1037 : memref<10000x128xf32, #tpu.memory_space<hbm>>) dst(%dma_wait3A_1027 : memref<80x128xf32, #tpu.memory_space<vmem>>)
      %dma_start3A_1038 = arith.constant 3 : i32
      %dma_start3A_1039 = arith.constant 1 : i32
      %dma_start3A_1040 = arith.constant 3 : i32
      %dma_start3A_1041 = arith.constant 0 : i32
      %dma_start3A_1042 = arith.constant 0 : i32
      %dma_start3A_1043 = tpu.memref_slice %arg8[%dma_start3A_1038, %dma_start3A_1041, %dma_start3A_1042] : memref<4x80x128xf32, #tpu.memory_space<vmem>> -> memref<1x80x128xf32, #tpu.memory_space<vmem>>
      %dma_start3A_1044 = tpu.memref_squeeze %dma_start3A_1043 : memref<1x80x128xf32, #tpu.memory_space<vmem>> -> memref<80x128xf32, #tpu.memory_space<vmem>>
      %dma_start3A_1045 = arith.constant 0 : i32
      %dma_start3A_1046 = arith.constant 0 : i32
      %dma_start3A_1047 = tpu.memref_slice %arg7[%dma_start3A_1039, %dma_start3A_1045, %dma_start3A_1046] : memref<2x8x80xi32, #tpu.memory_space<vmem>> -> memref<1x8x80xi32, #tpu.memory_space<vmem>>
      %dma_start3A_1048 = tpu.memref_squeeze %dma_start3A_1047 : memref<1x8x80xi32, #tpu.memory_space<vmem>> -> memref<8x80xi32, #tpu.memory_space<vmem>>
      %dma_start3A_1049 = arith.constant 0 : i32
      %dma_start3A_1050 = tpu.memref_slice %dma_start3A_1048[%dma_start3A_1040, %dma_start3A_1049] : memref<8x80xi32, #tpu.memory_space<vmem>> -> memref<1x80xi32, #tpu.memory_space<vmem>>
      %dma_start3A_1051 = tpu.memref_squeeze %dma_start3A_1050 : memref<1x80xi32, #tpu.memory_space<vmem>> -> memref<80xi32, #tpu.memory_space<vmem>>
      %dma_start3A_1052 = arith.constant 0 : i32
      %dma_start3A_1053 = arith.constant 0 : i32
      %dma_start3A_1054 = tpu.memref_slice %arg5[%dma_start3A_1052, %dma_start3A_1053] : memref<10240x128xf32, #tpu.memory_space<vmem_shared>> -> memref<10240x128xf32, #tpu.memory_space<vmem_shared>>
      tpu.enqueue_indirect_dma source(%dma_start3A_1044 : memref<80x128xf32, #tpu.memory_space<vmem>>) target(%dma_start3A_1054 : memref<10240x128xf32, #tpu.memory_space<vmem_shared>>) offsets(%dma_start3A_1051 : memref<80xi32, #tpu.memory_space<vmem>>) semaphore(%arg16 : memref<!tpu.dma_semaphore, #tpu.memory_space<semaphore_mem>>) {add = true}
      %mul3A_1055 = arith.constant 8 : i32
      %mul3A_1056 = arith.muli %mul3A_1055, %add3A_847 : i32
      %add3A_1057 = arith.constant 4 : i32
      %add3A_1058 = arith.addi %mul3A_1056, %add3A_1057 : i32
      %ge3A_1059 = arith.constant 2 : i32
      %ge3A_1060 = arith.cmpi sge, %add3A_1058, %ge3A_1059 : i32
      %convert_element_type3A_1061 = arith.extui %ge3A_1060 : i1 to i32
      %cond3A_1062 = arith.constant 0 : i32
      %cond3A_1063 = arith.cmpi ne, %convert_element_type3A_1061, %cond3A_1062 : i32
      scf.if %cond3A_1063 {
        %dma_wait3A_1256 = arith.constant 2 : i32
        %dma_wait3A_1257 = arith.constant 1 : i32
        %dma_wait3A_1258 = arith.constant 2 : i32
        %dma_wait3A_1259 = arith.constant 0 : i32
        %dma_wait3A_1260 = arith.constant 0 : i32
        %dma_wait3A_1261 = tpu.memref_slice %arg8[%dma_wait3A_1256, %dma_wait3A_1259, %dma_wait3A_1260] : memref<4x80x128xf32, #tpu.memory_space<vmem>> -> memref<1x80x128xf32, #tpu.memory_space<vmem>>
        %dma_wait3A_1262 = tpu.memref_squeeze %dma_wait3A_1261 : memref<1x80x128xf32, #tpu.memory_space<vmem>> -> memref<80x128xf32, #tpu.memory_space<vmem>>
        %dma_wait3A_1263 = arith.constant 0 : i32
        %dma_wait3A_1264 = arith.constant 0 : i32
        %dma_wait3A_1265 = tpu.memref_slice %arg7[%dma_wait3A_1257, %dma_wait3A_1263, %dma_wait3A_1264] : memref<2x8x80xi32, #tpu.memory_space<vmem>> -> memref<1x8x80xi32, #tpu.memory_space<vmem>>
        %dma_wait3A_1266 = tpu.memref_squeeze %dma_wait3A_1265 : memref<1x8x80xi32, #tpu.memory_space<vmem>> -> memref<8x80xi32, #tpu.memory_space<vmem>>
        %dma_wait3A_1267 = arith.constant 0 : i32
        %dma_wait3A_1268 = tpu.memref_slice %dma_wait3A_1266[%dma_wait3A_1258, %dma_wait3A_1267] : memref<8x80xi32, #tpu.memory_space<vmem>> -> memref<1x80xi32, #tpu.memory_space<vmem>>
        %dma_wait3A_1269 = tpu.memref_squeeze %dma_wait3A_1268 : memref<1x80xi32, #tpu.memory_space<vmem>> -> memref<80xi32, #tpu.memory_space<vmem>>
        %dma_wait3A_1270 = arith.constant 0 : i32
        %dma_wait3A_1271 = arith.constant 0 : i32
        %dma_wait3A_1272 = tpu.memref_slice %arg5[%dma_wait3A_1270, %dma_wait3A_1271] : memref<10240x128xf32, #tpu.memory_space<vmem_shared>> -> memref<10240x128xf32, #tpu.memory_space<vmem_shared>>
        tpu.wait_indirect_dma semaphore(%arg15 : memref<!tpu.dma_semaphore, #tpu.memory_space<semaphore_mem>>) src(%dma_wait3A_1262 : memref<80x128xf32, #tpu.memory_space<vmem>>) dst(%dma_wait3A_1272 : memref<10240x128xf32, #tpu.memory_space<vmem_shared>>)
      } else {
      }
      %add3A_1064 = arith.constant 2 : i32
      %add3A_1065 = arith.addi %add3A_1058, %add3A_1064 : i32
      %lt3A_1066 = arith.constant 128 : i32
      %lt3A_1067 = arith.cmpi slt, %add3A_1065, %lt3A_1066 : i32
      %convert_element_type3A_1068 = arith.extui %lt3A_1067 : i1 to i32
      %cond3A_1069 = arith.constant 0 : i32
      %cond3A_1070 = arith.cmpi ne, %convert_element_type3A_1068, %cond3A_1069 : i32
      scf.if %cond3A_1070 {
        %dma_start3A_1256 = arith.constant 1 : i32
        %dma_start3A_1257 = arith.constant 6 : i32
        %dma_start3A_1258 = arith.constant 2 : i32
        %dma_start3A_1259 = arith.constant 0 : i32
        %dma_start3A_1260 = arith.constant 0 : i32
        %dma_start3A_1261 = tpu.memref_slice %arg8[%dma_start3A_1258, %dma_start3A_1259, %dma_start3A_1260] : memref<4x80x128xf32, #tpu.memory_space<vmem>> -> memref<1x80x128xf32, #tpu.memory_space<vmem>>
        %dma_start3A_1262 = tpu.memref_squeeze %dma_start3A_1261 : memref<1x80x128xf32, #tpu.memory_space<vmem>> -> memref<80x128xf32, #tpu.memory_space<vmem>>
        %dma_start3A_1263 = arith.constant 0 : i32
        %dma_start3A_1264 = arith.constant 0 : i32
        %dma_start3A_1265 = tpu.memref_slice %arg6[%dma_start3A_1256, %dma_start3A_1263, %dma_start3A_1264] : memref<2x8x80xi32, #tpu.memory_space<vmem>> -> memref<1x8x80xi32, #tpu.memory_space<vmem>>
        %dma_start3A_1266 = tpu.memref_squeeze %dma_start3A_1265 : memref<1x8x80xi32, #tpu.memory_space<vmem>> -> memref<8x80xi32, #tpu.memory_space<vmem>>
        %dma_start3A_1267 = arith.constant 0 : i32
        %dma_start3A_1268 = tpu.memref_slice %dma_start3A_1266[%dma_start3A_1257, %dma_start3A_1267] : memref<8x80xi32, #tpu.memory_space<vmem>> -> memref<1x80xi32, #tpu.memory_space<vmem>>
        %dma_start3A_1269 = tpu.memref_squeeze %dma_start3A_1268 : memref<1x80xi32, #tpu.memory_space<vmem>> -> memref<80xi32, #tpu.memory_space<vmem>>
        %dma_start3A_1270 = arith.constant 0 : i32
        %dma_start3A_1271 = arith.constant 0 : i32
        %dma_start3A_1272 = tpu.memref_slice %arg3[%dma_start3A_1270, %dma_start3A_1271] : memref<10000x128xf32, #tpu.memory_space<hbm>> -> memref<10000x128xf32, #tpu.memory_space<hbm>>
        tpu.enqueue_indirect_dma source(%dma_start3A_1272 : memref<10000x128xf32, #tpu.memory_space<hbm>>) target(%dma_start3A_1262 : memref<80x128xf32, #tpu.memory_space<vmem>>) offsets(%dma_start3A_1269 : memref<80xi32, #tpu.memory_space<vmem>>) semaphore(%arg11 : memref<!tpu.dma_semaphore, #tpu.memory_space<semaphore_mem>>)
      } else {
      }
      %dma_wait3A_1071 = arith.constant 1 : i32
      %dma_wait3A_1072 = arith.constant 4 : i32
      %dma_wait3A_1073 = arith.constant 0 : i32
      %dma_wait3A_1074 = arith.constant 0 : i32
      %dma_wait3A_1075 = arith.constant 0 : i32
      %dma_wait3A_1076 = tpu.memref_slice %arg8[%dma_wait3A_1073, %dma_wait3A_1074, %dma_wait3A_1075] : memref<4x80x128xf32, #tpu.memory_space<vmem>> -> memref<1x80x128xf32, #tpu.memory_space<vmem>>
      %dma_wait3A_1077 = tpu.memref_squeeze %dma_wait3A_1076 : memref<1x80x128xf32, #tpu.memory_space<vmem>> -> memref<80x128xf32, #tpu.memory_space<vmem>>
      %dma_wait3A_1078 = arith.constant 0 : i32
      %dma_wait3A_1079 = arith.constant 0 : i32
      %dma_wait3A_1080 = tpu.memref_slice %arg6[%dma_wait3A_1071, %dma_wait3A_1078, %dma_wait3A_1079] : memref<2x8x80xi32, #tpu.memory_space<vmem>> -> memref<1x8x80xi32, #tpu.memory_space<vmem>>
      %dma_wait3A_1081 = tpu.memref_squeeze %dma_wait3A_1080 : memref<1x8x80xi32, #tpu.memory_space<vmem>> -> memref<8x80xi32, #tpu.memory_space<vmem>>
      %dma_wait3A_1082 = arith.constant 0 : i32
      %dma_wait3A_1083 = tpu.memref_slice %dma_wait3A_1081[%dma_wait3A_1072, %dma_wait3A_1082] : memref<8x80xi32, #tpu.memory_space<vmem>> -> memref<1x80xi32, #tpu.memory_space<vmem>>
      %dma_wait3A_1084 = tpu.memref_squeeze %dma_wait3A_1083 : memref<1x80xi32, #tpu.memory_space<vmem>> -> memref<80xi32, #tpu.memory_space<vmem>>
      %dma_wait3A_1085 = arith.constant 0 : i32
      %dma_wait3A_1086 = arith.constant 0 : i32
      %dma_wait3A_1087 = tpu.memref_slice %arg3[%dma_wait3A_1085, %dma_wait3A_1086] : memref<10000x128xf32, #tpu.memory_space<hbm>> -> memref<10000x128xf32, #tpu.memory_space<hbm>>
      tpu.wait_indirect_dma semaphore(%arg9 : memref<!tpu.dma_semaphore, #tpu.memory_space<semaphore_mem>>) src(%dma_wait3A_1087 : memref<10000x128xf32, #tpu.memory_space<hbm>>) dst(%dma_wait3A_1077 : memref<80x128xf32, #tpu.memory_space<vmem>>)
      %dma_start3A_1088 = arith.constant 0 : i32
      %dma_start3A_1089 = arith.constant 1 : i32
      %dma_start3A_1090 = arith.constant 4 : i32
      %dma_start3A_1091 = arith.constant 0 : i32
      %dma_start3A_1092 = arith.constant 0 : i32
      %dma_start3A_1093 = tpu.memref_slice %arg8[%dma_start3A_1088, %dma_start3A_1091, %dma_start3A_1092] : memref<4x80x128xf32, #tpu.memory_space<vmem>> -> memref<1x80x128xf32, #tpu.memory_space<vmem>>
      %dma_start3A_1094 = tpu.memref_squeeze %dma_start3A_1093 : memref<1x80x128xf32, #tpu.memory_space<vmem>> -> memref<80x128xf32, #tpu.memory_space<vmem>>
      %dma_start3A_1095 = arith.constant 0 : i32
      %dma_start3A_1096 = arith.constant 0 : i32
      %dma_start3A_1097 = tpu.memref_slice %arg7[%dma_start3A_1089, %dma_start3A_1095, %dma_start3A_1096] : memref<2x8x80xi32, #tpu.memory_space<vmem>> -> memref<1x8x80xi32, #tpu.memory_space<vmem>>
      %dma_start3A_1098 = tpu.memref_squeeze %dma_start3A_1097 : memref<1x8x80xi32, #tpu.memory_space<vmem>> -> memref<8x80xi32, #tpu.memory_space<vmem>>
      %dma_start3A_1099 = arith.constant 0 : i32
      %dma_start3A_1100 = tpu.memref_slice %dma_start3A_1098[%dma_start3A_1090, %dma_start3A_1099] : memref<8x80xi32, #tpu.memory_space<vmem>> -> memref<1x80xi32, #tpu.memory_space<vmem>>
      %dma_start3A_1101 = tpu.memref_squeeze %dma_start3A_1100 : memref<1x80xi32, #tpu.memory_space<vmem>> -> memref<80xi32, #tpu.memory_space<vmem>>
      %dma_start3A_1102 = arith.constant 0 : i32
      %dma_start3A_1103 = arith.constant 0 : i32
      %dma_start3A_1104 = tpu.memref_slice %arg5[%dma_start3A_1102, %dma_start3A_1103] : memref<10240x128xf32, #tpu.memory_space<vmem_shared>> -> memref<10240x128xf32, #tpu.memory_space<vmem_shared>>
      tpu.enqueue_indirect_dma source(%dma_start3A_1094 : memref<80x128xf32, #tpu.memory_space<vmem>>) target(%dma_start3A_1104 : memref<10240x128xf32, #tpu.memory_space<vmem_shared>>) offsets(%dma_start3A_1101 : memref<80xi32, #tpu.memory_space<vmem>>) semaphore(%arg13 : memref<!tpu.dma_semaphore, #tpu.memory_space<semaphore_mem>>) {add = true}
      %mul3A_1105 = arith.constant 8 : i32
      %mul3A_1106 = arith.muli %mul3A_1105, %add3A_847 : i32
      %add3A_1107 = arith.constant 5 : i32
      %add3A_1108 = arith.addi %mul3A_1106, %add3A_1107 : i32
      %ge3A_1109 = arith.constant 2 : i32
      %ge3A_1110 = arith.cmpi sge, %add3A_1108, %ge3A_1109 : i32
      %convert_element_type3A_1111 = arith.extui %ge3A_1110 : i1 to i32
      %cond3A_1112 = arith.constant 0 : i32
      %cond3A_1113 = arith.cmpi ne, %convert_element_type3A_1111, %cond3A_1112 : i32
      scf.if %cond3A_1113 {
        %dma_wait3A_1256 = arith.constant 3 : i32
        %dma_wait3A_1257 = arith.constant 1 : i32
        %dma_wait3A_1258 = arith.constant 3 : i32
        %dma_wait3A_1259 = arith.constant 0 : i32
        %dma_wait3A_1260 = arith.constant 0 : i32
        %dma_wait3A_1261 = tpu.memref_slice %arg8[%dma_wait3A_1256, %dma_wait3A_1259, %dma_wait3A_1260] : memref<4x80x128xf32, #tpu.memory_space<vmem>> -> memref<1x80x128xf32, #tpu.memory_space<vmem>>
        %dma_wait3A_1262 = tpu.memref_squeeze %dma_wait3A_1261 : memref<1x80x128xf32, #tpu.memory_space<vmem>> -> memref<80x128xf32, #tpu.memory_space<vmem>>
        %dma_wait3A_1263 = arith.constant 0 : i32
        %dma_wait3A_1264 = arith.constant 0 : i32
        %dma_wait3A_1265 = tpu.memref_slice %arg7[%dma_wait3A_1257, %dma_wait3A_1263, %dma_wait3A_1264] : memref<2x8x80xi32, #tpu.memory_space<vmem>> -> memref<1x8x80xi32, #tpu.memory_space<vmem>>
        %dma_wait3A_1266 = tpu.memref_squeeze %dma_wait3A_1265 : memref<1x8x80xi32, #tpu.memory_space<vmem>> -> memref<8x80xi32, #tpu.memory_space<vmem>>
        %dma_wait3A_1267 = arith.constant 0 : i32
        %dma_wait3A_1268 = tpu.memref_slice %dma_wait3A_1266[%dma_wait3A_1258, %dma_wait3A_1267] : memref<8x80xi32, #tpu.memory_space<vmem>> -> memref<1x80xi32, #tpu.memory_space<vmem>>
        %dma_wait3A_1269 = tpu.memref_squeeze %dma_wait3A_1268 : memref<1x80xi32, #tpu.memory_space<vmem>> -> memref<80xi32, #tpu.memory_space<vmem>>
        %dma_wait3A_1270 = arith.constant 0 : i32
        %dma_wait3A_1271 = arith.constant 0 : i32
        %dma_wait3A_1272 = tpu.memref_slice %arg5[%dma_wait3A_1270, %dma_wait3A_1271] : memref<10240x128xf32, #tpu.memory_space<vmem_shared>> -> memref<10240x128xf32, #tpu.memory_space<vmem_shared>>
        tpu.wait_indirect_dma semaphore(%arg16 : memref<!tpu.dma_semaphore, #tpu.memory_space<semaphore_mem>>) src(%dma_wait3A_1262 : memref<80x128xf32, #tpu.memory_space<vmem>>) dst(%dma_wait3A_1272 : memref<10240x128xf32, #tpu.memory_space<vmem_shared>>)
      } else {
      }
      %add3A_1114 = arith.constant 2 : i32
      %add3A_1115 = arith.addi %add3A_1108, %add3A_1114 : i32
      %lt3A_1116 = arith.constant 128 : i32
      %lt3A_1117 = arith.cmpi slt, %add3A_1115, %lt3A_1116 : i32
      %convert_element_type3A_1118 = arith.extui %lt3A_1117 : i1 to i32
      %cond3A_1119 = arith.constant 0 : i32
      %cond3A_1120 = arith.cmpi ne, %convert_element_type3A_1118, %cond3A_1119 : i32
      scf.if %cond3A_1120 {
        %dma_start3A_1256 = arith.constant 1 : i32
        %dma_start3A_1257 = arith.constant 7 : i32
        %dma_start3A_1258 = arith.constant 3 : i32
        %dma_start3A_1259 = arith.constant 0 : i32
        %dma_start3A_1260 = arith.constant 0 : i32
        %dma_start3A_1261 = tpu.memref_slice %arg8[%dma_start3A_1258, %dma_start3A_1259, %dma_start3A_1260] : memref<4x80x128xf32, #tpu.memory_space<vmem>> -> memref<1x80x128xf32, #tpu.memory_space<vmem>>
        %dma_start3A_1262 = tpu.memref_squeeze %dma_start3A_1261 : memref<1x80x128xf32, #tpu.memory_space<vmem>> -> memref<80x128xf32, #tpu.memory_space<vmem>>
        %dma_start3A_1263 = arith.constant 0 : i32
        %dma_start3A_1264 = arith.constant 0 : i32
        %dma_start3A_1265 = tpu.memref_slice %arg6[%dma_start3A_1256, %dma_start3A_1263, %dma_start3A_1264] : memref<2x8x80xi32, #tpu.memory_space<vmem>> -> memref<1x8x80xi32, #tpu.memory_space<vmem>>
        %dma_start3A_1266 = tpu.memref_squeeze %dma_start3A_1265 : memref<1x8x80xi32, #tpu.memory_space<vmem>> -> memref<8x80xi32, #tpu.memory_space<vmem>>
        %dma_start3A_1267 = arith.constant 0 : i32
        %dma_start3A_1268 = tpu.memref_slice %dma_start3A_1266[%dma_start3A_1257, %dma_start3A_1267] : memref<8x80xi32, #tpu.memory_space<vmem>> -> memref<1x80xi32, #tpu.memory_space<vmem>>
        %dma_start3A_1269 = tpu.memref_squeeze %dma_start3A_1268 : memref<1x80xi32, #tpu.memory_space<vmem>> -> memref<80xi32, #tpu.memory_space<vmem>>
        %dma_start3A_1270 = arith.constant 0 : i32
        %dma_start3A_1271 = arith.constant 0 : i32
        %dma_start3A_1272 = tpu.memref_slice %arg3[%dma_start3A_1270, %dma_start3A_1271] : memref<10000x128xf32, #tpu.memory_space<hbm>> -> memref<10000x128xf32, #tpu.memory_space<hbm>>
        tpu.enqueue_indirect_dma source(%dma_start3A_1272 : memref<10000x128xf32, #tpu.memory_space<hbm>>) target(%dma_start3A_1262 : memref<80x128xf32, #tpu.memory_space<vmem>>) offsets(%dma_start3A_1269 : memref<80xi32, #tpu.memory_space<vmem>>) semaphore(%arg12 : memref<!tpu.dma_semaphore, #tpu.memory_space<semaphore_mem>>)
      } else {
      }
      %dma_wait3A_1121 = arith.constant 1 : i32
      %dma_wait3A_1122 = arith.constant 5 : i32
      %dma_wait3A_1123 = arith.constant 1 : i32
      %dma_wait3A_1124 = arith.constant 0 : i32
      %dma_wait3A_1125 = arith.constant 0 : i32
      %dma_wait3A_1126 = tpu.memref_slice %arg8[%dma_wait3A_1123, %dma_wait3A_1124, %dma_wait3A_1125] : memref<4x80x128xf32, #tpu.memory_space<vmem>> -> memref<1x80x128xf32, #tpu.memory_space<vmem>>
      %dma_wait3A_1127 = tpu.memref_squeeze %dma_wait3A_1126 : memref<1x80x128xf32, #tpu.memory_space<vmem>> -> memref<80x128xf32, #tpu.memory_space<vmem>>
      %dma_wait3A_1128 = arith.constant 0 : i32
      %dma_wait3A_1129 = arith.constant 0 : i32
      %dma_wait3A_1130 = tpu.memref_slice %arg6[%dma_wait3A_1121, %dma_wait3A_1128, %dma_wait3A_1129] : memref<2x8x80xi32, #tpu.memory_space<vmem>> -> memref<1x8x80xi32, #tpu.memory_space<vmem>>
      %dma_wait3A_1131 = tpu.memref_squeeze %dma_wait3A_1130 : memref<1x8x80xi32, #tpu.memory_space<vmem>> -> memref<8x80xi32, #tpu.memory_space<vmem>>
      %dma_wait3A_1132 = arith.constant 0 : i32
      %dma_wait3A_1133 = tpu.memref_slice %dma_wait3A_1131[%dma_wait3A_1122, %dma_wait3A_1132] : memref<8x80xi32, #tpu.memory_space<vmem>> -> memref<1x80xi32, #tpu.memory_space<vmem>>
      %dma_wait3A_1134 = tpu.memref_squeeze %dma_wait3A_1133 : memref<1x80xi32, #tpu.memory_space<vmem>> -> memref<80xi32, #tpu.memory_space<vmem>>
      %dma_wait3A_1135 = arith.constant 0 : i32
      %dma_wait3A_1136 = arith.constant 0 : i32
      %dma_wait3A_1137 = tpu.memref_slice %arg3[%dma_wait3A_1135, %dma_wait3A_1136] : memref<10000x128xf32, #tpu.memory_space<hbm>> -> memref<10000x128xf32, #tpu.memory_space<hbm>>
      tpu.wait_indirect_dma semaphore(%arg10 : memref<!tpu.dma_semaphore, #tpu.memory_space<semaphore_mem>>) src(%dma_wait3A_1137 : memref<10000x128xf32, #tpu.memory_space<hbm>>) dst(%dma_wait3A_1127 : memref<80x128xf32, #tpu.memory_space<vmem>>)
      %dma_start3A_1138 = arith.constant 1 : i32
      %dma_start3A_1139 = arith.constant 1 : i32
      %dma_start3A_1140 = arith.constant 5 : i32
      %dma_start3A_1141 = arith.constant 0 : i32
      %dma_start3A_1142 = arith.constant 0 : i32
      %dma_start3A_1143 = tpu.memref_slice %arg8[%dma_start3A_1138, %dma_start3A_1141, %dma_start3A_1142] : memref<4x80x128xf32, #tpu.memory_space<vmem>> -> memref<1x80x128xf32, #tpu.memory_space<vmem>>
      %dma_start3A_1144 = tpu.memref_squeeze %dma_start3A_1143 : memref<1x80x128xf32, #tpu.memory_space<vmem>> -> memref<80x128xf32, #tpu.memory_space<vmem>>
      %dma_start3A_1145 = arith.constant 0 : i32
      %dma_start3A_1146 = arith.constant 0 : i32
      %dma_start3A_1147 = tpu.memref_slice %arg7[%dma_start3A_1139, %dma_start3A_1145, %dma_start3A_1146] : memref<2x8x80xi32, #tpu.memory_space<vmem>> -> memref<1x8x80xi32, #tpu.memory_space<vmem>>
      %dma_start3A_1148 = tpu.memref_squeeze %dma_start3A_1147 : memref<1x8x80xi32, #tpu.memory_space<vmem>> -> memref<8x80xi32, #tpu.memory_space<vmem>>
      %dma_start3A_1149 = arith.constant 0 : i32
      %dma_start3A_1150 = tpu.memref_slice %dma_start3A_1148[%dma_start3A_1140, %dma_start3A_1149] : memref<8x80xi32, #tpu.memory_space<vmem>> -> memref<1x80xi32, #tpu.memory_space<vmem>>
      %dma_start3A_1151 = tpu.memref_squeeze %dma_start3A_1150 : memref<1x80xi32, #tpu.memory_space<vmem>> -> memref<80xi32, #tpu.memory_space<vmem>>
      %dma_start3A_1152 = arith.constant 0 : i32
      %dma_start3A_1153 = arith.constant 0 : i32
      %dma_start3A_1154 = tpu.memref_slice %arg5[%dma_start3A_1152, %dma_start3A_1153] : memref<10240x128xf32, #tpu.memory_space<vmem_shared>> -> memref<10240x128xf32, #tpu.memory_space<vmem_shared>>
      tpu.enqueue_indirect_dma source(%dma_start3A_1144 : memref<80x128xf32, #tpu.memory_space<vmem>>) target(%dma_start3A_1154 : memref<10240x128xf32, #tpu.memory_space<vmem_shared>>) offsets(%dma_start3A_1151 : memref<80xi32, #tpu.memory_space<vmem>>) semaphore(%arg14 : memref<!tpu.dma_semaphore, #tpu.memory_space<semaphore_mem>>) {add = true}
      %mul3A_1155 = arith.constant 8 : i32
      %mul3A_1156 = arith.muli %mul3A_1155, %add3A_847 : i32
      %add3A_1157 = arith.constant 6 : i32
      %add3A_1158 = arith.addi %mul3A_1156, %add3A_1157 : i32
      %ge3A_1159 = arith.constant 2 : i32
      %ge3A_1160 = arith.cmpi sge, %add3A_1158, %ge3A_1159 : i32
      %convert_element_type3A_1161 = arith.extui %ge3A_1160 : i1 to i32
      %cond3A_1162 = arith.constant 0 : i32
      %cond3A_1163 = arith.cmpi ne, %convert_element_type3A_1161, %cond3A_1162 : i32
      scf.if %cond3A_1163 {
        %dma_wait3A_1256 = arith.constant 0 : i32
        %dma_wait3A_1257 = arith.constant 1 : i32
        %dma_wait3A_1258 = arith.constant 4 : i32
        %dma_wait3A_1259 = arith.constant 0 : i32
        %dma_wait3A_1260 = arith.constant 0 : i32
        %dma_wait3A_1261 = tpu.memref_slice %arg8[%dma_wait3A_1256, %dma_wait3A_1259, %dma_wait3A_1260] : memref<4x80x128xf32, #tpu.memory_space<vmem>> -> memref<1x80x128xf32, #tpu.memory_space<vmem>>
        %dma_wait3A_1262 = tpu.memref_squeeze %dma_wait3A_1261 : memref<1x80x128xf32, #tpu.memory_space<vmem>> -> memref<80x128xf32, #tpu.memory_space<vmem>>
        %dma_wait3A_1263 = arith.constant 0 : i32
        %dma_wait3A_1264 = arith.constant 0 : i32
        %dma_wait3A_1265 = tpu.memref_slice %arg7[%dma_wait3A_1257, %dma_wait3A_1263, %dma_wait3A_1264] : memref<2x8x80xi32, #tpu.memory_space<vmem>> -> memref<1x8x80xi32, #tpu.memory_space<vmem>>
        %dma_wait3A_1266 = tpu.memref_squeeze %dma_wait3A_1265 : memref<1x8x80xi32, #tpu.memory_space<vmem>> -> memref<8x80xi32, #tpu.memory_space<vmem>>
        %dma_wait3A_1267 = arith.constant 0 : i32
        %dma_wait3A_1268 = tpu.memref_slice %dma_wait3A_1266[%dma_wait3A_1258, %dma_wait3A_1267] : memref<8x80xi32, #tpu.memory_space<vmem>> -> memref<1x80xi32, #tpu.memory_space<vmem>>
        %dma_wait3A_1269 = tpu.memref_squeeze %dma_wait3A_1268 : memref<1x80xi32, #tpu.memory_space<vmem>> -> memref<80xi32, #tpu.memory_space<vmem>>
        %dma_wait3A_1270 = arith.constant 0 : i32
        %dma_wait3A_1271 = arith.constant 0 : i32
        %dma_wait3A_1272 = tpu.memref_slice %arg5[%dma_wait3A_1270, %dma_wait3A_1271] : memref<10240x128xf32, #tpu.memory_space<vmem_shared>> -> memref<10240x128xf32, #tpu.memory_space<vmem_shared>>
        tpu.wait_indirect_dma semaphore(%arg13 : memref<!tpu.dma_semaphore, #tpu.memory_space<semaphore_mem>>) src(%dma_wait3A_1262 : memref<80x128xf32, #tpu.memory_space<vmem>>) dst(%dma_wait3A_1272 : memref<10240x128xf32, #tpu.memory_space<vmem_shared>>)
      } else {
      }
      %add3A_1164 = arith.constant 2 : i32
      %add3A_1165 = arith.addi %add3A_1158, %add3A_1164 : i32
      %lt3A_1166 = arith.constant 128 : i32
      %lt3A_1167 = arith.cmpi slt, %add3A_1165, %lt3A_1166 : i32
      %convert_element_type3A_1168 = arith.extui %lt3A_1167 : i1 to i32
      %cond3A_1169 = arith.constant 0 : i32
      %cond3A_1170 = arith.cmpi ne, %convert_element_type3A_1168, %cond3A_1169 : i32
      scf.if %cond3A_1170 {
        %add3A_1256 = arith.constant 1 : i32
        %add3A_1257 = arith.addi %add3A_847, %add3A_1256 : i32
        %mul3A_1258 = arith.constant 128 : i32
        %mul3A_1259 = arith.muli %add3A, %mul3A_1258 : i32
        %mul3A_1260 = arith.constant 8 : i32
        %mul3A_1261 = arith.muli %mul3A_1260, %add3A_1257 : i32
        %add3A_1262 = arith.addi %mul3A_1259, %mul3A_1261 : i32
        %mul3A_1263 = arith.constant 128 : i32
        %mul3A_1264 = arith.muli %add3A, %mul3A_1263 : i32
        %mul3A_1265 = arith.constant 8 : i32
        %mul3A_1266 = arith.muli %mul3A_1265, %add3A_1257 : i32
        %add3A_1267 = arith.addi %mul3A_1264, %mul3A_1266 : i32
        %dma_wait3A_1268 = arith.constant 0 : i32
        %dma_wait3A_1269 = arith.constant 0 : i32
        %dma_wait3A_1270 = arith.constant 0 : i32
        %dma_wait3A_1271 = arith.constant 0 : i32
        %dma_wait3A_1272 = tpu.memref_slice %arg6[%dma_wait3A_1269, %dma_wait3A_1270, %dma_wait3A_1271] : memref<2x8x80xi32, #tpu.memory_space<vmem>> -> memref<1x8x80xi32, #tpu.memory_space<vmem>>
        %dma_wait3A_1273 = tpu.memref_squeeze %dma_wait3A_1272 : memref<1x8x80xi32, #tpu.memory_space<vmem>> -> memref<8x80xi32, #tpu.memory_space<vmem>>
        %dma_wait3A_1274 = arith.constant 0 : i32
        %dma_wait3A_1275 = tpu.memref_slice %arg2[%dma_wait3A_1268, %add3A_1262, %dma_wait3A_1274] : memref<2x4096x80xi32, #tpu.memory_space<hbm>> -> memref<1x8x80xi32, #tpu.memory_space<hbm>>
        %dma_wait3A_1276 = tpu.memref_squeeze %dma_wait3A_1275 : memref<1x8x80xi32, #tpu.memory_space<hbm>> -> memref<8x80xi32, #tpu.memory_space<hbm>>
        %dma_wait3A_1277 = arith.constant 0 : i32
        %dma_wait3A_1278 = arith.constant 0 : i32
        %dma_wait3A_1279 = tpu.memref_slice %arg6[%dma_wait3A_1269, %dma_wait3A_1277, %dma_wait3A_1278] : memref<2x8x80xi32, #tpu.memory_space<vmem>> -> memref<1x8x80xi32, #tpu.memory_space<vmem>>
        %dma_wait3A_1280 = tpu.memref_squeeze %dma_wait3A_1279 : memref<1x8x80xi32, #tpu.memory_space<vmem>> -> memref<8x80xi32, #tpu.memory_space<vmem>>
        %dma_wait3A_1281 = arith.constant 0 : i32
        %dma_wait3A_1282 = tpu.memref_slice %arg2[%dma_wait3A_1268, %add3A_1262, %dma_wait3A_1281] : memref<2x4096x80xi32, #tpu.memory_space<hbm>> -> memref<1x8x80xi32, #tpu.memory_space<hbm>>
        %dma_wait3A_1283 = tpu.memref_squeeze %dma_wait3A_1282 : memref<1x8x80xi32, #tpu.memory_space<hbm>> -> memref<8x80xi32, #tpu.memory_space<hbm>>
        tpu.wait_dma2 semaphore(%arg17 : memref<!tpu.dma_semaphore, #tpu.memory_space<semaphore_mem>>) src(%dma_wait3A_1283 : memref<8x80xi32, #tpu.memory_space<hbm>>) dst(%dma_wait3A_1280 : memref<8x80xi32, #tpu.memory_space<vmem>>)
        %dma_wait3A_1284 = arith.constant 1 : i32
        %dma_wait3A_1285 = arith.constant 0 : i32
        %dma_wait3A_1286 = arith.constant 0 : i32
        %dma_wait3A_1287 = arith.constant 0 : i32
        %dma_wait3A_1288 = tpu.memref_slice %arg7[%dma_wait3A_1285, %dma_wait3A_1286, %dma_wait3A_1287] : memref<2x8x80xi32, #tpu.memory_space<vmem>> -> memref<1x8x80xi32, #tpu.memory_space<vmem>>
        %dma_wait3A_1289 = tpu.memref_squeeze %dma_wait3A_1288 : memref<1x8x80xi32, #tpu.memory_space<vmem>> -> memref<8x80xi32, #tpu.memory_space<vmem>>
        %dma_wait3A_1290 = arith.constant 0 : i32
        %dma_wait3A_1291 = tpu.memref_slice %arg2[%dma_wait3A_1284, %add3A_1267, %dma_wait3A_1290] : memref<2x4096x80xi32, #tpu.memory_space<hbm>> -> memref<1x8x80xi32, #tpu.memory_space<hbm>>
        %dma_wait3A_1292 = tpu.memref_squeeze %dma_wait3A_1291 : memref<1x8x80xi32, #tpu.memory_space<hbm>> -> memref<8x80xi32, #tpu.memory_space<hbm>>
        %dma_wait3A_1293 = arith.constant 0 : i32
        %dma_wait3A_1294 = arith.constant 0 : i32
        %dma_wait3A_1295 = tpu.memref_slice %arg7[%dma_wait3A_1285, %dma_wait3A_1293, %dma_wait3A_1294] : memref<2x8x80xi32, #tpu.memory_space<vmem>> -> memref<1x8x80xi32, #tpu.memory_space<vmem>>
        %dma_wait3A_1296 = tpu.memref_squeeze %dma_wait3A_1295 : memref<1x8x80xi32, #tpu.memory_space<vmem>> -> memref<8x80xi32, #tpu.memory_space<vmem>>
        %dma_wait3A_1297 = arith.constant 0 : i32
        %dma_wait3A_1298 = tpu.memref_slice %arg2[%dma_wait3A_1284, %add3A_1267, %dma_wait3A_1297] : memref<2x4096x80xi32, #tpu.memory_space<hbm>> -> memref<1x8x80xi32, #tpu.memory_space<hbm>>
        %dma_wait3A_1299 = tpu.memref_squeeze %dma_wait3A_1298 : memref<1x8x80xi32, #tpu.memory_space<hbm>> -> memref<8x80xi32, #tpu.memory_space<hbm>>
        tpu.wait_dma2 semaphore(%arg17 : memref<!tpu.dma_semaphore, #tpu.memory_space<semaphore_mem>>) src(%dma_wait3A_1299 : memref<8x80xi32, #tpu.memory_space<hbm>>) dst(%dma_wait3A_1296 : memref<8x80xi32, #tpu.memory_space<vmem>>)
        %dma_start3A_1300 = arith.constant 0 : i32
        %dma_start3A_1301 = arith.constant 0 : i32
        %dma_start3A_1302 = arith.constant 0 : i32
        %dma_start3A_1303 = arith.constant 0 : i32
        %dma_start3A_1304 = arith.constant 0 : i32
        %dma_start3A_1305 = tpu.memref_slice %arg8[%dma_start3A_1302, %dma_start3A_1303, %dma_start3A_1304] : memref<4x80x128xf32, #tpu.memory_space<vmem>> -> memref<1x80x128xf32, #tpu.memory_space<vmem>>
        %dma_start3A_1306 = tpu.memref_squeeze %dma_start3A_1305 : memref<1x80x128xf32, #tpu.memory_space<vmem>> -> memref<80x128xf32, #tpu.memory_space<vmem>>
        %dma_start3A_1307 = arith.constant 0 : i32
        %dma_start3A_1308 = arith.constant 0 : i32
        %dma_start3A_1309 = tpu.memref_slice %arg6[%dma_start3A_1300, %dma_start3A_1307, %dma_start3A_1308] : memref<2x8x80xi32, #tpu.memory_space<vmem>> -> memref<1x8x80xi32, #tpu.memory_space<vmem>>
        %dma_start3A_1310 = tpu.memref_squeeze %dma_start3A_1309 : memref<1x8x80xi32, #tpu.memory_space<vmem>> -> memref<8x80xi32, #tpu.memory_space<vmem>>
        %dma_start3A_1311 = arith.constant 0 : i32
        %dma_start3A_1312 = tpu.memref_slice %dma_start3A_1310[%dma_start3A_1301, %dma_start3A_1311] : memref<8x80xi32, #tpu.memory_space<vmem>> -> memref<1x80xi32, #tpu.memory_space<vmem>>
        %dma_start3A_1313 = tpu.memref_squeeze %dma_start3A_1312 : memref<1x80xi32, #tpu.memory_space<vmem>> -> memref<80xi32, #tpu.memory_space<vmem>>
        %dma_start3A_1314 = arith.constant 0 : i32
        %dma_start3A_1315 = arith.constant 0 : i32
        %dma_start3A_1316 = tpu.memref_slice %arg3[%dma_start3A_1314, %dma_start3A_1315] : memref<10000x128xf32, #tpu.memory_space<hbm>> -> memref<10000x128xf32, #tpu.memory_space<hbm>>
        tpu.enqueue_indirect_dma source(%dma_start3A_1316 : memref<10000x128xf32, #tpu.memory_space<hbm>>) target(%dma_start3A_1306 : memref<80x128xf32, #tpu.memory_space<vmem>>) offsets(%dma_start3A_1313 : memref<80xi32, #tpu.memory_space<vmem>>) semaphore(%arg9 : memref<!tpu.dma_semaphore, #tpu.memory_space<semaphore_mem>>)
      } else {
      }
      %dma_wait3A_1171 = arith.constant 1 : i32
      %dma_wait3A_1172 = arith.constant 6 : i32
      %dma_wait3A_1173 = arith.constant 2 : i32
      %dma_wait3A_1174 = arith.constant 0 : i32
      %dma_wait3A_1175 = arith.constant 0 : i32
      %dma_wait3A_1176 = tpu.memref_slice %arg8[%dma_wait3A_1173, %dma_wait3A_1174, %dma_wait3A_1175] : memref<4x80x128xf32, #tpu.memory_space<vmem>> -> memref<1x80x128xf32, #tpu.memory_space<vmem>>
      %dma_wait3A_1177 = tpu.memref_squeeze %dma_wait3A_1176 : memref<1x80x128xf32, #tpu.memory_space<vmem>> -> memref<80x128xf32, #tpu.memory_space<vmem>>
      %dma_wait3A_1178 = arith.constant 0 : i32
      %dma_wait3A_1179 = arith.constant 0 : i32
      %dma_wait3A_1180 = tpu.memref_slice %arg6[%dma_wait3A_1171, %dma_wait3A_1178, %dma_wait3A_1179] : memref<2x8x80xi32, #tpu.memory_space<vmem>> -> memref<1x8x80xi32, #tpu.memory_space<vmem>>
      %dma_wait3A_1181 = tpu.memref_squeeze %dma_wait3A_1180 : memref<1x8x80xi32, #tpu.memory_space<vmem>> -> memref<8x80xi32, #tpu.memory_space<vmem>>
      %dma_wait3A_1182 = arith.constant 0 : i32
      %dma_wait3A_1183 = tpu.memref_slice %dma_wait3A_1181[%dma_wait3A_1172, %dma_wait3A_1182] : memref<8x80xi32, #tpu.memory_space<vmem>> -> memref<1x80xi32, #tpu.memory_space<vmem>>
      %dma_wait3A_1184 = tpu.memref_squeeze %dma_wait3A_1183 : memref<1x80xi32, #tpu.memory_space<vmem>> -> memref<80xi32, #tpu.memory_space<vmem>>
      %dma_wait3A_1185 = arith.constant 0 : i32
      %dma_wait3A_1186 = arith.constant 0 : i32
      %dma_wait3A_1187 = tpu.memref_slice %arg3[%dma_wait3A_1185, %dma_wait3A_1186] : memref<10000x128xf32, #tpu.memory_space<hbm>> -> memref<10000x128xf32, #tpu.memory_space<hbm>>
      tpu.wait_indirect_dma semaphore(%arg11 : memref<!tpu.dma_semaphore, #tpu.memory_space<semaphore_mem>>) src(%dma_wait3A_1187 : memref<10000x128xf32, #tpu.memory_space<hbm>>) dst(%dma_wait3A_1177 : memref<80x128xf32, #tpu.memory_space<vmem>>)
      %dma_start3A_1188 = arith.constant 2 : i32
      %dma_start3A_1189 = arith.constant 1 : i32
      %dma_start3A_1190 = arith.constant 6 : i32
      %dma_start3A_1191 = arith.constant 0 : i32
      %dma_start3A_1192 = arith.constant 0 : i32
      %dma_start3A_1193 = tpu.memref_slice %arg8[%dma_start3A_1188, %dma_start3A_1191, %dma_start3A_1192] : memref<4x80x128xf32, #tpu.memory_space<vmem>> -> memref<1x80x128xf32, #tpu.memory_space<vmem>>
      %dma_start3A_1194 = tpu.memref_squeeze %dma_start3A_1193 : memref<1x80x128xf32, #tpu.memory_space<vmem>> -> memref<80x128xf32, #tpu.memory_space<vmem>>
      %dma_start3A_1195 = arith.constant 0 : i32
      %dma_start3A_1196 = arith.constant 0 : i32
      %dma_start3A_1197 = tpu.memref_slice %arg7[%dma_start3A_1189, %dma_start3A_1195, %dma_start3A_1196] : memref<2x8x80xi32, #tpu.memory_space<vmem>> -> memref<1x8x80xi32, #tpu.memory_space<vmem>>
      %dma_start3A_1198 = tpu.memref_squeeze %dma_start3A_1197 : memref<1x8x80xi32, #tpu.memory_space<vmem>> -> memref<8x80xi32, #tpu.memory_space<vmem>>
      %dma_start3A_1199 = arith.constant 0 : i32
      %dma_start3A_1200 = tpu.memref_slice %dma_start3A_1198[%dma_start3A_1190, %dma_start3A_1199] : memref<8x80xi32, #tpu.memory_space<vmem>> -> memref<1x80xi32, #tpu.memory_space<vmem>>
      %dma_start3A_1201 = tpu.memref_squeeze %dma_start3A_1200 : memref<1x80xi32, #tpu.memory_space<vmem>> -> memref<80xi32, #tpu.memory_space<vmem>>
      %dma_start3A_1202 = arith.constant 0 : i32
      %dma_start3A_1203 = arith.constant 0 : i32
      %dma_start3A_1204 = tpu.memref_slice %arg5[%dma_start3A_1202, %dma_start3A_1203] : memref<10240x128xf32, #tpu.memory_space<vmem_shared>> -> memref<10240x128xf32, #tpu.memory_space<vmem_shared>>
      tpu.enqueue_indirect_dma source(%dma_start3A_1194 : memref<80x128xf32, #tpu.memory_space<vmem>>) target(%dma_start3A_1204 : memref<10240x128xf32, #tpu.memory_space<vmem_shared>>) offsets(%dma_start3A_1201 : memref<80xi32, #tpu.memory_space<vmem>>) semaphore(%arg15 : memref<!tpu.dma_semaphore, #tpu.memory_space<semaphore_mem>>) {add = true}
      %mul3A_1205 = arith.constant 8 : i32
      %mul3A_1206 = arith.muli %mul3A_1205, %add3A_847 : i32
      %add3A_1207 = arith.constant 7 : i32
      %add3A_1208 = arith.addi %mul3A_1206, %add3A_1207 : i32
      %ge3A_1209 = arith.constant 2 : i32
      %ge3A_1210 = arith.cmpi sge, %add3A_1208, %ge3A_1209 : i32
      %convert_element_type3A_1211 = arith.extui %ge3A_1210 : i1 to i32
      %cond3A_1212 = arith.constant 0 : i32
      %cond3A_1213 = arith.cmpi ne, %convert_element_type3A_1211, %cond3A_1212 : i32
      scf.if %cond3A_1213 {
        %dma_wait3A_1256 = arith.constant 1 : i32
        %dma_wait3A_1257 = arith.constant 1 : i32
        %dma_wait3A_1258 = arith.constant 5 : i32
        %dma_wait3A_1259 = arith.constant 0 : i32
        %dma_wait3A_1260 = arith.constant 0 : i32
        %dma_wait3A_1261 = tpu.memref_slice %arg8[%dma_wait3A_1256, %dma_wait3A_1259, %dma_wait3A_1260] : memref<4x80x128xf32, #tpu.memory_space<vmem>> -> memref<1x80x128xf32, #tpu.memory_space<vmem>>
        %dma_wait3A_1262 = tpu.memref_squeeze %dma_wait3A_1261 : memref<1x80x128xf32, #tpu.memory_space<vmem>> -> memref<80x128xf32, #tpu.memory_space<vmem>>
        %dma_wait3A_1263 = arith.constant 0 : i32
        %dma_wait3A_1264 = arith.constant 0 : i32
        %dma_wait3A_1265 = tpu.memref_slice %arg7[%dma_wait3A_1257, %dma_wait3A_1263, %dma_wait3A_1264] : memref<2x8x80xi32, #tpu.memory_space<vmem>> -> memref<1x8x80xi32, #tpu.memory_space<vmem>>
        %dma_wait3A_1266 = tpu.memref_squeeze %dma_wait3A_1265 : memref<1x8x80xi32, #tpu.memory_space<vmem>> -> memref<8x80xi32, #tpu.memory_space<vmem>>
        %dma_wait3A_1267 = arith.constant 0 : i32
        %dma_wait3A_1268 = tpu.memref_slice %dma_wait3A_1266[%dma_wait3A_1258, %dma_wait3A_1267] : memref<8x80xi32, #tpu.memory_space<vmem>> -> memref<1x80xi32, #tpu.memory_space<vmem>>
        %dma_wait3A_1269 = tpu.memref_squeeze %dma_wait3A_1268 : memref<1x80xi32, #tpu.memory_space<vmem>> -> memref<80xi32, #tpu.memory_space<vmem>>
        %dma_wait3A_1270 = arith.constant 0 : i32
        %dma_wait3A_1271 = arith.constant 0 : i32
        %dma_wait3A_1272 = tpu.memref_slice %arg5[%dma_wait3A_1270, %dma_wait3A_1271] : memref<10240x128xf32, #tpu.memory_space<vmem_shared>> -> memref<10240x128xf32, #tpu.memory_space<vmem_shared>>
        tpu.wait_indirect_dma semaphore(%arg14 : memref<!tpu.dma_semaphore, #tpu.memory_space<semaphore_mem>>) src(%dma_wait3A_1262 : memref<80x128xf32, #tpu.memory_space<vmem>>) dst(%dma_wait3A_1272 : memref<10240x128xf32, #tpu.memory_space<vmem_shared>>)
      } else {
      }
      %add3A_1214 = arith.constant 2 : i32
      %add3A_1215 = arith.addi %add3A_1208, %add3A_1214 : i32
      %lt3A_1216 = arith.constant 128 : i32
      %lt3A_1217 = arith.cmpi slt, %add3A_1215, %lt3A_1216 : i32
      %convert_element_type3A_1218 = arith.extui %lt3A_1217 : i1 to i32
      %cond3A_1219 = arith.constant 0 : i32
      %cond3A_1220 = arith.cmpi ne, %convert_element_type3A_1218, %cond3A_1219 : i32
      scf.if %cond3A_1220 {
        %dma_start3A_1256 = arith.constant 0 : i32
        %dma_start3A_1257 = arith.constant 1 : i32
        %dma_start3A_1258 = arith.constant 1 : i32
        %dma_start3A_1259 = arith.constant 0 : i32
        %dma_start3A_1260 = arith.constant 0 : i32
        %dma_start3A_1261 = tpu.memref_slice %arg8[%dma_start3A_1258, %dma_start3A_1259, %dma_start3A_1260] : memref<4x80x128xf32, #tpu.memory_space<vmem>> -> memref<1x80x128xf32, #tpu.memory_space<vmem>>
        %dma_start3A_1262 = tpu.memref_squeeze %dma_start3A_1261 : memref<1x80x128xf32, #tpu.memory_space<vmem>> -> memref<80x128xf32, #tpu.memory_space<vmem>>
        %dma_start3A_1263 = arith.constant 0 : i32
        %dma_start3A_1264 = arith.constant 0 : i32
        %dma_start3A_1265 = tpu.memref_slice %arg6[%dma_start3A_1256, %dma_start3A_1263, %dma_start3A_1264] : memref<2x8x80xi32, #tpu.memory_space<vmem>> -> memref<1x8x80xi32, #tpu.memory_space<vmem>>
        %dma_start3A_1266 = tpu.memref_squeeze %dma_start3A_1265 : memref<1x8x80xi32, #tpu.memory_space<vmem>> -> memref<8x80xi32, #tpu.memory_space<vmem>>
        %dma_start3A_1267 = arith.constant 0 : i32
        %dma_start3A_1268 = tpu.memref_slice %dma_start3A_1266[%dma_start3A_1257, %dma_start3A_1267] : memref<8x80xi32, #tpu.memory_space<vmem>> -> memref<1x80xi32, #tpu.memory_space<vmem>>
        %dma_start3A_1269 = tpu.memref_squeeze %dma_start3A_1268 : memref<1x80xi32, #tpu.memory_space<vmem>> -> memref<80xi32, #tpu.memory_space<vmem>>
        %dma_start3A_1270 = arith.constant 0 : i32
        %dma_start3A_1271 = arith.constant 0 : i32
        %dma_start3A_1272 = tpu.memref_slice %arg3[%dma_start3A_1270, %dma_start3A_1271] : memref<10000x128xf32, #tpu.memory_space<hbm>> -> memref<10000x128xf32, #tpu.memory_space<hbm>>
        tpu.enqueue_indirect_dma source(%dma_start3A_1272 : memref<10000x128xf32, #tpu.memory_space<hbm>>) target(%dma_start3A_1262 : memref<80x128xf32, #tpu.memory_space<vmem>>) offsets(%dma_start3A_1269 : memref<80xi32, #tpu.memory_space<vmem>>) semaphore(%arg10 : memref<!tpu.dma_semaphore, #tpu.memory_space<semaphore_mem>>)
      } else {
      }
      %dma_wait3A_1221 = arith.constant 1 : i32
      %dma_wait3A_1222 = arith.constant 7 : i32
      %dma_wait3A_1223 = arith.constant 3 : i32
      %dma_wait3A_1224 = arith.constant 0 : i32
      %dma_wait3A_1225 = arith.constant 0 : i32
      %dma_wait3A_1226 = tpu.memref_slice %arg8[%dma_wait3A_1223, %dma_wait3A_1224, %dma_wait3A_1225] : memref<4x80x128xf32, #tpu.memory_space<vmem>> -> memref<1x80x128xf32, #tpu.memory_space<vmem>>
      %dma_wait3A_1227 = tpu.memref_squeeze %dma_wait3A_1226 : memref<1x80x128xf32, #tpu.memory_space<vmem>> -> memref<80x128xf32, #tpu.memory_space<vmem>>
      %dma_wait3A_1228 = arith.constant 0 : i32
      %dma_wait3A_1229 = arith.constant 0 : i32
      %dma_wait3A_1230 = tpu.memref_slice %arg6[%dma_wait3A_1221, %dma_wait3A_1228, %dma_wait3A_1229] : memref<2x8x80xi32, #tpu.memory_space<vmem>> -> memref<1x8x80xi32, #tpu.memory_space<vmem>>
      %dma_wait3A_1231 = tpu.memref_squeeze %dma_wait3A_1230 : memref<1x8x80xi32, #tpu.memory_space<vmem>> -> memref<8x80xi32, #tpu.memory_space<vmem>>
      %dma_wait3A_1232 = arith.constant 0 : i32
      %dma_wait3A_1233 = tpu.memref_slice %dma_wait3A_1231[%dma_wait3A_1222, %dma_wait3A_1232] : memref<8x80xi32, #tpu.memory_space<vmem>> -> memref<1x80xi32, #tpu.memory_space<vmem>>
      %dma_wait3A_1234 = tpu.memref_squeeze %dma_wait3A_1233 : memref<1x80xi32, #tpu.memory_space<vmem>> -> memref<80xi32, #tpu.memory_space<vmem>>
      %dma_wait3A_1235 = arith.constant 0 : i32
      %dma_wait3A_1236 = arith.constant 0 : i32
      %dma_wait3A_1237 = tpu.memref_slice %arg3[%dma_wait3A_1235, %dma_wait3A_1236] : memref<10000x128xf32, #tpu.memory_space<hbm>> -> memref<10000x128xf32, #tpu.memory_space<hbm>>
      tpu.wait_indirect_dma semaphore(%arg12 : memref<!tpu.dma_semaphore, #tpu.memory_space<semaphore_mem>>) src(%dma_wait3A_1237 : memref<10000x128xf32, #tpu.memory_space<hbm>>) dst(%dma_wait3A_1227 : memref<80x128xf32, #tpu.memory_space<vmem>>)
      %dma_start3A_1238 = arith.constant 3 : i32
      %dma_start3A_1239 = arith.constant 1 : i32
      %dma_start3A_1240 = arith.constant 7 : i32
      %dma_start3A_1241 = arith.constant 0 : i32
      %dma_start3A_1242 = arith.constant 0 : i32
      %dma_start3A_1243 = tpu.memref_slice %arg8[%dma_start3A_1238, %dma_start3A_1241, %dma_start3A_1242] : memref<4x80x128xf32, #tpu.memory_space<vmem>> -> memref<1x80x128xf32, #tpu.memory_space<vmem>>
      %dma_start3A_1244 = tpu.memref_squeeze %dma_start3A_1243 : memref<1x80x128xf32, #tpu.memory_space<vmem>> -> memref<80x128xf32, #tpu.memory_space<vmem>>
      %dma_start3A_1245 = arith.constant 0 : i32
      %dma_start3A_1246 = arith.constant 0 : i32
      %dma_start3A_1247 = tpu.memref_slice %arg7[%dma_start3A_1239, %dma_start3A_1245, %dma_start3A_1246] : memref<2x8x80xi32, #tpu.memory_space<vmem>> -> memref<1x8x80xi32, #tpu.memory_space<vmem>>
      %dma_start3A_1248 = tpu.memref_squeeze %dma_start3A_1247 : memref<1x8x80xi32, #tpu.memory_space<vmem>> -> memref<8x80xi32, #tpu.memory_space<vmem>>
      %dma_start3A_1249 = arith.constant 0 : i32
      %dma_start3A_1250 = tpu.memref_slice %dma_start3A_1248[%dma_start3A_1240, %dma_start3A_1249] : memref<8x80xi32, #tpu.memory_space<vmem>> -> memref<1x80xi32, #tpu.memory_space<vmem>>
      %dma_start3A_1251 = tpu.memref_squeeze %dma_start3A_1250 : memref<1x80xi32, #tpu.memory_space<vmem>> -> memref<80xi32, #tpu.memory_space<vmem>>
      %dma_start3A_1252 = arith.constant 0 : i32
      %dma_start3A_1253 = arith.constant 0 : i32
      %dma_start3A_1254 = tpu.memref_slice %arg5[%dma_start3A_1252, %dma_start3A_1253] : memref<10240x128xf32, #tpu.memory_space<vmem_shared>> -> memref<10240x128xf32, #tpu.memory_space<vmem_shared>>
      tpu.enqueue_indirect_dma source(%dma_start3A_1244 : memref<80x128xf32, #tpu.memory_space<vmem>>) target(%dma_start3A_1254 : memref<10240x128xf32, #tpu.memory_space<vmem_shared>>) offsets(%dma_start3A_1251 : memref<80xi32, #tpu.memory_space<vmem>>) semaphore(%arg16 : memref<!tpu.dma_semaphore, #tpu.memory_space<semaphore_mem>>) {add = true}
      %scan3A_1255 = arith.constant 0 : i32
      scf.yield %scan3A_1255 : i32
    }
    %scan3A_397 = arith.constant 8 : i32
    %dma_wait3A_398 = arith.constant 2 : i32
    %dma_wait3A_399 = arith.constant 1 : i32
    %dma_wait3A_400 = arith.constant 6 : i32
    %dma_wait3A_401 = arith.constant 0 : i32
    %dma_wait3A_402 = arith.constant 0 : i32
    %dma_wait3A_403 = tpu.memref_slice %arg8[%dma_wait3A_398, %dma_wait3A_401, %dma_wait3A_402] : memref<4x80x128xf32, #tpu.memory_space<vmem>> -> memref<1x80x128xf32, #tpu.memory_space<vmem>>
    %dma_wait3A_404 = tpu.memref_squeeze %dma_wait3A_403 : memref<1x80x128xf32, #tpu.memory_space<vmem>> -> memref<80x128xf32, #tpu.memory_space<vmem>>
    %dma_wait3A_405 = arith.constant 0 : i32
    %dma_wait3A_406 = arith.constant 0 : i32
    %dma_wait3A_407 = tpu.memref_slice %arg7[%dma_wait3A_399, %dma_wait3A_405, %dma_wait3A_406] : memref<2x8x80xi32, #tpu.memory_space<vmem>> -> memref<1x8x80xi32, #tpu.memory_space<vmem>>
    %dma_wait3A_408 = tpu.memref_squeeze %dma_wait3A_407 : memref<1x8x80xi32, #tpu.memory_space<vmem>> -> memref<8x80xi32, #tpu.memory_space<vmem>>
    %dma_wait3A_409 = arith.constant 0 : i32
    %dma_wait3A_410 = tpu.memref_slice %dma_wait3A_408[%dma_wait3A_400, %dma_wait3A_409] : memref<8x80xi32, #tpu.memory_space<vmem>> -> memref<1x80xi32, #tpu.memory_space<vmem>>
    %dma_wait3A_411 = tpu.memref_squeeze %dma_wait3A_410 : memref<1x80xi32, #tpu.memory_space<vmem>> -> memref<80xi32, #tpu.memory_space<vmem>>
    %dma_wait3A_412 = arith.constant 0 : i32
    %dma_wait3A_413 = arith.constant 0 : i32
    %dma_wait3A_414 = tpu.memref_slice %arg5[%dma_wait3A_412, %dma_wait3A_413] : memref<10240x128xf32, #tpu.memory_space<vmem_shared>> -> memref<10240x128xf32, #tpu.memory_space<vmem_shared>>
    tpu.wait_indirect_dma semaphore(%arg15 : memref<!tpu.dma_semaphore, #tpu.memory_space<semaphore_mem>>) src(%dma_wait3A_404 : memref<80x128xf32, #tpu.memory_space<vmem>>) dst(%dma_wait3A_414 : memref<10240x128xf32, #tpu.memory_space<vmem_shared>>)
    %dma_wait3A_415 = arith.constant 3 : i32
    %dma_wait3A_416 = arith.constant 1 : i32
    %dma_wait3A_417 = arith.constant 7 : i32
    %dma_wait3A_418 = arith.constant 0 : i32
    %dma_wait3A_419 = arith.constant 0 : i32
    %dma_wait3A_420 = tpu.memref_slice %arg8[%dma_wait3A_415, %dma_wait3A_418, %dma_wait3A_419] : memref<4x80x128xf32, #tpu.memory_space<vmem>> -> memref<1x80x128xf32, #tpu.memory_space<vmem>>
    %dma_wait3A_421 = tpu.memref_squeeze %dma_wait3A_420 : memref<1x80x128xf32, #tpu.memory_space<vmem>> -> memref<80x128xf32, #tpu.memory_space<vmem>>
    %dma_wait3A_422 = arith.constant 0 : i32
    %dma_wait3A_423 = arith.constant 0 : i32
    %dma_wait3A_424 = tpu.memref_slice %arg7[%dma_wait3A_416, %dma_wait3A_422, %dma_wait3A_423] : memref<2x8x80xi32, #tpu.memory_space<vmem>> -> memref<1x8x80xi32, #tpu.memory_space<vmem>>
    %dma_wait3A_425 = tpu.memref_squeeze %dma_wait3A_424 : memref<1x8x80xi32, #tpu.memory_space<vmem>> -> memref<8x80xi32, #tpu.memory_space<vmem>>
    %dma_wait3A_426 = arith.constant 0 : i32
    %dma_wait3A_427 = tpu.memref_slice %dma_wait3A_425[%dma_wait3A_417, %dma_wait3A_426] : memref<8x80xi32, #tpu.memory_space<vmem>> -> memref<1x80xi32, #tpu.memory_space<vmem>>
    %dma_wait3A_428 = tpu.memref_squeeze %dma_wait3A_427 : memref<1x80xi32, #tpu.memory_space<vmem>> -> memref<80xi32, #tpu.memory_space<vmem>>
    %dma_wait3A_429 = arith.constant 0 : i32
    %dma_wait3A_430 = arith.constant 0 : i32
    %dma_wait3A_431 = tpu.memref_slice %arg5[%dma_wait3A_429, %dma_wait3A_430] : memref<10240x128xf32, #tpu.memory_space<vmem_shared>> -> memref<10240x128xf32, #tpu.memory_space<vmem_shared>>
    tpu.wait_indirect_dma semaphore(%arg16 : memref<!tpu.dma_semaphore, #tpu.memory_space<semaphore_mem>>) src(%dma_wait3A_421 : memref<80x128xf32, #tpu.memory_space<vmem>>) dst(%dma_wait3A_431 : memref<10240x128xf32, #tpu.memory_space<vmem_shared>>)
    %barrier3A_432 = arith.constant 0 : index
    tpu.barrier barrier_id(%barrier3A_432)
    %mul3A_433 = arith.constant 640 : i32
    %mul3A_434 = arith.muli %arg1, %mul3A_433 : i32
    %mul3A_435 = arith.constant 640 : i32
    %mul3A_436 = arith.muli %arg1, %mul3A_435 : i32
    "tpu.region"() ({
      %run_scoped3A = tpu.sem_alloc : memref<!tpu.dma_semaphore, #tpu.memory_space<semaphore_mem>>
      %dma_start3A_437 = arith.constant 0 : i32
      %dma_start3A_438 = tpu.memref_slice %arg4[%arg0, %mul3A_436, %dma_start3A_437] : memref<2x10240x128xf32, #tpu.memory_space<hbm>> -> memref<1x640x128xf32, #tpu.memory_space<hbm>>
      %dma_start3A_439 = tpu.memref_squeeze %dma_start3A_438 : memref<1x640x128xf32, #tpu.memory_space<hbm>> -> memref<640x128xf32, #tpu.memory_space<hbm>>
      %dma_start3A_440 = arith.constant 0 : i32
      %dma_start3A_441 = tpu.memref_slice %arg5[%mul3A_434, %dma_start3A_440] : memref<10240x128xf32, #tpu.memory_space<vmem_shared>> -> memref<640x128xf32, #tpu.memory_space<vmem_shared>>
      tpu.enqueue_dma source(%dma_start3A_441 : memref<640x128xf32, #tpu.memory_space<vmem_shared>>) target(%dma_start3A_439 : memref<640x128xf32, #tpu.memory_space<hbm>>) target_semaphore(%run_scoped3A : memref<!tpu.dma_semaphore, #tpu.memory_space<semaphore_mem>>)
      %dma_wait3A_442 = arith.constant 0 : i32
      %dma_wait3A_443 = tpu.memref_slice %arg4[%arg0, %mul3A_436, %dma_wait3A_442] : memref<2x10240x128xf32, #tpu.memory_space<hbm>> -> memref<1x640x128xf32, #tpu.memory_space<hbm>>
      %dma_wait3A_444 = tpu.memref_squeeze %dma_wait3A_443 : memref<1x640x128xf32, #tpu.memory_space<hbm>> -> memref<640x128xf32, #tpu.memory_space<hbm>>
      %dma_wait3A_445 = arith.constant 0 : i32
      %dma_wait3A_446 = tpu.memref_slice %arg5[%mul3A_434, %dma_wait3A_445] : memref<10240x128xf32, #tpu.memory_space<vmem_shared>> -> memref<640x128xf32, #tpu.memory_space<vmem_shared>>
      tpu.wait_dma2 semaphore(%run_scoped3A : memref<!tpu.dma_semaphore, #tpu.memory_space<semaphore_mem>>) src(%dma_wait3A_446 : memref<640x128xf32, #tpu.memory_space<vmem_shared>>) dst(%dma_wait3A_444 : memref<640x128xf32, #tpu.memory_space<hbm>>)
      tpu.yield
    }) : () -> ()
    return
  }
}

#map = affine_map<(d0, d1) -> (0, 0, 0)>
module attributes {stable_mosaic.version = 14 : i64} {
  func.func @_sc_deg(%arg0: i32, %arg1: i32, %arg2: memref<2x2560x128xi32, #tpu.memory_space<hbm>>, %arg3: memref<2x10240x16xf32, #tpu.memory_space<hbm>>, %arg4: memref<10240x16xf32, #tpu.memory_space<vmem_shared>>, %arg5: memref<3x8x128xi32, #tpu.memory_space<vmem>>, %arg6: memref<128x16xf32, #tpu.memory_space<vmem>>, %arg7: memref<!tpu.dma_semaphore, #tpu.memory_space<semaphore_mem>>, %arg8: memref<!tpu.dma_semaphore, #tpu.memory_space<semaphore_mem>>) attributes {dimension_semantics = [#tpu.dimension_semantics<core_parallel>, #tpu.dimension_semantics<subcore_parallel>], iteration_bounds = array<i64: 2, 16>, scalar_prefetch = 0 : i64, scratch_operands = 5 : i64, tpu.core_type = #tpu.core_type<sc_vector_subcore>, window_params = [{transform_indices = #map}, {transform_indices = #map}]} {
    %mul3A = arith.constant 16 : i32
    %mul3A_0 = arith.muli %arg0, %mul3A : i32
    %add3A = arith.addi %mul3A_0, %arg1 : i32
    %scan3A = arith.constant 0 : i32
    %scan3A_1 = arith.constant 0 : i32
    %scan3A_2 = arith.constant 128 : i32
    %scan3A_3 = arith.addi %scan3A_1, %scan3A_2 : i32
    %scan3A_4 = arith.constant 1 : i32
    %scan3A_5 = scf.for %scan3A_548 = %scan3A_1 to %scan3A_3 step %scan3A_4 iter_args(%scan3A_549 = %scan3A) -> (i32)  : i32 {
      %broadcast_in_dim3A = arith.constant 0.000000e+00 : f32
      %broadcast_in_dim3A_550 = vector.broadcast %broadcast_in_dim3A : f32 to vector<16xf32>
      %swap3A = arith.index_cast %scan3A_548 : i32 to index
      %swap3A_551 = arith.constant 0 : index
      %swap3A_552 = tpu.vector_load %arg6[%swap3A, %swap3A_551] {strides = array<i32>} : memref<128x16xf32, #tpu.memory_space<vmem>>, vector<1x16xf32>,
      %swap3A_553 = vector.shape_cast %swap3A_552 : vector<1x16xf32> to vector<16xf32>
      %swap3A_554 = vector.shape_cast %broadcast_in_dim3A_550 : vector<16xf32> to vector<1x16xf32>
      tpu.vector_store %arg6[%swap3A, %swap3A_551], %swap3A_554 {strides = array<i32>} : memref<128x16xf32, #tpu.memory_space<vmem>>, vector<1x16xf32>,
      %scan3A_555 = arith.constant 0 : i32
      scf.yield %scan3A_555 : i32
    }
    %scan3A_6 = arith.constant 128 : i32
    %mul3A_7 = arith.constant 640 : i32
    %mul3A_8 = arith.muli %arg1, %mul3A_7 : i32
    %add3A_9 = arith.constant 0 : i32
    %add3A_10 = arith.addi %mul3A_8, %add3A_9 : i32
    %dma_start3A = arith.constant 0 : i32
    %dma_start3A_11 = tpu.memref_slice %arg4[%add3A_10, %dma_start3A] : memref<10240x16xf32, #tpu.memory_space<vmem_shared>> -> memref<128x16xf32, #tpu.memory_space<vmem_shared>>
    %dma_start3A_12 = arith.constant 0 : i32
    %dma_start3A_13 = tpu.memref_slice %arg4[%add3A_10, %dma_start3A_12] : memref<10240x16xf32, #tpu.memory_space<vmem_shared>> -> memref<128x16xf32, #tpu.memory_space<vmem_shared>>
    tpu.enqueue_dma source(%arg6 : memref<128x16xf32, #tpu.memory_space<vmem>>) target(%dma_start3A_13 : memref<128x16xf32, #tpu.memory_space<vmem_shared>>) target_semaphore(%arg8 : memref<!tpu.dma_semaphore, #tpu.memory_space<semaphore_mem>>)
    %mul3A_14 = arith.constant 640 : i32
    %mul3A_15 = arith.muli %arg1, %mul3A_14 : i32
    %add3A_16 = arith.constant 128 : i32
    %add3A_17 = arith.addi %mul3A_15, %add3A_16 : i32
    %dma_start3A_18 = arith.constant 0 : i32
    %dma_start3A_19 = tpu.memref_slice %arg4[%add3A_17, %dma_start3A_18] : memref<10240x16xf32, #tpu.memory_space<vmem_shared>> -> memref<128x16xf32, #tpu.memory_space<vmem_shared>>
    %dma_start3A_20 = arith.constant 0 : i32
    %dma_start3A_21 = tpu.memref_slice %arg4[%add3A_17, %dma_start3A_20] : memref<10240x16xf32, #tpu.memory_space<vmem_shared>> -> memref<128x16xf32, #tpu.memory_space<vmem_shared>>
    tpu.enqueue_dma source(%arg6 : memref<128x16xf32, #tpu.memory_space<vmem>>) target(%dma_start3A_21 : memref<128x16xf32, #tpu.memory_space<vmem_shared>>) target_semaphore(%arg8 : memref<!tpu.dma_semaphore, #tpu.memory_space<semaphore_mem>>)
    %mul3A_22 = arith.constant 640 : i32
    %mul3A_23 = arith.muli %arg1, %mul3A_22 : i32
    %add3A_24 = arith.constant 256 : i32
    %add3A_25 = arith.addi %mul3A_23, %add3A_24 : i32
    %dma_start3A_26 = arith.constant 0 : i32
    %dma_start3A_27 = tpu.memref_slice %arg4[%add3A_25, %dma_start3A_26] : memref<10240x16xf32, #tpu.memory_space<vmem_shared>> -> memref<128x16xf32, #tpu.memory_space<vmem_shared>>
    %dma_start3A_28 = arith.constant 0 : i32
    %dma_start3A_29 = tpu.memref_slice %arg4[%add3A_25, %dma_start3A_28] : memref<10240x16xf32, #tpu.memory_space<vmem_shared>> -> memref<128x16xf32, #tpu.memory_space<vmem_shared>>
    tpu.enqueue_dma source(%arg6 : memref<128x16xf32, #tpu.memory_space<vmem>>) target(%dma_start3A_29 : memref<128x16xf32, #tpu.memory_space<vmem_shared>>) target_semaphore(%arg8 : memref<!tpu.dma_semaphore, #tpu.memory_space<semaphore_mem>>)
    %mul3A_30 = arith.constant 640 : i32
    %mul3A_31 = arith.muli %arg1, %mul3A_30 : i32
    %add3A_32 = arith.constant 384 : i32
    %add3A_33 = arith.addi %mul3A_31, %add3A_32 : i32
    %dma_start3A_34 = arith.constant 0 : i32
    %dma_start3A_35 = tpu.memref_slice %arg4[%add3A_33, %dma_start3A_34] : memref<10240x16xf32, #tpu.memory_space<vmem_shared>> -> memref<128x16xf32, #tpu.memory_space<vmem_shared>>
    %dma_start3A_36 = arith.constant 0 : i32
    %dma_start3A_37 = tpu.memref_slice %arg4[%add3A_33, %dma_start3A_36] : memref<10240x16xf32, #tpu.memory_space<vmem_shared>> -> memref<128x16xf32, #tpu.memory_space<vmem_shared>>
    tpu.enqueue_dma source(%arg6 : memref<128x16xf32, #tpu.memory_space<vmem>>) target(%dma_start3A_37 : memref<128x16xf32, #tpu.memory_space<vmem_shared>>) target_semaphore(%arg8 : memref<!tpu.dma_semaphore, #tpu.memory_space<semaphore_mem>>)
    %mul3A_38 = arith.constant 640 : i32
    %mul3A_39 = arith.muli %arg1, %mul3A_38 : i32
    %add3A_40 = arith.constant 512 : i32
    %add3A_41 = arith.addi %mul3A_39, %add3A_40 : i32
    %dma_start3A_42 = arith.constant 0 : i32
    %dma_start3A_43 = tpu.memref_slice %arg4[%add3A_41, %dma_start3A_42] : memref<10240x16xf32, #tpu.memory_space<vmem_shared>> -> memref<128x16xf32, #tpu.memory_space<vmem_shared>>
    %dma_start3A_44 = arith.constant 0 : i32
    %dma_start3A_45 = tpu.memref_slice %arg4[%add3A_41, %dma_start3A_44] : memref<10240x16xf32, #tpu.memory_space<vmem_shared>> -> memref<128x16xf32, #tpu.memory_space<vmem_shared>>
    tpu.enqueue_dma source(%arg6 : memref<128x16xf32, #tpu.memory_space<vmem>>) target(%dma_start3A_45 : memref<128x16xf32, #tpu.memory_space<vmem_shared>>) target_semaphore(%arg8 : memref<!tpu.dma_semaphore, #tpu.memory_space<semaphore_mem>>)
    %mul3A_46 = arith.constant 640 : i32
    %mul3A_47 = arith.muli %arg1, %mul3A_46 : i32
    %add3A_48 = arith.constant 0 : i32
    %add3A_49 = arith.addi %mul3A_47, %add3A_48 : i32
    %dma_wait3A = arith.constant 0 : i32
    %dma_wait3A_50 = tpu.memref_slice %arg4[%add3A_49, %dma_wait3A] : memref<10240x16xf32, #tpu.memory_space<vmem_shared>> -> memref<128x16xf32, #tpu.memory_space<vmem_shared>>
    %dma_wait3A_51 = arith.constant 0 : i32
    %dma_wait3A_52 = tpu.memref_slice %arg4[%add3A_49, %dma_wait3A_51] : memref<10240x16xf32, #tpu.memory_space<vmem_shared>> -> memref<128x16xf32, #tpu.memory_space<vmem_shared>>
    tpu.wait_dma2 semaphore(%arg8 : memref<!tpu.dma_semaphore, #tpu.memory_space<semaphore_mem>>) src(%arg6 : memref<128x16xf32, #tpu.memory_space<vmem>>) dst(%dma_wait3A_52 : memref<128x16xf32, #tpu.memory_space<vmem_shared>>)
    %mul3A_53 = arith.constant 640 : i32
    %mul3A_54 = arith.muli %arg1, %mul3A_53 : i32
    %add3A_55 = arith.constant 128 : i32
    %add3A_56 = arith.addi %mul3A_54, %add3A_55 : i32
    %dma_wait3A_57 = arith.constant 0 : i32
    %dma_wait3A_58 = tpu.memref_slice %arg4[%add3A_56, %dma_wait3A_57] : memref<10240x16xf32, #tpu.memory_space<vmem_shared>> -> memref<128x16xf32, #tpu.memory_space<vmem_shared>>
    %dma_wait3A_59 = arith.constant 0 : i32
    %dma_wait3A_60 = tpu.memref_slice %arg4[%add3A_56, %dma_wait3A_59] : memref<10240x16xf32, #tpu.memory_space<vmem_shared>> -> memref<128x16xf32, #tpu.memory_space<vmem_shared>>
    tpu.wait_dma2 semaphore(%arg8 : memref<!tpu.dma_semaphore, #tpu.memory_space<semaphore_mem>>) src(%arg6 : memref<128x16xf32, #tpu.memory_space<vmem>>) dst(%dma_wait3A_60 : memref<128x16xf32, #tpu.memory_space<vmem_shared>>)
    %mul3A_61 = arith.constant 640 : i32
    %mul3A_62 = arith.muli %arg1, %mul3A_61 : i32
    %add3A_63 = arith.constant 256 : i32
    %add3A_64 = arith.addi %mul3A_62, %add3A_63 : i32
    %dma_wait3A_65 = arith.constant 0 : i32
    %dma_wait3A_66 = tpu.memref_slice %arg4[%add3A_64, %dma_wait3A_65] : memref<10240x16xf32, #tpu.memory_space<vmem_shared>> -> memref<128x16xf32, #tpu.memory_space<vmem_shared>>
    %dma_wait3A_67 = arith.constant 0 : i32
    %dma_wait3A_68 = tpu.memref_slice %arg4[%add3A_64, %dma_wait3A_67] : memref<10240x16xf32, #tpu.memory_space<vmem_shared>> -> memref<128x16xf32, #tpu.memory_space<vmem_shared>>
    tpu.wait_dma2 semaphore(%arg8 : memref<!tpu.dma_semaphore, #tpu.memory_space<semaphore_mem>>) src(%arg6 : memref<128x16xf32, #tpu.memory_space<vmem>>) dst(%dma_wait3A_68 : memref<128x16xf32, #tpu.memory_space<vmem_shared>>)
    %mul3A_69 = arith.constant 640 : i32
    %mul3A_70 = arith.muli %arg1, %mul3A_69 : i32
    %add3A_71 = arith.constant 384 : i32
    %add3A_72 = arith.addi %mul3A_70, %add3A_71 : i32
    %dma_wait3A_73 = arith.constant 0 : i32
    %dma_wait3A_74 = tpu.memref_slice %arg4[%add3A_72, %dma_wait3A_73] : memref<10240x16xf32, #tpu.memory_space<vmem_shared>> -> memref<128x16xf32, #tpu.memory_space<vmem_shared>>
    %dma_wait3A_75 = arith.constant 0 : i32
    %dma_wait3A_76 = tpu.memref_slice %arg4[%add3A_72, %dma_wait3A_75] : memref<10240x16xf32, #tpu.memory_space<vmem_shared>> -> memref<128x16xf32, #tpu.memory_space<vmem_shared>>
    tpu.wait_dma2 semaphore(%arg8 : memref<!tpu.dma_semaphore, #tpu.memory_space<semaphore_mem>>) src(%arg6 : memref<128x16xf32, #tpu.memory_space<vmem>>) dst(%dma_wait3A_76 : memref<128x16xf32, #tpu.memory_space<vmem_shared>>)
    %mul3A_77 = arith.constant 640 : i32
    %mul3A_78 = arith.muli %arg1, %mul3A_77 : i32
    %add3A_79 = arith.constant 512 : i32
    %add3A_80 = arith.addi %mul3A_78, %add3A_79 : i32
    %dma_wait3A_81 = arith.constant 0 : i32
    %dma_wait3A_82 = tpu.memref_slice %arg4[%add3A_80, %dma_wait3A_81] : memref<10240x16xf32, #tpu.memory_space<vmem_shared>> -> memref<128x16xf32, #tpu.memory_space<vmem_shared>>
    %dma_wait3A_83 = arith.constant 0 : i32
    %dma_wait3A_84 = tpu.memref_slice %arg4[%add3A_80, %dma_wait3A_83] : memref<10240x16xf32, #tpu.memory_space<vmem_shared>> -> memref<128x16xf32, #tpu.memory_space<vmem_shared>>
    tpu.wait_dma2 semaphore(%arg8 : memref<!tpu.dma_semaphore, #tpu.memory_space<semaphore_mem>>) src(%arg6 : memref<128x16xf32, #tpu.memory_space<vmem>>) dst(%dma_wait3A_84 : memref<128x16xf32, #tpu.memory_space<vmem_shared>>)
    %barrier3A = arith.constant 0 : index
    tpu.barrier barrier_id(%barrier3A)
    %scan3A_85 = arith.constant 0 : i32
    %scan3A_86 = arith.constant 0 : i32
    %scan3A_87 = arith.constant 128 : i32
    %scan3A_88 = arith.addi %scan3A_86, %scan3A_87 : i32
    %scan3A_89 = arith.constant 1 : i32
    %scan3A_90 = scf.for %scan3A_548 = %scan3A_86 to %scan3A_88 step %scan3A_89 iter_args(%scan3A_549 = %scan3A_85) -> (i32)  : i32 {
      %broadcast_in_dim3A = arith.constant 1.000000e+00 : f32
      %broadcast_in_dim3A_550 = vector.broadcast %broadcast_in_dim3A : f32 to vector<16xf32>
      %swap3A = arith.index_cast %scan3A_548 : i32 to index
      %swap3A_551 = arith.constant 0 : index
      %swap3A_552 = tpu.vector_load %arg6[%swap3A, %swap3A_551] {strides = array<i32>} : memref<128x16xf32, #tpu.memory_space<vmem>>, vector<1x16xf32>,
      %swap3A_553 = vector.shape_cast %swap3A_552 : vector<1x16xf32> to vector<16xf32>
      %swap3A_554 = vector.shape_cast %broadcast_in_dim3A_550 : vector<16xf32> to vector<1x16xf32>
      tpu.vector_store %arg6[%swap3A, %swap3A_551], %swap3A_554 {strides = array<i32>} : memref<128x16xf32, #tpu.memory_space<vmem>>, vector<1x16xf32>,
      %scan3A_555 = arith.constant 0 : i32
      scf.yield %scan3A_555 : i32
    }
    %scan3A_91 = arith.constant 128 : i32
    %mul3A_92 = arith.constant 80 : i32
    %mul3A_93 = arith.muli %add3A, %mul3A_92 : i32
    %add3A_94 = arith.constant 0 : i32
    %add3A_95 = arith.addi %mul3A_93, %add3A_94 : i32
    %dma_start3A_96 = arith.constant 1 : i32
    %dma_start3A_97 = arith.constant 0 : i32
    %dma_start3A_98 = arith.constant 0 : i32
    %dma_start3A_99 = arith.constant 0 : i32
    %dma_start3A_100 = tpu.memref_slice %arg5[%dma_start3A_97, %dma_start3A_98, %dma_start3A_99] : memref<3x8x128xi32, #tpu.memory_space<vmem>> -> memref<1x8x128xi32, #tpu.memory_space<vmem>>
    %dma_start3A_101 = tpu.memref_squeeze %dma_start3A_100 : memref<1x8x128xi32, #tpu.memory_space<vmem>> -> memref<8x128xi32, #tpu.memory_space<vmem>>
    %dma_start3A_102 = arith.constant 0 : i32
    %dma_start3A_103 = tpu.memref_slice %arg2[%dma_start3A_96, %add3A_95, %dma_start3A_102] : memref<2x2560x128xi32, #tpu.memory_space<hbm>> -> memref<1x8x128xi32, #tpu.memory_space<hbm>>
    %dma_start3A_104 = tpu.memref_squeeze %dma_start3A_103 : memref<1x8x128xi32, #tpu.memory_space<hbm>> -> memref<8x128xi32, #tpu.memory_space<hbm>>
    %dma_start3A_105 = arith.constant 0 : i32
    %dma_start3A_106 = arith.constant 0 : i32
    %dma_start3A_107 = tpu.memref_slice %arg5[%dma_start3A_97, %dma_start3A_105, %dma_start3A_106] : memref<3x8x128xi32, #tpu.memory_space<vmem>> -> memref<1x8x128xi32, #tpu.memory_space<vmem>>
    %dma_start3A_108 = tpu.memref_squeeze %dma_start3A_107 : memref<1x8x128xi32, #tpu.memory_space<vmem>> -> memref<8x128xi32, #tpu.memory_space<vmem>>
    %dma_start3A_109 = arith.constant 0 : i32
    %dma_start3A_110 = tpu.memref_slice %arg2[%dma_start3A_96, %add3A_95, %dma_start3A_109] : memref<2x2560x128xi32, #tpu.memory_space<hbm>> -> memref<1x8x128xi32, #tpu.memory_space<hbm>>
    %dma_start3A_111 = tpu.memref_squeeze %dma_start3A_110 : memref<1x8x128xi32, #tpu.memory_space<hbm>> -> memref<8x128xi32, #tpu.memory_space<hbm>>
    tpu.enqueue_dma source(%dma_start3A_111 : memref<8x128xi32, #tpu.memory_space<hbm>>) target(%dma_start3A_108 : memref<8x128xi32, #tpu.memory_space<vmem>>) target_semaphore(%arg7 : memref<!tpu.dma_semaphore, #tpu.memory_space<semaphore_mem>>)
    %mul3A_112 = arith.constant 80 : i32
    %mul3A_113 = arith.muli %add3A, %mul3A_112 : i32
    %add3A_114 = arith.constant 0 : i32
    %add3A_115 = arith.addi %mul3A_113, %add3A_114 : i32
    %dma_wait3A_116 = arith.constant 1 : i32
    %dma_wait3A_117 = arith.constant 0 : i32
    %dma_wait3A_118 = arith.constant 0 : i32
    %dma_wait3A_119 = arith.constant 0 : i32
    %dma_wait3A_120 = tpu.memref_slice %arg5[%dma_wait3A_117, %dma_wait3A_118, %dma_wait3A_119] : memref<3x8x128xi32, #tpu.memory_space<vmem>> -> memref<1x8x128xi32, #tpu.memory_space<vmem>>
    %dma_wait3A_121 = tpu.memref_squeeze %dma_wait3A_120 : memref<1x8x128xi32, #tpu.memory_space<vmem>> -> memref<8x128xi32, #tpu.memory_space<vmem>>
    %dma_wait3A_122 = arith.constant 0 : i32
    %dma_wait3A_123 = tpu.memref_slice %arg2[%dma_wait3A_116, %add3A_115, %dma_wait3A_122] : memref<2x2560x128xi32, #tpu.memory_space<hbm>> -> memref<1x8x128xi32, #tpu.memory_space<hbm>>
    %dma_wait3A_124 = tpu.memref_squeeze %dma_wait3A_123 : memref<1x8x128xi32, #tpu.memory_space<hbm>> -> memref<8x128xi32, #tpu.memory_space<hbm>>
    %dma_wait3A_125 = arith.constant 0 : i32
    %dma_wait3A_126 = arith.constant 0 : i32
    %dma_wait3A_127 = tpu.memref_slice %arg5[%dma_wait3A_117, %dma_wait3A_125, %dma_wait3A_126] : memref<3x8x128xi32, #tpu.memory_space<vmem>> -> memref<1x8x128xi32, #tpu.memory_space<vmem>>
    %dma_wait3A_128 = tpu.memref_squeeze %dma_wait3A_127 : memref<1x8x128xi32, #tpu.memory_space<vmem>> -> memref<8x128xi32, #tpu.memory_space<vmem>>
    %dma_wait3A_129 = arith.constant 0 : i32
    %dma_wait3A_130 = tpu.memref_slice %arg2[%dma_wait3A_116, %add3A_115, %dma_wait3A_129] : memref<2x2560x128xi32, #tpu.memory_space<hbm>> -> memref<1x8x128xi32, #tpu.memory_space<hbm>>
    %dma_wait3A_131 = tpu.memref_squeeze %dma_wait3A_130 : memref<1x8x128xi32, #tpu.memory_space<hbm>> -> memref<8x128xi32, #tpu.memory_space<hbm>>
    tpu.wait_dma2 semaphore(%arg7 : memref<!tpu.dma_semaphore, #tpu.memory_space<semaphore_mem>>) src(%dma_wait3A_131 : memref<8x128xi32, #tpu.memory_space<hbm>>) dst(%dma_wait3A_128 : memref<8x128xi32, #tpu.memory_space<vmem>>)
    %scan3A_132 = arith.constant 0 : i32
    %scan3A_133 = arith.constant 0 : i32
    %scan3A_134 = arith.constant 3 : i32
    %scan3A_135 = arith.addi %scan3A_133, %scan3A_134 : i32
    %scan3A_136 = arith.constant 1 : i32
    %scan3A_137 = scf.for %scan3A_548 = %scan3A_133 to %scan3A_135 step %scan3A_136 iter_args(%scan3A_549 = %scan3A_132) -> (i32)  : i32 {
      %mul3A_550 = arith.constant 3 : i32
      %mul3A_551 = arith.muli %mul3A_550, %scan3A_548 : i32
      %ge3A = arith.constant 2 : i32
      %ge3A_552 = arith.cmpi sge, %mul3A_551, %ge3A : i32
      %convert_element_type3A = arith.extui %ge3A_552 : i1 to i32
      %cond3A = arith.constant 0 : i32
      %cond3A_553 = arith.cmpi ne, %convert_element_type3A, %cond3A : i32
      scf.if %cond3A_553 {
        %dma_wait3A_896 = arith.constant 1 : i32
        %dma_wait3A_897 = arith.constant 0 : i32
        %dma_wait3A_898 = arith.constant 0 : i32
        %dma_wait3A_899 = arith.constant 0 : i32
        %dma_wait3A_900 = tpu.memref_slice %arg5[%dma_wait3A_896, %dma_wait3A_898, %dma_wait3A_899] : memref<3x8x128xi32, #tpu.memory_space<vmem>> -> memref<1x8x128xi32, #tpu.memory_space<vmem>>
        %dma_wait3A_901 = tpu.memref_squeeze %dma_wait3A_900 : memref<1x8x128xi32, #tpu.memory_space<vmem>> -> memref<8x128xi32, #tpu.memory_space<vmem>>
        %dma_wait3A_902 = arith.constant 0 : i32
        %dma_wait3A_903 = tpu.memref_slice %dma_wait3A_901[%dma_wait3A_897, %dma_wait3A_902] : memref<8x128xi32, #tpu.memory_space<vmem>> -> memref<1x128xi32, #tpu.memory_space<vmem>>
        %dma_wait3A_904 = tpu.memref_squeeze %dma_wait3A_903 : memref<1x128xi32, #tpu.memory_space<vmem>> -> memref<128xi32, #tpu.memory_space<vmem>>
        %dma_wait3A_905 = arith.constant 0 : i32
        %dma_wait3A_906 = arith.constant 0 : i32
        %dma_wait3A_907 = tpu.memref_slice %arg4[%dma_wait3A_905, %dma_wait3A_906] : memref<10240x16xf32, #tpu.memory_space<vmem_shared>> -> memref<10240x16xf32, #tpu.memory_space<vmem_shared>>
        tpu.wait_indirect_dma semaphore(%arg8 : memref<!tpu.dma_semaphore, #tpu.memory_space<semaphore_mem>>) src(%arg6 : memref<128x16xf32, #tpu.memory_space<vmem>>) dst(%dma_wait3A_907 : memref<10240x16xf32, #tpu.memory_space<vmem_shared>>)
        %dma_wait3A_908 = arith.constant 1 : i32
        %dma_wait3A_909 = arith.constant 1 : i32
        %dma_wait3A_910 = arith.constant 0 : i32
        %dma_wait3A_911 = arith.constant 0 : i32
        %dma_wait3A_912 = tpu.memref_slice %arg5[%dma_wait3A_908, %dma_wait3A_910, %dma_wait3A_911] : memref<3x8x128xi32, #tpu.memory_space<vmem>> -> memref<1x8x128xi32, #tpu.memory_space<vmem>>
        %dma_wait3A_913 = tpu.memref_squeeze %dma_wait3A_912 : memref<1x8x128xi32, #tpu.memory_space<vmem>> -> memref<8x128xi32, #tpu.memory_space<vmem>>
        %dma_wait3A_914 = arith.constant 0 : i32
        %dma_wait3A_915 = tpu.memref_slice %dma_wait3A_913[%dma_wait3A_909, %dma_wait3A_914] : memref<8x128xi32, #tpu.memory_space<vmem>> -> memref<1x128xi32, #tpu.memory_space<vmem>>
        %dma_wait3A_916 = tpu.memref_squeeze %dma_wait3A_915 : memref<1x128xi32, #tpu.memory_space<vmem>> -> memref<128xi32, #tpu.memory_space<vmem>>
        %dma_wait3A_917 = arith.constant 0 : i32
        %dma_wait3A_918 = arith.constant 0 : i32
        %dma_wait3A_919 = tpu.memref_slice %arg4[%dma_wait3A_917, %dma_wait3A_918] : memref<10240x16xf32, #tpu.memory_space<vmem_shared>> -> memref<10240x16xf32, #tpu.memory_space<vmem_shared>>
        tpu.wait_indirect_dma semaphore(%arg8 : memref<!tpu.dma_semaphore, #tpu.memory_space<semaphore_mem>>) src(%arg6 : memref<128x16xf32, #tpu.memory_space<vmem>>) dst(%dma_wait3A_919 : memref<10240x16xf32, #tpu.memory_space<vmem_shared>>)
        %dma_wait3A_920 = arith.constant 1 : i32
        %dma_wait3A_921 = arith.constant 2 : i32
        %dma_wait3A_922 = arith.constant 0 : i32
        %dma_wait3A_923 = arith.constant 0 : i32
        %dma_wait3A_924 = tpu.memref_slice %arg5[%dma_wait3A_920, %dma_wait3A_922, %dma_wait3A_923] : memref<3x8x128xi32, #tpu.memory_space<vmem>> -> memref<1x8x128xi32, #tpu.memory_space<vmem>>
        %dma_wait3A_925 = tpu.memref_squeeze %dma_wait3A_924 : memref<1x8x128xi32, #tpu.memory_space<vmem>> -> memref<8x128xi32, #tpu.memory_space<vmem>>
        %dma_wait3A_926 = arith.constant 0 : i32
        %dma_wait3A_927 = tpu.memref_slice %dma_wait3A_925[%dma_wait3A_921, %dma_wait3A_926] : memref<8x128xi32, #tpu.memory_space<vmem>> -> memref<1x128xi32, #tpu.memory_space<vmem>>
        %dma_wait3A_928 = tpu.memref_squeeze %dma_wait3A_927 : memref<1x128xi32, #tpu.memory_space<vmem>> -> memref<128xi32, #tpu.memory_space<vmem>>
        %dma_wait3A_929 = arith.constant 0 : i32
        %dma_wait3A_930 = arith.constant 0 : i32
        %dma_wait3A_931 = tpu.memref_slice %arg4[%dma_wait3A_929, %dma_wait3A_930] : memref<10240x16xf32, #tpu.memory_space<vmem_shared>> -> memref<10240x16xf32, #tpu.memory_space<vmem_shared>>
        tpu.wait_indirect_dma semaphore(%arg8 : memref<!tpu.dma_semaphore, #tpu.memory_space<semaphore_mem>>) src(%arg6 : memref<128x16xf32, #tpu.memory_space<vmem>>) dst(%dma_wait3A_931 : memref<10240x16xf32, #tpu.memory_space<vmem_shared>>)
        %dma_wait3A_932 = arith.constant 1 : i32
        %dma_wait3A_933 = arith.constant 3 : i32
        %dma_wait3A_934 = arith.constant 0 : i32
        %dma_wait3A_935 = arith.constant 0 : i32
        %dma_wait3A_936 = tpu.memref_slice %arg5[%dma_wait3A_932, %dma_wait3A_934, %dma_wait3A_935] : memref<3x8x128xi32, #tpu.memory_space<vmem>> -> memref<1x8x128xi32, #tpu.memory_space<vmem>>
        %dma_wait3A_937 = tpu.memref_squeeze %dma_wait3A_936 : memref<1x8x128xi32, #tpu.memory_space<vmem>> -> memref<8x128xi32, #tpu.memory_space<vmem>>
        %dma_wait3A_938 = arith.constant 0 : i32
        %dma_wait3A_939 = tpu.memref_slice %dma_wait3A_937[%dma_wait3A_933, %dma_wait3A_938] : memref<8x128xi32, #tpu.memory_space<vmem>> -> memref<1x128xi32, #tpu.memory_space<vmem>>
        %dma_wait3A_940 = tpu.memref_squeeze %dma_wait3A_939 : memref<1x128xi32, #tpu.memory_space<vmem>> -> memref<128xi32, #tpu.memory_space<vmem>>
        %dma_wait3A_941 = arith.constant 0 : i32
        %dma_wait3A_942 = arith.constant 0 : i32
        %dma_wait3A_943 = tpu.memref_slice %arg4[%dma_wait3A_941, %dma_wait3A_942] : memref<10240x16xf32, #tpu.memory_space<vmem_shared>> -> memref<10240x16xf32, #tpu.memory_space<vmem_shared>>
        tpu.wait_indirect_dma semaphore(%arg8 : memref<!tpu.dma_semaphore, #tpu.memory_space<semaphore_mem>>) src(%arg6 : memref<128x16xf32, #tpu.memory_space<vmem>>) dst(%dma_wait3A_943 : memref<10240x16xf32, #tpu.memory_space<vmem_shared>>)
        %dma_wait3A_944 = arith.constant 1 : i32
        %dma_wait3A_945 = arith.constant 4 : i32
        %dma_wait3A_946 = arith.constant 0 : i32
        %dma_wait3A_947 = arith.constant 0 : i32
        %dma_wait3A_948 = tpu.memref_slice %arg5[%dma_wait3A_944, %dma_wait3A_946, %dma_wait3A_947] : memref<3x8x128xi32, #tpu.memory_space<vmem>> -> memref<1x8x128xi32, #tpu.memory_space<vmem>>
        %dma_wait3A_949 = tpu.memref_squeeze %dma_wait3A_948 : memref<1x8x128xi32, #tpu.memory_space<vmem>> -> memref<8x128xi32, #tpu.memory_space<vmem>>
        %dma_wait3A_950 = arith.constant 0 : i32
        %dma_wait3A_951 = tpu.memref_slice %dma_wait3A_949[%dma_wait3A_945, %dma_wait3A_950] : memref<8x128xi32, #tpu.memory_space<vmem>> -> memref<1x128xi32, #tpu.memory_space<vmem>>
        %dma_wait3A_952 = tpu.memref_squeeze %dma_wait3A_951 : memref<1x128xi32, #tpu.memory_space<vmem>> -> memref<128xi32, #tpu.memory_space<vmem>>
        %dma_wait3A_953 = arith.constant 0 : i32
        %dma_wait3A_954 = arith.constant 0 : i32
        %dma_wait3A_955 = tpu.memref_slice %arg4[%dma_wait3A_953, %dma_wait3A_954] : memref<10240x16xf32, #tpu.memory_space<vmem_shared>> -> memref<10240x16xf32, #tpu.memory_space<vmem_shared>>
        tpu.wait_indirect_dma semaphore(%arg8 : memref<!tpu.dma_semaphore, #tpu.memory_space<semaphore_mem>>) src(%arg6 : memref<128x16xf32, #tpu.memory_space<vmem>>) dst(%dma_wait3A_955 : memref<10240x16xf32, #tpu.memory_space<vmem_shared>>)
        %dma_wait3A_956 = arith.constant 1 : i32
        %dma_wait3A_957 = arith.constant 5 : i32
        %dma_wait3A_958 = arith.constant 0 : i32
        %dma_wait3A_959 = arith.constant 0 : i32
        %dma_wait3A_960 = tpu.memref_slice %arg5[%dma_wait3A_956, %dma_wait3A_958, %dma_wait3A_959] : memref<3x8x128xi32, #tpu.memory_space<vmem>> -> memref<1x8x128xi32, #tpu.memory_space<vmem>>
        %dma_wait3A_961 = tpu.memref_squeeze %dma_wait3A_960 : memref<1x8x128xi32, #tpu.memory_space<vmem>> -> memref<8x128xi32, #tpu.memory_space<vmem>>
        %dma_wait3A_962 = arith.constant 0 : i32
        %dma_wait3A_963 = tpu.memref_slice %dma_wait3A_961[%dma_wait3A_957, %dma_wait3A_962] : memref<8x128xi32, #tpu.memory_space<vmem>> -> memref<1x128xi32, #tpu.memory_space<vmem>>
        %dma_wait3A_964 = tpu.memref_squeeze %dma_wait3A_963 : memref<1x128xi32, #tpu.memory_space<vmem>> -> memref<128xi32, #tpu.memory_space<vmem>>
        %dma_wait3A_965 = arith.constant 0 : i32
        %dma_wait3A_966 = arith.constant 0 : i32
        %dma_wait3A_967 = tpu.memref_slice %arg4[%dma_wait3A_965, %dma_wait3A_966] : memref<10240x16xf32, #tpu.memory_space<vmem_shared>> -> memref<10240x16xf32, #tpu.memory_space<vmem_shared>>
        tpu.wait_indirect_dma semaphore(%arg8 : memref<!tpu.dma_semaphore, #tpu.memory_space<semaphore_mem>>) src(%arg6 : memref<128x16xf32, #tpu.memory_space<vmem>>) dst(%dma_wait3A_967 : memref<10240x16xf32, #tpu.memory_space<vmem_shared>>)
        %dma_wait3A_968 = arith.constant 1 : i32
        %dma_wait3A_969 = arith.constant 6 : i32
        %dma_wait3A_970 = arith.constant 0 : i32
        %dma_wait3A_971 = arith.constant 0 : i32
        %dma_wait3A_972 = tpu.memref_slice %arg5[%dma_wait3A_968, %dma_wait3A_970, %dma_wait3A_971] : memref<3x8x128xi32, #tpu.memory_space<vmem>> -> memref<1x8x128xi32, #tpu.memory_space<vmem>>
        %dma_wait3A_973 = tpu.memref_squeeze %dma_wait3A_972 : memref<1x8x128xi32, #tpu.memory_space<vmem>> -> memref<8x128xi32, #tpu.memory_space<vmem>>
        %dma_wait3A_974 = arith.constant 0 : i32
        %dma_wait3A_975 = tpu.memref_slice %dma_wait3A_973[%dma_wait3A_969, %dma_wait3A_974] : memref<8x128xi32, #tpu.memory_space<vmem>> -> memref<1x128xi32, #tpu.memory_space<vmem>>
        %dma_wait3A_976 = tpu.memref_squeeze %dma_wait3A_975 : memref<1x128xi32, #tpu.memory_space<vmem>> -> memref<128xi32, #tpu.memory_space<vmem>>
        %dma_wait3A_977 = arith.constant 0 : i32
        %dma_wait3A_978 = arith.constant 0 : i32
        %dma_wait3A_979 = tpu.memref_slice %arg4[%dma_wait3A_977, %dma_wait3A_978] : memref<10240x16xf32, #tpu.memory_space<vmem_shared>> -> memref<10240x16xf32, #tpu.memory_space<vmem_shared>>
        tpu.wait_indirect_dma semaphore(%arg8 : memref<!tpu.dma_semaphore, #tpu.memory_space<semaphore_mem>>) src(%arg6 : memref<128x16xf32, #tpu.memory_space<vmem>>) dst(%dma_wait3A_979 : memref<10240x16xf32, #tpu.memory_space<vmem_shared>>)
        %dma_wait3A_980 = arith.constant 1 : i32
        %dma_wait3A_981 = arith.constant 7 : i32
        %dma_wait3A_982 = arith.constant 0 : i32
        %dma_wait3A_983 = arith.constant 0 : i32
        %dma_wait3A_984 = tpu.memref_slice %arg5[%dma_wait3A_980, %dma_wait3A_982, %dma_wait3A_983] : memref<3x8x128xi32, #tpu.memory_space<vmem>> -> memref<1x8x128xi32, #tpu.memory_space<vmem>>
        %dma_wait3A_985 = tpu.memref_squeeze %dma_wait3A_984 : memref<1x8x128xi32, #tpu.memory_space<vmem>> -> memref<8x128xi32, #tpu.memory_space<vmem>>
        %dma_wait3A_986 = arith.constant 0 : i32
        %dma_wait3A_987 = tpu.memref_slice %dma_wait3A_985[%dma_wait3A_981, %dma_wait3A_986] : memref<8x128xi32, #tpu.memory_space<vmem>> -> memref<1x128xi32, #tpu.memory_space<vmem>>
        %dma_wait3A_988 = tpu.memref_squeeze %dma_wait3A_987 : memref<1x128xi32, #tpu.memory_space<vmem>> -> memref<128xi32, #tpu.memory_space<vmem>>
        %dma_wait3A_989 = arith.constant 0 : i32
        %dma_wait3A_990 = arith.constant 0 : i32
        %dma_wait3A_991 = tpu.memref_slice %arg4[%dma_wait3A_989, %dma_wait3A_990] : memref<10240x16xf32, #tpu.memory_space<vmem_shared>> -> memref<10240x16xf32, #tpu.memory_space<vmem_shared>>
        tpu.wait_indirect_dma semaphore(%arg8 : memref<!tpu.dma_semaphore, #tpu.memory_space<semaphore_mem>>) src(%arg6 : memref<128x16xf32, #tpu.memory_space<vmem>>) dst(%dma_wait3A_991 : memref<10240x16xf32, #tpu.memory_space<vmem_shared>>)
      } else {
      }
      %add3A_554 = arith.constant 1 : i32
      %add3A_555 = arith.addi %mul3A_551, %add3A_554 : i32
      %lt3A = arith.constant 10 : i32
      %lt3A_556 = arith.cmpi slt, %add3A_555, %lt3A : i32
      %convert_element_type3A_557 = arith.extui %lt3A_556 : i1 to i32
      %cond3A_558 = arith.constant 0 : i32
      %cond3A_559 = arith.cmpi ne, %convert_element_type3A_557, %cond3A_558 : i32
      scf.if %cond3A_559 {
        %add3A_896 = arith.constant 1 : i32
        %add3A_897 = arith.addi %mul3A_551, %add3A_896 : i32
        %mul3A_898 = arith.constant 80 : i32
        %mul3A_899 = arith.muli %add3A, %mul3A_898 : i32
        %mul3A_900 = arith.constant 8 : i32
        %mul3A_901 = arith.muli %mul3A_900, %add3A_897 : i32
        %add3A_902 = arith.addi %mul3A_899, %mul3A_901 : i32
        %dma_start3A_903 = arith.constant 1 : i32
        %dma_start3A_904 = arith.constant 1 : i32
        %dma_start3A_905 = arith.constant 0 : i32
        %dma_start3A_906 = arith.constant 0 : i32
        %dma_start3A_907 = tpu.memref_slice %arg5[%dma_start3A_904, %dma_start3A_905, %dma_start3A_906] : memref<3x8x128xi32, #tpu.memory_space<vmem>> -> memref<1x8x128xi32, #tpu.memory_space<vmem>>
        %dma_start3A_908 = tpu.memref_squeeze %dma_start3A_907 : memref<1x8x128xi32, #tpu.memory_space<vmem>> -> memref<8x128xi32, #tpu.memory_space<vmem>>
        %dma_start3A_909 = arith.constant 0 : i32
        %dma_start3A_910 = tpu.memref_slice %arg2[%dma_start3A_903, %add3A_902, %dma_start3A_909] : memref<2x2560x128xi32, #tpu.memory_space<hbm>> -> memref<1x8x128xi32, #tpu.memory_space<hbm>>
        %dma_start3A_911 = tpu.memref_squeeze %dma_start3A_910 : memref<1x8x128xi32, #tpu.memory_space<hbm>> -> memref<8x128xi32, #tpu.memory_space<hbm>>
        %dma_start3A_912 = arith.constant 0 : i32
        %dma_start3A_913 = arith.constant 0 : i32
        %dma_start3A_914 = tpu.memref_slice %arg5[%dma_start3A_904, %dma_start3A_912, %dma_start3A_913] : memref<3x8x128xi32, #tpu.memory_space<vmem>> -> memref<1x8x128xi32, #tpu.memory_space<vmem>>
        %dma_start3A_915 = tpu.memref_squeeze %dma_start3A_914 : memref<1x8x128xi32, #tpu.memory_space<vmem>> -> memref<8x128xi32, #tpu.memory_space<vmem>>
        %dma_start3A_916 = arith.constant 0 : i32
        %dma_start3A_917 = tpu.memref_slice %arg2[%dma_start3A_903, %add3A_902, %dma_start3A_916] : memref<2x2560x128xi32, #tpu.memory_space<hbm>> -> memref<1x8x128xi32, #tpu.memory_space<hbm>>
        %dma_start3A_918 = tpu.memref_squeeze %dma_start3A_917 : memref<1x8x128xi32, #tpu.memory_space<hbm>> -> memref<8x128xi32, #tpu.memory_space<hbm>>
        tpu.enqueue_dma source(%dma_start3A_918 : memref<8x128xi32, #tpu.memory_space<hbm>>) target(%dma_start3A_915 : memref<8x128xi32, #tpu.memory_space<vmem>>) target_semaphore(%arg7 : memref<!tpu.dma_semaphore, #tpu.memory_space<semaphore_mem>>)
      } else {
      }
      %ge3A_560 = arith.constant 1 : i32
      %ge3A_561 = arith.cmpi sge, %mul3A_551, %ge3A_560 : i32
      %convert_element_type3A_562 = arith.extui %ge3A_561 : i1 to i32
      %cond3A_563 = arith.constant 0 : i32
      %cond3A_564 = arith.cmpi ne, %convert_element_type3A_562, %cond3A_563 : i32
      scf.if %cond3A_564 {
        %mul3A_896 = arith.constant 80 : i32
        %mul3A_897 = arith.muli %add3A, %mul3A_896 : i32
        %mul3A_898 = arith.constant 8 : i32
        %mul3A_899 = arith.muli %mul3A_898, %mul3A_551 : i32
        %add3A_900 = arith.addi %mul3A_897, %mul3A_899 : i32
        %dma_wait3A_901 = arith.constant 1 : i32
        %dma_wait3A_902 = arith.constant 0 : i32
        %dma_wait3A_903 = arith.constant 0 : i32
        %dma_wait3A_904 = arith.constant 0 : i32
        %dma_wait3A_905 = tpu.memref_slice %arg5[%dma_wait3A_902, %dma_wait3A_903, %dma_wait3A_904] : memref<3x8x128xi32, #tpu.memory_space<vmem>> -> memref<1x8x128xi32, #tpu.memory_space<vmem>>
        %dma_wait3A_906 = tpu.memref_squeeze %dma_wait3A_905 : memref<1x8x128xi32, #tpu.memory_space<vmem>> -> memref<8x128xi32, #tpu.memory_space<vmem>>
        %dma_wait3A_907 = arith.constant 0 : i32
        %dma_wait3A_908 = tpu.memref_slice %arg2[%dma_wait3A_901, %add3A_900, %dma_wait3A_907] : memref<2x2560x128xi32, #tpu.memory_space<hbm>> -> memref<1x8x128xi32, #tpu.memory_space<hbm>>
        %dma_wait3A_909 = tpu.memref_squeeze %dma_wait3A_908 : memref<1x8x128xi32, #tpu.memory_space<hbm>> -> memref<8x128xi32, #tpu.memory_space<hbm>>
        %dma_wait3A_910 = arith.constant 0 : i32
        %dma_wait3A_911 = arith.constant 0 : i32
        %dma_wait3A_912 = tpu.memref_slice %arg5[%dma_wait3A_902, %dma_wait3A_910, %dma_wait3A_911] : memref<3x8x128xi32, #tpu.memory_space<vmem>> -> memref<1x8x128xi32, #tpu.memory_space<vmem>>
        %dma_wait3A_913 = tpu.memref_squeeze %dma_wait3A_912 : memref<1x8x128xi32, #tpu.memory_space<vmem>> -> memref<8x128xi32, #tpu.memory_space<vmem>>
        %dma_wait3A_914 = arith.constant 0 : i32
        %dma_wait3A_915 = tpu.memref_slice %arg2[%dma_wait3A_901, %add3A_900, %dma_wait3A_914] : memref<2x2560x128xi32, #tpu.memory_space<hbm>> -> memref<1x8x128xi32, #tpu.memory_space<hbm>>
        %dma_wait3A_916 = tpu.memref_squeeze %dma_wait3A_915 : memref<1x8x128xi32, #tpu.memory_space<hbm>> -> memref<8x128xi32, #tpu.memory_space<hbm>>
        tpu.wait_dma2 semaphore(%arg7 : memref<!tpu.dma_semaphore, #tpu.memory_space<semaphore_mem>>) src(%dma_wait3A_916 : memref<8x128xi32, #tpu.memory_space<hbm>>) dst(%dma_wait3A_913 : memref<8x128xi32, #tpu.memory_space<vmem>>)
      } else {
      }
      %dma_start3A_565 = arith.constant 0 : i32
      %dma_start3A_566 = arith.constant 0 : i32
      %dma_start3A_567 = arith.constant 0 : i32
      %dma_start3A_568 = arith.constant 0 : i32
      %dma_start3A_569 = tpu.memref_slice %arg5[%dma_start3A_565, %dma_start3A_567, %dma_start3A_568] : memref<3x8x128xi32, #tpu.memory_space<vmem>> -> memref<1x8x128xi32, #tpu.memory_space<vmem>>
      %dma_start3A_570 = tpu.memref_squeeze %dma_start3A_569 : memref<1x8x128xi32, #tpu.memory_space<vmem>> -> memref<8x128xi32, #tpu.memory_space<vmem>>
      %dma_start3A_571 = arith.constant 0 : i32
      %dma_start3A_572 = tpu.memref_slice %dma_start3A_570[%dma_start3A_566, %dma_start3A_571] : memref<8x128xi32, #tpu.memory_space<vmem>> -> memref<1x128xi32, #tpu.memory_space<vmem>>
      %dma_start3A_573 = tpu.memref_squeeze %dma_start3A_572 : memref<1x128xi32, #tpu.memory_space<vmem>> -> memref<128xi32, #tpu.memory_space<vmem>>
      %dma_start3A_574 = arith.constant 0 : i32
      %dma_start3A_575 = arith.constant 0 : i32
      %dma_start3A_576 = tpu.memref_slice %arg4[%dma_start3A_574, %dma_start3A_575] : memref<10240x16xf32, #tpu.memory_space<vmem_shared>> -> memref<10240x16xf32, #tpu.memory_space<vmem_shared>>
      tpu.enqueue_indirect_dma source(%arg6 : memref<128x16xf32, #tpu.memory_space<vmem>>) target(%dma_start3A_576 : memref<10240x16xf32, #tpu.memory_space<vmem_shared>>) offsets(%dma_start3A_573 : memref<128xi32, #tpu.memory_space<vmem>>) semaphore(%arg8 : memref<!tpu.dma_semaphore, #tpu.memory_space<semaphore_mem>>) {add = true}
      %dma_start3A_577 = arith.constant 0 : i32
      %dma_start3A_578 = arith.constant 1 : i32
      %dma_start3A_579 = arith.constant 0 : i32
      %dma_start3A_580 = arith.constant 0 : i32
      %dma_start3A_581 = tpu.memref_slice %arg5[%dma_start3A_577, %dma_start3A_579, %dma_start3A_580] : memref<3x8x128xi32, #tpu.memory_space<vmem>> -> memref<1x8x128xi32, #tpu.memory_space<vmem>>
      %dma_start3A_582 = tpu.memref_squeeze %dma_start3A_581 : memref<1x8x128xi32, #tpu.memory_space<vmem>> -> memref<8x128xi32, #tpu.memory_space<vmem>>
      %dma_start3A_583 = arith.constant 0 : i32
      %dma_start3A_584 = tpu.memref_slice %dma_start3A_582[%dma_start3A_578, %dma_start3A_583] : memref<8x128xi32, #tpu.memory_space<vmem>> -> memref<1x128xi32, #tpu.memory_space<vmem>>
      %dma_start3A_585 = tpu.memref_squeeze %dma_start3A_584 : memref<1x128xi32, #tpu.memory_space<vmem>> -> memref<128xi32, #tpu.memory_space<vmem>>
      %dma_start3A_586 = arith.constant 0 : i32
      %dma_start3A_587 = arith.constant 0 : i32
      %dma_start3A_588 = tpu.memref_slice %arg4[%dma_start3A_586, %dma_start3A_587] : memref<10240x16xf32, #tpu.memory_space<vmem_shared>> -> memref<10240x16xf32, #tpu.memory_space<vmem_shared>>
      tpu.enqueue_indirect_dma source(%arg6 : memref<128x16xf32, #tpu.memory_space<vmem>>) target(%dma_start3A_588 : memref<10240x16xf32, #tpu.memory_space<vmem_shared>>) offsets(%dma_start3A_585 : memref<128xi32, #tpu.memory_space<vmem>>) semaphore(%arg8 : memref<!tpu.dma_semaphore, #tpu.memory_space<semaphore_mem>>) {add = true}
      %dma_start3A_589 = arith.constant 0 : i32
      %dma_start3A_590 = arith.constant 2 : i32
      %dma_start3A_591 = arith.constant 0 : i32
      %dma_start3A_592 = arith.constant 0 : i32
      %dma_start3A_593 = tpu.memref_slice %arg5[%dma_start3A_589, %dma_start3A_591, %dma_start3A_592] : memref<3x8x128xi32, #tpu.memory_space<vmem>> -> memref<1x8x128xi32, #tpu.memory_space<vmem>>
      %dma_start3A_594 = tpu.memref_squeeze %dma_start3A_593 : memref<1x8x128xi32, #tpu.memory_space<vmem>> -> memref<8x128xi32, #tpu.memory_space<vmem>>
      %dma_start3A_595 = arith.constant 0 : i32
      %dma_start3A_596 = tpu.memref_slice %dma_start3A_594[%dma_start3A_590, %dma_start3A_595] : memref<8x128xi32, #tpu.memory_space<vmem>> -> memref<1x128xi32, #tpu.memory_space<vmem>>
      %dma_start3A_597 = tpu.memref_squeeze %dma_start3A_596 : memref<1x128xi32, #tpu.memory_space<vmem>> -> memref<128xi32, #tpu.memory_space<vmem>>
      %dma_start3A_598 = arith.constant 0 : i32
      %dma_start3A_599 = arith.constant 0 : i32
      %dma_start3A_600 = tpu.memref_slice %arg4[%dma_start3A_598, %dma_start3A_599] : memref<10240x16xf32, #tpu.memory_space<vmem_shared>> -> memref<10240x16xf32, #tpu.memory_space<vmem_shared>>
      tpu.enqueue_indirect_dma source(%arg6 : memref<128x16xf32, #tpu.memory_space<vmem>>) target(%dma_start3A_600 : memref<10240x16xf32, #tpu.memory_space<vmem_shared>>) offsets(%dma_start3A_597 : memref<128xi32, #tpu.memory_space<vmem>>) semaphore(%arg8 : memref<!tpu.dma_semaphore, #tpu.memory_space<semaphore_mem>>) {add = true}
      %dma_start3A_601 = arith.constant 0 : i32
      %dma_start3A_602 = arith.constant 3 : i32
      %dma_start3A_603 = arith.constant 0 : i32
      %dma_start3A_604 = arith.constant 0 : i32
      %dma_start3A_605 = tpu.memref_slice %arg5[%dma_start3A_601, %dma_start3A_603, %dma_start3A_604] : memref<3x8x128xi32, #tpu.memory_space<vmem>> -> memref<1x8x128xi32, #tpu.memory_space<vmem>>
      %dma_start3A_606 = tpu.memref_squeeze %dma_start3A_605 : memref<1x8x128xi32, #tpu.memory_space<vmem>> -> memref<8x128xi32, #tpu.memory_space<vmem>>
      %dma_start3A_607 = arith.constant 0 : i32
      %dma_start3A_608 = tpu.memref_slice %dma_start3A_606[%dma_start3A_602, %dma_start3A_607] : memref<8x128xi32, #tpu.memory_space<vmem>> -> memref<1x128xi32, #tpu.memory_space<vmem>>
      %dma_start3A_609 = tpu.memref_squeeze %dma_start3A_608 : memref<1x128xi32, #tpu.memory_space<vmem>> -> memref<128xi32, #tpu.memory_space<vmem>>
      %dma_start3A_610 = arith.constant 0 : i32
      %dma_start3A_611 = arith.constant 0 : i32
      %dma_start3A_612 = tpu.memref_slice %arg4[%dma_start3A_610, %dma_start3A_611] : memref<10240x16xf32, #tpu.memory_space<vmem_shared>> -> memref<10240x16xf32, #tpu.memory_space<vmem_shared>>
      tpu.enqueue_indirect_dma source(%arg6 : memref<128x16xf32, #tpu.memory_space<vmem>>) target(%dma_start3A_612 : memref<10240x16xf32, #tpu.memory_space<vmem_shared>>) offsets(%dma_start3A_609 : memref<128xi32, #tpu.memory_space<vmem>>) semaphore(%arg8 : memref<!tpu.dma_semaphore, #tpu.memory_space<semaphore_mem>>) {add = true}
      %dma_start3A_613 = arith.constant 0 : i32
      %dma_start3A_614 = arith.constant 4 : i32
      %dma_start3A_615 = arith.constant 0 : i32
      %dma_start3A_616 = arith.constant 0 : i32
      %dma_start3A_617 = tpu.memref_slice %arg5[%dma_start3A_613, %dma_start3A_615, %dma_start3A_616] : memref<3x8x128xi32, #tpu.memory_space<vmem>> -> memref<1x8x128xi32, #tpu.memory_space<vmem>>
      %dma_start3A_618 = tpu.memref_squeeze %dma_start3A_617 : memref<1x8x128xi32, #tpu.memory_space<vmem>> -> memref<8x128xi32, #tpu.memory_space<vmem>>
      %dma_start3A_619 = arith.constant 0 : i32
      %dma_start3A_620 = tpu.memref_slice %dma_start3A_618[%dma_start3A_614, %dma_start3A_619] : memref<8x128xi32, #tpu.memory_space<vmem>> -> memref<1x128xi32, #tpu.memory_space<vmem>>
      %dma_start3A_621 = tpu.memref_squeeze %dma_start3A_620 : memref<1x128xi32, #tpu.memory_space<vmem>> -> memref<128xi32, #tpu.memory_space<vmem>>
      %dma_start3A_622 = arith.constant 0 : i32
      %dma_start3A_623 = arith.constant 0 : i32
      %dma_start3A_624 = tpu.memref_slice %arg4[%dma_start3A_622, %dma_start3A_623] : memref<10240x16xf32, #tpu.memory_space<vmem_shared>> -> memref<10240x16xf32, #tpu.memory_space<vmem_shared>>
      tpu.enqueue_indirect_dma source(%arg6 : memref<128x16xf32, #tpu.memory_space<vmem>>) target(%dma_start3A_624 : memref<10240x16xf32, #tpu.memory_space<vmem_shared>>) offsets(%dma_start3A_621 : memref<128xi32, #tpu.memory_space<vmem>>) semaphore(%arg8 : memref<!tpu.dma_semaphore, #tpu.memory_space<semaphore_mem>>) {add = true}
      %dma_start3A_625 = arith.constant 0 : i32
      %dma_start3A_626 = arith.constant 5 : i32
      %dma_start3A_627 = arith.constant 0 : i32
      %dma_start3A_628 = arith.constant 0 : i32
      %dma_start3A_629 = tpu.memref_slice %arg5[%dma_start3A_625, %dma_start3A_627, %dma_start3A_628] : memref<3x8x128xi32, #tpu.memory_space<vmem>> -> memref<1x8x128xi32, #tpu.memory_space<vmem>>
      %dma_start3A_630 = tpu.memref_squeeze %dma_start3A_629 : memref<1x8x128xi32, #tpu.memory_space<vmem>> -> memref<8x128xi32, #tpu.memory_space<vmem>>
      %dma_start3A_631 = arith.constant 0 : i32
      %dma_start3A_632 = tpu.memref_slice %dma_start3A_630[%dma_start3A_626, %dma_start3A_631] : memref<8x128xi32, #tpu.memory_space<vmem>> -> memref<1x128xi32, #tpu.memory_space<vmem>>
      %dma_start3A_633 = tpu.memref_squeeze %dma_start3A_632 : memref<1x128xi32, #tpu.memory_space<vmem>> -> memref<128xi32, #tpu.memory_space<vmem>>
      %dma_start3A_634 = arith.constant 0 : i32
      %dma_start3A_635 = arith.constant 0 : i32
      %dma_start3A_636 = tpu.memref_slice %arg4[%dma_start3A_634, %dma_start3A_635] : memref<10240x16xf32, #tpu.memory_space<vmem_shared>> -> memref<10240x16xf32, #tpu.memory_space<vmem_shared>>
      tpu.enqueue_indirect_dma source(%arg6 : memref<128x16xf32, #tpu.memory_space<vmem>>) target(%dma_start3A_636 : memref<10240x16xf32, #tpu.memory_space<vmem_shared>>) offsets(%dma_start3A_633 : memref<128xi32, #tpu.memory_space<vmem>>) semaphore(%arg8 : memref<!tpu.dma_semaphore, #tpu.memory_space<semaphore_mem>>) {add = true}
      %dma_start3A_637 = arith.constant 0 : i32
      %dma_start3A_638 = arith.constant 6 : i32
      %dma_start3A_639 = arith.constant 0 : i32
      %dma_start3A_640 = arith.constant 0 : i32
      %dma_start3A_641 = tpu.memref_slice %arg5[%dma_start3A_637, %dma_start3A_639, %dma_start3A_640] : memref<3x8x128xi32, #tpu.memory_space<vmem>> -> memref<1x8x128xi32, #tpu.memory_space<vmem>>
      %dma_start3A_642 = tpu.memref_squeeze %dma_start3A_641 : memref<1x8x128xi32, #tpu.memory_space<vmem>> -> memref<8x128xi32, #tpu.memory_space<vmem>>
      %dma_start3A_643 = arith.constant 0 : i32
      %dma_start3A_644 = tpu.memref_slice %dma_start3A_642[%dma_start3A_638, %dma_start3A_643] : memref<8x128xi32, #tpu.memory_space<vmem>> -> memref<1x128xi32, #tpu.memory_space<vmem>>
      %dma_start3A_645 = tpu.memref_squeeze %dma_start3A_644 : memref<1x128xi32, #tpu.memory_space<vmem>> -> memref<128xi32, #tpu.memory_space<vmem>>
      %dma_start3A_646 = arith.constant 0 : i32
      %dma_start3A_647 = arith.constant 0 : i32
      %dma_start3A_648 = tpu.memref_slice %arg4[%dma_start3A_646, %dma_start3A_647] : memref<10240x16xf32, #tpu.memory_space<vmem_shared>> -> memref<10240x16xf32, #tpu.memory_space<vmem_shared>>
      tpu.enqueue_indirect_dma source(%arg6 : memref<128x16xf32, #tpu.memory_space<vmem>>) target(%dma_start3A_648 : memref<10240x16xf32, #tpu.memory_space<vmem_shared>>) offsets(%dma_start3A_645 : memref<128xi32, #tpu.memory_space<vmem>>) semaphore(%arg8 : memref<!tpu.dma_semaphore, #tpu.memory_space<semaphore_mem>>) {add = true}
      %dma_start3A_649 = arith.constant 0 : i32
      %dma_start3A_650 = arith.constant 7 : i32
      %dma_start3A_651 = arith.constant 0 : i32
      %dma_start3A_652 = arith.constant 0 : i32
      %dma_start3A_653 = tpu.memref_slice %arg5[%dma_start3A_649, %dma_start3A_651, %dma_start3A_652] : memref<3x8x128xi32, #tpu.memory_space<vmem>> -> memref<1x8x128xi32, #tpu.memory_space<vmem>>
      %dma_start3A_654 = tpu.memref_squeeze %dma_start3A_653 : memref<1x8x128xi32, #tpu.memory_space<vmem>> -> memref<8x128xi32, #tpu.memory_space<vmem>>
      %dma_start3A_655 = arith.constant 0 : i32
      %dma_start3A_656 = tpu.memref_slice %dma_start3A_654[%dma_start3A_650, %dma_start3A_655] : memref<8x128xi32, #tpu.memory_space<vmem>> -> memref<1x128xi32, #tpu.memory_space<vmem>>
      %dma_start3A_657 = tpu.memref_squeeze %dma_start3A_656 : memref<1x128xi32, #tpu.memory_space<vmem>> -> memref<128xi32, #tpu.memory_space<vmem>>
      %dma_start3A_658 = arith.constant 0 : i32
      %dma_start3A_659 = arith.constant 0 : i32
      %dma_start3A_660 = tpu.memref_slice %arg4[%dma_start3A_658, %dma_start3A_659] : memref<10240x16xf32, #tpu.memory_space<vmem_shared>> -> memref<10240x16xf32, #tpu.memory_space<vmem_shared>>
      tpu.enqueue_indirect_dma source(%arg6 : memref<128x16xf32, #tpu.memory_space<vmem>>) target(%dma_start3A_660 : memref<10240x16xf32, #tpu.memory_space<vmem_shared>>) offsets(%dma_start3A_657 : memref<128xi32, #tpu.memory_space<vmem>>) semaphore(%arg8 : memref<!tpu.dma_semaphore, #tpu.memory_space<semaphore_mem>>) {add = true}
      %mul3A_661 = arith.constant 3 : i32
      %mul3A_662 = arith.muli %mul3A_661, %scan3A_548 : i32
      %add3A_663 = arith.constant 1 : i32
      %add3A_664 = arith.addi %mul3A_662, %add3A_663 : i32
      %ge3A_665 = arith.constant 2 : i32
      %ge3A_666 = arith.cmpi sge, %add3A_664, %ge3A_665 : i32
      %convert_element_type3A_667 = arith.extui %ge3A_666 : i1 to i32
      %cond3A_668 = arith.constant 0 : i32
      %cond3A_669 = arith.cmpi ne, %convert_element_type3A_667, %cond3A_668 : i32
      scf.if %cond3A_669 {
        %dma_wait3A_896 = arith.constant 2 : i32
        %dma_wait3A_897 = arith.constant 0 : i32
        %dma_wait3A_898 = arith.constant 0 : i32
        %dma_wait3A_899 = arith.constant 0 : i32
        %dma_wait3A_900 = tpu.memref_slice %arg5[%dma_wait3A_896, %dma_wait3A_898, %dma_wait3A_899] : memref<3x8x128xi32, #tpu.memory_space<vmem>> -> memref<1x8x128xi32, #tpu.memory_space<vmem>>
        %dma_wait3A_901 = tpu.memref_squeeze %dma_wait3A_900 : memref<1x8x128xi32, #tpu.memory_space<vmem>> -> memref<8x128xi32, #tpu.memory_space<vmem>>
        %dma_wait3A_902 = arith.constant 0 : i32
        %dma_wait3A_903 = tpu.memref_slice %dma_wait3A_901[%dma_wait3A_897, %dma_wait3A_902] : memref<8x128xi32, #tpu.memory_space<vmem>> -> memref<1x128xi32, #tpu.memory_space<vmem>>
        %dma_wait3A_904 = tpu.memref_squeeze %dma_wait3A_903 : memref<1x128xi32, #tpu.memory_space<vmem>> -> memref<128xi32, #tpu.memory_space<vmem>>
        %dma_wait3A_905 = arith.constant 0 : i32
        %dma_wait3A_906 = arith.constant 0 : i32
        %dma_wait3A_907 = tpu.memref_slice %arg4[%dma_wait3A_905, %dma_wait3A_906] : memref<10240x16xf32, #tpu.memory_space<vmem_shared>> -> memref<10240x16xf32, #tpu.memory_space<vmem_shared>>
        tpu.wait_indirect_dma semaphore(%arg8 : memref<!tpu.dma_semaphore, #tpu.memory_space<semaphore_mem>>) src(%arg6 : memref<128x16xf32, #tpu.memory_space<vmem>>) dst(%dma_wait3A_907 : memref<10240x16xf32, #tpu.memory_space<vmem_shared>>)
        %dma_wait3A_908 = arith.constant 2 : i32
        %dma_wait3A_909 = arith.constant 1 : i32
        %dma_wait3A_910 = arith.constant 0 : i32
        %dma_wait3A_911 = arith.constant 0 : i32
        %dma_wait3A_912 = tpu.memref_slice %arg5[%dma_wait3A_908, %dma_wait3A_910, %dma_wait3A_911] : memref<3x8x128xi32, #tpu.memory_space<vmem>> -> memref<1x8x128xi32, #tpu.memory_space<vmem>>
        %dma_wait3A_913 = tpu.memref_squeeze %dma_wait3A_912 : memref<1x8x128xi32, #tpu.memory_space<vmem>> -> memref<8x128xi32, #tpu.memory_space<vmem>>
        %dma_wait3A_914 = arith.constant 0 : i32
        %dma_wait3A_915 = tpu.memref_slice %dma_wait3A_913[%dma_wait3A_909, %dma_wait3A_914] : memref<8x128xi32, #tpu.memory_space<vmem>> -> memref<1x128xi32, #tpu.memory_space<vmem>>
        %dma_wait3A_916 = tpu.memref_squeeze %dma_wait3A_915 : memref<1x128xi32, #tpu.memory_space<vmem>> -> memref<128xi32, #tpu.memory_space<vmem>>
        %dma_wait3A_917 = arith.constant 0 : i32
        %dma_wait3A_918 = arith.constant 0 : i32
        %dma_wait3A_919 = tpu.memref_slice %arg4[%dma_wait3A_917, %dma_wait3A_918] : memref<10240x16xf32, #tpu.memory_space<vmem_shared>> -> memref<10240x16xf32, #tpu.memory_space<vmem_shared>>
        tpu.wait_indirect_dma semaphore(%arg8 : memref<!tpu.dma_semaphore, #tpu.memory_space<semaphore_mem>>) src(%arg6 : memref<128x16xf32, #tpu.memory_space<vmem>>) dst(%dma_wait3A_919 : memref<10240x16xf32, #tpu.memory_space<vmem_shared>>)
        %dma_wait3A_920 = arith.constant 2 : i32
        %dma_wait3A_921 = arith.constant 2 : i32
        %dma_wait3A_922 = arith.constant 0 : i32
        %dma_wait3A_923 = arith.constant 0 : i32
        %dma_wait3A_924 = tpu.memref_slice %arg5[%dma_wait3A_920, %dma_wait3A_922, %dma_wait3A_923] : memref<3x8x128xi32, #tpu.memory_space<vmem>> -> memref<1x8x128xi32, #tpu.memory_space<vmem>>
        %dma_wait3A_925 = tpu.memref_squeeze %dma_wait3A_924 : memref<1x8x128xi32, #tpu.memory_space<vmem>> -> memref<8x128xi32, #tpu.memory_space<vmem>>
        %dma_wait3A_926 = arith.constant 0 : i32
        %dma_wait3A_927 = tpu.memref_slice %dma_wait3A_925[%dma_wait3A_921, %dma_wait3A_926] : memref<8x128xi32, #tpu.memory_space<vmem>> -> memref<1x128xi32, #tpu.memory_space<vmem>>
        %dma_wait3A_928 = tpu.memref_squeeze %dma_wait3A_927 : memref<1x128xi32, #tpu.memory_space<vmem>> -> memref<128xi32, #tpu.memory_space<vmem>>
        %dma_wait3A_929 = arith.constant 0 : i32
        %dma_wait3A_930 = arith.constant 0 : i32
        %dma_wait3A_931 = tpu.memref_slice %arg4[%dma_wait3A_929, %dma_wait3A_930] : memref<10240x16xf32, #tpu.memory_space<vmem_shared>> -> memref<10240x16xf32, #tpu.memory_space<vmem_shared>>
        tpu.wait_indirect_dma semaphore(%arg8 : memref<!tpu.dma_semaphore, #tpu.memory_space<semaphore_mem>>) src(%arg6 : memref<128x16xf32, #tpu.memory_space<vmem>>) dst(%dma_wait3A_931 : memref<10240x16xf32, #tpu.memory_space<vmem_shared>>)
        %dma_wait3A_932 = arith.constant 2 : i32
        %dma_wait3A_933 = arith.constant 3 : i32
        %dma_wait3A_934 = arith.constant 0 : i32
        %dma_wait3A_935 = arith.constant 0 : i32
        %dma_wait3A_936 = tpu.memref_slice %arg5[%dma_wait3A_932, %dma_wait3A_934, %dma_wait3A_935] : memref<3x8x128xi32, #tpu.memory_space<vmem>> -> memref<1x8x128xi32, #tpu.memory_space<vmem>>
        %dma_wait3A_937 = tpu.memref_squeeze %dma_wait3A_936 : memref<1x8x128xi32, #tpu.memory_space<vmem>> -> memref<8x128xi32, #tpu.memory_space<vmem>>
        %dma_wait3A_938 = arith.constant 0 : i32
        %dma_wait3A_939 = tpu.memref_slice %dma_wait3A_937[%dma_wait3A_933, %dma_wait3A_938] : memref<8x128xi32, #tpu.memory_space<vmem>> -> memref<1x128xi32, #tpu.memory_space<vmem>>
        %dma_wait3A_940 = tpu.memref_squeeze %dma_wait3A_939 : memref<1x128xi32, #tpu.memory_space<vmem>> -> memref<128xi32, #tpu.memory_space<vmem>>
        %dma_wait3A_941 = arith.constant 0 : i32
        %dma_wait3A_942 = arith.constant 0 : i32
        %dma_wait3A_943 = tpu.memref_slice %arg4[%dma_wait3A_941, %dma_wait3A_942] : memref<10240x16xf32, #tpu.memory_space<vmem_shared>> -> memref<10240x16xf32, #tpu.memory_space<vmem_shared>>
        tpu.wait_indirect_dma semaphore(%arg8 : memref<!tpu.dma_semaphore, #tpu.memory_space<semaphore_mem>>) src(%arg6 : memref<128x16xf32, #tpu.memory_space<vmem>>) dst(%dma_wait3A_943 : memref<10240x16xf32, #tpu.memory_space<vmem_shared>>)
        %dma_wait3A_944 = arith.constant 2 : i32
        %dma_wait3A_945 = arith.constant 4 : i32
        %dma_wait3A_946 = arith.constant 0 : i32
        %dma_wait3A_947 = arith.constant 0 : i32
        %dma_wait3A_948 = tpu.memref_slice %arg5[%dma_wait3A_944, %dma_wait3A_946, %dma_wait3A_947] : memref<3x8x128xi32, #tpu.memory_space<vmem>> -> memref<1x8x128xi32, #tpu.memory_space<vmem>>
        %dma_wait3A_949 = tpu.memref_squeeze %dma_wait3A_948 : memref<1x8x128xi32, #tpu.memory_space<vmem>> -> memref<8x128xi32, #tpu.memory_space<vmem>>
        %dma_wait3A_950 = arith.constant 0 : i32
        %dma_wait3A_951 = tpu.memref_slice %dma_wait3A_949[%dma_wait3A_945, %dma_wait3A_950] : memref<8x128xi32, #tpu.memory_space<vmem>> -> memref<1x128xi32, #tpu.memory_space<vmem>>
        %dma_wait3A_952 = tpu.memref_squeeze %dma_wait3A_951 : memref<1x128xi32, #tpu.memory_space<vmem>> -> memref<128xi32, #tpu.memory_space<vmem>>
        %dma_wait3A_953 = arith.constant 0 : i32
        %dma_wait3A_954 = arith.constant 0 : i32
        %dma_wait3A_955 = tpu.memref_slice %arg4[%dma_wait3A_953, %dma_wait3A_954] : memref<10240x16xf32, #tpu.memory_space<vmem_shared>> -> memref<10240x16xf32, #tpu.memory_space<vmem_shared>>
        tpu.wait_indirect_dma semaphore(%arg8 : memref<!tpu.dma_semaphore, #tpu.memory_space<semaphore_mem>>) src(%arg6 : memref<128x16xf32, #tpu.memory_space<vmem>>) dst(%dma_wait3A_955 : memref<10240x16xf32, #tpu.memory_space<vmem_shared>>)
        %dma_wait3A_956 = arith.constant 2 : i32
        %dma_wait3A_957 = arith.constant 5 : i32
        %dma_wait3A_958 = arith.constant 0 : i32
        %dma_wait3A_959 = arith.constant 0 : i32
        %dma_wait3A_960 = tpu.memref_slice %arg5[%dma_wait3A_956, %dma_wait3A_958, %dma_wait3A_959] : memref<3x8x128xi32, #tpu.memory_space<vmem>> -> memref<1x8x128xi32, #tpu.memory_space<vmem>>
        %dma_wait3A_961 = tpu.memref_squeeze %dma_wait3A_960 : memref<1x8x128xi32, #tpu.memory_space<vmem>> -> memref<8x128xi32, #tpu.memory_space<vmem>>
        %dma_wait3A_962 = arith.constant 0 : i32
        %dma_wait3A_963 = tpu.memref_slice %dma_wait3A_961[%dma_wait3A_957, %dma_wait3A_962] : memref<8x128xi32, #tpu.memory_space<vmem>> -> memref<1x128xi32, #tpu.memory_space<vmem>>
        %dma_wait3A_964 = tpu.memref_squeeze %dma_wait3A_963 : memref<1x128xi32, #tpu.memory_space<vmem>> -> memref<128xi32, #tpu.memory_space<vmem>>
        %dma_wait3A_965 = arith.constant 0 : i32
        %dma_wait3A_966 = arith.constant 0 : i32
        %dma_wait3A_967 = tpu.memref_slice %arg4[%dma_wait3A_965, %dma_wait3A_966] : memref<10240x16xf32, #tpu.memory_space<vmem_shared>> -> memref<10240x16xf32, #tpu.memory_space<vmem_shared>>
        tpu.wait_indirect_dma semaphore(%arg8 : memref<!tpu.dma_semaphore, #tpu.memory_space<semaphore_mem>>) src(%arg6 : memref<128x16xf32, #tpu.memory_space<vmem>>) dst(%dma_wait3A_967 : memref<10240x16xf32, #tpu.memory_space<vmem_shared>>)
        %dma_wait3A_968 = arith.constant 2 : i32
        %dma_wait3A_969 = arith.constant 6 : i32
        %dma_wait3A_970 = arith.constant 0 : i32
        %dma_wait3A_971 = arith.constant 0 : i32
        %dma_wait3A_972 = tpu.memref_slice %arg5[%dma_wait3A_968, %dma_wait3A_970, %dma_wait3A_971] : memref<3x8x128xi32, #tpu.memory_space<vmem>> -> memref<1x8x128xi32, #tpu.memory_space<vmem>>
        %dma_wait3A_973 = tpu.memref_squeeze %dma_wait3A_972 : memref<1x8x128xi32, #tpu.memory_space<vmem>> -> memref<8x128xi32, #tpu.memory_space<vmem>>
        %dma_wait3A_974 = arith.constant 0 : i32
        %dma_wait3A_975 = tpu.memref_slice %dma_wait3A_973[%dma_wait3A_969, %dma_wait3A_974] : memref<8x128xi32, #tpu.memory_space<vmem>> -> memref<1x128xi32, #tpu.memory_space<vmem>>
        %dma_wait3A_976 = tpu.memref_squeeze %dma_wait3A_975 : memref<1x128xi32, #tpu.memory_space<vmem>> -> memref<128xi32, #tpu.memory_space<vmem>>
        %dma_wait3A_977 = arith.constant 0 : i32
        %dma_wait3A_978 = arith.constant 0 : i32
        %dma_wait3A_979 = tpu.memref_slice %arg4[%dma_wait3A_977, %dma_wait3A_978] : memref<10240x16xf32, #tpu.memory_space<vmem_shared>> -> memref<10240x16xf32, #tpu.memory_space<vmem_shared>>
        tpu.wait_indirect_dma semaphore(%arg8 : memref<!tpu.dma_semaphore, #tpu.memory_space<semaphore_mem>>) src(%arg6 : memref<128x16xf32, #tpu.memory_space<vmem>>) dst(%dma_wait3A_979 : memref<10240x16xf32, #tpu.memory_space<vmem_shared>>)
        %dma_wait3A_980 = arith.constant 2 : i32
        %dma_wait3A_981 = arith.constant 7 : i32
        %dma_wait3A_982 = arith.constant 0 : i32
        %dma_wait3A_983 = arith.constant 0 : i32
        %dma_wait3A_984 = tpu.memref_slice %arg5[%dma_wait3A_980, %dma_wait3A_982, %dma_wait3A_983] : memref<3x8x128xi32, #tpu.memory_space<vmem>> -> memref<1x8x128xi32, #tpu.memory_space<vmem>>
        %dma_wait3A_985 = tpu.memref_squeeze %dma_wait3A_984 : memref<1x8x128xi32, #tpu.memory_space<vmem>> -> memref<8x128xi32, #tpu.memory_space<vmem>>
        %dma_wait3A_986 = arith.constant 0 : i32
        %dma_wait3A_987 = tpu.memref_slice %dma_wait3A_985[%dma_wait3A_981, %dma_wait3A_986] : memref<8x128xi32, #tpu.memory_space<vmem>> -> memref<1x128xi32, #tpu.memory_space<vmem>>
        %dma_wait3A_988 = tpu.memref_squeeze %dma_wait3A_987 : memref<1x128xi32, #tpu.memory_space<vmem>> -> memref<128xi32, #tpu.memory_space<vmem>>
        %dma_wait3A_989 = arith.constant 0 : i32
        %dma_wait3A_990 = arith.constant 0 : i32
        %dma_wait3A_991 = tpu.memref_slice %arg4[%dma_wait3A_989, %dma_wait3A_990] : memref<10240x16xf32, #tpu.memory_space<vmem_shared>> -> memref<10240x16xf32, #tpu.memory_space<vmem_shared>>
        tpu.wait_indirect_dma semaphore(%arg8 : memref<!tpu.dma_semaphore, #tpu.memory_space<semaphore_mem>>) src(%arg6 : memref<128x16xf32, #tpu.memory_space<vmem>>) dst(%dma_wait3A_991 : memref<10240x16xf32, #tpu.memory_space<vmem_shared>>)
      } else {
      }
      %add3A_670 = arith.constant 1 : i32
      %add3A_671 = arith.addi %add3A_664, %add3A_670 : i32
      %lt3A_672 = arith.constant 10 : i32
      %lt3A_673 = arith.cmpi slt, %add3A_671, %lt3A_672 : i32
      %convert_element_type3A_674 = arith.extui %lt3A_673 : i1 to i32
      %cond3A_675 = arith.constant 0 : i32
      %cond3A_676 = arith.cmpi ne, %convert_element_type3A_674, %cond3A_675 : i32
      scf.if %cond3A_676 {
        %add3A_896 = arith.constant 1 : i32
        %add3A_897 = arith.addi %add3A_664, %add3A_896 : i32
        %mul3A_898 = arith.constant 80 : i32
        %mul3A_899 = arith.muli %add3A, %mul3A_898 : i32
        %mul3A_900 = arith.constant 8 : i32
        %mul3A_901 = arith.muli %mul3A_900, %add3A_897 : i32
        %add3A_902 = arith.addi %mul3A_899, %mul3A_901 : i32
        %dma_start3A_903 = arith.constant 1 : i32
        %dma_start3A_904 = arith.constant 2 : i32
        %dma_start3A_905 = arith.constant 0 : i32
        %dma_start3A_906 = arith.constant 0 : i32
        %dma_start3A_907 = tpu.memref_slice %arg5[%dma_start3A_904, %dma_start3A_905, %dma_start3A_906] : memref<3x8x128xi32, #tpu.memory_space<vmem>> -> memref<1x8x128xi32, #tpu.memory_space<vmem>>
        %dma_start3A_908 = tpu.memref_squeeze %dma_start3A_907 : memref<1x8x128xi32, #tpu.memory_space<vmem>> -> memref<8x128xi32, #tpu.memory_space<vmem>>
        %dma_start3A_909 = arith.constant 0 : i32
        %dma_start3A_910 = tpu.memref_slice %arg2[%dma_start3A_903, %add3A_902, %dma_start3A_909] : memref<2x2560x128xi32, #tpu.memory_space<hbm>> -> memref<1x8x128xi32, #tpu.memory_space<hbm>>
        %dma_start3A_911 = tpu.memref_squeeze %dma_start3A_910 : memref<1x8x128xi32, #tpu.memory_space<hbm>> -> memref<8x128xi32, #tpu.memory_space<hbm>>
        %dma_start3A_912 = arith.constant 0 : i32
        %dma_start3A_913 = arith.constant 0 : i32
        %dma_start3A_914 = tpu.memref_slice %arg5[%dma_start3A_904, %dma_start3A_912, %dma_start3A_913] : memref<3x8x128xi32, #tpu.memory_space<vmem>> -> memref<1x8x128xi32, #tpu.memory_space<vmem>>
        %dma_start3A_915 = tpu.memref_squeeze %dma_start3A_914 : memref<1x8x128xi32, #tpu.memory_space<vmem>> -> memref<8x128xi32, #tpu.memory_space<vmem>>
        %dma_start3A_916 = arith.constant 0 : i32
        %dma_start3A_917 = tpu.memref_slice %arg2[%dma_start3A_903, %add3A_902, %dma_start3A_916] : memref<2x2560x128xi32, #tpu.memory_space<hbm>> -> memref<1x8x128xi32, #tpu.memory_space<hbm>>
        %dma_start3A_918 = tpu.memref_squeeze %dma_start3A_917 : memref<1x8x128xi32, #tpu.memory_space<hbm>> -> memref<8x128xi32, #tpu.memory_space<hbm>>
        tpu.enqueue_dma source(%dma_start3A_918 : memref<8x128xi32, #tpu.memory_space<hbm>>) target(%dma_start3A_915 : memref<8x128xi32, #tpu.memory_space<vmem>>) target_semaphore(%arg7 : memref<!tpu.dma_semaphore, #tpu.memory_space<semaphore_mem>>)
      } else {
      }
      %ge3A_677 = arith.constant 1 : i32
      %ge3A_678 = arith.cmpi sge, %add3A_664, %ge3A_677 : i32
      %convert_element_type3A_679 = arith.extui %ge3A_678 : i1 to i32
      %cond3A_680 = arith.constant 0 : i32
      %cond3A_681 = arith.cmpi ne, %convert_element_type3A_679, %cond3A_680 : i32
      scf.if %cond3A_681 {
        %mul3A_896 = arith.constant 80 : i32
        %mul3A_897 = arith.muli %add3A, %mul3A_896 : i32
        %mul3A_898 = arith.constant 8 : i32
        %mul3A_899 = arith.muli %mul3A_898, %add3A_664 : i32
        %add3A_900 = arith.addi %mul3A_897, %mul3A_899 : i32
        %dma_wait3A_901 = arith.constant 1 : i32
        %dma_wait3A_902 = arith.constant 1 : i32
        %dma_wait3A_903 = arith.constant 0 : i32
        %dma_wait3A_904 = arith.constant 0 : i32
        %dma_wait3A_905 = tpu.memref_slice %arg5[%dma_wait3A_902, %dma_wait3A_903, %dma_wait3A_904] : memref<3x8x128xi32, #tpu.memory_space<vmem>> -> memref<1x8x128xi32, #tpu.memory_space<vmem>>
        %dma_wait3A_906 = tpu.memref_squeeze %dma_wait3A_905 : memref<1x8x128xi32, #tpu.memory_space<vmem>> -> memref<8x128xi32, #tpu.memory_space<vmem>>
        %dma_wait3A_907 = arith.constant 0 : i32
        %dma_wait3A_908 = tpu.memref_slice %arg2[%dma_wait3A_901, %add3A_900, %dma_wait3A_907] : memref<2x2560x128xi32, #tpu.memory_space<hbm>> -> memref<1x8x128xi32, #tpu.memory_space<hbm>>
        %dma_wait3A_909 = tpu.memref_squeeze %dma_wait3A_908 : memref<1x8x128xi32, #tpu.memory_space<hbm>> -> memref<8x128xi32, #tpu.memory_space<hbm>>
        %dma_wait3A_910 = arith.constant 0 : i32
        %dma_wait3A_911 = arith.constant 0 : i32
        %dma_wait3A_912 = tpu.memref_slice %arg5[%dma_wait3A_902, %dma_wait3A_910, %dma_wait3A_911] : memref<3x8x128xi32, #tpu.memory_space<vmem>> -> memref<1x8x128xi32, #tpu.memory_space<vmem>>
        %dma_wait3A_913 = tpu.memref_squeeze %dma_wait3A_912 : memref<1x8x128xi32, #tpu.memory_space<vmem>> -> memref<8x128xi32, #tpu.memory_space<vmem>>
        %dma_wait3A_914 = arith.constant 0 : i32
        %dma_wait3A_915 = tpu.memref_slice %arg2[%dma_wait3A_901, %add3A_900, %dma_wait3A_914] : memref<2x2560x128xi32, #tpu.memory_space<hbm>> -> memref<1x8x128xi32, #tpu.memory_space<hbm>>
        %dma_wait3A_916 = tpu.memref_squeeze %dma_wait3A_915 : memref<1x8x128xi32, #tpu.memory_space<hbm>> -> memref<8x128xi32, #tpu.memory_space<hbm>>
        tpu.wait_dma2 semaphore(%arg7 : memref<!tpu.dma_semaphore, #tpu.memory_space<semaphore_mem>>) src(%dma_wait3A_916 : memref<8x128xi32, #tpu.memory_space<hbm>>) dst(%dma_wait3A_913 : memref<8x128xi32, #tpu.memory_space<vmem>>)
      } else {
      }
      %dma_start3A_682 = arith.constant 1 : i32
      %dma_start3A_683 = arith.constant 0 : i32
      %dma_start3A_684 = arith.constant 0 : i32
      %dma_start3A_685 = arith.constant 0 : i32
      %dma_start3A_686 = tpu.memref_slice %arg5[%dma_start3A_682, %dma_start3A_684, %dma_start3A_685] : memref<3x8x128xi32, #tpu.memory_space<vmem>> -> memref<1x8x128xi32, #tpu.memory_space<vmem>>
      %dma_start3A_687 = tpu.memref_squeeze %dma_start3A_686 : memref<1x8x128xi32, #tpu.memory_space<vmem>> -> memref<8x128xi32, #tpu.memory_space<vmem>>
      %dma_start3A_688 = arith.constant 0 : i32
      %dma_start3A_689 = tpu.memref_slice %dma_start3A_687[%dma_start3A_683, %dma_start3A_688] : memref<8x128xi32, #tpu.memory_space<vmem>> -> memref<1x128xi32, #tpu.memory_space<vmem>>
      %dma_start3A_690 = tpu.memref_squeeze %dma_start3A_689 : memref<1x128xi32, #tpu.memory_space<vmem>> -> memref<128xi32, #tpu.memory_space<vmem>>
      %dma_start3A_691 = arith.constant 0 : i32
      %dma_start3A_692 = arith.constant 0 : i32
      %dma_start3A_693 = tpu.memref_slice %arg4[%dma_start3A_691, %dma_start3A_692] : memref<10240x16xf32, #tpu.memory_space<vmem_shared>> -> memref<10240x16xf32, #tpu.memory_space<vmem_shared>>
      tpu.enqueue_indirect_dma source(%arg6 : memref<128x16xf32, #tpu.memory_space<vmem>>) target(%dma_start3A_693 : memref<10240x16xf32, #tpu.memory_space<vmem_shared>>) offsets(%dma_start3A_690 : memref<128xi32, #tpu.memory_space<vmem>>) semaphore(%arg8 : memref<!tpu.dma_semaphore, #tpu.memory_space<semaphore_mem>>) {add = true}
      %dma_start3A_694 = arith.constant 1 : i32
      %dma_start3A_695 = arith.constant 1 : i32
      %dma_start3A_696 = arith.constant 0 : i32
      %dma_start3A_697 = arith.constant 0 : i32
      %dma_start3A_698 = tpu.memref_slice %arg5[%dma_start3A_694, %dma_start3A_696, %dma_start3A_697] : memref<3x8x128xi32, #tpu.memory_space<vmem>> -> memref<1x8x128xi32, #tpu.memory_space<vmem>>
      %dma_start3A_699 = tpu.memref_squeeze %dma_start3A_698 : memref<1x8x128xi32, #tpu.memory_space<vmem>> -> memref<8x128xi32, #tpu.memory_space<vmem>>
      %dma_start3A_700 = arith.constant 0 : i32
      %dma_start3A_701 = tpu.memref_slice %dma_start3A_699[%dma_start3A_695, %dma_start3A_700] : memref<8x128xi32, #tpu.memory_space<vmem>> -> memref<1x128xi32, #tpu.memory_space<vmem>>
      %dma_start3A_702 = tpu.memref_squeeze %dma_start3A_701 : memref<1x128xi32, #tpu.memory_space<vmem>> -> memref<128xi32, #tpu.memory_space<vmem>>
      %dma_start3A_703 = arith.constant 0 : i32
      %dma_start3A_704 = arith.constant 0 : i32
      %dma_start3A_705 = tpu.memref_slice %arg4[%dma_start3A_703, %dma_start3A_704] : memref<10240x16xf32, #tpu.memory_space<vmem_shared>> -> memref<10240x16xf32, #tpu.memory_space<vmem_shared>>
      tpu.enqueue_indirect_dma source(%arg6 : memref<128x16xf32, #tpu.memory_space<vmem>>) target(%dma_start3A_705 : memref<10240x16xf32, #tpu.memory_space<vmem_shared>>) offsets(%dma_start3A_702 : memref<128xi32, #tpu.memory_space<vmem>>) semaphore(%arg8 : memref<!tpu.dma_semaphore, #tpu.memory_space<semaphore_mem>>) {add = true}
      %dma_start3A_706 = arith.constant 1 : i32
      %dma_start3A_707 = arith.constant 2 : i32
      %dma_start3A_708 = arith.constant 0 : i32
      %dma_start3A_709 = arith.constant 0 : i32
      %dma_start3A_710 = tpu.memref_slice %arg5[%dma_start3A_706, %dma_start3A_708, %dma_start3A_709] : memref<3x8x128xi32, #tpu.memory_space<vmem>> -> memref<1x8x128xi32, #tpu.memory_space<vmem>>
      %dma_start3A_711 = tpu.memref_squeeze %dma_start3A_710 : memref<1x8x128xi32, #tpu.memory_space<vmem>> -> memref<8x128xi32, #tpu.memory_space<vmem>>
      %dma_start3A_712 = arith.constant 0 : i32
      %dma_start3A_713 = tpu.memref_slice %dma_start3A_711[%dma_start3A_707, %dma_start3A_712] : memref<8x128xi32, #tpu.memory_space<vmem>> -> memref<1x128xi32, #tpu.memory_space<vmem>>
      %dma_start3A_714 = tpu.memref_squeeze %dma_start3A_713 : memref<1x128xi32, #tpu.memory_space<vmem>> -> memref<128xi32, #tpu.memory_space<vmem>>
      %dma_start3A_715 = arith.constant 0 : i32
      %dma_start3A_716 = arith.constant 0 : i32
      %dma_start3A_717 = tpu.memref_slice %arg4[%dma_start3A_715, %dma_start3A_716] : memref<10240x16xf32, #tpu.memory_space<vmem_shared>> -> memref<10240x16xf32, #tpu.memory_space<vmem_shared>>
      tpu.enqueue_indirect_dma source(%arg6 : memref<128x16xf32, #tpu.memory_space<vmem>>) target(%dma_start3A_717 : memref<10240x16xf32, #tpu.memory_space<vmem_shared>>) offsets(%dma_start3A_714 : memref<128xi32, #tpu.memory_space<vmem>>) semaphore(%arg8 : memref<!tpu.dma_semaphore, #tpu.memory_space<semaphore_mem>>) {add = true}
      %dma_start3A_718 = arith.constant 1 : i32
      %dma_start3A_719 = arith.constant 3 : i32
      %dma_start3A_720 = arith.constant 0 : i32
      %dma_start3A_721 = arith.constant 0 : i32
      %dma_start3A_722 = tpu.memref_slice %arg5[%dma_start3A_718, %dma_start3A_720, %dma_start3A_721] : memref<3x8x128xi32, #tpu.memory_space<vmem>> -> memref<1x8x128xi32, #tpu.memory_space<vmem>>
      %dma_start3A_723 = tpu.memref_squeeze %dma_start3A_722 : memref<1x8x128xi32, #tpu.memory_space<vmem>> -> memref<8x128xi32, #tpu.memory_space<vmem>>
      %dma_start3A_724 = arith.constant 0 : i32
      %dma_start3A_725 = tpu.memref_slice %dma_start3A_723[%dma_start3A_719, %dma_start3A_724] : memref<8x128xi32, #tpu.memory_space<vmem>> -> memref<1x128xi32, #tpu.memory_space<vmem>>
      %dma_start3A_726 = tpu.memref_squeeze %dma_start3A_725 : memref<1x128xi32, #tpu.memory_space<vmem>> -> memref<128xi32, #tpu.memory_space<vmem>>
      %dma_start3A_727 = arith.constant 0 : i32
      %dma_start3A_728 = arith.constant 0 : i32
      %dma_start3A_729 = tpu.memref_slice %arg4[%dma_start3A_727, %dma_start3A_728] : memref<10240x16xf32, #tpu.memory_space<vmem_shared>> -> memref<10240x16xf32, #tpu.memory_space<vmem_shared>>
      tpu.enqueue_indirect_dma source(%arg6 : memref<128x16xf32, #tpu.memory_space<vmem>>) target(%dma_start3A_729 : memref<10240x16xf32, #tpu.memory_space<vmem_shared>>) offsets(%dma_start3A_726 : memref<128xi32, #tpu.memory_space<vmem>>) semaphore(%arg8 : memref<!tpu.dma_semaphore, #tpu.memory_space<semaphore_mem>>) {add = true}
      %dma_start3A_730 = arith.constant 1 : i32
      %dma_start3A_731 = arith.constant 4 : i32
      %dma_start3A_732 = arith.constant 0 : i32
      %dma_start3A_733 = arith.constant 0 : i32
      %dma_start3A_734 = tpu.memref_slice %arg5[%dma_start3A_730, %dma_start3A_732, %dma_start3A_733] : memref<3x8x128xi32, #tpu.memory_space<vmem>> -> memref<1x8x128xi32, #tpu.memory_space<vmem>>
      %dma_start3A_735 = tpu.memref_squeeze %dma_start3A_734 : memref<1x8x128xi32, #tpu.memory_space<vmem>> -> memref<8x128xi32, #tpu.memory_space<vmem>>
      %dma_start3A_736 = arith.constant 0 : i32
      %dma_start3A_737 = tpu.memref_slice %dma_start3A_735[%dma_start3A_731, %dma_start3A_736] : memref<8x128xi32, #tpu.memory_space<vmem>> -> memref<1x128xi32, #tpu.memory_space<vmem>>
      %dma_start3A_738 = tpu.memref_squeeze %dma_start3A_737 : memref<1x128xi32, #tpu.memory_space<vmem>> -> memref<128xi32, #tpu.memory_space<vmem>>
      %dma_start3A_739 = arith.constant 0 : i32
      %dma_start3A_740 = arith.constant 0 : i32
      %dma_start3A_741 = tpu.memref_slice %arg4[%dma_start3A_739, %dma_start3A_740] : memref<10240x16xf32, #tpu.memory_space<vmem_shared>> -> memref<10240x16xf32, #tpu.memory_space<vmem_shared>>
      tpu.enqueue_indirect_dma source(%arg6 : memref<128x16xf32, #tpu.memory_space<vmem>>) target(%dma_start3A_741 : memref<10240x16xf32, #tpu.memory_space<vmem_shared>>) offsets(%dma_start3A_738 : memref<128xi32, #tpu.memory_space<vmem>>) semaphore(%arg8 : memref<!tpu.dma_semaphore, #tpu.memory_space<semaphore_mem>>) {add = true}
      %dma_start3A_742 = arith.constant 1 : i32
      %dma_start3A_743 = arith.constant 5 : i32
      %dma_start3A_744 = arith.constant 0 : i32
      %dma_start3A_745 = arith.constant 0 : i32
      %dma_start3A_746 = tpu.memref_slice %arg5[%dma_start3A_742, %dma_start3A_744, %dma_start3A_745] : memref<3x8x128xi32, #tpu.memory_space<vmem>> -> memref<1x8x128xi32, #tpu.memory_space<vmem>>
      %dma_start3A_747 = tpu.memref_squeeze %dma_start3A_746 : memref<1x8x128xi32, #tpu.memory_space<vmem>> -> memref<8x128xi32, #tpu.memory_space<vmem>>
      %dma_start3A_748 = arith.constant 0 : i32
      %dma_start3A_749 = tpu.memref_slice %dma_start3A_747[%dma_start3A_743, %dma_start3A_748] : memref<8x128xi32, #tpu.memory_space<vmem>> -> memref<1x128xi32, #tpu.memory_space<vmem>>
      %dma_start3A_750 = tpu.memref_squeeze %dma_start3A_749 : memref<1x128xi32, #tpu.memory_space<vmem>> -> memref<128xi32, #tpu.memory_space<vmem>>
      %dma_start3A_751 = arith.constant 0 : i32
      %dma_start3A_752 = arith.constant 0 : i32
      %dma_start3A_753 = tpu.memref_slice %arg4[%dma_start3A_751, %dma_start3A_752] : memref<10240x16xf32, #tpu.memory_space<vmem_shared>> -> memref<10240x16xf32, #tpu.memory_space<vmem_shared>>
      tpu.enqueue_indirect_dma source(%arg6 : memref<128x16xf32, #tpu.memory_space<vmem>>) target(%dma_start3A_753 : memref<10240x16xf32, #tpu.memory_space<vmem_shared>>) offsets(%dma_start3A_750 : memref<128xi32, #tpu.memory_space<vmem>>) semaphore(%arg8 : memref<!tpu.dma_semaphore, #tpu.memory_space<semaphore_mem>>) {add = true}
      %dma_start3A_754 = arith.constant 1 : i32
      %dma_start3A_755 = arith.constant 6 : i32
      %dma_start3A_756 = arith.constant 0 : i32
      %dma_start3A_757 = arith.constant 0 : i32
      %dma_start3A_758 = tpu.memref_slice %arg5[%dma_start3A_754, %dma_start3A_756, %dma_start3A_757] : memref<3x8x128xi32, #tpu.memory_space<vmem>> -> memref<1x8x128xi32, #tpu.memory_space<vmem>>
      %dma_start3A_759 = tpu.memref_squeeze %dma_start3A_758 : memref<1x8x128xi32, #tpu.memory_space<vmem>> -> memref<8x128xi32, #tpu.memory_space<vmem>>
      %dma_start3A_760 = arith.constant 0 : i32
      %dma_start3A_761 = tpu.memref_slice %dma_start3A_759[%dma_start3A_755, %dma_start3A_760] : memref<8x128xi32, #tpu.memory_space<vmem>> -> memref<1x128xi32, #tpu.memory_space<vmem>>
      %dma_start3A_762 = tpu.memref_squeeze %dma_start3A_761 : memref<1x128xi32, #tpu.memory_space<vmem>> -> memref<128xi32, #tpu.memory_space<vmem>>
      %dma_start3A_763 = arith.constant 0 : i32
      %dma_start3A_764 = arith.constant 0 : i32
      %dma_start3A_765 = tpu.memref_slice %arg4[%dma_start3A_763, %dma_start3A_764] : memref<10240x16xf32, #tpu.memory_space<vmem_shared>> -> memref<10240x16xf32, #tpu.memory_space<vmem_shared>>
      tpu.enqueue_indirect_dma source(%arg6 : memref<128x16xf32, #tpu.memory_space<vmem>>) target(%dma_start3A_765 : memref<10240x16xf32, #tpu.memory_space<vmem_shared>>) offsets(%dma_start3A_762 : memref<128xi32, #tpu.memory_space<vmem>>) semaphore(%arg8 : memref<!tpu.dma_semaphore, #tpu.memory_space<semaphore_mem>>) {add = true}
      %dma_start3A_766 = arith.constant 1 : i32
      %dma_start3A_767 = arith.constant 7 : i32
      %dma_start3A_768 = arith.constant 0 : i32
      %dma_start3A_769 = arith.constant 0 : i32
      %dma_start3A_770 = tpu.memref_slice %arg5[%dma_start3A_766, %dma_start3A_768, %dma_start3A_769] : memref<3x8x128xi32, #tpu.memory_space<vmem>> -> memref<1x8x128xi32, #tpu.memory_space<vmem>>
      %dma_start3A_771 = tpu.memref_squeeze %dma_start3A_770 : memref<1x8x128xi32, #tpu.memory_space<vmem>> -> memref<8x128xi32, #tpu.memory_space<vmem>>
      %dma_start3A_772 = arith.constant 0 : i32
      %dma_start3A_773 = tpu.memref_slice %dma_start3A_771[%dma_start3A_767, %dma_start3A_772] : memref<8x128xi32, #tpu.memory_space<vmem>> -> memref<1x128xi32, #tpu.memory_space<vmem>>
      %dma_start3A_774 = tpu.memref_squeeze %dma_start3A_773 : memref<1x128xi32, #tpu.memory_space<vmem>> -> memref<128xi32, #tpu.memory_space<vmem>>
      %dma_start3A_775 = arith.constant 0 : i32
      %dma_start3A_776 = arith.constant 0 : i32
      %dma_start3A_777 = tpu.memref_slice %arg4[%dma_start3A_775, %dma_start3A_776] : memref<10240x16xf32, #tpu.memory_space<vmem_shared>> -> memref<10240x16xf32, #tpu.memory_space<vmem_shared>>
      tpu.enqueue_indirect_dma source(%arg6 : memref<128x16xf32, #tpu.memory_space<vmem>>) target(%dma_start3A_777 : memref<10240x16xf32, #tpu.memory_space<vmem_shared>>) offsets(%dma_start3A_774 : memref<128xi32, #tpu.memory_space<vmem>>) semaphore(%arg8 : memref<!tpu.dma_semaphore, #tpu.memory_space<semaphore_mem>>) {add = true}
      %mul3A_778 = arith.constant 3 : i32
      %mul3A_779 = arith.muli %mul3A_778, %scan3A_548 : i32
      %add3A_780 = arith.constant 2 : i32
      %add3A_781 = arith.addi %mul3A_779, %add3A_780 : i32
      %ge3A_782 = arith.constant 2 : i32
      %ge3A_783 = arith.cmpi sge, %add3A_781, %ge3A_782 : i32
      %convert_element_type3A_784 = arith.extui %ge3A_783 : i1 to i32
      %cond3A_785 = arith.constant 0 : i32
      %cond3A_786 = arith.cmpi ne, %convert_element_type3A_784, %cond3A_785 : i32
      scf.if %cond3A_786 {
        %dma_wait3A_896 = arith.constant 0 : i32
        %dma_wait3A_897 = arith.constant 0 : i32
        %dma_wait3A_898 = arith.constant 0 : i32
        %dma_wait3A_899 = arith.constant 0 : i32
        %dma_wait3A_900 = tpu.memref_slice %arg5[%dma_wait3A_896, %dma_wait3A_898, %dma_wait3A_899] : memref<3x8x128xi32, #tpu.memory_space<vmem>> -> memref<1x8x128xi32, #tpu.memory_space<vmem>>
        %dma_wait3A_901 = tpu.memref_squeeze %dma_wait3A_900 : memref<1x8x128xi32, #tpu.memory_space<vmem>> -> memref<8x128xi32, #tpu.memory_space<vmem>>
        %dma_wait3A_902 = arith.constant 0 : i32
        %dma_wait3A_903 = tpu.memref_slice %dma_wait3A_901[%dma_wait3A_897, %dma_wait3A_902] : memref<8x128xi32, #tpu.memory_space<vmem>> -> memref<1x128xi32, #tpu.memory_space<vmem>>
        %dma_wait3A_904 = tpu.memref_squeeze %dma_wait3A_903 : memref<1x128xi32, #tpu.memory_space<vmem>> -> memref<128xi32, #tpu.memory_space<vmem>>
        %dma_wait3A_905 = arith.constant 0 : i32
        %dma_wait3A_906 = arith.constant 0 : i32
        %dma_wait3A_907 = tpu.memref_slice %arg4[%dma_wait3A_905, %dma_wait3A_906] : memref<10240x16xf32, #tpu.memory_space<vmem_shared>> -> memref<10240x16xf32, #tpu.memory_space<vmem_shared>>
        tpu.wait_indirect_dma semaphore(%arg8 : memref<!tpu.dma_semaphore, #tpu.memory_space<semaphore_mem>>) src(%arg6 : memref<128x16xf32, #tpu.memory_space<vmem>>) dst(%dma_wait3A_907 : memref<10240x16xf32, #tpu.memory_space<vmem_shared>>)
        %dma_wait3A_908 = arith.constant 0 : i32
        %dma_wait3A_909 = arith.constant 1 : i32
        %dma_wait3A_910 = arith.constant 0 : i32
        %dma_wait3A_911 = arith.constant 0 : i32
        %dma_wait3A_912 = tpu.memref_slice %arg5[%dma_wait3A_908, %dma_wait3A_910, %dma_wait3A_911] : memref<3x8x128xi32, #tpu.memory_space<vmem>> -> memref<1x8x128xi32, #tpu.memory_space<vmem>>
        %dma_wait3A_913 = tpu.memref_squeeze %dma_wait3A_912 : memref<1x8x128xi32, #tpu.memory_space<vmem>> -> memref<8x128xi32, #tpu.memory_space<vmem>>
        %dma_wait3A_914 = arith.constant 0 : i32
        %dma_wait3A_915 = tpu.memref_slice %dma_wait3A_913[%dma_wait3A_909, %dma_wait3A_914] : memref<8x128xi32, #tpu.memory_space<vmem>> -> memref<1x128xi32, #tpu.memory_space<vmem>>
        %dma_wait3A_916 = tpu.memref_squeeze %dma_wait3A_915 : memref<1x128xi32, #tpu.memory_space<vmem>> -> memref<128xi32, #tpu.memory_space<vmem>>
        %dma_wait3A_917 = arith.constant 0 : i32
        %dma_wait3A_918 = arith.constant 0 : i32
        %dma_wait3A_919 = tpu.memref_slice %arg4[%dma_wait3A_917, %dma_wait3A_918] : memref<10240x16xf32, #tpu.memory_space<vmem_shared>> -> memref<10240x16xf32, #tpu.memory_space<vmem_shared>>
        tpu.wait_indirect_dma semaphore(%arg8 : memref<!tpu.dma_semaphore, #tpu.memory_space<semaphore_mem>>) src(%arg6 : memref<128x16xf32, #tpu.memory_space<vmem>>) dst(%dma_wait3A_919 : memref<10240x16xf32, #tpu.memory_space<vmem_shared>>)
        %dma_wait3A_920 = arith.constant 0 : i32
        %dma_wait3A_921 = arith.constant 2 : i32
        %dma_wait3A_922 = arith.constant 0 : i32
        %dma_wait3A_923 = arith.constant 0 : i32
        %dma_wait3A_924 = tpu.memref_slice %arg5[%dma_wait3A_920, %dma_wait3A_922, %dma_wait3A_923] : memref<3x8x128xi32, #tpu.memory_space<vmem>> -> memref<1x8x128xi32, #tpu.memory_space<vmem>>
        %dma_wait3A_925 = tpu.memref_squeeze %dma_wait3A_924 : memref<1x8x128xi32, #tpu.memory_space<vmem>> -> memref<8x128xi32, #tpu.memory_space<vmem>>
        %dma_wait3A_926 = arith.constant 0 : i32
        %dma_wait3A_927 = tpu.memref_slice %dma_wait3A_925[%dma_wait3A_921, %dma_wait3A_926] : memref<8x128xi32, #tpu.memory_space<vmem>> -> memref<1x128xi32, #tpu.memory_space<vmem>>
        %dma_wait3A_928 = tpu.memref_squeeze %dma_wait3A_927 : memref<1x128xi32, #tpu.memory_space<vmem>> -> memref<128xi32, #tpu.memory_space<vmem>>
        %dma_wait3A_929 = arith.constant 0 : i32
        %dma_wait3A_930 = arith.constant 0 : i32
        %dma_wait3A_931 = tpu.memref_slice %arg4[%dma_wait3A_929, %dma_wait3A_930] : memref<10240x16xf32, #tpu.memory_space<vmem_shared>> -> memref<10240x16xf32, #tpu.memory_space<vmem_shared>>
        tpu.wait_indirect_dma semaphore(%arg8 : memref<!tpu.dma_semaphore, #tpu.memory_space<semaphore_mem>>) src(%arg6 : memref<128x16xf32, #tpu.memory_space<vmem>>) dst(%dma_wait3A_931 : memref<10240x16xf32, #tpu.memory_space<vmem_shared>>)
        %dma_wait3A_932 = arith.constant 0 : i32
        %dma_wait3A_933 = arith.constant 3 : i32
        %dma_wait3A_934 = arith.constant 0 : i32
        %dma_wait3A_935 = arith.constant 0 : i32
        %dma_wait3A_936 = tpu.memref_slice %arg5[%dma_wait3A_932, %dma_wait3A_934, %dma_wait3A_935] : memref<3x8x128xi32, #tpu.memory_space<vmem>> -> memref<1x8x128xi32, #tpu.memory_space<vmem>>
        %dma_wait3A_937 = tpu.memref_squeeze %dma_wait3A_936 : memref<1x8x128xi32, #tpu.memory_space<vmem>> -> memref<8x128xi32, #tpu.memory_space<vmem>>
        %dma_wait3A_938 = arith.constant 0 : i32
        %dma_wait3A_939 = tpu.memref_slice %dma_wait3A_937[%dma_wait3A_933, %dma_wait3A_938] : memref<8x128xi32, #tpu.memory_space<vmem>> -> memref<1x128xi32, #tpu.memory_space<vmem>>
        %dma_wait3A_940 = tpu.memref_squeeze %dma_wait3A_939 : memref<1x128xi32, #tpu.memory_space<vmem>> -> memref<128xi32, #tpu.memory_space<vmem>>
        %dma_wait3A_941 = arith.constant 0 : i32
        %dma_wait3A_942 = arith.constant 0 : i32
        %dma_wait3A_943 = tpu.memref_slice %arg4[%dma_wait3A_941, %dma_wait3A_942] : memref<10240x16xf32, #tpu.memory_space<vmem_shared>> -> memref<10240x16xf32, #tpu.memory_space<vmem_shared>>
        tpu.wait_indirect_dma semaphore(%arg8 : memref<!tpu.dma_semaphore, #tpu.memory_space<semaphore_mem>>) src(%arg6 : memref<128x16xf32, #tpu.memory_space<vmem>>) dst(%dma_wait3A_943 : memref<10240x16xf32, #tpu.memory_space<vmem_shared>>)
        %dma_wait3A_944 = arith.constant 0 : i32
        %dma_wait3A_945 = arith.constant 4 : i32
        %dma_wait3A_946 = arith.constant 0 : i32
        %dma_wait3A_947 = arith.constant 0 : i32
        %dma_wait3A_948 = tpu.memref_slice %arg5[%dma_wait3A_944, %dma_wait3A_946, %dma_wait3A_947] : memref<3x8x128xi32, #tpu.memory_space<vmem>> -> memref<1x8x128xi32, #tpu.memory_space<vmem>>
        %dma_wait3A_949 = tpu.memref_squeeze %dma_wait3A_948 : memref<1x8x128xi32, #tpu.memory_space<vmem>> -> memref<8x128xi32, #tpu.memory_space<vmem>>
        %dma_wait3A_950 = arith.constant 0 : i32
        %dma_wait3A_951 = tpu.memref_slice %dma_wait3A_949[%dma_wait3A_945, %dma_wait3A_950] : memref<8x128xi32, #tpu.memory_space<vmem>> -> memref<1x128xi32, #tpu.memory_space<vmem>>
        %dma_wait3A_952 = tpu.memref_squeeze %dma_wait3A_951 : memref<1x128xi32, #tpu.memory_space<vmem>> -> memref<128xi32, #tpu.memory_space<vmem>>
        %dma_wait3A_953 = arith.constant 0 : i32
        %dma_wait3A_954 = arith.constant 0 : i32
        %dma_wait3A_955 = tpu.memref_slice %arg4[%dma_wait3A_953, %dma_wait3A_954] : memref<10240x16xf32, #tpu.memory_space<vmem_shared>> -> memref<10240x16xf32, #tpu.memory_space<vmem_shared>>
        tpu.wait_indirect_dma semaphore(%arg8 : memref<!tpu.dma_semaphore, #tpu.memory_space<semaphore_mem>>) src(%arg6 : memref<128x16xf32, #tpu.memory_space<vmem>>) dst(%dma_wait3A_955 : memref<10240x16xf32, #tpu.memory_space<vmem_shared>>)
        %dma_wait3A_956 = arith.constant 0 : i32
        %dma_wait3A_957 = arith.constant 5 : i32
        %dma_wait3A_958 = arith.constant 0 : i32
        %dma_wait3A_959 = arith.constant 0 : i32
        %dma_wait3A_960 = tpu.memref_slice %arg5[%dma_wait3A_956, %dma_wait3A_958, %dma_wait3A_959] : memref<3x8x128xi32, #tpu.memory_space<vmem>> -> memref<1x8x128xi32, #tpu.memory_space<vmem>>
        %dma_wait3A_961 = tpu.memref_squeeze %dma_wait3A_960 : memref<1x8x128xi32, #tpu.memory_space<vmem>> -> memref<8x128xi32, #tpu.memory_space<vmem>>
        %dma_wait3A_962 = arith.constant 0 : i32
        %dma_wait3A_963 = tpu.memref_slice %dma_wait3A_961[%dma_wait3A_957, %dma_wait3A_962] : memref<8x128xi32, #tpu.memory_space<vmem>> -> memref<1x128xi32, #tpu.memory_space<vmem>>
        %dma_wait3A_964 = tpu.memref_squeeze %dma_wait3A_963 : memref<1x128xi32, #tpu.memory_space<vmem>> -> memref<128xi32, #tpu.memory_space<vmem>>
        %dma_wait3A_965 = arith.constant 0 : i32
        %dma_wait3A_966 = arith.constant 0 : i32
        %dma_wait3A_967 = tpu.memref_slice %arg4[%dma_wait3A_965, %dma_wait3A_966] : memref<10240x16xf32, #tpu.memory_space<vmem_shared>> -> memref<10240x16xf32, #tpu.memory_space<vmem_shared>>
        tpu.wait_indirect_dma semaphore(%arg8 : memref<!tpu.dma_semaphore, #tpu.memory_space<semaphore_mem>>) src(%arg6 : memref<128x16xf32, #tpu.memory_space<vmem>>) dst(%dma_wait3A_967 : memref<10240x16xf32, #tpu.memory_space<vmem_shared>>)
        %dma_wait3A_968 = arith.constant 0 : i32
        %dma_wait3A_969 = arith.constant 6 : i32
        %dma_wait3A_970 = arith.constant 0 : i32
        %dma_wait3A_971 = arith.constant 0 : i32
        %dma_wait3A_972 = tpu.memref_slice %arg5[%dma_wait3A_968, %dma_wait3A_970, %dma_wait3A_971] : memref<3x8x128xi32, #tpu.memory_space<vmem>> -> memref<1x8x128xi32, #tpu.memory_space<vmem>>
        %dma_wait3A_973 = tpu.memref_squeeze %dma_wait3A_972 : memref<1x8x128xi32, #tpu.memory_space<vmem>> -> memref<8x128xi32, #tpu.memory_space<vmem>>
        %dma_wait3A_974 = arith.constant 0 : i32
        %dma_wait3A_975 = tpu.memref_slice %dma_wait3A_973[%dma_wait3A_969, %dma_wait3A_974] : memref<8x128xi32, #tpu.memory_space<vmem>> -> memref<1x128xi32, #tpu.memory_space<vmem>>
        %dma_wait3A_976 = tpu.memref_squeeze %dma_wait3A_975 : memref<1x128xi32, #tpu.memory_space<vmem>> -> memref<128xi32, #tpu.memory_space<vmem>>
        %dma_wait3A_977 = arith.constant 0 : i32
        %dma_wait3A_978 = arith.constant 0 : i32
        %dma_wait3A_979 = tpu.memref_slice %arg4[%dma_wait3A_977, %dma_wait3A_978] : memref<10240x16xf32, #tpu.memory_space<vmem_shared>> -> memref<10240x16xf32, #tpu.memory_space<vmem_shared>>
        tpu.wait_indirect_dma semaphore(%arg8 : memref<!tpu.dma_semaphore, #tpu.memory_space<semaphore_mem>>) src(%arg6 : memref<128x16xf32, #tpu.memory_space<vmem>>) dst(%dma_wait3A_979 : memref<10240x16xf32, #tpu.memory_space<vmem_shared>>)
        %dma_wait3A_980 = arith.constant 0 : i32
        %dma_wait3A_981 = arith.constant 7 : i32
        %dma_wait3A_982 = arith.constant 0 : i32
        %dma_wait3A_983 = arith.constant 0 : i32
        %dma_wait3A_984 = tpu.memref_slice %arg5[%dma_wait3A_980, %dma_wait3A_982, %dma_wait3A_983] : memref<3x8x128xi32, #tpu.memory_space<vmem>> -> memref<1x8x128xi32, #tpu.memory_space<vmem>>
        %dma_wait3A_985 = tpu.memref_squeeze %dma_wait3A_984 : memref<1x8x128xi32, #tpu.memory_space<vmem>> -> memref<8x128xi32, #tpu.memory_space<vmem>>
        %dma_wait3A_986 = arith.constant 0 : i32
        %dma_wait3A_987 = tpu.memref_slice %dma_wait3A_985[%dma_wait3A_981, %dma_wait3A_986] : memref<8x128xi32, #tpu.memory_space<vmem>> -> memref<1x128xi32, #tpu.memory_space<vmem>>
        %dma_wait3A_988 = tpu.memref_squeeze %dma_wait3A_987 : memref<1x128xi32, #tpu.memory_space<vmem>> -> memref<128xi32, #tpu.memory_space<vmem>>
        %dma_wait3A_989 = arith.constant 0 : i32
        %dma_wait3A_990 = arith.constant 0 : i32
        %dma_wait3A_991 = tpu.memref_slice %arg4[%dma_wait3A_989, %dma_wait3A_990] : memref<10240x16xf32, #tpu.memory_space<vmem_shared>> -> memref<10240x16xf32, #tpu.memory_space<vmem_shared>>
        tpu.wait_indirect_dma semaphore(%arg8 : memref<!tpu.dma_semaphore, #tpu.memory_space<semaphore_mem>>) src(%arg6 : memref<128x16xf32, #tpu.memory_space<vmem>>) dst(%dma_wait3A_991 : memref<10240x16xf32, #tpu.memory_space<vmem_shared>>)
      } else {
      }
      %add3A_787 = arith.constant 1 : i32
      %add3A_788 = arith.addi %add3A_781, %add3A_787 : i32
      %lt3A_789 = arith.constant 10 : i32
      %lt3A_790 = arith.cmpi slt, %add3A_788, %lt3A_789 : i32
      %convert_element_type3A_791 = arith.extui %lt3A_790 : i1 to i32
      %cond3A_792 = arith.constant 0 : i32
      %cond3A_793 = arith.cmpi ne, %convert_element_type3A_791, %cond3A_792 : i32
      scf.if %cond3A_793 {
        %add3A_896 = arith.constant 1 : i32
        %add3A_897 = arith.addi %add3A_781, %add3A_896 : i32
        %mul3A_898 = arith.constant 80 : i32
        %mul3A_899 = arith.muli %add3A, %mul3A_898 : i32
        %mul3A_900 = arith.constant 8 : i32
        %mul3A_901 = arith.muli %mul3A_900, %add3A_897 : i32
        %add3A_902 = arith.addi %mul3A_899, %mul3A_901 : i32
        %dma_start3A_903 = arith.constant 1 : i32
        %dma_start3A_904 = arith.constant 0 : i32
        %dma_start3A_905 = arith.constant 0 : i32
        %dma_start3A_906 = arith.constant 0 : i32
        %dma_start3A_907 = tpu.memref_slice %arg5[%dma_start3A_904, %dma_start3A_905, %dma_start3A_906] : memref<3x8x128xi32, #tpu.memory_space<vmem>> -> memref<1x8x128xi32, #tpu.memory_space<vmem>>
        %dma_start3A_908 = tpu.memref_squeeze %dma_start3A_907 : memref<1x8x128xi32, #tpu.memory_space<vmem>> -> memref<8x128xi32, #tpu.memory_space<vmem>>
        %dma_start3A_909 = arith.constant 0 : i32
        %dma_start3A_910 = tpu.memref_slice %arg2[%dma_start3A_903, %add3A_902, %dma_start3A_909] : memref<2x2560x128xi32, #tpu.memory_space<hbm>> -> memref<1x8x128xi32, #tpu.memory_space<hbm>>
        %dma_start3A_911 = tpu.memref_squeeze %dma_start3A_910 : memref<1x8x128xi32, #tpu.memory_space<hbm>> -> memref<8x128xi32, #tpu.memory_space<hbm>>
        %dma_start3A_912 = arith.constant 0 : i32
        %dma_start3A_913 = arith.constant 0 : i32
        %dma_start3A_914 = tpu.memref_slice %arg5[%dma_start3A_904, %dma_start3A_912, %dma_start3A_913] : memref<3x8x128xi32, #tpu.memory_space<vmem>> -> memref<1x8x128xi32, #tpu.memory_space<vmem>>
        %dma_start3A_915 = tpu.memref_squeeze %dma_start3A_914 : memref<1x8x128xi32, #tpu.memory_space<vmem>> -> memref<8x128xi32, #tpu.memory_space<vmem>>
        %dma_start3A_916 = arith.constant 0 : i32
        %dma_start3A_917 = tpu.memref_slice %arg2[%dma_start3A_903, %add3A_902, %dma_start3A_916] : memref<2x2560x128xi32, #tpu.memory_space<hbm>> -> memref<1x8x128xi32, #tpu.memory_space<hbm>>
        %dma_start3A_918 = tpu.memref_squeeze %dma_start3A_917 : memref<1x8x128xi32, #tpu.memory_space<hbm>> -> memref<8x128xi32, #tpu.memory_space<hbm>>
        tpu.enqueue_dma source(%dma_start3A_918 : memref<8x128xi32, #tpu.memory_space<hbm>>) target(%dma_start3A_915 : memref<8x128xi32, #tpu.memory_space<vmem>>) target_semaphore(%arg7 : memref<!tpu.dma_semaphore, #tpu.memory_space<semaphore_mem>>)
      } else {
      }
      %ge3A_794 = arith.constant 1 : i32
      %ge3A_795 = arith.cmpi sge, %add3A_781, %ge3A_794 : i32
      %convert_element_type3A_796 = arith.extui %ge3A_795 : i1 to i32
      %cond3A_797 = arith.constant 0 : i32
      %cond3A_798 = arith.cmpi ne, %convert_element_type3A_796, %cond3A_797 : i32
      scf.if %cond3A_798 {
        %mul3A_896 = arith.constant 80 : i32
        %mul3A_897 = arith.muli %add3A, %mul3A_896 : i32
        %mul3A_898 = arith.constant 8 : i32
        %mul3A_899 = arith.muli %mul3A_898, %add3A_781 : i32
        %add3A_900 = arith.addi %mul3A_897, %mul3A_899 : i32
        %dma_wait3A_901 = arith.constant 1 : i32
        %dma_wait3A_902 = arith.constant 2 : i32
        %dma_wait3A_903 = arith.constant 0 : i32
        %dma_wait3A_904 = arith.constant 0 : i32
        %dma_wait3A_905 = tpu.memref_slice %arg5[%dma_wait3A_902, %dma_wait3A_903, %dma_wait3A_904] : memref<3x8x128xi32, #tpu.memory_space<vmem>> -> memref<1x8x128xi32, #tpu.memory_space<vmem>>
        %dma_wait3A_906 = tpu.memref_squeeze %dma_wait3A_905 : memref<1x8x128xi32, #tpu.memory_space<vmem>> -> memref<8x128xi32, #tpu.memory_space<vmem>>
        %dma_wait3A_907 = arith.constant 0 : i32
        %dma_wait3A_908 = tpu.memref_slice %arg2[%dma_wait3A_901, %add3A_900, %dma_wait3A_907] : memref<2x2560x128xi32, #tpu.memory_space<hbm>> -> memref<1x8x128xi32, #tpu.memory_space<hbm>>
        %dma_wait3A_909 = tpu.memref_squeeze %dma_wait3A_908 : memref<1x8x128xi32, #tpu.memory_space<hbm>> -> memref<8x128xi32, #tpu.memory_space<hbm>>
        %dma_wait3A_910 = arith.constant 0 : i32
        %dma_wait3A_911 = arith.constant 0 : i32
        %dma_wait3A_912 = tpu.memref_slice %arg5[%dma_wait3A_902, %dma_wait3A_910, %dma_wait3A_911] : memref<3x8x128xi32, #tpu.memory_space<vmem>> -> memref<1x8x128xi32, #tpu.memory_space<vmem>>
        %dma_wait3A_913 = tpu.memref_squeeze %dma_wait3A_912 : memref<1x8x128xi32, #tpu.memory_space<vmem>> -> memref<8x128xi32, #tpu.memory_space<vmem>>
        %dma_wait3A_914 = arith.constant 0 : i32
        %dma_wait3A_915 = tpu.memref_slice %arg2[%dma_wait3A_901, %add3A_900, %dma_wait3A_914] : memref<2x2560x128xi32, #tpu.memory_space<hbm>> -> memref<1x8x128xi32, #tpu.memory_space<hbm>>
        %dma_wait3A_916 = tpu.memref_squeeze %dma_wait3A_915 : memref<1x8x128xi32, #tpu.memory_space<hbm>> -> memref<8x128xi32, #tpu.memory_space<hbm>>
        tpu.wait_dma2 semaphore(%arg7 : memref<!tpu.dma_semaphore, #tpu.memory_space<semaphore_mem>>) src(%dma_wait3A_916 : memref<8x128xi32, #tpu.memory_space<hbm>>) dst(%dma_wait3A_913 : memref<8x128xi32, #tpu.memory_space<vmem>>)
      } else {
      }
      %dma_start3A_799 = arith.constant 2 : i32
      %dma_start3A_800 = arith.constant 0 : i32
      %dma_start3A_801 = arith.constant 0 : i32
      %dma_start3A_802 = arith.constant 0 : i32
      %dma_start3A_803 = tpu.memref_slice %arg5[%dma_start3A_799, %dma_start3A_801, %dma_start3A_802] : memref<3x8x128xi32, #tpu.memory_space<vmem>> -> memref<1x8x128xi32, #tpu.memory_space<vmem>>
      %dma_start3A_804 = tpu.memref_squeeze %dma_start3A_803 : memref<1x8x128xi32, #tpu.memory_space<vmem>> -> memref<8x128xi32, #tpu.memory_space<vmem>>
      %dma_start3A_805 = arith.constant 0 : i32
      %dma_start3A_806 = tpu.memref_slice %dma_start3A_804[%dma_start3A_800, %dma_start3A_805] : memref<8x128xi32, #tpu.memory_space<vmem>> -> memref<1x128xi32, #tpu.memory_space<vmem>>
      %dma_start3A_807 = tpu.memref_squeeze %dma_start3A_806 : memref<1x128xi32, #tpu.memory_space<vmem>> -> memref<128xi32, #tpu.memory_space<vmem>>
      %dma_start3A_808 = arith.constant 0 : i32
      %dma_start3A_809 = arith.constant 0 : i32
      %dma_start3A_810 = tpu.memref_slice %arg4[%dma_start3A_808, %dma_start3A_809] : memref<10240x16xf32, #tpu.memory_space<vmem_shared>> -> memref<10240x16xf32, #tpu.memory_space<vmem_shared>>
      tpu.enqueue_indirect_dma source(%arg6 : memref<128x16xf32, #tpu.memory_space<vmem>>) target(%dma_start3A_810 : memref<10240x16xf32, #tpu.memory_space<vmem_shared>>) offsets(%dma_start3A_807 : memref<128xi32, #tpu.memory_space<vmem>>) semaphore(%arg8 : memref<!tpu.dma_semaphore, #tpu.memory_space<semaphore_mem>>) {add = true}
      %dma_start3A_811 = arith.constant 2 : i32
      %dma_start3A_812 = arith.constant 1 : i32
      %dma_start3A_813 = arith.constant 0 : i32
      %dma_start3A_814 = arith.constant 0 : i32
      %dma_start3A_815 = tpu.memref_slice %arg5[%dma_start3A_811, %dma_start3A_813, %dma_start3A_814] : memref<3x8x128xi32, #tpu.memory_space<vmem>> -> memref<1x8x128xi32, #tpu.memory_space<vmem>>
      %dma_start3A_816 = tpu.memref_squeeze %dma_start3A_815 : memref<1x8x128xi32, #tpu.memory_space<vmem>> -> memref<8x128xi32, #tpu.memory_space<vmem>>
      %dma_start3A_817 = arith.constant 0 : i32
      %dma_start3A_818 = tpu.memref_slice %dma_start3A_816[%dma_start3A_812, %dma_start3A_817] : memref<8x128xi32, #tpu.memory_space<vmem>> -> memref<1x128xi32, #tpu.memory_space<vmem>>
      %dma_start3A_819 = tpu.memref_squeeze %dma_start3A_818 : memref<1x128xi32, #tpu.memory_space<vmem>> -> memref<128xi32, #tpu.memory_space<vmem>>
      %dma_start3A_820 = arith.constant 0 : i32
      %dma_start3A_821 = arith.constant 0 : i32
      %dma_start3A_822 = tpu.memref_slice %arg4[%dma_start3A_820, %dma_start3A_821] : memref<10240x16xf32, #tpu.memory_space<vmem_shared>> -> memref<10240x16xf32, #tpu.memory_space<vmem_shared>>
      tpu.enqueue_indirect_dma source(%arg6 : memref<128x16xf32, #tpu.memory_space<vmem>>) target(%dma_start3A_822 : memref<10240x16xf32, #tpu.memory_space<vmem_shared>>) offsets(%dma_start3A_819 : memref<128xi32, #tpu.memory_space<vmem>>) semaphore(%arg8 : memref<!tpu.dma_semaphore, #tpu.memory_space<semaphore_mem>>) {add = true}
      %dma_start3A_823 = arith.constant 2 : i32
      %dma_start3A_824 = arith.constant 2 : i32
      %dma_start3A_825 = arith.constant 0 : i32
      %dma_start3A_826 = arith.constant 0 : i32
      %dma_start3A_827 = tpu.memref_slice %arg5[%dma_start3A_823, %dma_start3A_825, %dma_start3A_826] : memref<3x8x128xi32, #tpu.memory_space<vmem>> -> memref<1x8x128xi32, #tpu.memory_space<vmem>>
      %dma_start3A_828 = tpu.memref_squeeze %dma_start3A_827 : memref<1x8x128xi32, #tpu.memory_space<vmem>> -> memref<8x128xi32, #tpu.memory_space<vmem>>
      %dma_start3A_829 = arith.constant 0 : i32
      %dma_start3A_830 = tpu.memref_slice %dma_start3A_828[%dma_start3A_824, %dma_start3A_829] : memref<8x128xi32, #tpu.memory_space<vmem>> -> memref<1x128xi32, #tpu.memory_space<vmem>>
      %dma_start3A_831 = tpu.memref_squeeze %dma_start3A_830 : memref<1x128xi32, #tpu.memory_space<vmem>> -> memref<128xi32, #tpu.memory_space<vmem>>
      %dma_start3A_832 = arith.constant 0 : i32
      %dma_start3A_833 = arith.constant 0 : i32
      %dma_start3A_834 = tpu.memref_slice %arg4[%dma_start3A_832, %dma_start3A_833] : memref<10240x16xf32, #tpu.memory_space<vmem_shared>> -> memref<10240x16xf32, #tpu.memory_space<vmem_shared>>
      tpu.enqueue_indirect_dma source(%arg6 : memref<128x16xf32, #tpu.memory_space<vmem>>) target(%dma_start3A_834 : memref<10240x16xf32, #tpu.memory_space<vmem_shared>>) offsets(%dma_start3A_831 : memref<128xi32, #tpu.memory_space<vmem>>) semaphore(%arg8 : memref<!tpu.dma_semaphore, #tpu.memory_space<semaphore_mem>>) {add = true}
      %dma_start3A_835 = arith.constant 2 : i32
      %dma_start3A_836 = arith.constant 3 : i32
      %dma_start3A_837 = arith.constant 0 : i32
      %dma_start3A_838 = arith.constant 0 : i32
      %dma_start3A_839 = tpu.memref_slice %arg5[%dma_start3A_835, %dma_start3A_837, %dma_start3A_838] : memref<3x8x128xi32, #tpu.memory_space<vmem>> -> memref<1x8x128xi32, #tpu.memory_space<vmem>>
      %dma_start3A_840 = tpu.memref_squeeze %dma_start3A_839 : memref<1x8x128xi32, #tpu.memory_space<vmem>> -> memref<8x128xi32, #tpu.memory_space<vmem>>
      %dma_start3A_841 = arith.constant 0 : i32
      %dma_start3A_842 = tpu.memref_slice %dma_start3A_840[%dma_start3A_836, %dma_start3A_841] : memref<8x128xi32, #tpu.memory_space<vmem>> -> memref<1x128xi32, #tpu.memory_space<vmem>>
      %dma_start3A_843 = tpu.memref_squeeze %dma_start3A_842 : memref<1x128xi32, #tpu.memory_space<vmem>> -> memref<128xi32, #tpu.memory_space<vmem>>
      %dma_start3A_844 = arith.constant 0 : i32
      %dma_start3A_845 = arith.constant 0 : i32
      %dma_start3A_846 = tpu.memref_slice %arg4[%dma_start3A_844, %dma_start3A_845] : memref<10240x16xf32, #tpu.memory_space<vmem_shared>> -> memref<10240x16xf32, #tpu.memory_space<vmem_shared>>
      tpu.enqueue_indirect_dma source(%arg6 : memref<128x16xf32, #tpu.memory_space<vmem>>) target(%dma_start3A_846 : memref<10240x16xf32, #tpu.memory_space<vmem_shared>>) offsets(%dma_start3A_843 : memref<128xi32, #tpu.memory_space<vmem>>) semaphore(%arg8 : memref<!tpu.dma_semaphore, #tpu.memory_space<semaphore_mem>>) {add = true}
      %dma_start3A_847 = arith.constant 2 : i32
      %dma_start3A_848 = arith.constant 4 : i32
      %dma_start3A_849 = arith.constant 0 : i32
      %dma_start3A_850 = arith.constant 0 : i32
      %dma_start3A_851 = tpu.memref_slice %arg5[%dma_start3A_847, %dma_start3A_849, %dma_start3A_850] : memref<3x8x128xi32, #tpu.memory_space<vmem>> -> memref<1x8x128xi32, #tpu.memory_space<vmem>>
      %dma_start3A_852 = tpu.memref_squeeze %dma_start3A_851 : memref<1x8x128xi32, #tpu.memory_space<vmem>> -> memref<8x128xi32, #tpu.memory_space<vmem>>
      %dma_start3A_853 = arith.constant 0 : i32
      %dma_start3A_854 = tpu.memref_slice %dma_start3A_852[%dma_start3A_848, %dma_start3A_853] : memref<8x128xi32, #tpu.memory_space<vmem>> -> memref<1x128xi32, #tpu.memory_space<vmem>>
      %dma_start3A_855 = tpu.memref_squeeze %dma_start3A_854 : memref<1x128xi32, #tpu.memory_space<vmem>> -> memref<128xi32, #tpu.memory_space<vmem>>
      %dma_start3A_856 = arith.constant 0 : i32
      %dma_start3A_857 = arith.constant 0 : i32
      %dma_start3A_858 = tpu.memref_slice %arg4[%dma_start3A_856, %dma_start3A_857] : memref<10240x16xf32, #tpu.memory_space<vmem_shared>> -> memref<10240x16xf32, #tpu.memory_space<vmem_shared>>
      tpu.enqueue_indirect_dma source(%arg6 : memref<128x16xf32, #tpu.memory_space<vmem>>) target(%dma_start3A_858 : memref<10240x16xf32, #tpu.memory_space<vmem_shared>>) offsets(%dma_start3A_855 : memref<128xi32, #tpu.memory_space<vmem>>) semaphore(%arg8 : memref<!tpu.dma_semaphore, #tpu.memory_space<semaphore_mem>>) {add = true}
      %dma_start3A_859 = arith.constant 2 : i32
      %dma_start3A_860 = arith.constant 5 : i32
      %dma_start3A_861 = arith.constant 0 : i32
      %dma_start3A_862 = arith.constant 0 : i32
      %dma_start3A_863 = tpu.memref_slice %arg5[%dma_start3A_859, %dma_start3A_861, %dma_start3A_862] : memref<3x8x128xi32, #tpu.memory_space<vmem>> -> memref<1x8x128xi32, #tpu.memory_space<vmem>>
      %dma_start3A_864 = tpu.memref_squeeze %dma_start3A_863 : memref<1x8x128xi32, #tpu.memory_space<vmem>> -> memref<8x128xi32, #tpu.memory_space<vmem>>
      %dma_start3A_865 = arith.constant 0 : i32
      %dma_start3A_866 = tpu.memref_slice %dma_start3A_864[%dma_start3A_860, %dma_start3A_865] : memref<8x128xi32, #tpu.memory_space<vmem>> -> memref<1x128xi32, #tpu.memory_space<vmem>>
      %dma_start3A_867 = tpu.memref_squeeze %dma_start3A_866 : memref<1x128xi32, #tpu.memory_space<vmem>> -> memref<128xi32, #tpu.memory_space<vmem>>
      %dma_start3A_868 = arith.constant 0 : i32
      %dma_start3A_869 = arith.constant 0 : i32
      %dma_start3A_870 = tpu.memref_slice %arg4[%dma_start3A_868, %dma_start3A_869] : memref<10240x16xf32, #tpu.memory_space<vmem_shared>> -> memref<10240x16xf32, #tpu.memory_space<vmem_shared>>
      tpu.enqueue_indirect_dma source(%arg6 : memref<128x16xf32, #tpu.memory_space<vmem>>) target(%dma_start3A_870 : memref<10240x16xf32, #tpu.memory_space<vmem_shared>>) offsets(%dma_start3A_867 : memref<128xi32, #tpu.memory_space<vmem>>) semaphore(%arg8 : memref<!tpu.dma_semaphore, #tpu.memory_space<semaphore_mem>>) {add = true}
      %dma_start3A_871 = arith.constant 2 : i32
      %dma_start3A_872 = arith.constant 6 : i32
      %dma_start3A_873 = arith.constant 0 : i32
      %dma_start3A_874 = arith.constant 0 : i32
      %dma_start3A_875 = tpu.memref_slice %arg5[%dma_start3A_871, %dma_start3A_873, %dma_start3A_874] : memref<3x8x128xi32, #tpu.memory_space<vmem>> -> memref<1x8x128xi32, #tpu.memory_space<vmem>>
      %dma_start3A_876 = tpu.memref_squeeze %dma_start3A_875 : memref<1x8x128xi32, #tpu.memory_space<vmem>> -> memref<8x128xi32, #tpu.memory_space<vmem>>
      %dma_start3A_877 = arith.constant 0 : i32
      %dma_start3A_878 = tpu.memref_slice %dma_start3A_876[%dma_start3A_872, %dma_start3A_877] : memref<8x128xi32, #tpu.memory_space<vmem>> -> memref<1x128xi32, #tpu.memory_space<vmem>>
      %dma_start3A_879 = tpu.memref_squeeze %dma_start3A_878 : memref<1x128xi32, #tpu.memory_space<vmem>> -> memref<128xi32, #tpu.memory_space<vmem>>
      %dma_start3A_880 = arith.constant 0 : i32
      %dma_start3A_881 = arith.constant 0 : i32
      %dma_start3A_882 = tpu.memref_slice %arg4[%dma_start3A_880, %dma_start3A_881] : memref<10240x16xf32, #tpu.memory_space<vmem_shared>> -> memref<10240x16xf32, #tpu.memory_space<vmem_shared>>
      tpu.enqueue_indirect_dma source(%arg6 : memref<128x16xf32, #tpu.memory_space<vmem>>) target(%dma_start3A_882 : memref<10240x16xf32, #tpu.memory_space<vmem_shared>>) offsets(%dma_start3A_879 : memref<128xi32, #tpu.memory_space<vmem>>) semaphore(%arg8 : memref<!tpu.dma_semaphore, #tpu.memory_space<semaphore_mem>>) {add = true}
      %dma_start3A_883 = arith.constant 2 : i32
      %dma_start3A_884 = arith.constant 7 : i32
      %dma_start3A_885 = arith.constant 0 : i32
      %dma_start3A_886 = arith.constant 0 : i32
      %dma_start3A_887 = tpu.memref_slice %arg5[%dma_start3A_883, %dma_start3A_885, %dma_start3A_886] : memref<3x8x128xi32, #tpu.memory_space<vmem>> -> memref<1x8x128xi32, #tpu.memory_space<vmem>>
      %dma_start3A_888 = tpu.memref_squeeze %dma_start3A_887 : memref<1x8x128xi32, #tpu.memory_space<vmem>> -> memref<8x128xi32, #tpu.memory_space<vmem>>
      %dma_start3A_889 = arith.constant 0 : i32
      %dma_start3A_890 = tpu.memref_slice %dma_start3A_888[%dma_start3A_884, %dma_start3A_889] : memref<8x128xi32, #tpu.memory_space<vmem>> -> memref<1x128xi32, #tpu.memory_space<vmem>>
      %dma_start3A_891 = tpu.memref_squeeze %dma_start3A_890 : memref<1x128xi32, #tpu.memory_space<vmem>> -> memref<128xi32, #tpu.memory_space<vmem>>
      %dma_start3A_892 = arith.constant 0 : i32
      %dma_start3A_893 = arith.constant 0 : i32
      %dma_start3A_894 = tpu.memref_slice %arg4[%dma_start3A_892, %dma_start3A_893] : memref<10240x16xf32, #tpu.memory_space<vmem_shared>> -> memref<10240x16xf32, #tpu.memory_space<vmem_shared>>
      tpu.enqueue_indirect_dma source(%arg6 : memref<128x16xf32, #tpu.memory_space<vmem>>) target(%dma_start3A_894 : memref<10240x16xf32, #tpu.memory_space<vmem_shared>>) offsets(%dma_start3A_891 : memref<128xi32, #tpu.memory_space<vmem>>) semaphore(%arg8 : memref<!tpu.dma_semaphore, #tpu.memory_space<semaphore_mem>>) {add = true}
      %scan3A_895 = arith.constant 0 : i32
      scf.yield %scan3A_895 : i32
    }
    %scan3A_138 = arith.constant 3 : i32
    %dma_wait3A_139 = arith.constant 1 : i32
    %dma_wait3A_140 = arith.constant 0 : i32
    %dma_wait3A_141 = arith.constant 0 : i32
    %dma_wait3A_142 = arith.constant 0 : i32
    %dma_wait3A_143 = tpu.memref_slice %arg5[%dma_wait3A_139, %dma_wait3A_141, %dma_wait3A_142] : memref<3x8x128xi32, #tpu.memory_space<vmem>> -> memref<1x8x128xi32, #tpu.memory_space<vmem>>
    %dma_wait3A_144 = tpu.memref_squeeze %dma_wait3A_143 : memref<1x8x128xi32, #tpu.memory_space<vmem>> -> memref<8x128xi32, #tpu.memory_space<vmem>>
    %dma_wait3A_145 = arith.constant 0 : i32
    %dma_wait3A_146 = tpu.memref_slice %dma_wait3A_144[%dma_wait3A_140, %dma_wait3A_145] : memref<8x128xi32, #tpu.memory_space<vmem>> -> memref<1x128xi32, #tpu.memory_space<vmem>>
    %dma_wait3A_147 = tpu.memref_squeeze %dma_wait3A_146 : memref<1x128xi32, #tpu.memory_space<vmem>> -> memref<128xi32, #tpu.memory_space<vmem>>
    %dma_wait3A_148 = arith.constant 0 : i32
    %dma_wait3A_149 = arith.constant 0 : i32
    %dma_wait3A_150 = tpu.memref_slice %arg4[%dma_wait3A_148, %dma_wait3A_149] : memref<10240x16xf32, #tpu.memory_space<vmem_shared>> -> memref<10240x16xf32, #tpu.memory_space<vmem_shared>>
    tpu.wait_indirect_dma semaphore(%arg8 : memref<!tpu.dma_semaphore, #tpu.memory_space<semaphore_mem>>) src(%arg6 : memref<128x16xf32, #tpu.memory_space<vmem>>) dst(%dma_wait3A_150 : memref<10240x16xf32, #tpu.memory_space<vmem_shared>>)
    %dma_wait3A_151 = arith.constant 1 : i32
    %dma_wait3A_152 = arith.constant 1 : i32
    %dma_wait3A_153 = arith.constant 0 : i32
    %dma_wait3A_154 = arith.constant 0 : i32
    %dma_wait3A_155 = tpu.memref_slice %arg5[%dma_wait3A_151, %dma_wait3A_153, %dma_wait3A_154] : memref<3x8x128xi32, #tpu.memory_space<vmem>> -> memref<1x8x128xi32, #tpu.memory_space<vmem>>
    %dma_wait3A_156 = tpu.memref_squeeze %dma_wait3A_155 : memref<1x8x128xi32, #tpu.memory_space<vmem>> -> memref<8x128xi32, #tpu.memory_space<vmem>>
    %dma_wait3A_157 = arith.constant 0 : i32
    %dma_wait3A_158 = tpu.memref_slice %dma_wait3A_156[%dma_wait3A_152, %dma_wait3A_157] : memref<8x128xi32, #tpu.memory_space<vmem>> -> memref<1x128xi32, #tpu.memory_space<vmem>>
    %dma_wait3A_159 = tpu.memref_squeeze %dma_wait3A_158 : memref<1x128xi32, #tpu.memory_space<vmem>> -> memref<128xi32, #tpu.memory_space<vmem>>
    %dma_wait3A_160 = arith.constant 0 : i32
    %dma_wait3A_161 = arith.constant 0 : i32
    %dma_wait3A_162 = tpu.memref_slice %arg4[%dma_wait3A_160, %dma_wait3A_161] : memref<10240x16xf32, #tpu.memory_space<vmem_shared>> -> memref<10240x16xf32, #tpu.memory_space<vmem_shared>>
    tpu.wait_indirect_dma semaphore(%arg8 : memref<!tpu.dma_semaphore, #tpu.memory_space<semaphore_mem>>) src(%arg6 : memref<128x16xf32, #tpu.memory_space<vmem>>) dst(%dma_wait3A_162 : memref<10240x16xf32, #tpu.memory_space<vmem_shared>>)
    %dma_wait3A_163 = arith.constant 1 : i32
    %dma_wait3A_164 = arith.constant 2 : i32
    %dma_wait3A_165 = arith.constant 0 : i32
    %dma_wait3A_166 = arith.constant 0 : i32
    %dma_wait3A_167 = tpu.memref_slice %arg5[%dma_wait3A_163, %dma_wait3A_165, %dma_wait3A_166] : memref<3x8x128xi32, #tpu.memory_space<vmem>> -> memref<1x8x128xi32, #tpu.memory_space<vmem>>
    %dma_wait3A_168 = tpu.memref_squeeze %dma_wait3A_167 : memref<1x8x128xi32, #tpu.memory_space<vmem>> -> memref<8x128xi32, #tpu.memory_space<vmem>>
    %dma_wait3A_169 = arith.constant 0 : i32
    %dma_wait3A_170 = tpu.memref_slice %dma_wait3A_168[%dma_wait3A_164, %dma_wait3A_169] : memref<8x128xi32, #tpu.memory_space<vmem>> -> memref<1x128xi32, #tpu.memory_space<vmem>>
    %dma_wait3A_171 = tpu.memref_squeeze %dma_wait3A_170 : memref<1x128xi32, #tpu.memory_space<vmem>> -> memref<128xi32, #tpu.memory_space<vmem>>
    %dma_wait3A_172 = arith.constant 0 : i32
    %dma_wait3A_173 = arith.constant 0 : i32
    %dma_wait3A_174 = tpu.memref_slice %arg4[%dma_wait3A_172, %dma_wait3A_173] : memref<10240x16xf32, #tpu.memory_space<vmem_shared>> -> memref<10240x16xf32, #tpu.memory_space<vmem_shared>>
    tpu.wait_indirect_dma semaphore(%arg8 : memref<!tpu.dma_semaphore, #tpu.memory_space<semaphore_mem>>) src(%arg6 : memref<128x16xf32, #tpu.memory_space<vmem>>) dst(%dma_wait3A_174 : memref<10240x16xf32, #tpu.memory_space<vmem_shared>>)
    %dma_wait3A_175 = arith.constant 1 : i32
    %dma_wait3A_176 = arith.constant 3 : i32
    %dma_wait3A_177 = arith.constant 0 : i32
    %dma_wait3A_178 = arith.constant 0 : i32
    %dma_wait3A_179 = tpu.memref_slice %arg5[%dma_wait3A_175, %dma_wait3A_177, %dma_wait3A_178] : memref<3x8x128xi32, #tpu.memory_space<vmem>> -> memref<1x8x128xi32, #tpu.memory_space<vmem>>
    %dma_wait3A_180 = tpu.memref_squeeze %dma_wait3A_179 : memref<1x8x128xi32, #tpu.memory_space<vmem>> -> memref<8x128xi32, #tpu.memory_space<vmem>>
    %dma_wait3A_181 = arith.constant 0 : i32
    %dma_wait3A_182 = tpu.memref_slice %dma_wait3A_180[%dma_wait3A_176, %dma_wait3A_181] : memref<8x128xi32, #tpu.memory_space<vmem>> -> memref<1x128xi32, #tpu.memory_space<vmem>>
    %dma_wait3A_183 = tpu.memref_squeeze %dma_wait3A_182 : memref<1x128xi32, #tpu.memory_space<vmem>> -> memref<128xi32, #tpu.memory_space<vmem>>
    %dma_wait3A_184 = arith.constant 0 : i32
    %dma_wait3A_185 = arith.constant 0 : i32
    %dma_wait3A_186 = tpu.memref_slice %arg4[%dma_wait3A_184, %dma_wait3A_185] : memref<10240x16xf32, #tpu.memory_space<vmem_shared>> -> memref<10240x16xf32, #tpu.memory_space<vmem_shared>>
    tpu.wait_indirect_dma semaphore(%arg8 : memref<!tpu.dma_semaphore, #tpu.memory_space<semaphore_mem>>) src(%arg6 : memref<128x16xf32, #tpu.memory_space<vmem>>) dst(%dma_wait3A_186 : memref<10240x16xf32, #tpu.memory_space<vmem_shared>>)
    %dma_wait3A_187 = arith.constant 1 : i32
    %dma_wait3A_188 = arith.constant 4 : i32
    %dma_wait3A_189 = arith.constant 0 : i32
    %dma_wait3A_190 = arith.constant 0 : i32
    %dma_wait3A_191 = tpu.memref_slice %arg5[%dma_wait3A_187, %dma_wait3A_189, %dma_wait3A_190] : memref<3x8x128xi32, #tpu.memory_space<vmem>> -> memref<1x8x128xi32, #tpu.memory_space<vmem>>
    %dma_wait3A_192 = tpu.memref_squeeze %dma_wait3A_191 : memref<1x8x128xi32, #tpu.memory_space<vmem>> -> memref<8x128xi32, #tpu.memory_space<vmem>>
    %dma_wait3A_193 = arith.constant 0 : i32
    %dma_wait3A_194 = tpu.memref_slice %dma_wait3A_192[%dma_wait3A_188, %dma_wait3A_193] : memref<8x128xi32, #tpu.memory_space<vmem>> -> memref<1x128xi32, #tpu.memory_space<vmem>>
    %dma_wait3A_195 = tpu.memref_squeeze %dma_wait3A_194 : memref<1x128xi32, #tpu.memory_space<vmem>> -> memref<128xi32, #tpu.memory_space<vmem>>
    %dma_wait3A_196 = arith.constant 0 : i32
    %dma_wait3A_197 = arith.constant 0 : i32
    %dma_wait3A_198 = tpu.memref_slice %arg4[%dma_wait3A_196, %dma_wait3A_197] : memref<10240x16xf32, #tpu.memory_space<vmem_shared>> -> memref<10240x16xf32, #tpu.memory_space<vmem_shared>>
    tpu.wait_indirect_dma semaphore(%arg8 : memref<!tpu.dma_semaphore, #tpu.memory_space<semaphore_mem>>) src(%arg6 : memref<128x16xf32, #tpu.memory_space<vmem>>) dst(%dma_wait3A_198 : memref<10240x16xf32, #tpu.memory_space<vmem_shared>>)
    %dma_wait3A_199 = arith.constant 1 : i32
    %dma_wait3A_200 = arith.constant 5 : i32
    %dma_wait3A_201 = arith.constant 0 : i32
    %dma_wait3A_202 = arith.constant 0 : i32
    %dma_wait3A_203 = tpu.memref_slice %arg5[%dma_wait3A_199, %dma_wait3A_201, %dma_wait3A_202] : memref<3x8x128xi32, #tpu.memory_space<vmem>> -> memref<1x8x128xi32, #tpu.memory_space<vmem>>
    %dma_wait3A_204 = tpu.memref_squeeze %dma_wait3A_203 : memref<1x8x128xi32, #tpu.memory_space<vmem>> -> memref<8x128xi32, #tpu.memory_space<vmem>>
    %dma_wait3A_205 = arith.constant 0 : i32
    %dma_wait3A_206 = tpu.memref_slice %dma_wait3A_204[%dma_wait3A_200, %dma_wait3A_205] : memref<8x128xi32, #tpu.memory_space<vmem>> -> memref<1x128xi32, #tpu.memory_space<vmem>>
    %dma_wait3A_207 = tpu.memref_squeeze %dma_wait3A_206 : memref<1x128xi32, #tpu.memory_space<vmem>> -> memref<128xi32, #tpu.memory_space<vmem>>
    %dma_wait3A_208 = arith.constant 0 : i32
    %dma_wait3A_209 = arith.constant 0 : i32
    %dma_wait3A_210 = tpu.memref_slice %arg4[%dma_wait3A_208, %dma_wait3A_209] : memref<10240x16xf32, #tpu.memory_space<vmem_shared>> -> memref<10240x16xf32, #tpu.memory_space<vmem_shared>>
    tpu.wait_indirect_dma semaphore(%arg8 : memref<!tpu.dma_semaphore, #tpu.memory_space<semaphore_mem>>) src(%arg6 : memref<128x16xf32, #tpu.memory_space<vmem>>) dst(%dma_wait3A_210 : memref<10240x16xf32, #tpu.memory_space<vmem_shared>>)
    %dma_wait3A_211 = arith.constant 1 : i32
    %dma_wait3A_212 = arith.constant 6 : i32
    %dma_wait3A_213 = arith.constant 0 : i32
    %dma_wait3A_214 = arith.constant 0 : i32
    %dma_wait3A_215 = tpu.memref_slice %arg5[%dma_wait3A_211, %dma_wait3A_213, %dma_wait3A_214] : memref<3x8x128xi32, #tpu.memory_space<vmem>> -> memref<1x8x128xi32, #tpu.memory_space<vmem>>
    %dma_wait3A_216 = tpu.memref_squeeze %dma_wait3A_215 : memref<1x8x128xi32, #tpu.memory_space<vmem>> -> memref<8x128xi32, #tpu.memory_space<vmem>>
    %dma_wait3A_217 = arith.constant 0 : i32
    %dma_wait3A_218 = tpu.memref_slice %dma_wait3A_216[%dma_wait3A_212, %dma_wait3A_217] : memref<8x128xi32, #tpu.memory_space<vmem>> -> memref<1x128xi32, #tpu.memory_space<vmem>>
    %dma_wait3A_219 = tpu.memref_squeeze %dma_wait3A_218 : memref<1x128xi32, #tpu.memory_space<vmem>> -> memref<128xi32, #tpu.memory_space<vmem>>
    %dma_wait3A_220 = arith.constant 0 : i32
    %dma_wait3A_221 = arith.constant 0 : i32
    %dma_wait3A_222 = tpu.memref_slice %arg4[%dma_wait3A_220, %dma_wait3A_221] : memref<10240x16xf32, #tpu.memory_space<vmem_shared>> -> memref<10240x16xf32, #tpu.memory_space<vmem_shared>>
    tpu.wait_indirect_dma semaphore(%arg8 : memref<!tpu.dma_semaphore, #tpu.memory_space<semaphore_mem>>) src(%arg6 : memref<128x16xf32, #tpu.memory_space<vmem>>) dst(%dma_wait3A_222 : memref<10240x16xf32, #tpu.memory_space<vmem_shared>>)
    %dma_wait3A_223 = arith.constant 1 : i32
    %dma_wait3A_224 = arith.constant 7 : i32
    %dma_wait3A_225 = arith.constant 0 : i32
    %dma_wait3A_226 = arith.constant 0 : i32
    %dma_wait3A_227 = tpu.memref_slice %arg5[%dma_wait3A_223, %dma_wait3A_225, %dma_wait3A_226] : memref<3x8x128xi32, #tpu.memory_space<vmem>> -> memref<1x8x128xi32, #tpu.memory_space<vmem>>
    %dma_wait3A_228 = tpu.memref_squeeze %dma_wait3A_227 : memref<1x8x128xi32, #tpu.memory_space<vmem>> -> memref<8x128xi32, #tpu.memory_space<vmem>>
    %dma_wait3A_229 = arith.constant 0 : i32
    %dma_wait3A_230 = tpu.memref_slice %dma_wait3A_228[%dma_wait3A_224, %dma_wait3A_229] : memref<8x128xi32, #tpu.memory_space<vmem>> -> memref<1x128xi32, #tpu.memory_space<vmem>>
    %dma_wait3A_231 = tpu.memref_squeeze %dma_wait3A_230 : memref<1x128xi32, #tpu.memory_space<vmem>> -> memref<128xi32, #tpu.memory_space<vmem>>
    %dma_wait3A_232 = arith.constant 0 : i32
    %dma_wait3A_233 = arith.constant 0 : i32
    %dma_wait3A_234 = tpu.memref_slice %arg4[%dma_wait3A_232, %dma_wait3A_233] : memref<10240x16xf32, #tpu.memory_space<vmem_shared>> -> memref<10240x16xf32, #tpu.memory_space<vmem_shared>>
    tpu.wait_indirect_dma semaphore(%arg8 : memref<!tpu.dma_semaphore, #tpu.memory_space<semaphore_mem>>) src(%arg6 : memref<128x16xf32, #tpu.memory_space<vmem>>) dst(%dma_wait3A_234 : memref<10240x16xf32, #tpu.memory_space<vmem_shared>>)
    %mul3A_235 = arith.constant 80 : i32
    %mul3A_236 = arith.muli %add3A, %mul3A_235 : i32
    %add3A_237 = arith.constant 72 : i32
    %add3A_238 = arith.addi %mul3A_236, %add3A_237 : i32
    %dma_wait3A_239 = arith.constant 1 : i32
    %dma_wait3A_240 = arith.constant 0 : i32
    %dma_wait3A_241 = arith.constant 0 : i32
    %dma_wait3A_242 = arith.constant 0 : i32
    %dma_wait3A_243 = tpu.memref_slice %arg5[%dma_wait3A_240, %dma_wait3A_241, %dma_wait3A_242] : memref<3x8x128xi32, #tpu.memory_space<vmem>> -> memref<1x8x128xi32, #tpu.memory_space<vmem>>
    %dma_wait3A_244 = tpu.memref_squeeze %dma_wait3A_243 : memref<1x8x128xi32, #tpu.memory_space<vmem>> -> memref<8x128xi32, #tpu.memory_space<vmem>>
    %dma_wait3A_245 = arith.constant 0 : i32
    %dma_wait3A_246 = tpu.memref_slice %arg2[%dma_wait3A_239, %add3A_238, %dma_wait3A_245] : memref<2x2560x128xi32, #tpu.memory_space<hbm>> -> memref<1x8x128xi32, #tpu.memory_space<hbm>>
    %dma_wait3A_247 = tpu.memref_squeeze %dma_wait3A_246 : memref<1x8x128xi32, #tpu.memory_space<hbm>> -> memref<8x128xi32, #tpu.memory_space<hbm>>
    %dma_wait3A_248 = arith.constant 0 : i32
    %dma_wait3A_249 = arith.constant 0 : i32
    %dma_wait3A_250 = tpu.memref_slice %arg5[%dma_wait3A_240, %dma_wait3A_248, %dma_wait3A_249] : memref<3x8x128xi32, #tpu.memory_space<vmem>> -> memref<1x8x128xi32, #tpu.memory_space<vmem>>
    %dma_wait3A_251 = tpu.memref_squeeze %dma_wait3A_250 : memref<1x8x128xi32, #tpu.memory_space<vmem>> -> memref<8x128xi32, #tpu.memory_space<vmem>>
    %dma_wait3A_252 = arith.constant 0 : i32
    %dma_wait3A_253 = tpu.memref_slice %arg2[%dma_wait3A_239, %add3A_238, %dma_wait3A_252] : memref<2x2560x128xi32, #tpu.memory_space<hbm>> -> memref<1x8x128xi32, #tpu.memory_space<hbm>>
    %dma_wait3A_254 = tpu.memref_squeeze %dma_wait3A_253 : memref<1x8x128xi32, #tpu.memory_space<hbm>> -> memref<8x128xi32, #tpu.memory_space<hbm>>
    tpu.wait_dma2 semaphore(%arg7 : memref<!tpu.dma_semaphore, #tpu.memory_space<semaphore_mem>>) src(%dma_wait3A_254 : memref<8x128xi32, #tpu.memory_space<hbm>>) dst(%dma_wait3A_251 : memref<8x128xi32, #tpu.memory_space<vmem>>)
    %dma_start3A_255 = arith.constant 0 : i32
    %dma_start3A_256 = arith.constant 0 : i32
    %dma_start3A_257 = arith.constant 0 : i32
    %dma_start3A_258 = arith.constant 0 : i32
    %dma_start3A_259 = tpu.memref_slice %arg5[%dma_start3A_255, %dma_start3A_257, %dma_start3A_258] : memref<3x8x128xi32, #tpu.memory_space<vmem>> -> memref<1x8x128xi32, #tpu.memory_space<vmem>>
    %dma_start3A_260 = tpu.memref_squeeze %dma_start3A_259 : memref<1x8x128xi32, #tpu.memory_space<vmem>> -> memref<8x128xi32, #tpu.memory_space<vmem>>
    %dma_start3A_261 = arith.constant 0 : i32
    %dma_start3A_262 = tpu.memref_slice %dma_start3A_260[%dma_start3A_256, %dma_start3A_261] : memref<8x128xi32, #tpu.memory_space<vmem>> -> memref<1x128xi32, #tpu.memory_space<vmem>>
    %dma_start3A_263 = tpu.memref_squeeze %dma_start3A_262 : memref<1x128xi32, #tpu.memory_space<vmem>> -> memref<128xi32, #tpu.memory_space<vmem>>
    %dma_start3A_264 = arith.constant 0 : i32
    %dma_start3A_265 = arith.constant 0 : i32
    %dma_start3A_266 = tpu.memref_slice %arg4[%dma_start3A_264, %dma_start3A_265] : memref<10240x16xf32, #tpu.memory_space<vmem_shared>> -> memref<10240x16xf32, #tpu.memory_space<vmem_shared>>
    tpu.enqueue_indirect_dma source(%arg6 : memref<128x16xf32, #tpu.memory_space<vmem>>) target(%dma_start3A_266 : memref<10240x16xf32, #tpu.memory_space<vmem_shared>>) offsets(%dma_start3A_263 : memref<128xi32, #tpu.memory_space<vmem>>) semaphore(%arg8 : memref<!tpu.dma_semaphore, #tpu.memory_space<semaphore_mem>>) {add = true}
    %dma_start3A_267 = arith.constant 0 : i32
    %dma_start3A_268 = arith.constant 1 : i32
    %dma_start3A_269 = arith.constant 0 : i32
    %dma_start3A_270 = arith.constant 0 : i32
    %dma_start3A_271 = tpu.memref_slice %arg5[%dma_start3A_267, %dma_start3A_269, %dma_start3A_270] : memref<3x8x128xi32, #tpu.memory_space<vmem>> -> memref<1x8x128xi32, #tpu.memory_space<vmem>>
    %dma_start3A_272 = tpu.memref_squeeze %dma_start3A_271 : memref<1x8x128xi32, #tpu.memory_space<vmem>> -> memref<8x128xi32, #tpu.memory_space<vmem>>
    %dma_start3A_273 = arith.constant 0 : i32
    %dma_start3A_274 = tpu.memref_slice %dma_start3A_272[%dma_start3A_268, %dma_start3A_273] : memref<8x128xi32, #tpu.memory_space<vmem>> -> memref<1x128xi32, #tpu.memory_space<vmem>>
    %dma_start3A_275 = tpu.memref_squeeze %dma_start3A_274 : memref<1x128xi32, #tpu.memory_space<vmem>> -> memref<128xi32, #tpu.memory_space<vmem>>
    %dma_start3A_276 = arith.constant 0 : i32
    %dma_start3A_277 = arith.constant 0 : i32
    %dma_start3A_278 = tpu.memref_slice %arg4[%dma_start3A_276, %dma_start3A_277] : memref<10240x16xf32, #tpu.memory_space<vmem_shared>> -> memref<10240x16xf32, #tpu.memory_space<vmem_shared>>
    tpu.enqueue_indirect_dma source(%arg6 : memref<128x16xf32, #tpu.memory_space<vmem>>) target(%dma_start3A_278 : memref<10240x16xf32, #tpu.memory_space<vmem_shared>>) offsets(%dma_start3A_275 : memref<128xi32, #tpu.memory_space<vmem>>) semaphore(%arg8 : memref<!tpu.dma_semaphore, #tpu.memory_space<semaphore_mem>>) {add = true}
    %dma_start3A_279 = arith.constant 0 : i32
    %dma_start3A_280 = arith.constant 2 : i32
    %dma_start3A_281 = arith.constant 0 : i32
    %dma_start3A_282 = arith.constant 0 : i32
    %dma_start3A_283 = tpu.memref_slice %arg5[%dma_start3A_279, %dma_start3A_281, %dma_start3A_282] : memref<3x8x128xi32, #tpu.memory_space<vmem>> -> memref<1x8x128xi32, #tpu.memory_space<vmem>>
    %dma_start3A_284 = tpu.memref_squeeze %dma_start3A_283 : memref<1x8x128xi32, #tpu.memory_space<vmem>> -> memref<8x128xi32, #tpu.memory_space<vmem>>
    %dma_start3A_285 = arith.constant 0 : i32
    %dma_start3A_286 = tpu.memref_slice %dma_start3A_284[%dma_start3A_280, %dma_start3A_285] : memref<8x128xi32, #tpu.memory_space<vmem>> -> memref<1x128xi32, #tpu.memory_space<vmem>>
    %dma_start3A_287 = tpu.memref_squeeze %dma_start3A_286 : memref<1x128xi32, #tpu.memory_space<vmem>> -> memref<128xi32, #tpu.memory_space<vmem>>
    %dma_start3A_288 = arith.constant 0 : i32
    %dma_start3A_289 = arith.constant 0 : i32
    %dma_start3A_290 = tpu.memref_slice %arg4[%dma_start3A_288, %dma_start3A_289] : memref<10240x16xf32, #tpu.memory_space<vmem_shared>> -> memref<10240x16xf32, #tpu.memory_space<vmem_shared>>
    tpu.enqueue_indirect_dma source(%arg6 : memref<128x16xf32, #tpu.memory_space<vmem>>) target(%dma_start3A_290 : memref<10240x16xf32, #tpu.memory_space<vmem_shared>>) offsets(%dma_start3A_287 : memref<128xi32, #tpu.memory_space<vmem>>) semaphore(%arg8 : memref<!tpu.dma_semaphore, #tpu.memory_space<semaphore_mem>>) {add = true}
    %dma_start3A_291 = arith.constant 0 : i32
    %dma_start3A_292 = arith.constant 3 : i32
    %dma_start3A_293 = arith.constant 0 : i32
    %dma_start3A_294 = arith.constant 0 : i32
    %dma_start3A_295 = tpu.memref_slice %arg5[%dma_start3A_291, %dma_start3A_293, %dma_start3A_294] : memref<3x8x128xi32, #tpu.memory_space<vmem>> -> memref<1x8x128xi32, #tpu.memory_space<vmem>>
    %dma_start3A_296 = tpu.memref_squeeze %dma_start3A_295 : memref<1x8x128xi32, #tpu.memory_space<vmem>> -> memref<8x128xi32, #tpu.memory_space<vmem>>
    %dma_start3A_297 = arith.constant 0 : i32
    %dma_start3A_298 = tpu.memref_slice %dma_start3A_296[%dma_start3A_292, %dma_start3A_297] : memref<8x128xi32, #tpu.memory_space<vmem>> -> memref<1x128xi32, #tpu.memory_space<vmem>>
    %dma_start3A_299 = tpu.memref_squeeze %dma_start3A_298 : memref<1x128xi32, #tpu.memory_space<vmem>> -> memref<128xi32, #tpu.memory_space<vmem>>
    %dma_start3A_300 = arith.constant 0 : i32
    %dma_start3A_301 = arith.constant 0 : i32
    %dma_start3A_302 = tpu.memref_slice %arg4[%dma_start3A_300, %dma_start3A_301] : memref<10240x16xf32, #tpu.memory_space<vmem_shared>> -> memref<10240x16xf32, #tpu.memory_space<vmem_shared>>
    tpu.enqueue_indirect_dma source(%arg6 : memref<128x16xf32, #tpu.memory_space<vmem>>) target(%dma_start3A_302 : memref<10240x16xf32, #tpu.memory_space<vmem_shared>>) offsets(%dma_start3A_299 : memref<128xi32, #tpu.memory_space<vmem>>) semaphore(%arg8 : memref<!tpu.dma_semaphore, #tpu.memory_space<semaphore_mem>>) {add = true}
    %dma_start3A_303 = arith.constant 0 : i32
    %dma_start3A_304 = arith.constant 4 : i32
    %dma_start3A_305 = arith.constant 0 : i32
    %dma_start3A_306 = arith.constant 0 : i32
    %dma_start3A_307 = tpu.memref_slice %arg5[%dma_start3A_303, %dma_start3A_305, %dma_start3A_306] : memref<3x8x128xi32, #tpu.memory_space<vmem>> -> memref<1x8x128xi32, #tpu.memory_space<vmem>>
    %dma_start3A_308 = tpu.memref_squeeze %dma_start3A_307 : memref<1x8x128xi32, #tpu.memory_space<vmem>> -> memref<8x128xi32, #tpu.memory_space<vmem>>
    %dma_start3A_309 = arith.constant 0 : i32
    %dma_start3A_310 = tpu.memref_slice %dma_start3A_308[%dma_start3A_304, %dma_start3A_309] : memref<8x128xi32, #tpu.memory_space<vmem>> -> memref<1x128xi32, #tpu.memory_space<vmem>>
    %dma_start3A_311 = tpu.memref_squeeze %dma_start3A_310 : memref<1x128xi32, #tpu.memory_space<vmem>> -> memref<128xi32, #tpu.memory_space<vmem>>
    %dma_start3A_312 = arith.constant 0 : i32
    %dma_start3A_313 = arith.constant 0 : i32
    %dma_start3A_314 = tpu.memref_slice %arg4[%dma_start3A_312, %dma_start3A_313] : memref<10240x16xf32, #tpu.memory_space<vmem_shared>> -> memref<10240x16xf32, #tpu.memory_space<vmem_shared>>
    tpu.enqueue_indirect_dma source(%arg6 : memref<128x16xf32, #tpu.memory_space<vmem>>) target(%dma_start3A_314 : memref<10240x16xf32, #tpu.memory_space<vmem_shared>>) offsets(%dma_start3A_311 : memref<128xi32, #tpu.memory_space<vmem>>) semaphore(%arg8 : memref<!tpu.dma_semaphore, #tpu.memory_space<semaphore_mem>>) {add = true}
    %dma_start3A_315 = arith.constant 0 : i32
    %dma_start3A_316 = arith.constant 5 : i32
    %dma_start3A_317 = arith.constant 0 : i32
    %dma_start3A_318 = arith.constant 0 : i32
    %dma_start3A_319 = tpu.memref_slice %arg5[%dma_start3A_315, %dma_start3A_317, %dma_start3A_318] : memref<3x8x128xi32, #tpu.memory_space<vmem>> -> memref<1x8x128xi32, #tpu.memory_space<vmem>>
    %dma_start3A_320 = tpu.memref_squeeze %dma_start3A_319 : memref<1x8x128xi32, #tpu.memory_space<vmem>> -> memref<8x128xi32, #tpu.memory_space<vmem>>
    %dma_start3A_321 = arith.constant 0 : i32
    %dma_start3A_322 = tpu.memref_slice %dma_start3A_320[%dma_start3A_316, %dma_start3A_321] : memref<8x128xi32, #tpu.memory_space<vmem>> -> memref<1x128xi32, #tpu.memory_space<vmem>>
    %dma_start3A_323 = tpu.memref_squeeze %dma_start3A_322 : memref<1x128xi32, #tpu.memory_space<vmem>> -> memref<128xi32, #tpu.memory_space<vmem>>
    %dma_start3A_324 = arith.constant 0 : i32
    %dma_start3A_325 = arith.constant 0 : i32
    %dma_start3A_326 = tpu.memref_slice %arg4[%dma_start3A_324, %dma_start3A_325] : memref<10240x16xf32, #tpu.memory_space<vmem_shared>> -> memref<10240x16xf32, #tpu.memory_space<vmem_shared>>
    tpu.enqueue_indirect_dma source(%arg6 : memref<128x16xf32, #tpu.memory_space<vmem>>) target(%dma_start3A_326 : memref<10240x16xf32, #tpu.memory_space<vmem_shared>>) offsets(%dma_start3A_323 : memref<128xi32, #tpu.memory_space<vmem>>) semaphore(%arg8 : memref<!tpu.dma_semaphore, #tpu.memory_space<semaphore_mem>>) {add = true}
    %dma_start3A_327 = arith.constant 0 : i32
    %dma_start3A_328 = arith.constant 6 : i32
    %dma_start3A_329 = arith.constant 0 : i32
    %dma_start3A_330 = arith.constant 0 : i32
    %dma_start3A_331 = tpu.memref_slice %arg5[%dma_start3A_327, %dma_start3A_329, %dma_start3A_330] : memref<3x8x128xi32, #tpu.memory_space<vmem>> -> memref<1x8x128xi32, #tpu.memory_space<vmem>>
    %dma_start3A_332 = tpu.memref_squeeze %dma_start3A_331 : memref<1x8x128xi32, #tpu.memory_space<vmem>> -> memref<8x128xi32, #tpu.memory_space<vmem>>
    %dma_start3A_333 = arith.constant 0 : i32
    %dma_start3A_334 = tpu.memref_slice %dma_start3A_332[%dma_start3A_328, %dma_start3A_333] : memref<8x128xi32, #tpu.memory_space<vmem>> -> memref<1x128xi32, #tpu.memory_space<vmem>>
    %dma_start3A_335 = tpu.memref_squeeze %dma_start3A_334 : memref<1x128xi32, #tpu.memory_space<vmem>> -> memref<128xi32, #tpu.memory_space<vmem>>
    %dma_start3A_336 = arith.constant 0 : i32
    %dma_start3A_337 = arith.constant 0 : i32
    %dma_start3A_338 = tpu.memref_slice %arg4[%dma_start3A_336, %dma_start3A_337] : memref<10240x16xf32, #tpu.memory_space<vmem_shared>> -> memref<10240x16xf32, #tpu.memory_space<vmem_shared>>
    tpu.enqueue_indirect_dma source(%arg6 : memref<128x16xf32, #tpu.memory_space<vmem>>) target(%dma_start3A_338 : memref<10240x16xf32, #tpu.memory_space<vmem_shared>>) offsets(%dma_start3A_335 : memref<128xi32, #tpu.memory_space<vmem>>) semaphore(%arg8 : memref<!tpu.dma_semaphore, #tpu.memory_space<semaphore_mem>>) {add = true}
    %dma_start3A_339 = arith.constant 0 : i32
    %dma_start3A_340 = arith.constant 7 : i32
    %dma_start3A_341 = arith.constant 0 : i32
    %dma_start3A_342 = arith.constant 0 : i32
    %dma_start3A_343 = tpu.memref_slice %arg5[%dma_start3A_339, %dma_start3A_341, %dma_start3A_342] : memref<3x8x128xi32, #tpu.memory_space<vmem>> -> memref<1x8x128xi32, #tpu.memory_space<vmem>>
    %dma_start3A_344 = tpu.memref_squeeze %dma_start3A_343 : memref<1x8x128xi32, #tpu.memory_space<vmem>> -> memref<8x128xi32, #tpu.memory_space<vmem>>
    %dma_start3A_345 = arith.constant 0 : i32
    %dma_start3A_346 = tpu.memref_slice %dma_start3A_344[%dma_start3A_340, %dma_start3A_345] : memref<8x128xi32, #tpu.memory_space<vmem>> -> memref<1x128xi32, #tpu.memory_space<vmem>>
    %dma_start3A_347 = tpu.memref_squeeze %dma_start3A_346 : memref<1x128xi32, #tpu.memory_space<vmem>> -> memref<128xi32, #tpu.memory_space<vmem>>
    %dma_start3A_348 = arith.constant 0 : i32
    %dma_start3A_349 = arith.constant 0 : i32
    %dma_start3A_350 = tpu.memref_slice %arg4[%dma_start3A_348, %dma_start3A_349] : memref<10240x16xf32, #tpu.memory_space<vmem_shared>> -> memref<10240x16xf32, #tpu.memory_space<vmem_shared>>
    tpu.enqueue_indirect_dma source(%arg6 : memref<128x16xf32, #tpu.memory_space<vmem>>) target(%dma_start3A_350 : memref<10240x16xf32, #tpu.memory_space<vmem_shared>>) offsets(%dma_start3A_347 : memref<128xi32, #tpu.memory_space<vmem>>) semaphore(%arg8 : memref<!tpu.dma_semaphore, #tpu.memory_space<semaphore_mem>>) {add = true}
    %dma_wait3A_351 = arith.constant 2 : i32
    %dma_wait3A_352 = arith.constant 0 : i32
    %dma_wait3A_353 = arith.constant 0 : i32
    %dma_wait3A_354 = arith.constant 0 : i32
    %dma_wait3A_355 = tpu.memref_slice %arg5[%dma_wait3A_351, %dma_wait3A_353, %dma_wait3A_354] : memref<3x8x128xi32, #tpu.memory_space<vmem>> -> memref<1x8x128xi32, #tpu.memory_space<vmem>>
    %dma_wait3A_356 = tpu.memref_squeeze %dma_wait3A_355 : memref<1x8x128xi32, #tpu.memory_space<vmem>> -> memref<8x128xi32, #tpu.memory_space<vmem>>
    %dma_wait3A_357 = arith.constant 0 : i32
    %dma_wait3A_358 = tpu.memref_slice %dma_wait3A_356[%dma_wait3A_352, %dma_wait3A_357] : memref<8x128xi32, #tpu.memory_space<vmem>> -> memref<1x128xi32, #tpu.memory_space<vmem>>
    %dma_wait3A_359 = tpu.memref_squeeze %dma_wait3A_358 : memref<1x128xi32, #tpu.memory_space<vmem>> -> memref<128xi32, #tpu.memory_space<vmem>>
    %dma_wait3A_360 = arith.constant 0 : i32
    %dma_wait3A_361 = arith.constant 0 : i32
    %dma_wait3A_362 = tpu.memref_slice %arg4[%dma_wait3A_360, %dma_wait3A_361] : memref<10240x16xf32, #tpu.memory_space<vmem_shared>> -> memref<10240x16xf32, #tpu.memory_space<vmem_shared>>
    tpu.wait_indirect_dma semaphore(%arg8 : memref<!tpu.dma_semaphore, #tpu.memory_space<semaphore_mem>>) src(%arg6 : memref<128x16xf32, #tpu.memory_space<vmem>>) dst(%dma_wait3A_362 : memref<10240x16xf32, #tpu.memory_space<vmem_shared>>)
    %dma_wait3A_363 = arith.constant 0 : i32
    %dma_wait3A_364 = arith.constant 0 : i32
    %dma_wait3A_365 = arith.constant 0 : i32
    %dma_wait3A_366 = arith.constant 0 : i32
    %dma_wait3A_367 = tpu.memref_slice %arg5[%dma_wait3A_363, %dma_wait3A_365, %dma_wait3A_366] : memref<3x8x128xi32, #tpu.memory_space<vmem>> -> memref<1x8x128xi32, #tpu.memory_space<vmem>>
    %dma_wait3A_368 = tpu.memref_squeeze %dma_wait3A_367 : memref<1x8x128xi32, #tpu.memory_space<vmem>> -> memref<8x128xi32, #tpu.memory_space<vmem>>
    %dma_wait3A_369 = arith.constant 0 : i32
    %dma_wait3A_370 = tpu.memref_slice %dma_wait3A_368[%dma_wait3A_364, %dma_wait3A_369] : memref<8x128xi32, #tpu.memory_space<vmem>> -> memref<1x128xi32, #tpu.memory_space<vmem>>
    %dma_wait3A_371 = tpu.memref_squeeze %dma_wait3A_370 : memref<1x128xi32, #tpu.memory_space<vmem>> -> memref<128xi32, #tpu.memory_space<vmem>>
    %dma_wait3A_372 = arith.constant 0 : i32
    %dma_wait3A_373 = arith.constant 0 : i32
    %dma_wait3A_374 = tpu.memref_slice %arg4[%dma_wait3A_372, %dma_wait3A_373] : memref<10240x16xf32, #tpu.memory_space<vmem_shared>> -> memref<10240x16xf32, #tpu.memory_space<vmem_shared>>
    tpu.wait_indirect_dma semaphore(%arg8 : memref<!tpu.dma_semaphore, #tpu.memory_space<semaphore_mem>>) src(%arg6 : memref<128x16xf32, #tpu.memory_space<vmem>>) dst(%dma_wait3A_374 : memref<10240x16xf32, #tpu.memory_space<vmem_shared>>)
    %dma_wait3A_375 = arith.constant 2 : i32
    %dma_wait3A_376 = arith.constant 1 : i32
    %dma_wait3A_377 = arith.constant 0 : i32
    %dma_wait3A_378 = arith.constant 0 : i32
    %dma_wait3A_379 = tpu.memref_slice %arg5[%dma_wait3A_375, %dma_wait3A_377, %dma_wait3A_378] : memref<3x8x128xi32, #tpu.memory_space<vmem>> -> memref<1x8x128xi32, #tpu.memory_space<vmem>>
    %dma_wait3A_380 = tpu.memref_squeeze %dma_wait3A_379 : memref<1x8x128xi32, #tpu.memory_space<vmem>> -> memref<8x128xi32, #tpu.memory_space<vmem>>
    %dma_wait3A_381 = arith.constant 0 : i32
    %dma_wait3A_382 = tpu.memref_slice %dma_wait3A_380[%dma_wait3A_376, %dma_wait3A_381] : memref<8x128xi32, #tpu.memory_space<vmem>> -> memref<1x128xi32, #tpu.memory_space<vmem>>
    %dma_wait3A_383 = tpu.memref_squeeze %dma_wait3A_382 : memref<1x128xi32, #tpu.memory_space<vmem>> -> memref<128xi32, #tpu.memory_space<vmem>>
    %dma_wait3A_384 = arith.constant 0 : i32
    %dma_wait3A_385 = arith.constant 0 : i32
    %dma_wait3A_386 = tpu.memref_slice %arg4[%dma_wait3A_384, %dma_wait3A_385] : memref<10240x16xf32, #tpu.memory_space<vmem_shared>> -> memref<10240x16xf32, #tpu.memory_space<vmem_shared>>
    tpu.wait_indirect_dma semaphore(%arg8 : memref<!tpu.dma_semaphore, #tpu.memory_space<semaphore_mem>>) src(%arg6 : memref<128x16xf32, #tpu.memory_space<vmem>>) dst(%dma_wait3A_386 : memref<10240x16xf32, #tpu.memory_space<vmem_shared>>)
    %dma_wait3A_387 = arith.constant 0 : i32
    %dma_wait3A_388 = arith.constant 1 : i32
    %dma_wait3A_389 = arith.constant 0 : i32
    %dma_wait3A_390 = arith.constant 0 : i32
    %dma_wait3A_391 = tpu.memref_slice %arg5[%dma_wait3A_387, %dma_wait3A_389, %dma_wait3A_390] : memref<3x8x128xi32, #tpu.memory_space<vmem>> -> memref<1x8x128xi32, #tpu.memory_space<vmem>>
    %dma_wait3A_392 = tpu.memref_squeeze %dma_wait3A_391 : memref<1x8x128xi32, #tpu.memory_space<vmem>> -> memref<8x128xi32, #tpu.memory_space<vmem>>
    %dma_wait3A_393 = arith.constant 0 : i32
    %dma_wait3A_394 = tpu.memref_slice %dma_wait3A_392[%dma_wait3A_388, %dma_wait3A_393] : memref<8x128xi32, #tpu.memory_space<vmem>> -> memref<1x128xi32, #tpu.memory_space<vmem>>
    %dma_wait3A_395 = tpu.memref_squeeze %dma_wait3A_394 : memref<1x128xi32, #tpu.memory_space<vmem>> -> memref<128xi32, #tpu.memory_space<vmem>>
    %dma_wait3A_396 = arith.constant 0 : i32
    %dma_wait3A_397 = arith.constant 0 : i32
    %dma_wait3A_398 = tpu.memref_slice %arg4[%dma_wait3A_396, %dma_wait3A_397] : memref<10240x16xf32, #tpu.memory_space<vmem_shared>> -> memref<10240x16xf32, #tpu.memory_space<vmem_shared>>
    tpu.wait_indirect_dma semaphore(%arg8 : memref<!tpu.dma_semaphore, #tpu.memory_space<semaphore_mem>>) src(%arg6 : memref<128x16xf32, #tpu.memory_space<vmem>>) dst(%dma_wait3A_398 : memref<10240x16xf32, #tpu.memory_space<vmem_shared>>)
    %dma_wait3A_399 = arith.constant 2 : i32
    %dma_wait3A_400 = arith.constant 2 : i32
    %dma_wait3A_401 = arith.constant 0 : i32
    %dma_wait3A_402 = arith.constant 0 : i32
    %dma_wait3A_403 = tpu.memref_slice %arg5[%dma_wait3A_399, %dma_wait3A_401, %dma_wait3A_402] : memref<3x8x128xi32, #tpu.memory_space<vmem>> -> memref<1x8x128xi32, #tpu.memory_space<vmem>>
    %dma_wait3A_404 = tpu.memref_squeeze %dma_wait3A_403 : memref<1x8x128xi32, #tpu.memory_space<vmem>> -> memref<8x128xi32, #tpu.memory_space<vmem>>
    %dma_wait3A_405 = arith.constant 0 : i32
    %dma_wait3A_406 = tpu.memref_slice %dma_wait3A_404[%dma_wait3A_400, %dma_wait3A_405] : memref<8x128xi32, #tpu.memory_space<vmem>> -> memref<1x128xi32, #tpu.memory_space<vmem>>
    %dma_wait3A_407 = tpu.memref_squeeze %dma_wait3A_406 : memref<1x128xi32, #tpu.memory_space<vmem>> -> memref<128xi32, #tpu.memory_space<vmem>>
    %dma_wait3A_408 = arith.constant 0 : i32
    %dma_wait3A_409 = arith.constant 0 : i32
    %dma_wait3A_410 = tpu.memref_slice %arg4[%dma_wait3A_408, %dma_wait3A_409] : memref<10240x16xf32, #tpu.memory_space<vmem_shared>> -> memref<10240x16xf32, #tpu.memory_space<vmem_shared>>
    tpu.wait_indirect_dma semaphore(%arg8 : memref<!tpu.dma_semaphore, #tpu.memory_space<semaphore_mem>>) src(%arg6 : memref<128x16xf32, #tpu.memory_space<vmem>>) dst(%dma_wait3A_410 : memref<10240x16xf32, #tpu.memory_space<vmem_shared>>)
    %dma_wait3A_411 = arith.constant 0 : i32
    %dma_wait3A_412 = arith.constant 2 : i32
    %dma_wait3A_413 = arith.constant 0 : i32
    %dma_wait3A_414 = arith.constant 0 : i32
    %dma_wait3A_415 = tpu.memref_slice %arg5[%dma_wait3A_411, %dma_wait3A_413, %dma_wait3A_414] : memref<3x8x128xi32, #tpu.memory_space<vmem>> -> memref<1x8x128xi32, #tpu.memory_space<vmem>>
    %dma_wait3A_416 = tpu.memref_squeeze %dma_wait3A_415 : memref<1x8x128xi32, #tpu.memory_space<vmem>> -> memref<8x128xi32, #tpu.memory_space<vmem>>
    %dma_wait3A_417 = arith.constant 0 : i32
    %dma_wait3A_418 = tpu.memref_slice %dma_wait3A_416[%dma_wait3A_412, %dma_wait3A_417] : memref<8x128xi32, #tpu.memory_space<vmem>> -> memref<1x128xi32, #tpu.memory_space<vmem>>
    %dma_wait3A_419 = tpu.memref_squeeze %dma_wait3A_418 : memref<1x128xi32, #tpu.memory_space<vmem>> -> memref<128xi32, #tpu.memory_space<vmem>>
    %dma_wait3A_420 = arith.constant 0 : i32
    %dma_wait3A_421 = arith.constant 0 : i32
    %dma_wait3A_422 = tpu.memref_slice %arg4[%dma_wait3A_420, %dma_wait3A_421] : memref<10240x16xf32, #tpu.memory_space<vmem_shared>> -> memref<10240x16xf32, #tpu.memory_space<vmem_shared>>
    tpu.wait_indirect_dma semaphore(%arg8 : memref<!tpu.dma_semaphore, #tpu.memory_space<semaphore_mem>>) src(%arg6 : memref<128x16xf32, #tpu.memory_space<vmem>>) dst(%dma_wait3A_422 : memref<10240x16xf32, #tpu.memory_space<vmem_shared>>)
    %dma_wait3A_423 = arith.constant 2 : i32
    %dma_wait3A_424 = arith.constant 3 : i32
    %dma_wait3A_425 = arith.constant 0 : i32
    %dma_wait3A_426 = arith.constant 0 : i32
    %dma_wait3A_427 = tpu.memref_slice %arg5[%dma_wait3A_423, %dma_wait3A_425, %dma_wait3A_426] : memref<3x8x128xi32, #tpu.memory_space<vmem>> -> memref<1x8x128xi32, #tpu.memory_space<vmem>>
    %dma_wait3A_428 = tpu.memref_squeeze %dma_wait3A_427 : memref<1x8x128xi32, #tpu.memory_space<vmem>> -> memref<8x128xi32, #tpu.memory_space<vmem>>
    %dma_wait3A_429 = arith.constant 0 : i32
    %dma_wait3A_430 = tpu.memref_slice %dma_wait3A_428[%dma_wait3A_424, %dma_wait3A_429] : memref<8x128xi32, #tpu.memory_space<vmem>> -> memref<1x128xi32, #tpu.memory_space<vmem>>
    %dma_wait3A_431 = tpu.memref_squeeze %dma_wait3A_430 : memref<1x128xi32, #tpu.memory_space<vmem>> -> memref<128xi32, #tpu.memory_space<vmem>>
    %dma_wait3A_432 = arith.constant 0 : i32
    %dma_wait3A_433 = arith.constant 0 : i32
    %dma_wait3A_434 = tpu.memref_slice %arg4[%dma_wait3A_432, %dma_wait3A_433] : memref<10240x16xf32, #tpu.memory_space<vmem_shared>> -> memref<10240x16xf32, #tpu.memory_space<vmem_shared>>
    tpu.wait_indirect_dma semaphore(%arg8 : memref<!tpu.dma_semaphore, #tpu.memory_space<semaphore_mem>>) src(%arg6 : memref<128x16xf32, #tpu.memory_space<vmem>>) dst(%dma_wait3A_434 : memref<10240x16xf32, #tpu.memory_space<vmem_shared>>)
    %dma_wait3A_435 = arith.constant 0 : i32
    %dma_wait3A_436 = arith.constant 3 : i32
    %dma_wait3A_437 = arith.constant 0 : i32
    %dma_wait3A_438 = arith.constant 0 : i32
    %dma_wait3A_439 = tpu.memref_slice %arg5[%dma_wait3A_435, %dma_wait3A_437, %dma_wait3A_438] : memref<3x8x128xi32, #tpu.memory_space<vmem>> -> memref<1x8x128xi32, #tpu.memory_space<vmem>>
    %dma_wait3A_440 = tpu.memref_squeeze %dma_wait3A_439 : memref<1x8x128xi32, #tpu.memory_space<vmem>> -> memref<8x128xi32, #tpu.memory_space<vmem>>
    %dma_wait3A_441 = arith.constant 0 : i32
    %dma_wait3A_442 = tpu.memref_slice %dma_wait3A_440[%dma_wait3A_436, %dma_wait3A_441] : memref<8x128xi32, #tpu.memory_space<vmem>> -> memref<1x128xi32, #tpu.memory_space<vmem>>
    %dma_wait3A_443 = tpu.memref_squeeze %dma_wait3A_442 : memref<1x128xi32, #tpu.memory_space<vmem>> -> memref<128xi32, #tpu.memory_space<vmem>>
    %dma_wait3A_444 = arith.constant 0 : i32
    %dma_wait3A_445 = arith.constant 0 : i32
    %dma_wait3A_446 = tpu.memref_slice %arg4[%dma_wait3A_444, %dma_wait3A_445] : memref<10240x16xf32, #tpu.memory_space<vmem_shared>> -> memref<10240x16xf32, #tpu.memory_space<vmem_shared>>
    tpu.wait_indirect_dma semaphore(%arg8 : memref<!tpu.dma_semaphore, #tpu.memory_space<semaphore_mem>>) src(%arg6 : memref<128x16xf32, #tpu.memory_space<vmem>>) dst(%dma_wait3A_446 : memref<10240x16xf32, #tpu.memory_space<vmem_shared>>)
    %dma_wait3A_447 = arith.constant 2 : i32
    %dma_wait3A_448 = arith.constant 4 : i32
    %dma_wait3A_449 = arith.constant 0 : i32
    %dma_wait3A_450 = arith.constant 0 : i32
    %dma_wait3A_451 = tpu.memref_slice %arg5[%dma_wait3A_447, %dma_wait3A_449, %dma_wait3A_450] : memref<3x8x128xi32, #tpu.memory_space<vmem>> -> memref<1x8x128xi32, #tpu.memory_space<vmem>>
    %dma_wait3A_452 = tpu.memref_squeeze %dma_wait3A_451 : memref<1x8x128xi32, #tpu.memory_space<vmem>> -> memref<8x128xi32, #tpu.memory_space<vmem>>
    %dma_wait3A_453 = arith.constant 0 : i32
    %dma_wait3A_454 = tpu.memref_slice %dma_wait3A_452[%dma_wait3A_448, %dma_wait3A_453] : memref<8x128xi32, #tpu.memory_space<vmem>> -> memref<1x128xi32, #tpu.memory_space<vmem>>
    %dma_wait3A_455 = tpu.memref_squeeze %dma_wait3A_454 : memref<1x128xi32, #tpu.memory_space<vmem>> -> memref<128xi32, #tpu.memory_space<vmem>>
    %dma_wait3A_456 = arith.constant 0 : i32
    %dma_wait3A_457 = arith.constant 0 : i32
    %dma_wait3A_458 = tpu.memref_slice %arg4[%dma_wait3A_456, %dma_wait3A_457] : memref<10240x16xf32, #tpu.memory_space<vmem_shared>> -> memref<10240x16xf32, #tpu.memory_space<vmem_shared>>
    tpu.wait_indirect_dma semaphore(%arg8 : memref<!tpu.dma_semaphore, #tpu.memory_space<semaphore_mem>>) src(%arg6 : memref<128x16xf32, #tpu.memory_space<vmem>>) dst(%dma_wait3A_458 : memref<10240x16xf32, #tpu.memory_space<vmem_shared>>)
    %dma_wait3A_459 = arith.constant 0 : i32
    %dma_wait3A_460 = arith.constant 4 : i32
    %dma_wait3A_461 = arith.constant 0 : i32
    %dma_wait3A_462 = arith.constant 0 : i32
    %dma_wait3A_463 = tpu.memref_slice %arg5[%dma_wait3A_459, %dma_wait3A_461, %dma_wait3A_462] : memref<3x8x128xi32, #tpu.memory_space<vmem>> -> memref<1x8x128xi32, #tpu.memory_space<vmem>>
    %dma_wait3A_464 = tpu.memref_squeeze %dma_wait3A_463 : memref<1x8x128xi32, #tpu.memory_space<vmem>> -> memref<8x128xi32, #tpu.memory_space<vmem>>
    %dma_wait3A_465 = arith.constant 0 : i32
    %dma_wait3A_466 = tpu.memref_slice %dma_wait3A_464[%dma_wait3A_460, %dma_wait3A_465] : memref<8x128xi32, #tpu.memory_space<vmem>> -> memref<1x128xi32, #tpu.memory_space<vmem>>
    %dma_wait3A_467 = tpu.memref_squeeze %dma_wait3A_466 : memref<1x128xi32, #tpu.memory_space<vmem>> -> memref<128xi32, #tpu.memory_space<vmem>>
    %dma_wait3A_468 = arith.constant 0 : i32
    %dma_wait3A_469 = arith.constant 0 : i32
    %dma_wait3A_470 = tpu.memref_slice %arg4[%dma_wait3A_468, %dma_wait3A_469] : memref<10240x16xf32, #tpu.memory_space<vmem_shared>> -> memref<10240x16xf32, #tpu.memory_space<vmem_shared>>
    tpu.wait_indirect_dma semaphore(%arg8 : memref<!tpu.dma_semaphore, #tpu.memory_space<semaphore_mem>>) src(%arg6 : memref<128x16xf32, #tpu.memory_space<vmem>>) dst(%dma_wait3A_470 : memref<10240x16xf32, #tpu.memory_space<vmem_shared>>)
    %dma_wait3A_471 = arith.constant 2 : i32
    %dma_wait3A_472 = arith.constant 5 : i32
    %dma_wait3A_473 = arith.constant 0 : i32
    %dma_wait3A_474 = arith.constant 0 : i32
    %dma_wait3A_475 = tpu.memref_slice %arg5[%dma_wait3A_471, %dma_wait3A_473, %dma_wait3A_474] : memref<3x8x128xi32, #tpu.memory_space<vmem>> -> memref<1x8x128xi32, #tpu.memory_space<vmem>>
    %dma_wait3A_476 = tpu.memref_squeeze %dma_wait3A_475 : memref<1x8x128xi32, #tpu.memory_space<vmem>> -> memref<8x128xi32, #tpu.memory_space<vmem>>
    %dma_wait3A_477 = arith.constant 0 : i32
    %dma_wait3A_478 = tpu.memref_slice %dma_wait3A_476[%dma_wait3A_472, %dma_wait3A_477] : memref<8x128xi32, #tpu.memory_space<vmem>> -> memref<1x128xi32, #tpu.memory_space<vmem>>
    %dma_wait3A_479 = tpu.memref_squeeze %dma_wait3A_478 : memref<1x128xi32, #tpu.memory_space<vmem>> -> memref<128xi32, #tpu.memory_space<vmem>>
    %dma_wait3A_480 = arith.constant 0 : i32
    %dma_wait3A_481 = arith.constant 0 : i32
    %dma_wait3A_482 = tpu.memref_slice %arg4[%dma_wait3A_480, %dma_wait3A_481] : memref<10240x16xf32, #tpu.memory_space<vmem_shared>> -> memref<10240x16xf32, #tpu.memory_space<vmem_shared>>
    tpu.wait_indirect_dma semaphore(%arg8 : memref<!tpu.dma_semaphore, #tpu.memory_space<semaphore_mem>>) src(%arg6 : memref<128x16xf32, #tpu.memory_space<vmem>>) dst(%dma_wait3A_482 : memref<10240x16xf32, #tpu.memory_space<vmem_shared>>)
    %dma_wait3A_483 = arith.constant 0 : i32
    %dma_wait3A_484 = arith.constant 5 : i32
    %dma_wait3A_485 = arith.constant 0 : i32
    %dma_wait3A_486 = arith.constant 0 : i32
    %dma_wait3A_487 = tpu.memref_slice %arg5[%dma_wait3A_483, %dma_wait3A_485, %dma_wait3A_486] : memref<3x8x128xi32, #tpu.memory_space<vmem>> -> memref<1x8x128xi32, #tpu.memory_space<vmem>>
    %dma_wait3A_488 = tpu.memref_squeeze %dma_wait3A_487 : memref<1x8x128xi32, #tpu.memory_space<vmem>> -> memref<8x128xi32, #tpu.memory_space<vmem>>
    %dma_wait3A_489 = arith.constant 0 : i32
    %dma_wait3A_490 = tpu.memref_slice %dma_wait3A_488[%dma_wait3A_484, %dma_wait3A_489] : memref<8x128xi32, #tpu.memory_space<vmem>> -> memref<1x128xi32, #tpu.memory_space<vmem>>
    %dma_wait3A_491 = tpu.memref_squeeze %dma_wait3A_490 : memref<1x128xi32, #tpu.memory_space<vmem>> -> memref<128xi32, #tpu.memory_space<vmem>>
    %dma_wait3A_492 = arith.constant 0 : i32
    %dma_wait3A_493 = arith.constant 0 : i32
    %dma_wait3A_494 = tpu.memref_slice %arg4[%dma_wait3A_492, %dma_wait3A_493] : memref<10240x16xf32, #tpu.memory_space<vmem_shared>> -> memref<10240x16xf32, #tpu.memory_space<vmem_shared>>
    tpu.wait_indirect_dma semaphore(%arg8 : memref<!tpu.dma_semaphore, #tpu.memory_space<semaphore_mem>>) src(%arg6 : memref<128x16xf32, #tpu.memory_space<vmem>>) dst(%dma_wait3A_494 : memref<10240x16xf32, #tpu.memory_space<vmem_shared>>)
    %dma_wait3A_495 = arith.constant 2 : i32
    %dma_wait3A_496 = arith.constant 6 : i32
    %dma_wait3A_497 = arith.constant 0 : i32
    %dma_wait3A_498 = arith.constant 0 : i32
    %dma_wait3A_499 = tpu.memref_slice %arg5[%dma_wait3A_495, %dma_wait3A_497, %dma_wait3A_498] : memref<3x8x128xi32, #tpu.memory_space<vmem>> -> memref<1x8x128xi32, #tpu.memory_space<vmem>>
    %dma_wait3A_500 = tpu.memref_squeeze %dma_wait3A_499 : memref<1x8x128xi32, #tpu.memory_space<vmem>> -> memref<8x128xi32, #tpu.memory_space<vmem>>
    %dma_wait3A_501 = arith.constant 0 : i32
    %dma_wait3A_502 = tpu.memref_slice %dma_wait3A_500[%dma_wait3A_496, %dma_wait3A_501] : memref<8x128xi32, #tpu.memory_space<vmem>> -> memref<1x128xi32, #tpu.memory_space<vmem>>
    %dma_wait3A_503 = tpu.memref_squeeze %dma_wait3A_502 : memref<1x128xi32, #tpu.memory_space<vmem>> -> memref<128xi32, #tpu.memory_space<vmem>>
    %dma_wait3A_504 = arith.constant 0 : i32
    %dma_wait3A_505 = arith.constant 0 : i32
    %dma_wait3A_506 = tpu.memref_slice %arg4[%dma_wait3A_504, %dma_wait3A_505] : memref<10240x16xf32, #tpu.memory_space<vmem_shared>> -> memref<10240x16xf32, #tpu.memory_space<vmem_shared>>
    tpu.wait_indirect_dma semaphore(%arg8 : memref<!tpu.dma_semaphore, #tpu.memory_space<semaphore_mem>>) src(%arg6 : memref<128x16xf32, #tpu.memory_space<vmem>>) dst(%dma_wait3A_506 : memref<10240x16xf32, #tpu.memory_space<vmem_shared>>)
    %dma_wait3A_507 = arith.constant 0 : i32
    %dma_wait3A_508 = arith.constant 6 : i32
    %dma_wait3A_509 = arith.constant 0 : i32
    %dma_wait3A_510 = arith.constant 0 : i32
    %dma_wait3A_511 = tpu.memref_slice %arg5[%dma_wait3A_507, %dma_wait3A_509, %dma_wait3A_510] : memref<3x8x128xi32, #tpu.memory_space<vmem>> -> memref<1x8x128xi32, #tpu.memory_space<vmem>>
    %dma_wait3A_512 = tpu.memref_squeeze %dma_wait3A_511 : memref<1x8x128xi32, #tpu.memory_space<vmem>> -> memref<8x128xi32, #tpu.memory_space<vmem>>
    %dma_wait3A_513 = arith.constant 0 : i32
    %dma_wait3A_514 = tpu.memref_slice %dma_wait3A_512[%dma_wait3A_508, %dma_wait3A_513] : memref<8x128xi32, #tpu.memory_space<vmem>> -> memref<1x128xi32, #tpu.memory_space<vmem>>
    %dma_wait3A_515 = tpu.memref_squeeze %dma_wait3A_514 : memref<1x128xi32, #tpu.memory_space<vmem>> -> memref<128xi32, #tpu.memory_space<vmem>>
    %dma_wait3A_516 = arith.constant 0 : i32
    %dma_wait3A_517 = arith.constant 0 : i32
    %dma_wait3A_518 = tpu.memref_slice %arg4[%dma_wait3A_516, %dma_wait3A_517] : memref<10240x16xf32, #tpu.memory_space<vmem_shared>> -> memref<10240x16xf32, #tpu.memory_space<vmem_shared>>
    tpu.wait_indirect_dma semaphore(%arg8 : memref<!tpu.dma_semaphore, #tpu.memory_space<semaphore_mem>>) src(%arg6 : memref<128x16xf32, #tpu.memory_space<vmem>>) dst(%dma_wait3A_518 : memref<10240x16xf32, #tpu.memory_space<vmem_shared>>)
    %dma_wait3A_519 = arith.constant 2 : i32
    %dma_wait3A_520 = arith.constant 7 : i32
    %dma_wait3A_521 = arith.constant 0 : i32
    %dma_wait3A_522 = arith.constant 0 : i32
    %dma_wait3A_523 = tpu.memref_slice %arg5[%dma_wait3A_519, %dma_wait3A_521, %dma_wait3A_522] : memref<3x8x128xi32, #tpu.memory_space<vmem>> -> memref<1x8x128xi32, #tpu.memory_space<vmem>>
    %dma_wait3A_524 = tpu.memref_squeeze %dma_wait3A_523 : memref<1x8x128xi32, #tpu.memory_space<vmem>> -> memref<8x128xi32, #tpu.memory_space<vmem>>
    %dma_wait3A_525 = arith.constant 0 : i32
    %dma_wait3A_526 = tpu.memref_slice %dma_wait3A_524[%dma_wait3A_520, %dma_wait3A_525] : memref<8x128xi32, #tpu.memory_space<vmem>> -> memref<1x128xi32, #tpu.memory_space<vmem>>
    %dma_wait3A_527 = tpu.memref_squeeze %dma_wait3A_526 : memref<1x128xi32, #tpu.memory_space<vmem>> -> memref<128xi32, #tpu.memory_space<vmem>>
    %dma_wait3A_528 = arith.constant 0 : i32
    %dma_wait3A_529 = arith.constant 0 : i32
    %dma_wait3A_530 = tpu.memref_slice %arg4[%dma_wait3A_528, %dma_wait3A_529] : memref<10240x16xf32, #tpu.memory_space<vmem_shared>> -> memref<10240x16xf32, #tpu.memory_space<vmem_shared>>
    tpu.wait_indirect_dma semaphore(%arg8 : memref<!tpu.dma_semaphore, #tpu.memory_space<semaphore_mem>>) src(%arg6 : memref<128x16xf32, #tpu.memory_space<vmem>>) dst(%dma_wait3A_530 : memref<10240x16xf32, #tpu.memory_space<vmem_shared>>)
    %dma_wait3A_531 = arith.constant 0 : i32
    %dma_wait3A_532 = arith.constant 7 : i32
    %dma_wait3A_533 = arith.constant 0 : i32
    %dma_wait3A_534 = arith.constant 0 : i32
    %dma_wait3A_535 = tpu.memref_slice %arg5[%dma_wait3A_531, %dma_wait3A_533, %dma_wait3A_534] : memref<3x8x128xi32, #tpu.memory_space<vmem>> -> memref<1x8x128xi32, #tpu.memory_space<vmem>>
    %dma_wait3A_536 = tpu.memref_squeeze %dma_wait3A_535 : memref<1x8x128xi32, #tpu.memory_space<vmem>> -> memref<8x128xi32, #tpu.memory_space<vmem>>
    %dma_wait3A_537 = arith.constant 0 : i32
    %dma_wait3A_538 = tpu.memref_slice %dma_wait3A_536[%dma_wait3A_532, %dma_wait3A_537] : memref<8x128xi32, #tpu.memory_space<vmem>> -> memref<1x128xi32, #tpu.memory_space<vmem>>
    %dma_wait3A_539 = tpu.memref_squeeze %dma_wait3A_538 : memref<1x128xi32, #tpu.memory_space<vmem>> -> memref<128xi32, #tpu.memory_space<vmem>>
    %dma_wait3A_540 = arith.constant 0 : i32
    %dma_wait3A_541 = arith.constant 0 : i32
    %dma_wait3A_542 = tpu.memref_slice %arg4[%dma_wait3A_540, %dma_wait3A_541] : memref<10240x16xf32, #tpu.memory_space<vmem_shared>> -> memref<10240x16xf32, #tpu.memory_space<vmem_shared>>
    tpu.wait_indirect_dma semaphore(%arg8 : memref<!tpu.dma_semaphore, #tpu.memory_space<semaphore_mem>>) src(%arg6 : memref<128x16xf32, #tpu.memory_space<vmem>>) dst(%dma_wait3A_542 : memref<10240x16xf32, #tpu.memory_space<vmem_shared>>)
    %barrier3A_543 = arith.constant 0 : index
    tpu.barrier barrier_id(%barrier3A_543)
    %mul3A_544 = arith.constant 640 : i32
    %mul3A_545 = arith.muli %arg1, %mul3A_544 : i32
    %mul3A_546 = arith.constant 640 : i32
    %mul3A_547 = arith.muli %arg1, %mul3A_546 : i32
    "tpu.region"() ({
      %run_scoped3A = tpu.sem_alloc : memref<!tpu.dma_semaphore, #tpu.memory_space<semaphore_mem>>
      %dma_start3A_548 = arith.constant 0 : i32
      %dma_start3A_549 = tpu.memref_slice %arg3[%arg0, %mul3A_547, %dma_start3A_548] : memref<2x10240x16xf32, #tpu.memory_space<hbm>> -> memref<1x640x16xf32, #tpu.memory_space<hbm>>
      %dma_start3A_550 = tpu.memref_squeeze %dma_start3A_549 : memref<1x640x16xf32, #tpu.memory_space<hbm>> -> memref<640x16xf32, #tpu.memory_space<hbm>>
      %dma_start3A_551 = arith.constant 0 : i32
      %dma_start3A_552 = tpu.memref_slice %arg4[%mul3A_545, %dma_start3A_551] : memref<10240x16xf32, #tpu.memory_space<vmem_shared>> -> memref<640x16xf32, #tpu.memory_space<vmem_shared>>
      tpu.enqueue_dma source(%dma_start3A_552 : memref<640x16xf32, #tpu.memory_space<vmem_shared>>) target(%dma_start3A_550 : memref<640x16xf32, #tpu.memory_space<hbm>>) target_semaphore(%run_scoped3A : memref<!tpu.dma_semaphore, #tpu.memory_space<semaphore_mem>>)
      %dma_wait3A_553 = arith.constant 0 : i32
      %dma_wait3A_554 = tpu.memref_slice %arg3[%arg0, %mul3A_547, %dma_wait3A_553] : memref<2x10240x16xf32, #tpu.memory_space<hbm>> -> memref<1x640x16xf32, #tpu.memory_space<hbm>>
      %dma_wait3A_555 = tpu.memref_squeeze %dma_wait3A_554 : memref<1x640x16xf32, #tpu.memory_space<hbm>> -> memref<640x16xf32, #tpu.memory_space<hbm>>
      %dma_wait3A_556 = arith.constant 0 : i32
      %dma_wait3A_557 = tpu.memref_slice %arg4[%mul3A_545, %dma_wait3A_556] : memref<10240x16xf32, #tpu.memory_space<vmem_shared>> -> memref<640x16xf32, #tpu.memory_space<vmem_shared>>
      tpu.wait_dma2 semaphore(%run_scoped3A : memref<!tpu.dma_semaphore, #tpu.memory_space<semaphore_mem>>) src(%dma_wait3A_557 : memref<640x16xf32, #tpu.memory_space<vmem_shared>>) dst(%dma_wait3A_555 : memref<640x16xf32, #tpu.memory_space<hbm>>)
      tpu.yield
    }) : () -> ()
    return
  }
}

module attributes {stable_mosaic.version = 14 : i64} {
  func.func @_tc_scale_body(%arg0: i32, %arg1: memref<2000x128xf32, #tpu.memory_space<vmem>>, %arg2: memref<128x128xf32, #tpu.memory_space<vmem>>, %arg3: memref<2x2000x16xf32, #tpu.memory_space<vmem>>, %arg4: memref<2000x128xf32, #tpu.memory_space<vmem>>, %arg5: memref<2000x1xf32, #tpu.memory_space<vmem>>) attributes {dimension_semantics = [#tpu.dimension_semantics<arbitrary>], iteration_bounds = array<i64: 5>, scalar_prefetch = 0 : i64, scratch_operands = 0 : i64, tpu.core_type = #tpu.core_type<tc>, window_params = [{transform_indices = @transform_0, window_bounds = array<i64: 2000, 128>}, {pipeline_mode = #tpu.pipeline_mode<synchronous>, transform_indices = @transform_1, window_bounds = array<i64: 128, 128>}, {transform_indices = @transform_2, window_bounds = array<i64: 2, 2000, 16>}, {transform_indices = @transform_3, window_bounds = array<i64: 2000, 128>}, {transform_indices = @transform_4, window_bounds = array<i64: 2000, 1>}]} {
    %get3A = arith.constant 0 : index
    %get3A_0 = arith.constant 0 : index
    %get3A_1 = arith.constant 0 : index
    %get3A_2 = vector.load %arg3[%get3A, %get3A_0, %get3A_1] : memref<2x2000x16xf32, #tpu.memory_space<vmem>>, vector<1x2000x1xf32>
    %get3A_3 = vector.shape_cast %get3A_2 : vector<1x2000x1xf32> to vector<2000x1xf32>
    %get3A_4 = arith.constant 1 : index
    %get3A_5 = arith.constant 0 : index
    %get3A_6 = arith.constant 0 : index
    %get3A_7 = vector.load %arg3[%get3A_4, %get3A_5, %get3A_6] : memref<2x2000x16xf32, #tpu.memory_space<vmem>>, vector<1x2000x1xf32>
    %get3A_8 = vector.shape_cast %get3A_7 : vector<1x2000x1xf32> to vector<2000x1xf32>
    %add3A = arith.addf %get3A_3, %get3A_8 : vector<2000x1xf32>
    %add3A_9 = arith.constant 1.000000e+00 : f32
    %add3A_10 = vector.broadcast %add3A_9 : f32 to vector<2000x1xf32>
    %add3A_11 = arith.addf %add3A, %add3A_10 : vector<2000x1xf32>
    %rsqrt3A = math.rsqrt %add3A_11 : vector<2000x1xf32>
    %get3A_12 = arith.constant 0 : index
    %get3A_13 = arith.constant 0 : index
    %get3A_14 = vector.load %arg1[%get3A_12, %get3A_13] : memref<2000x128xf32, #tpu.memory_space<vmem>>, vector<2000x128xf32>
    %get3A_15 = arith.constant 0 : index
    %get3A_16 = arith.constant 0 : index
    %get3A_17 = vector.load %arg2[%get3A_15, %get3A_16] : memref<128x128xf32, #tpu.memory_space<vmem>>, vector<128x128xf32>
    %dot_general3A = arith.constant dense<0.000000e+00> : vector<2000x128xf32>
    %dot_general3A_18 = tpu.matmul %get3A_14, %get3A_17, %dot_general3A {dimension_numbers = #tpu.dot_dimension_numbers<[1], [0], [0], [1], [0, 0, 1, 1], [], []>, transpose_lhs_hint = false} : vector<2000x128xf32>, vector<128x128xf32>, vector<2000x128xf32> -> vector<2000x128xf32>
    %mul3A = vector.broadcast %rsqrt3A : vector<2000x1xf32> to vector<2000x128xf32>
    %mul3A_19 = arith.mulf %mul3A, %dot_general3A_18 : vector<2000x128xf32>
    %swap3A = arith.constant 0 : index
    %swap3A_20 = arith.constant 0 : index
    %swap3A_21 = vector.load %arg4[%swap3A, %swap3A_20] : memref<2000x128xf32, #tpu.memory_space<vmem>>, vector<2000x128xf32>
    tpu.vector_store %arg4[%swap3A, %swap3A_20], %mul3A_19 {strides = array<i32>} : memref<2000x128xf32, #tpu.memory_space<vmem>>, vector<2000x128xf32>,
    %swap3A_22 = arith.constant 0 : index
    %swap3A_23 = arith.constant 0 : index
    %swap3A_24 = vector.load %arg5[%swap3A_22, %swap3A_23] : memref<2000x1xf32, #tpu.memory_space<vmem>>, vector<2000x1xf32>
    tpu.vector_store %arg5[%swap3A_22, %swap3A_23], %rsqrt3A {strides = array<i32>} : memref<2000x1xf32, #tpu.memory_space<vmem>>, vector<2000x1xf32>,
    return
  }
  func.func @transform_0(%arg0: i32) -> (i32, i32) {
    %c0_i32 = arith.constant 0 : i32
    %c0_i32_0 = arith.constant 0 : i32
    return %arg0, %c0_i32 : i32, i32
  }
  func.func @transform_1(%arg0: i32) -> (i32, i32) {
    %c0_i32 = arith.constant 0 : i32
    %c0_i32_0 = arith.constant 0 : i32
    %c0_i32_1 = arith.constant 0 : i32
    return %c0_i32, %c0_i32_0 : i32, i32
  }
  func.func @transform_2(%arg0: i32) -> (i32, i32, i32) {
    %c0_i32 = arith.constant 0 : i32
    %c0_i32_0 = arith.constant 0 : i32
    %c0_i32_1 = arith.constant 0 : i32
    return %c0_i32, %arg0, %c0_i32_0 : i32, i32, i32
  }
  func.func @transform_3(%arg0: i32) -> (i32, i32) {
    %c0_i32 = arith.constant 0 : i32
    %c0_i32_0 = arith.constant 0 : i32
    return %arg0, %c0_i32 : i32, i32
  }
  func.func @transform_4(%arg0: i32) -> (i32, i32) {
    %c0_i32 = arith.constant 0 : i32
    %c0_i32_0 = arith.constant 0 : i32
    return %arg0, %c0_i32 : i32, i32
  }
}

module attributes {stable_mosaic.version = 14 : i64} {
  func.func @_tc_head_body(%arg0: i32, %arg1: memref<2000x128xf32, #tpu.memory_space<vmem>>, %arg2: memref<2000x128xf32, #tpu.memory_space<vmem>>, %arg3: memref<2000x1xf32, #tpu.memory_space<vmem>>, %arg4: memref<2x2000x128xf32, #tpu.memory_space<vmem>>, %arg5: memref<1x128xf32, #tpu.memory_space<vmem>>, %arg6: memref<128x256xf32, #tpu.memory_space<vmem>>, %arg7: memref<1x256xf32, #tpu.memory_space<vmem>>, %arg8: memref<256x256xf32, #tpu.memory_space<vmem>>, %arg9: memref<1x256xf32, #tpu.memory_space<vmem>>, %arg10: memref<256x1xf32, #tpu.memory_space<vmem>>, %arg11: memref<1x1xf32, #tpu.memory_space<vmem>>, %arg12: memref<2000x1xf32, #tpu.memory_space<vmem>>) attributes {dimension_semantics = [#tpu.dimension_semantics<arbitrary>], iteration_bounds = array<i64: 5>, scalar_prefetch = 0 : i64, scratch_operands = 0 : i64, tpu.core_type = #tpu.core_type<tc>, window_params = [{transform_indices = @transform_0, window_bounds = array<i64: 2000, 128>}, {transform_indices = @transform_1, window_bounds = array<i64: 2000, 128>}, {transform_indices = @transform_2, window_bounds = array<i64: 2000, 1>}, {transform_indices = @transform_3, window_bounds = array<i64: 2, 2000, 128>}, {pipeline_mode = #tpu.pipeline_mode<synchronous>, transform_indices = @transform_4, window_bounds = array<i64: 1, 128>}, {pipeline_mode = #tpu.pipeline_mode<synchronous>, transform_indices = @transform_5, window_bounds = array<i64: 128, 256>}, {pipeline_mode = #tpu.pipeline_mode<synchronous>, transform_indices = @transform_6, window_bounds = array<i64: 1, 256>}, {pipeline_mode = #tpu.pipeline_mode<synchronous>, transform_indices = @transform_7, window_bounds = array<i64: 256, 256>}, {pipeline_mode = #tpu.pipeline_mode<synchronous>, transform_indices = @transform_8, window_bounds = array<i64: 1, 256>}, {pipeline_mode = #tpu.pipeline_mode<synchronous>, transform_indices = @transform_9, window_bounds = array<i64: 256, 1>}, {pipeline_mode = #tpu.pipeline_mode<synchronous>, transform_indices = @transform_10, window_bounds = array<i64: 1, 1>}, {transform_indices = @transform_11, window_bounds = array<i64: 2000, 1>}]} {
    %get3A = arith.constant 0 : index
    %get3A_0 = arith.constant 0 : index
    %get3A_1 = vector.load %arg3[%get3A, %get3A_0] : memref<2000x1xf32, #tpu.memory_space<vmem>>, vector<2000x1xf32>
    %get3A_2 = arith.constant 0 : index
    %get3A_3 = arith.constant 0 : index
    %get3A_4 = arith.constant 0 : index
    %get3A_5 = vector.load %arg4[%get3A_2, %get3A_3, %get3A_4] : memref<2x2000x128xf32, #tpu.memory_space<vmem>>, vector<1x2000x128xf32>
    %get3A_6 = vector.shape_cast %get3A_5 : vector<1x2000x128xf32> to vector<2000x128xf32>
    %get3A_7 = arith.constant 1 : index
    %get3A_8 = arith.constant 0 : index
    %get3A_9 = arith.constant 0 : index
    %get3A_10 = vector.load %arg4[%get3A_7, %get3A_8, %get3A_9] : memref<2x2000x128xf32, #tpu.memory_space<vmem>>, vector<1x2000x128xf32>
    %get3A_11 = vector.shape_cast %get3A_10 : vector<1x2000x128xf32> to vector<2000x128xf32>
    %add3A = arith.addf %get3A_6, %get3A_11 : vector<2000x128xf32>
    %get3A_12 = arith.constant 0 : index
    %get3A_13 = arith.constant 0 : index
    %get3A_14 = vector.load %arg2[%get3A_12, %get3A_13] : memref<2000x128xf32, #tpu.memory_space<vmem>>, vector<2000x128xf32>
    %add3A_15 = arith.addf %add3A, %get3A_14 : vector<2000x128xf32>
    %mul3A = vector.broadcast %get3A_1 : vector<2000x1xf32> to vector<2000x128xf32>
    %mul3A_16 = arith.mulf %mul3A, %add3A_15 : vector<2000x128xf32>
    %get3A_17 = arith.constant 0 : index
    %get3A_18 = arith.constant 0 : index
    %get3A_19 = vector.load %arg5[%get3A_17, %get3A_18] : memref<1x128xf32, #tpu.memory_space<vmem>>, vector<1x128xf32>
    %add3A_20 = vector.broadcast %get3A_19 : vector<1x128xf32> to vector<2000x128xf32>
    %add3A_21 = arith.addf %mul3A_16, %add3A_20 : vector<2000x128xf32>
    %max3A = arith.constant 0.000000e+00 : f32
    %max3A_22 = vector.broadcast %max3A : f32 to vector<2000x128xf32>
    %max3A_23 = arith.maximumf %add3A_21, %max3A_22 : vector<2000x128xf32>
    %get3A_24 = arith.constant 0 : index
    %get3A_25 = arith.constant 0 : index
    %get3A_26 = vector.load %arg1[%get3A_24, %get3A_25] : memref<2000x128xf32, #tpu.memory_space<vmem>>, vector<2000x128xf32>
    %add3A_27 = arith.addf %max3A_23, %get3A_26 : vector<2000x128xf32>
    %get3A_28 = arith.constant 0 : index
    %get3A_29 = arith.constant 0 : index
    %get3A_30 = vector.load %arg6[%get3A_28, %get3A_29] : memref<128x256xf32, #tpu.memory_space<vmem>>, vector<128x256xf32>
    %dot_general3A = arith.constant dense<0.000000e+00> : vector<2000x256xf32>
    %dot_general3A_31 = tpu.matmul %add3A_27, %get3A_30, %dot_general3A {dimension_numbers = #tpu.dot_dimension_numbers<[1], [0], [0], [1], [0, 0, 1, 1], [], []>, transpose_lhs_hint = false} : vector<2000x128xf32>, vector<128x256xf32>, vector<2000x256xf32> -> vector<2000x256xf32>
    %get3A_32 = arith.constant 0 : index
    %get3A_33 = arith.constant 0 : index
    %get3A_34 = vector.load %arg7[%get3A_32, %get3A_33] : memref<1x256xf32, #tpu.memory_space<vmem>>, vector<1x256xf32>
    %add3A_35 = vector.broadcast %get3A_34 : vector<1x256xf32> to vector<2000x256xf32>
    %add3A_36 = arith.addf %dot_general3A_31, %add3A_35 : vector<2000x256xf32>
    %max3A_37 = arith.constant 0.000000e+00 : f32
    %max3A_38 = vector.broadcast %max3A_37 : f32 to vector<2000x256xf32>
    %max3A_39 = arith.maximumf %add3A_36, %max3A_38 : vector<2000x256xf32>
    %get3A_40 = arith.constant 0 : index
    %get3A_41 = arith.constant 0 : index
    %get3A_42 = vector.load %arg8[%get3A_40, %get3A_41] : memref<256x256xf32, #tpu.memory_space<vmem>>, vector<256x256xf32>
    %dot_general3A_43 = arith.constant dense<0.000000e+00> : vector<2000x256xf32>
    %dot_general3A_44 = tpu.matmul %max3A_39, %get3A_42, %dot_general3A_43 {dimension_numbers = #tpu.dot_dimension_numbers<[1], [0], [0], [1], [0, 0, 1, 1], [], []>, transpose_lhs_hint = false} : vector<2000x256xf32>, vector<256x256xf32>, vector<2000x256xf32> -> vector<2000x256xf32>
    %get3A_45 = arith.constant 0 : index
    %get3A_46 = arith.constant 0 : index
    %get3A_47 = vector.load %arg9[%get3A_45, %get3A_46] : memref<1x256xf32, #tpu.memory_space<vmem>>, vector<1x256xf32>
    %add3A_48 = vector.broadcast %get3A_47 : vector<1x256xf32> to vector<2000x256xf32>
    %add3A_49 = arith.addf %dot_general3A_44, %add3A_48 : vector<2000x256xf32>
    %max3A_50 = arith.constant 0.000000e+00 : f32
    %max3A_51 = vector.broadcast %max3A_50 : f32 to vector<2000x256xf32>
    %max3A_52 = arith.maximumf %add3A_49, %max3A_51 : vector<2000x256xf32>
    %get3A_53 = arith.constant 0 : index
    %get3A_54 = arith.constant 0 : index
    %get3A_55 = vector.load %arg10[%get3A_53, %get3A_54] : memref<256x1xf32, #tpu.memory_space<vmem>>, vector<256x1xf32>
    %dot_general3A_56 = arith.constant dense<0.000000e+00> : vector<2000x1xf32>
    %dot_general3A_57 = tpu.matmul %max3A_52, %get3A_55, %dot_general3A_56 {dimension_numbers = #tpu.dot_dimension_numbers<[1], [0], [0], [1], [0, 0, 1, 1], [], []>, transpose_lhs_hint = false} : vector<2000x256xf32>, vector<256x1xf32>, vector<2000x1xf32> -> vector<2000x1xf32>
    %get3A_58 = arith.constant 0 : index
    %get3A_59 = arith.constant 0 : index
    %get3A_60 = vector.load %arg11[%get3A_58, %get3A_59] : memref<1x1xf32, #tpu.memory_space<vmem>>, vector<1x1xf32>
    %add3A_61 = vector.broadcast %get3A_60 : vector<1x1xf32> to vector<2000x1xf32>
    %add3A_62 = arith.addf %dot_general3A_57, %add3A_61 : vector<2000x1xf32>
    %swap3A = arith.constant 0 : index
    %swap3A_63 = arith.constant 0 : index
    %swap3A_64 = vector.load %arg12[%swap3A, %swap3A_63] : memref<2000x1xf32, #tpu.memory_space<vmem>>, vector<2000x1xf32>
    tpu.vector_store %arg12[%swap3A, %swap3A_63], %add3A_62 {strides = array<i32>} : memref<2000x1xf32, #tpu.memory_space<vmem>>, vector<2000x1xf32>,
    return
  }
  func.func @transform_0(%arg0: i32) -> (i32, i32) {
    %c0_i32 = arith.constant 0 : i32
    %c0_i32_0 = arith.constant 0 : i32
    return %arg0, %c0_i32 : i32, i32
  }
  func.func @transform_1(%arg0: i32) -> (i32, i32) {
    %c0_i32 = arith.constant 0 : i32
    %c0_i32_0 = arith.constant 0 : i32
    return %arg0, %c0_i32 : i32, i32
  }
  func.func @transform_2(%arg0: i32) -> (i32, i32) {
    %c0_i32 = arith.constant 0 : i32
    %c0_i32_0 = arith.constant 0 : i32
    return %arg0, %c0_i32 : i32, i32
  }
  func.func @transform_3(%arg0: i32) -> (i32, i32, i32) {
    %c0_i32 = arith.constant 0 : i32
    %c0_i32_0 = arith.constant 0 : i32
    %c0_i32_1 = arith.constant 0 : i32
    return %c0_i32, %arg0, %c0_i32_0 : i32, i32, i32
  }
  func.func @transform_4(%arg0: i32) -> (i32, i32) {
    %c0_i32 = arith.constant 0 : i32
    %c0_i32_0 = arith.constant 0 : i32
    %c0_i32_1 = arith.constant 0 : i32
    return %c0_i32, %c0_i32_0 : i32, i32
  }
  func.func @transform_5(%arg0: i32) -> (i32, i32) {
    %c0_i32 = arith.constant 0 : i32
    %c0_i32_0 = arith.constant 0 : i32
    %c0_i32_1 = arith.constant 0 : i32
    return %c0_i32, %c0_i32_0 : i32, i32
  }
  func.func @transform_6(%arg0: i32) -> (i32, i32) {
    %c0_i32 = arith.constant 0 : i32
    %c0_i32_0 = arith.constant 0 : i32
    %c0_i32_1 = arith.constant 0 : i32
    return %c0_i32, %c0_i32_0 : i32, i32
  }
  func.func @transform_7(%arg0: i32) -> (i32, i32) {
    %c0_i32 = arith.constant 0 : i32
    %c0_i32_0 = arith.constant 0 : i32
    %c0_i32_1 = arith.constant 0 : i32
    return %c0_i32, %c0_i32_0 : i32, i32
  }
  func.func @transform_8(%arg0: i32) -> (i32, i32) {
    %c0_i32 = arith.constant 0 : i32
    %c0_i32_0 = arith.constant 0 : i32
    %c0_i32_1 = arith.constant 0 : i32
    return %c0_i32, %c0_i32_0 : i32, i32
  }
  func.func @transform_9(%arg0: i32) -> (i32, i32) {
    %c0_i32 = arith.constant 0 : i32
    %c0_i32_0 = arith.constant 0 : i32
    %c0_i32_1 = arith.constant 0 : i32
    return %c0_i32, %c0_i32_0 : i32, i32
  }
  func.func @transform_10(%arg0: i32) -> (i32, i32) {
    %c0_i32 = arith.constant 0 : i32
    %c0_i32_0 = arith.constant 0 : i32
    %c0_i32_1 = arith.constant 0 : i32
    return %c0_i32, %c0_i32_0 : i32, i32
  }
  func.func @transform_11(%arg0: i32) -> (i32, i32) {
    %c0_i32 = arith.constant 0 : i32
    %c0_i32_0 = arith.constant 0 : i32
    return %arg0, %c0_i32 : i32, i32
  }
}

</mosaic_0001>

<sc_bundles>
// kernel: kernel.6.cloned.1.call-start
scs
__scs_entry_jumppad:
0x0: {  	(pc) =	sbr.rel $0x88, $3  }
0x1: {  	(tag) =	ssettag $0x0;
	lr =	simm.s32 $0x1  }
0x2: {  	[smem:$0x3F97] =	sst lr;
	_ =	strace $0xD0000000  }
0x3: {  	_ = 	snop  }
0x4: {  	_ = 	snop  }
0x5: {  	_ = 	snop  }
0x6: {  	_ = 	snop  }
0x7: {  	_ = 	snop  }
__scs_overlays_trampoline_lowered:
0x8: {  	[smem:$0x3FA6] =	sst s0  }
0x9: {  	[smem:$0x3FA7] =	sst s1  }
0xa: {  	[smem:$0x3FA8] =	sst s2  }
0xb: {  	[smem:$0x3FA9] =	sst s3  }
0xc: {  	[smem:$0x3FAA] =	sst s4  }
0xd: {  	[smem:$0x3FAB] =	sst s5  }
0xe: {  	[smem:$0x3FAC] =	sst s6  }
0xf: {  	[smem:$0x3FAD] =	sst s7  }
0x10: {  	[smem:$0x3FAE] =	sst s8  }
0x11: {  	[smem:$0x3FAF] =	sst s9;
	s0 =	simm.s32 @!p0 $0x0  }
0x12: {  	s1 =	sld [smem:$0x3F95];
	s0 =	simm.s32 @p0 $0x1  }
0x13: {  	[smem:$0x3FB0] =	sst s0;
	s0 =	simm.s32 @!p1 $0x0  }
0x14: {  	s2 =	sld [smem:$0x3F94];
	s0 =	simm.s32 @p1 $0x1  }
0x15: {  	[smem:$0x3FB1] =	sst s0;
	s0 =	simm.s32 @!p2 $0x0  }
0x16: {  	s3 =	sld [smem:$0x3FDB];
	s0 =	simm.s32 @p2 $0x1  }
0x17: {  	s4 =	simm.s32 $0x1BF5;
	[smem:$0x3FB3] =	sst s0  }
0x18: {  	s0 =	sld [smem:$0x3F96];
	_ =	swait.ge [sflag:s4], $0x0  }
0x19: {  	s7 =	sld [smem:$0x3F97]  }
0x1a: {  	s8 =	sadd.s32 $0xFFFFE003, lr  }
0x1b: {  	s9 =	sadd.s32 $0xFFFFFEF7, lr;
	s5 =	simm.s32 $0xFFFFFFFF;
	p2 =	slt.u32 s8, $0xFFFFF086  }
0x1c: {  	p1 =	slt.u32 s9, $0xF7A;
	s5 =	simm.s32 @!p2 $0x0  }
0x1d: {  	s5 =	simm.s32 @p1 $0x1;
	p0 =	seq.s32 s7, s2  }
0x1e: {  	s7 =	smul.u32 @!p0 $0xF7A, s2;
	p2 =	seq.s32 @!p0 s5, $0x0  }
0x1f: {  	s9 =	smul.u32 $0xF7A, s1;
	s8 =	simm.s32 @!p0 $0x1BF5;
	p2 =	por !p2, p0  }
0x20: {  	[sflag:s8] =	ssyncset.s32 @!p0 $0xFFFFF086;
	s6 =	sadd.s32 @!p0 s3, s7;
	s7 =	simm.s32 @!p0 $0x108  }
0x21: {  	s3 =	sadd.s32 s3, s9;
	s6 =	sadd.s32 @!p0 $0x88, s6;
	s7 =	simm.s32 @p2 $0x1082  }
0x22: {  	[simem:s7], [sflag:s8] =	dma.local @!p0 [hbm:s6], $0xF7A  }
0x23: {  	s9 =	sor.u32 $0xD0000000, s2;
	s6 =	simm.s32 $0x108;
	_ =	swait.ge @!p0 [sflag:s8], $0x0  }
0x24: {  	s3 =	sadd.s32 $0x88, s3;
	s6 =	simm.s32 @!p1 $0x1082;
	[sflag:s4] =	ssyncset.s32 $0xFFFFF086  }
0x25: {  	[simem:s6], [sflag:s4] =	dma.local [hbm:s3], $0xF7A  }
0x26: {  	[smem:$0x3F97] =	sst s1;
	(tag) =	ssettag s2;
	_ =	strace s9  }
0x27: {  	s1 =	sld [smem:$0x3FA7]  }
0x28: {  	s2 =	sld [smem:$0x3FA8]  }
0x29: {  	s4 =	sld [smem:$0x3FAA]  }
0x2a: {  	p0 =	seq.s32 s5, $0x0;
	s5 =	sld [smem:$0x3FAB]  }
0x2b: {  	s6 =	sld [smem:$0x3FAC]  }
0x2c: {  	s7 =	sld [smem:$0x3FAD]  }
0x2d: {  	s3 =	simm.s32 $0x108;
	s8 =	sld [smem:$0x3FAE]  }
0x2e: {  	s3 =	simm.s32 @!p0 $0x1082;
	s9 =	sld [smem:$0x3FAF]  }
0x2f: {  	lr =	sadd.s32 s0, s3;
	s0 =	sld [smem:$0x3FA6]  }
0x30: {  	s3 =	sld [smem:$0x3FA9]  }
0x31: {  	[smem:$0x3FB2] =	sst s10  }
0x32: {  	s10 =	sld [smem:$0x3FB0];
	_ =	sdelay $0x3  }
0x33: {  	p0 =	seq.s32 s10, $0x1;
	s10 =	sld [smem:$0x3FB2];
	_ =	sdelay $0x3  }
0x34: {  	[smem:$0x3FB2] =	sst s10  }
0x35: {  	s10 =	sld [smem:$0x3FB1];
	_ =	sdelay $0x3  }
0x36: {  	p1 =	seq.s32 s10, $0x1;
	s10 =	sld [smem:$0x3FB2];
	_ =	sdelay $0x3  }
0x37: {  	[smem:$0x3FB2] =	sst s10  }
0x38: {  	s10 =	sld [smem:$0x3FB3]  }
0x39: {  	_ = 	snop;
	(pc) =	sbr.ind lr, $3  }
0x3a: {  	_ = 	snop  }
0x3b: {  	_ = 	snop  }
0x3c: {  	p2 =	seq.s32 s10, $0x1;
	s10 =	sld [smem:$0x3FB2]  }
0x3d: {  	_ =	shalt  }
0x3e: {  	_ =	shalt  }
0x3f: {  	_ =	shalt  }
0x40: {  	_ =	shalt  }
0x41: {  	_ =	shalt  }
0x42: {  	_ =	shalt  }
0x43: {  	_ =	shalt  }
0x44: {  	_ =	shalt  }
0x45: {  	_ =	shalt  }
0x46: {  	_ =	shalt  }
0x47: {  	_ =	shalt  }
0x48: {  	_ =	shalt  }
0x49: {  	_ =	shalt  }
0x4a: {  	_ =	shalt  }
0x4b: {  	_ =	shalt  }
0x4c: {  	_ =	shalt  }
0x4d: {  	_ =	shalt  }
0x4e: {  	_ =	shalt  }
0x4f: {  	_ =	shalt  }
0x50: {  	_ =	shalt  }
0x51: {  	_ =	shalt  }
0x52: {  	_ =	shalt  }
0x53: {  	_ =	shalt  }
0x54: {  	_ =	shalt  }
0x55: {  	_ =	shalt  }
0x56: {  	_ =	shalt  }
0x57: {  	_ =	shalt  }
0x58: {  	_ =	shalt  }
0x59: {  	_ =	shalt  }
0x5a: {  	_ =	shalt  }
0x5b: {  	_ =	shalt  }
0x5c: {  	_ =	shalt  }
0x5d: {  	_ =	shalt  }
0x5e: {  	_ =	shalt  }
0x5f: {  	_ =	shalt  }
0x60: {  	_ =	shalt  }
0x61: {  	_ =	shalt  }
0x62: {  	_ =	shalt  }
0x63: {  	_ =	shalt  }
0x64: {  	_ =	shalt  }
0x65: {  	_ =	shalt  }
0x66: {  	_ =	shalt  }
0x67: {  	_ =	shalt  }
0x68: {  	_ =	shalt  }
0x69: {  	_ =	shalt  }
0x6a: {  	_ =	shalt  }
0x6b: {  	_ =	shalt  }
0x6c: {  	_ =	shalt  }
0x6d: {  	_ =	shalt  }
0x6e: {  	_ =	shalt  }
0x6f: {  	_ =	shalt  }
0x70: {  	_ =	shalt  }
0x71: {  	_ =	shalt  }
0x72: {  	_ =	shalt  }
0x73: {  	_ =	shalt  }
0x74: {  	_ =	shalt  }
0x75: {  	_ =	shalt  }
0x76: {  	_ =	shalt  }
0x77: {  	_ =	shalt  }
0x78: {  	_ =	shalt  }
0x79: {  	_ =	shalt  }
0x7a: {  	_ =	shalt  }
0x7b: {  	_ =	shalt  }
0x7c: {  	_ =	shalt  }
0x7d: {  	_ =	shalt  }
0x7e: {  	_ =	shalt  }
0x7f: {  	_ =	shalt  }
0x80: {  	_ =	shalt  }
0x81: {  	_ =	shalt  }
0x82: {  	_ =	shalt  }
0x83: {  	_ =	shalt  }
0x84: {  	_ =	shalt  }
0x85: {  	_ =	shalt  }
0x86: {  	_ =	shalt  }
0x87: {  	_ =	shalt  }
.Lfunc_end0:
.L_simem_size_0:
called_computation_lowered:
.L_overlay_start_0:
0x88: {  	s2 =	sld [smem:$0x3FD9]  }
0x89: {  	s3 =	sld [smem:$0x3FFE];
	_ =	sdelay $0x1  }
0x8a: {  	s1 =	srdreg.scid  }
0x8b: {  	s0 =	sand.u32 $0x1, s1  }
0x8c: {  	s16 =	sshll.u32 s0, $0xA;
	s2 =	sadd.s32 s3, s2  }
0x8d: {  	s2 =	sadd.s32 s2, s16  }
0x8e: {  	[smem:$0x3FBE] =	sst s2  }
0x8f: {  	_ = 	snop  }
0x90: {  	(tm) =	ssettm $0x1  }
0x91: {  	s17 =	sld [smem:$0x3FFB];
	_ =	sdelay $0x3  }
0x92: {  	_ =	strace s17  }
0x93: {  	s2 =	sld [smem:$0x3FFC];
	_ =	sdelay $0x3  }
0x94: {  	_ =	strace s2  }
0x95: {  	s2 =	sld [smem:$0x3FFD];
	_ =	sdelay $0x3  }
0x96: {  	_ =	strace s2  }
0x97: {  	_ =	strace $0x8FFFFFFF  }
0x98: {  	s18 =	sld [smem:$0x3FDB];
	_ =	sdelay $0x1  }
0x99: {  	s19 =	simm.s32 $_scs_section_size  }
0x9a: {  	s4 =	simm.s32 $_size__tile_overlayer_lowered;
	s5 =	simm.s32 $_tile_overlayer_lowered  }
0x9b: {  	s22 =	simm.s32 $0x1BFF;
	s21 =	sshll.u32 s5, $0x1;
	s2 =	sadd.s32 s19, s18  }
0x9c: {  	s6 =	simm.s32 $0x0;
	s20 =	sshll.u32 s4, $0x1;
	s4 =	sadd.s32 s21, s2  }
0x9d: {  	[timem:s6], [sflag:s22] =	dma.local [hbm:s4], s20  }
0x9e: {  	_ =	swait.ge [sflag:s22], s20  }
0x9f: {  	s3 =	ssub.s32 $0x0, s20;
	[sflag:s22] =	ssyncset.done $0x0  }
0xa0: {  	[sflag:s22] =	ssyncadd.s32 s3;
	_ =	sdelay $0x1  }
0xa1: {  	s23 =	simm.s32 $0x1B8B  }
0xa2: {  	_ =	swait.ge [sflag:s23], $0x1  }
0xa3: {  	[sflag:s23] =	ssyncset.done $0x0  }
0xa4: {  	s25 =	simm.s32 $0x1B8E;
	s24 =	sld [smem:$0x3FFE];
	[sflag:s23] =	ssyncadd.s32 $0xFFFFFFFF  }
0xa5: {  	s26 =	simm.s32 $execute0_lowered;
	[smem:$0x3FD2] =	sst s25  }
0xa6: {  	s4 =	sshll.u32 s26, $0x1;
	_ =	strace $0x80000046;
	[dreg:$0x1] =	wrdreg $0xFFFFFFFF  }
0xa7: {  	s28 =	simm.s32 $_size_execute0_lowered;
	s2 =	sadd.s32 s2, s4;
	[dreg:$0x0] =	wrdreg $0x0  }
0xa8: {  	s4 =	sshll.u32 s28, $0x1;
	[dreg:$0x2] =	wrdreg s2  }
0xa9: {  	[dreg:$0x3] =	wrdreg s4  }
0xaa: {  	[dreg:$0x4] =	wrdreg $0xC0  }
0xab: {  	_ =	task [dreg:s6], $0x5FFFF  }
0xac: {  	[dreg:$0x1] =	wrdreg $0xFFFFFFFF  }
0xad: {  	[dreg:$0x0] =	wrdreg $0x60  }
0xae: {  	[dreg:$0x2] =	wrdreg s24  }
0xaf: {  	[dreg:$0x3] =	wrdreg $0x0  }
0xb0: {  	[dreg:$0x4] =	wrdreg $0x9  }
0xb1: {  	_ =	task.clear_ibuf [dreg:s6], $0x5FFFF;
	_ =	strace $0x90000046  }
0xb2: {  	s29 =	simm.s32 $0x9;
	_ =	strace $0x80000048  }
0xb3: {  	_ =	swait.ge [sflag:s29], $0x1  }
0xb4: {  	[sflag:s29] =	ssyncadd.s32 $0xFFFFFFFF  }
0xb5: {  	_ =	strace $0x90000048  }
0xb6: {  	_ =	sfence  }
0xb7: {  	s30 =	sld [smem:$0x0];
	_ =	sdelay $0x2  }
0xb8: {  	s31 =	sshll.u32 s1, $0xD;
	s1 =	sshrl.u32 s1, $0x2  }
0xb9: {  	s3 =	sand.u32 $0x4000, s31;
	s1 =	sadd.s32 s1, s30  }
0xba: {  	s0 =	sor.u32 s3, s0;
	s1 =	sshll.u32 s1, $0x11  }
0xbb: {  	s0 =	sor.u32 s1, s0  }
0xbc: {  	s0 =	sadd.s32 $0x8F2B, s0  }
0xbd: {  	[sflag:s0] =	ssyncadd.remote.s32 $0x1  }
0xbe: {  	_ =	sfence.sel $0xFFFF  }
0xbf: {  	[dreg:$0x0] =	wrdreg $0xFFFFFFFF;
	(pc) =	sbr.abs _section_cstart, $3  }
0xc0: {  	[dreg:$0x1] =	wrdreg $0xFFFFFFFF  }
0xc1: {  	_ =	task.clear_ibuf [dreg:s6], $0x2FFFF;
	_ =	strace $0x9FFFFFFF  }
0xc2: {  	(tm) =	ssettm $0x7FFFFFFF  }
0xc3: {  	_ =	shalt  }
tec
execute0_lowered:
.L_overlay_start_1:
0x0: {  	(tag) =	ssettag $0x1  }
0x1: {  	s0 =	rddreg [dreg:$0x0]  }
0x2: {  	s1 =	srdreg.scid;
	s2 =	rddreg [dreg:$0x1]  }
0x3: {  	s11 =	stileid.u32;
	s3 =	simm.s32 $0x0;
	s17 =	simm.s32 $0x2C00  }
0x4: {  	s18 =	simm.s32 $0x2C80;
	s19 =	simm.s32 $0x2D00;
	s5 =	smul.u32 $0x14000, s11  }
0x5: {  	s28 =	simm.s32 $0x3280;
	s29 =	simm.s32 $0x3300;
	s20 =	smul.u32 $0x50000, s11  }
0x6: {  	s30 =	simm.s32 $0x3380;
	s1 =	sand.u32 $0x1, s1;
	s15 =	smul.u32 $0x500, s11  }
0x7: {  	[smem:$0x7FF] =	sst s3;
	s6 =	sadd.s32 $0x2E00, s0;
	s4 =	smul.u32 $0x140000, s1  }
0x8: {  	_ =	strace $0x80000047;
	s21 =	sshll.u32 s1, $0x4;
	[dreg:$0x4] =	wrdreg s17  }
0x9: {  	s8 =	ssub.s32 $0x2, s1;
	s1 =	smul.u32 $0x5000, s1;
	[dreg:$0x5] =	wrdreg s18  }
0xa: {  	[dreg:$0x6] =	wrdreg s19;
	s17 =	simm.s32 $0x80;
	s18 =	simm.s32 $0x2880  }
0xb: {  	s19 =	simm.s32 $0x2900;
	s9 =	sor.u32 s11, s21;
	s22 =	sshrl.u32 s20, $0x2  }
0xc: {  	s23 =	sshrl.u32 s8, $0x1;
	s20 =	simm.s32 $0x2D80;
	s21 =	simm.s32 $0x2E00  }
0xd: {  	s4 =	sadd.s32 s5, s4;
	s10 =	smul.u32 $0x2800, s9;
	s5 =	ssub.s32 s8, s23  }
0xe: {  	s31 =	smul.u32 $0x500, s9;
	s16 =	sadd.s32 s1, s6;
	[dreg:$0x7] =	wrdreg s20  }
0xf: {  	[dreg:$0x8] =	wrdreg s21;
	s23 =	simm.s32 $0x2F00;
	s20 =	simm.s32 $0x2980  }
0x10: {  	s21 =	simm.s32 $0x2A00;
	s7 =	sshrl.u32 s4, $0x3;
	s4 =	sadd.s32 s22, s2  }
0x11: {  	s5 =	smax.u32 s5, $0x1;
	s22 =	simm.s32 $0x2E80;
	[dreg:$0xa] =	wrdreg s23  }
0x12: {  	s23 =	simm.s32 $0x2B00;
	s0 =	sadd.s32 s7, s0;
	[dreg:$0x15] =	wrdreg s5  }
0x13: {  	s24 =	sadd.s32 $0x4000, s4;
	s25 =	sadd.s32 $0x8000, s4;
	[dreg:$0x9] =	wrdreg s22  }
0x14: {  	s26 =	sshrl.u32 s10, $0x3;
	s10 =	sadd.s32 $0xC000, s4;
	[dreg:$0xf] =	wrdreg s24  }
0x15: {  	s12 =	sadd.s32 $0x10000, s4;
	s13 =	sadd.s32 s31, s6;
	[dreg:$0x10] =	wrdreg s25  }
0x16: {  	s22 =	simm.s32 $0x2A80;
	s31 =	simm.s32 $0x3180;
	[dreg:$0x11] =	wrdreg s10  }
0x17: {  	[dreg:$0x12] =	wrdreg s12;
	s7 =	sadd.s32 s6, s26;
	s0 =	sadd.s32 $0x16E00, s0  }
0x18: {  	s14 =	sadd.s32 $0xA080, s13;
	s12 =	sadd.s32 s15, s16;
	[dreg:$0xe] =	wrdreg s31  }
0x19: {  	s13 =	simm.s32 $0x3400;
	s15 =	simm.s32 $0x2800;
	[dreg:$0x14] =	wrdreg s0  }
0x1a: {  	s16 =	simm.s32 $0x1;
	s24 =	simm.s32 $0x2F80;
	[dreg:$0x3] =	wrdreg s14  }
0x1b: {  	s25 =	simm.s32 $0x3080;
	s26 =	simm.s32 $0x3100;
	[dreg:$0xb] =	wrdreg s24  }
0x1c: {  	s7 =	sadd.s32 $0xA000, s7;
	s14 =	simm.s32 $0x2;
	[dreg:$0xc] =	wrdreg s25  }
0x1d: {  	[dreg:$0xd] =	wrdreg s26;
	s24 =	simm.s32 $0x2B80;
	s25 =	simm.s32 $0x3000  }
0x1e: {  	v0 =	vimm.f32 $0.0e+00;
	v1 =	vimm.f32 $1.000000000e+00;
	s26 =	simm.s32 $0x3200;
	s0 =	simm.s32 $0x0;
	[dreg:$0x13] =	wrdreg s7  }
.LBB2_1:
0x1f: {  	s1 =	simm.s32 $0x200;
	s5 =	simm.s32 $0x0  }
.LBB2_2:
0x20: {  	p0 =	sne.s32 s1, $0xFE00;
	[tilespmem:s5+$0x3400] =	vst v0;
	s5 =	smov.u32 s1;
	s1 =	sadd.s32 $0x200, s1  }
.Ltmp0:
0x21: {  	(pc) =	sbr.rel @p0 .LBB2_2-.Ltmp0, $2  }
0x22: {  	_ =	sdelay $0x2  }
0x23: {  	s5 =	sshra.s32 s5, $0x2  }
0x24: {  	[tilespmem:s5+$0x3400] =	vst v0  }
0x25: {  	[spmem:s4] =	stream.linear.scatter [tilespmem:s13], [sflag:$0x2], $0x4000, $0x38;
	[tilespmem:$0x7400] =	vst v63  }
0x26: {  	s1 =	rddreg [dreg:$0xf]  }
0x27: {  	[spmem:s1] =	stream.linear.scatter [tilespmem:s13], [sflag:$0x2], $0x4000, $0x38;
	[tilespmem:$0x7400] =	vst v63  }
0x28: {  	s10 =	rddreg [dreg:$0x10]  }
0x29: {  	[spmem:s10] =	stream.linear.scatter [tilespmem:s13], [sflag:$0x2], $0x4000, $0x38;
	[tilespmem:$0x7400] =	vst v63  }
0x2a: {  	s11 =	rddreg [dreg:$0x11]  }
0x2b: {  	[spmem:s11] =	stream.linear.scatter [tilespmem:s13], [sflag:$0x2], $0x4000, $0x38;
	[tilespmem:$0x7400] =	vst v63  }
0x2c: {  	s31 =	rddreg [dreg:$0x12]  }
0x2d: {  	[spmem:s31] =	stream.linear.scatter [tilespmem:s13], [sflag:$0x2], $0x4000, $0x38;
	[tilespmem:$0x7400] =	vst v63  }
0x2e: {  	_ =	swait.ge [sflag:s14], $0x4000  }
0x2f: {  	[sflag:s14] =	ssyncset.done $0x0  }
0x30: {  	[sflag:s14] =	ssyncadd.s32 $0xFFFFC000  }
0x31: {  	_ =	swait.ge [sflag:s14], $0x4000  }
0x32: {  	[sflag:s14] =	ssyncset.done $0x0  }
0x33: {  	[sflag:s14] =	ssyncadd.s32 $0xFFFFC000  }
0x34: {  	_ =	swait.ge [sflag:s14], $0x4000  }
0x35: {  	[sflag:s14] =	ssyncset.done $0x0  }
0x36: {  	[sflag:s14] =	ssyncadd.s32 $0xFFFFC000  }
0x37: {  	_ =	swait.ge [sflag:s14], $0x4000  }
0x38: {  	[sflag:s14] =	ssyncset.done $0x0  }
0x39: {  	[sflag:s14] =	ssyncadd.s32 $0xFFFFC000  }
0x3a: {  	_ =	swait.ge [sflag:s14], $0x4000  }
0x3b: {  	[sflag:s14] =	ssyncset.done $0x0  }
0x3c: {  	[sflag:s14] =	ssyncadd.s32 $0xFFFFC000  }
0x3d: {  	s5 =	simm.s32 $0x0;
	s1 =	simm.s32 $0x200;
	[bflag:$0x0] =	sbarrier.arrive $0xFFFF  }
.LBB2_4:
0x3e: {  	p0 =	sne.s32 s1, $0xFE00;
	[tilespmem:s5+$0x3400] =	vst v1;
	s5 =	smov.u32 s1;
	s1 =	sadd.s32 $0x200, s1  }
.Ltmp1:
0x3f: {  	(pc) =	sbr.rel @p0 .LBB2_4-.Ltmp1, $2  }
0x40: {  	_ =	sdelay $0x2  }
0x41: {  	s5 =	sshra.s32 s5, $0x2  }
0x42: {  	[tilespmem:s5+$0x3400] =	vst v1;
	s1 =	simm.s32 $0x0;
	s31 =	rddreg [dreg:$0x13];
	p1 =	por $0x1, $0x1  }
0x43: {  	[tilespmem:s15], [sflag:$0x1] =	stream.linear.gather [hbm4b:s31+s1], $0x400, $0x38;
	[tilespmem:$0x7400] =	vst v63  }
0x44: {  	p0 =	por p1, p1;
	_ =	swait.ge [sflag:s16], $0x400  }
0x45: {  	s1 =	simm.s32 @!p0 $0x2;
	s6 =	simm.s32 @p0 $0x0;
	[sflag:s16] =	ssyncset.done $0x0  }
0x46: {  	s7 =	simm.s32 @p0 $0x2C00;
	s5 =	rddreg [dreg:$0x3];
	[sflag:s16] =	ssyncadd.s32 $0xFFFFFC00  }
0x47: {  	[tilespmem:s7], [sflag:$0x1] =	stream.linear.gather @p0 [hbm4b:s5+s6], $0x400, $0x38;
	[tilespmem:$0x7400] =	vst v63  }
0x48: {  	_ =	swait.ge @!p0 [sflag:s1], $0x800  }
0x49: {  	[sflag:s1] =	ssyncset.done @!p0 $0x0  }
0x4a: {  	[sflag:s1] =	ssyncadd.s32 @!p0 $0xFFFFF800  }
0x4b: {  	_ =	swait.ge @!p0 [sflag:s1], $0x800  }
0x4c: {  	[sflag:s1] =	ssyncset.done @!p0 $0x0  }
0x4d: {  	[sflag:s1] =	ssyncadd.s32 @!p0 $0xFFFFF800  }
0x4e: {  	_ =	swait.ge @!p0 [sflag:s1], $0x800  }
0x4f: {  	[sflag:s1] =	ssyncset.done @!p0 $0x0  }
0x50: {  	[sflag:s1] =	ssyncadd.s32 @!p0 $0xFFFFF800  }
0x51: {  	_ =	swait.ge @!p0 [sflag:s1], $0x800  }
0x52: {  	[sflag:s1] =	ssyncset.done @!p0 $0x0  }
0x53: {  	[sflag:s1] =	ssyncadd.s32 @!p0 $0xFFFFF800  }
0x54: {  	_ =	swait.ge @!p0 [sflag:s1], $0x800  }
0x55: {  	[sflag:s1] =	ssyncset.done @!p0 $0x0  }
0x56: {  	[sflag:s1] =	ssyncadd.s32 @!p0 $0xFFFFF800  }
0x57: {  	_ =	swait.ge @!p0 [sflag:s1], $0x800  }
0x58: {  	[sflag:s1] =	ssyncset.done @!p0 $0x0  }
0x59: {  	[sflag:s1] =	ssyncadd.s32 @!p0 $0xFFFFF800  }
0x5a: {  	_ =	swait.ge @!p0 [sflag:s1], $0x800  }
0x5b: {  	[sflag:s1] =	ssyncset.done @!p0 $0x0  }
0x5c: {  	[sflag:s1] =	ssyncadd.s32 @!p0 $0xFFFFF800  }
0x5d: {  	s8 =	simm.s32 @!p0 $0x2C00;
	_ =	swait.ge @!p0 [sflag:s1], $0x800  }
0x5e: {  	s5 =	sadd.s32 @!p1 $0x0, s12;
	s6 =	simm.s32 @!p0 $0x1;
	[sflag:s1] =	ssyncset.done @!p0 $0x0  }
0x5f: {  	s7 =	simm.s32 @!p0 $0x0;
	s5 =	sadd.s32 @!p1 $0xA080, s5;
	[sflag:s1] =	ssyncadd.s32 @!p0 $0xFFFFF800  }
0x60: {  	[tilespmem:s8], [sflag:$0x1] =	stream.linear.gather @!p0 [hbm4b:s5+s7], $0x400, $0x38;
	[tilespmem:$0x7400] =	vst v63  }
0x61: {  	_ =	swait.ge @!p0 [sflag:s6], $0x400  }
0x62: {  	[sflag:s6] =	ssyncset.done @!p0 $0x0  }
0x63: {  	[sflag:s6] =	ssyncadd.s32 @!p0 $0xFFFFFC00  }
0x64: {  	[spmem:s2] =	stream.indirect.scatter.add.f32 [tilespmem:s13], [sflag:$0x2], $0x10, s15, s17, $0xb8;
	[tilespmem:$0x7400] =	vst v63  }
0x65: {  	_ = 	snop  }
0x66: {  	[spmem:s2] =	stream.indirect.scatter.add.f32 [tilespmem:s13], [sflag:$0x2], $0x10, s18, s17, $0xb8;
	[tilespmem:$0x7400] =	vst v63  }
0x67: {  	_ = 	snop  }
0x68: {  	[spmem:s2] =	stream.indirect.scatter.add.f32 [tilespmem:s13], [sflag:$0x2], $0x10, s19, s17, $0xb8;
	[tilespmem:$0x7400] =	vst v63  }
0x69: {  	_ = 	snop  }
0x6a: {  	[spmem:s2] =	stream.indirect.scatter.add.f32 [tilespmem:s13], [sflag:$0x2], $0x10, s20, s17, $0xb8;
	[tilespmem:$0x7400] =	vst v63  }
0x6b: {  	_ = 	snop  }
0x6c: {  	[spmem:s2] =	stream.indirect.scatter.add.f32 [tilespmem:s13], [sflag:$0x2], $0x10, s21, s17, $0xb8;
	[tilespmem:$0x7400] =	vst v63  }
0x6d: {  	_ = 	snop  }
0x6e: {  	[spmem:s2] =	stream.indirect.scatter.add.f32 [tilespmem:s13], [sflag:$0x2], $0x10, s22, s17, $0xb8;
	[tilespmem:$0x7400] =	vst v63  }
0x6f: {  	_ = 	snop  }
0x70: {  	[spmem:s2] =	stream.indirect.scatter.add.f32 [tilespmem:s13], [sflag:$0x2], $0x10, s23, s17, $0xb8;
	[tilespmem:$0x7400] =	vst v63  }
0x71: {  	_ = 	snop  }
0x72: {  	[spmem:s2] =	stream.indirect.scatter.add.f32 [tilespmem:s13], [sflag:$0x2], $0x10, s24, s17, $0xb8;
	[tilespmem:$0x7400] =	vst v63  }
0x73: {  	_ =	swait.ge @!p0 [sflag:s1], $0x800  }
0x74: {  	[sflag:s1] =	ssyncset.done @!p0 $0x0  }
0x75: {  	[sflag:s1] =	ssyncadd.s32 @!p0 $0xFFFFF800  }
0x76: {  	_ =	swait.ge @!p0 [sflag:s1], $0x800  }
0x77: {  	[sflag:s1] =	ssyncset.done @!p0 $0x0  }
0x78: {  	[sflag:s1] =	ssyncadd.s32 @!p0 $0xFFFFF800  }
0x79: {  	_ =	swait.ge @!p0 [sflag:s1], $0x800  }
0x7a: {  	[sflag:s1] =	ssyncset.done @!p0 $0x0  }
0x7b: {  	[sflag:s1] =	ssyncadd.s32 @!p0 $0xFFFFF800  }
0x7c: {  	_ =	swait.ge @!p0 [sflag:s1], $0x800  }
0x7d: {  	[sflag:s1] =	ssyncset.done @!p0 $0x0  }
0x7e: {  	[sflag:s1] =	ssyncadd.s32 @!p0 $0xFFFFF800  }
0x7f: {  	_ =	swait.ge @!p0 [sflag:s1], $0x800  }
0x80: {  	[sflag:s1] =	ssyncset.done @!p0 $0x0  }
0x81: {  	[sflag:s1] =	ssyncadd.s32 @!p0 $0xFFFFF800  }
0x82: {  	_ =	swait.ge @!p0 [sflag:s1], $0x800  }
0x83: {  	[sflag:s1] =	ssyncset.done @!p0 $0x0  }
0x84: {  	[sflag:s1] =	ssyncadd.s32 @!p0 $0xFFFFF800  }
0x85: {  	_ =	swait.ge @!p0 [sflag:s1], $0x800  }
0x86: {  	[sflag:s1] =	ssyncset.done @!p0 $0x0  }
0x87: {  	[sflag:s1] =	ssyncadd.s32 @!p0 $0xFFFFF800  }
0x88: {  	_ =	swait.ge @!p0 [sflag:s1], $0x800  }
0x89: {  	s5 =	sadd.s32 $0x0, s12;
	[sflag:s1] =	ssyncset.done @!p0 $0x0  }
0x8a: {  	s6 =	sadd.s32 $0xA100, s5;
	[sflag:s1] =	ssyncadd.s32 @!p0 $0xFFFFF800  }
0x8b: {  	[tilespmem:s25], [sflag:$0x1] =	stream.linear.gather [hbm4b:s6+s3], $0x400, $0x38;
	[tilespmem:$0x7400] =	vst v63  }
0x8c: {  	_ =	swait.ge [sflag:s16], $0x400  }
0x8d: {  	[sflag:s16] =	ssyncset.done $0x0  }
0x8e: {  	s7 =	rddreg [dreg:$0x4];
	[sflag:s16] =	ssyncadd.s32 $0xFFFFFC00  }
0x8f: {  	[spmem:s2] =	stream.indirect.scatter.add.f32 [tilespmem:s13], [sflag:$0x2], $0x10, s7, s17, $0xb8;
	[tilespmem:$0x7400] =	vst v63  }
0x90: {  	s8 =	rddreg [dreg:$0x5]  }
0x91: {  	[spmem:s2] =	stream.indirect.scatter.add.f32 [tilespmem:s13], [sflag:$0x2], $0x10, s8, s17, $0xb8;
	[tilespmem:$0x7400] =	vst v63  }
0x92: {  	s9 =	rddreg [dreg:$0x6]  }
0x93: {  	[spmem:s2] =	stream.indirect.scatter.add.f32 [tilespmem:s13], [sflag:$0x2], $0x10, s9, s17, $0xb8;
	[tilespmem:$0x7400] =	vst v63  }
0x94: {  	s10 =	rddreg [dreg:$0x7]  }
0x95: {  	[spmem:s2] =	stream.indirect.scatter.add.f32 [tilespmem:s13], [sflag:$0x2], $0x10, s10, s17, $0xb8;
	[tilespmem:$0x7400] =	vst v63  }
0x96: {  	s11 =	rddreg [dreg:$0x8]  }
0x97: {  	[spmem:s2] =	stream.indirect.scatter.add.f32 [tilespmem:s13], [sflag:$0x2], $0x10, s11, s17, $0xb8;
	[tilespmem:$0x7400] =	vst v63  }
0x98: {  	s31 =	rddreg [dreg:$0x9]  }
0x99: {  	[spmem:s2] =	stream.indirect.scatter.add.f32 [tilespmem:s13], [sflag:$0x2], $0x10, s31, s17, $0xb8;
	[tilespmem:$0x7400] =	vst v63  }
0x9a: {  	s7 =	rddreg [dreg:$0xa]  }
0x9b: {  	[spmem:s2] =	stream.indirect.scatter.add.f32 [tilespmem:s13], [sflag:$0x2], $0x10, s7, s17, $0xb8;
	[tilespmem:$0x7400] =	vst v63  }
0x9c: {  	s8 =	rddreg [dreg:$0xb]  }
0x9d: {  	[spmem:s2] =	stream.indirect.scatter.add.f32 [tilespmem:s13], [sflag:$0x2], $0x10, s8, s17, $0xb8;
	[tilespmem:$0x7400] =	vst v63  }
0x9e: {  	_ =	swait.ge [sflag:s14], $0x800  }
0x9f: {  	[sflag:s14] =	ssyncset.done $0x0  }
0xa0: {  	[sflag:s14] =	ssyncadd.s32 $0xFFFFF800  }
0xa1: {  	_ =	swait.ge [sflag:s14], $0x800  }
0xa2: {  	[sflag:s14] =	ssyncset.done $0x0  }
0xa3: {  	[sflag:s14] =	ssyncadd.s32 $0xFFFFF800  }
0xa4: {  	_ =	swait.ge [sflag:s14], $0x800  }
0xa5: {  	[sflag:s14] =	ssyncset.done $0x0  }
0xa6: {  	[sflag:s14] =	ssyncadd.s32 $0xFFFFF800  }
0xa7: {  	_ =	swait.ge [sflag:s14], $0x800  }
0xa8: {  	[sflag:s14] =	ssyncset.done $0x0  }
0xa9: {  	[sflag:s14] =	ssyncadd.s32 $0xFFFFF800  }
0xaa: {  	_ =	swait.ge [sflag:s14], $0x800  }
0xab: {  	[sflag:s14] =	ssyncset.done $0x0  }
0xac: {  	[sflag:s14] =	ssyncadd.s32 $0xFFFFF800  }
0xad: {  	_ =	swait.ge [sflag:s14], $0x800  }
0xae: {  	[sflag:s14] =	ssyncset.done $0x0  }
0xaf: {  	[sflag:s14] =	ssyncadd.s32 $0xFFFFF800  }
0xb0: {  	_ =	swait.ge [sflag:s14], $0x800  }
0xb1: {  	[sflag:s14] =	ssyncset.done $0x0  }
0xb2: {  	[sflag:s14] =	ssyncadd.s32 $0xFFFFF800  }
0xb3: {  	_ =	swait.ge [sflag:s14], $0x800  }
0xb4: {  	[sflag:s14] =	ssyncset.done $0x0  }
0xb5: {  	s9 =	sadd.s32 $0xA180, s5;
	[sflag:s14] =	ssyncadd.s32 $0xFFFFF800  }
0xb6: {  	[tilespmem:s15], [sflag:$0x1] =	stream.linear.gather [hbm4b:s9+s3], $0x400, $0x38;
	[tilespmem:$0x7400] =	vst v63  }
0xb7: {  	_ =	swait.ge [sflag:s16], $0x400  }
0xb8: {  	[sflag:s16] =	ssyncset.done $0x0  }
0xb9: {  	[sflag:s16] =	ssyncadd.s32 $0xFFFFFC00  }
0xba: {  	[spmem:s2] =	stream.indirect.scatter.add.f32 [tilespmem:s13], [sflag:$0x2], $0x10, s25, s17, $0xb8;
	[tilespmem:$0x7400] =	vst v63  }
0xbb: {  	s10 =	rddreg [dreg:$0xc]  }
0xbc: {  	[spmem:s2] =	stream.indirect.scatter.add.f32 [tilespmem:s13], [sflag:$0x2], $0x10, s10, s17, $0xb8;
	[tilespmem:$0x7400] =	vst v63  }
0xbd: {  	s11 =	rddreg [dreg:$0xd]  }
0xbe: {  	[spmem:s2] =	stream.indirect.scatter.add.f32 [tilespmem:s13], [sflag:$0x2], $0x10, s11, s17, $0xb8;
	[tilespmem:$0x7400] =	vst v63  }
0xbf: {  	s31 =	rddreg [dreg:$0xe]  }
0xc0: {  	[spmem:s2] =	stream.indirect.scatter.add.f32 [tilespmem:s13], [sflag:$0x2], $0x10, s31, s17, $0xb8;
	[tilespmem:$0x7400] =	vst v63  }
0xc1: {  	p1 =	por $0x0, $0x0;
	s1 =	simm.s32 $0x180  }
0xc2: {  	[spmem:s2] =	stream.indirect.scatter.add.f32 [tilespmem:s13], [sflag:$0x2], $0x10, s26, s17, $0xb8;
	[tilespmem:$0x7400] =	vst v63  }
0xc3: {  	p0 =	por p1, p1;
	s6 =	simm.s32 $0x300;
	s5 =	sadd.s32 @!p1 $0x180, s12  }
0xc4: {  	[spmem:s2] =	stream.indirect.scatter.add.f32 [tilespmem:s13], [sflag:$0x2], $0x10, s28, s17, $0xb8;
	[tilespmem:$0x7400] =	vst v63  }
0xc5: {  	s5 =	sadd.s32 @!p1 $0xA080, s5;
	s7 =	simm.s32 @!p0 $0x2;
	s9 =	rddreg [dreg:$0x3]  }
0xc6: {  	[spmem:s2] =	stream.indirect.scatter.add.f32 [tilespmem:s13], [sflag:$0x2], $0x10, s29, s17, $0xb8;
	[tilespmem:$0x7400] =	vst v63  }
.LBB2_6:
0xc7: {  	[spmem:s2] =	stream.indirect.scatter.add.f32 [tilespmem:s13], [sflag:$0x2], $0x10, s30, s17, $0xb8;
	[tilespmem:$0x7400] =	vst v63  }
0xc8: {  	s10 =	simm.s32 @p0 $0x0;
	s11 =	simm.s32 @p0 $0x2C00  }
0xc9: {  	[tilespmem:s11], [sflag:$0x1] =	stream.linear.gather @p0 [hbm4b:s9+s10], $0x400, $0x38;
	[tilespmem:$0x7400] =	vst v63  }
0xca: {  	_ =	swait.ge @!p0 [sflag:s7], $0x800  }
0xcb: {  	[sflag:s7] =	ssyncset.done @!p0 $0x0  }
0xcc: {  	[sflag:s7] =	ssyncadd.s32 @!p0 $0xFFFFF800  }
0xcd: {  	_ =	swait.ge @!p0 [sflag:s7], $0x800  }
0xce: {  	[sflag:s7] =	ssyncset.done @!p0 $0x0  }
0xcf: {  	[sflag:s7] =	ssyncadd.s32 @!p0 $0xFFFFF800  }
0xd0: {  	_ =	swait.ge @!p0 [sflag:s7], $0x800  }
0xd1: {  	[sflag:s7] =	ssyncset.done @!p0 $0x0  }
0xd2: {  	[sflag:s7] =	ssyncadd.s32 @!p0 $0xFFFFF800  }
0xd3: {  	_ =	swait.ge @!p0 [sflag:s7], $0x800  }
0xd4: {  	[sflag:s7] =	ssyncset.done @!p0 $0x0  }
0xd5: {  	[sflag:s7] =	ssyncadd.s32 @!p0 $0xFFFFF800  }
0xd6: {  	_ =	swait.ge @!p0 [sflag:s7], $0x800  }
0xd7: {  	[sflag:s7] =	ssyncset.done @!p0 $0x0  }
0xd8: {  	[sflag:s7] =	ssyncadd.s32 @!p0 $0xFFFFF800  }
0xd9: {  	_ =	swait.ge @!p0 [sflag:s7], $0x800  }
0xda: {  	[sflag:s7] =	ssyncset.done @!p0 $0x0  }
0xdb: {  	[sflag:s7] =	ssyncadd.s32 @!p0 $0xFFFFF800  }
0xdc: {  	_ =	swait.ge @!p0 [sflag:s7], $0x800  }
0xdd: {  	[sflag:s7] =	ssyncset.done @!p0 $0x0  }
0xde: {  	[sflag:s7] =	ssyncadd.s32 @!p0 $0xFFFFF800  }
0xdf: {  	_ =	swait.ge @!p0 [sflag:s7], $0x800  }
0xe0: {  	s31 =	simm.s32 @!p0 $0x2C00;
	[sflag:s7] =	ssyncset.done @!p0 $0x0  }
0xe1: {  	s10 =	simm.s32 @!p0 $0x1;
	s11 =	simm.s32 @!p0 $0x0;
	[sflag:s7] =	ssyncadd.s32 @!p0 $0xFFFFF800  }
0xe2: {  	[tilespmem:s31], [sflag:$0x1] =	stream.linear.gather @!p0 [hbm4b:s5+s11], $0x400, $0x38;
	[tilespmem:$0x7400] =	vst v63  }
0xe3: {  	_ =	swait.ge @!p0 [sflag:s10], $0x400  }
0xe4: {  	[sflag:s10] =	ssyncset.done @!p0 $0x0  }
0xe5: {  	[sflag:s10] =	ssyncadd.s32 @!p0 $0xFFFFFC00  }
0xe6: {  	[spmem:s2] =	stream.indirect.scatter.add.f32 [tilespmem:s13], [sflag:$0x2], $0x10, s15, s17, $0xb8;
	[tilespmem:$0x7400] =	vst v63  }
0xe7: {  	_ = 	snop  }
0xe8: {  	[spmem:s2] =	stream.indirect.scatter.add.f32 [tilespmem:s13], [sflag:$0x2], $0x10, s18, s17, $0xb8;
	[tilespmem:$0x7400] =	vst v63  }
0xe9: {  	_ = 	snop  }
0xea: {  	[spmem:s2] =	stream.indirect.scatter.add.f32 [tilespmem:s13], [sflag:$0x2], $0x10, s19, s17, $0xb8;
	[tilespmem:$0x7400] =	vst v63  }
0xeb: {  	_ = 	snop  }
0xec: {  	[spmem:s2] =	stream.indirect.scatter.add.f32 [tilespmem:s13], [sflag:$0x2], $0x10, s20, s17, $0xb8;
	[tilespmem:$0x7400] =	vst v63  }
0xed: {  	_ = 	snop  }
0xee: {  	[spmem:s2] =	stream.indirect.scatter.add.f32 [tilespmem:s13], [sflag:$0x2], $0x10, s21, s17, $0xb8;
	[tilespmem:$0x7400] =	vst v63  }
0xef: {  	_ = 	snop  }
0xf0: {  	[spmem:s2] =	stream.indirect.scatter.add.f32 [tilespmem:s13], [sflag:$0x2], $0x10, s22, s17, $0xb8;
	[tilespmem:$0x7400] =	vst v63  }
0xf1: {  	_ = 	snop  }
0xf2: {  	[spmem:s2] =	stream.indirect.scatter.add.f32 [tilespmem:s13], [sflag:$0x2], $0x10, s23, s17, $0xb8;
	[tilespmem:$0x7400] =	vst v63  }
0xf3: {  	_ = 	snop  }
0xf4: {  	[spmem:s2] =	stream.indirect.scatter.add.f32 [tilespmem:s13], [sflag:$0x2], $0x10, s24, s17, $0xb8;
	[tilespmem:$0x7400] =	vst v63  }
0xf5: {  	_ =	swait.ge @!p0 [sflag:s7], $0x800  }
0xf6: {  	[sflag:s7] =	ssyncset.done @!p0 $0x0  }
0xf7: {  	[sflag:s7] =	ssyncadd.s32 @!p0 $0xFFFFF800  }
0xf8: {  	_ =	swait.ge @!p0 [sflag:s7], $0x800  }
0xf9: {  	[sflag:s7] =	ssyncset.done @!p0 $0x0  }
0xfa: {  	[sflag:s7] =	ssyncadd.s32 @!p0 $0xFFFFF800  }
0xfb: {  	_ =	swait.ge @!p0 [sflag:s7], $0x800  }
0xfc: {  	[sflag:s7] =	ssyncset.done @!p0 $0x0  }
0xfd: {  	[sflag:s7] =	ssyncadd.s32 @!p0 $0xFFFFF800  }
0xfe: {  	_ =	swait.ge @!p0 [sflag:s7], $0x800  }
0xff: {  	[sflag:s7] =	ssyncset.done @!p0 $0x0  }
0x100: {  	[sflag:s7] =	ssyncadd.s32 @!p0 $0xFFFFF800  }
0x101: {  	_ =	swait.ge @!p0 [sflag:s7], $0x800  }
0x102: {  	[sflag:s7] =	ssyncset.done @!p0 $0x0  }
0x103: {  	[sflag:s7] =	ssyncadd.s32 @!p0 $0xFFFFF800  }
0x104: {  	_ =	swait.ge @!p0 [sflag:s7], $0x800  }
0x105: {  	[sflag:s7] =	ssyncset.done @!p0 $0x0  }
0x106: {  	[sflag:s7] =	ssyncadd.s32 @!p0 $0xFFFFF800  }
0x107: {  	_ =	swait.ge @!p0 [sflag:s7], $0x800  }
0x108: {  	s8 =	smov.u32 s6;
	p2 =	seq.s32 s6, $0x0;
	[sflag:s7] =	ssyncset.done @!p0 $0x0  }
0x109: {  	s9 =	sadd.s32 @!p2 s8, s12;
	[sflag:s7] =	ssyncadd.s32 @!p0 $0xFFFFF800  }
0x10a: {  	s9 =	sadd.s32 @!p2 $0xA080, s9;
	_ =	swait.ge @!p0 [sflag:s7], $0x800  }
0x10b: {  	s5 =	smov.u32 s9;
	s9 =	sadd.s32 s1, s12;
	[sflag:s7] =	ssyncset.done @!p0 $0x0  }
0x10c: {  	s10 =	sadd.s32 $0xA100, s9;
	[sflag:s7] =	ssyncadd.s32 @!p0 $0xFFFFF800  }
0x10d: {  	[tilespmem:s25], [sflag:$0x1] =	stream.linear.gather [hbm4b:s10+s3], $0x400, $0x38;
	[tilespmem:$0x7400] =	vst v63  }
0x10e: {  	_ =	swait.ge [sflag:s16], $0x400  }
0x10f: {  	[sflag:s16] =	ssyncset.done $0x0  }
0x110: {  	s11 =	rddreg [dreg:$0x4];
	[sflag:s16] =	ssyncadd.s32 $0xFFFFFC00  }
0x111: {  	[spmem:s2] =	stream.indirect.scatter.add.f32 [tilespmem:s13], [sflag:$0x2], $0x10, s11, s17, $0xb8;
	[tilespmem:$0x7400] =	vst v63  }
0x112: {  	s31 =	rddreg [dreg:$0x5]  }
0x113: {  	[spmem:s2] =	stream.indirect.scatter.add.f32 [tilespmem:s13], [sflag:$0x2], $0x10, s31, s17, $0xb8;
	[tilespmem:$0x7400] =	vst v63  }
0x114: {  	s10 =	rddreg [dreg:$0x6]  }
0x115: {  	[spmem:s2] =	stream.indirect.scatter.add.f32 [tilespmem:s13], [sflag:$0x2], $0x10, s10, s17, $0xb8;
	[tilespmem:$0x7400] =	vst v63  }
0x116: {  	s11 =	rddreg [dreg:$0x7]  }
0x117: {  	[spmem:s2] =	stream.indirect.scatter.add.f32 [tilespmem:s13], [sflag:$0x2], $0x10, s11, s17, $0xb8;
	[tilespmem:$0x7400] =	vst v63  }
0x118: {  	s31 =	rddreg [dreg:$0x8]  }
0x119: {  	[spmem:s2] =	stream.indirect.scatter.add.f32 [tilespmem:s13], [sflag:$0x2], $0x10, s31, s17, $0xb8;
	[tilespmem:$0x7400] =	vst v63  }
0x11a: {  	s10 =	rddreg [dreg:$0x9]  }
0x11b: {  	[spmem:s2] =	stream.indirect.scatter.add.f32 [tilespmem:s13], [sflag:$0x2], $0x10, s10, s17, $0xb8;
	[tilespmem:$0x7400] =	vst v63  }
0x11c: {  	s11 =	rddreg [dreg:$0xa]  }
0x11d: {  	[spmem:s2] =	stream.indirect.scatter.add.f32 [tilespmem:s13], [sflag:$0x2], $0x10, s11, s17, $0xb8;
	[tilespmem:$0x7400] =	vst v63  }
0x11e: {  	s31 =	rddreg [dreg:$0xb]  }
0x11f: {  	[spmem:s2] =	stream.indirect.scatter.add.f32 [tilespmem:s13], [sflag:$0x2], $0x10, s31, s17, $0xb8;
	[tilespmem:$0x7400] =	vst v63  }
0x120: {  	_ =	swait.ge [sflag:s14], $0x800  }
0x121: {  	[sflag:s14] =	ssyncset.done $0x0  }
0x122: {  	[sflag:s14] =	ssyncadd.s32 $0xFFFFF800  }
0x123: {  	_ =	swait.ge [sflag:s14], $0x800  }
0x124: {  	[sflag:s14] =	ssyncset.done $0x0  }
0x125: {  	[sflag:s14] =	ssyncadd.s32 $0xFFFFF800  }
0x126: {  	_ =	swait.ge [sflag:s14], $0x800  }
0x127: {  	[sflag:s14] =	ssyncset.done $0x0  }
0x128: {  	[sflag:s14] =	ssyncadd.s32 $0xFFFFF800  }
0x129: {  	_ =	swait.ge [sflag:s14], $0x800  }
0x12a: {  	[sflag:s14] =	ssyncset.done $0x0  }
0x12b: {  	[sflag:s14] =	ssyncadd.s32 $0xFFFFF800  }
0x12c: {  	_ =	swait.ge [sflag:s14], $0x800  }
0x12d: {  	[sflag:s14] =	ssyncset.done $0x0  }
0x12e: {  	[sflag:s14] =	ssyncadd.s32 $0xFFFFF800  }
0x12f: {  	_ =	swait.ge [sflag:s14], $0x800  }
0x130: {  	[sflag:s14] =	ssyncset.done $0x0  }
0x131: {  	[sflag:s14] =	ssyncadd.s32 $0xFFFFF800  }
0x132: {  	_ =	swait.ge [sflag:s14], $0x800  }
0x133: {  	[sflag:s14] =	ssyncset.done $0x0  }
0x134: {  	[sflag:s14] =	ssyncadd.s32 $0xFFFFF800  }
0x135: {  	_ =	swait.ge [sflag:s14], $0x800  }
0x136: {  	[sflag:s14] =	ssyncset.done $0x0  }
0x137: {  	s9 =	sadd.s32 $0xA180, s9;
	[sflag:s14] =	ssyncadd.s32 $0xFFFFF800  }
0x138: {  	[tilespmem:s15], [sflag:$0x1] =	stream.linear.gather [hbm4b:s9+s3], $0x400, $0x38;
	[tilespmem:$0x7400] =	vst v63  }
0x139: {  	_ =	swait.ge [sflag:s16], $0x400  }
0x13a: {  	[sflag:s16] =	ssyncset.done $0x0  }
0x13b: {  	[sflag:s16] =	ssyncadd.s32 $0xFFFFFC00  }
0x13c: {  	[spmem:s2] =	stream.indirect.scatter.add.f32 [tilespmem:s13], [sflag:$0x2], $0x10, s25, s17, $0xb8;
	[tilespmem:$0x7400] =	vst v63  }
0x13d: {  	s10 =	rddreg [dreg:$0xc]  }
0x13e: {  	[spmem:s2] =	stream.indirect.scatter.add.f32 [tilespmem:s13], [sflag:$0x2], $0x10, s10, s17, $0xb8;
	[tilespmem:$0x7400] =	vst v63  }
0x13f: {  	s11 =	rddreg [dreg:$0xd]  }
0x140: {  	[spmem:s2] =	stream.indirect.scatter.add.f32 [tilespmem:s13], [sflag:$0x2], $0x10, s11, s17, $0xb8;
	[tilespmem:$0x7400] =	vst v63  }
0x141: {  	s6 =	sadd.s32 $0x180, s6;
	s31 =	rddreg [dreg:$0xe]  }
0x142: {  	[spmem:s2] =	stream.indirect.scatter.add.f32 [tilespmem:s13], [sflag:$0x2], $0x10, s31, s17, $0xb8;
	[tilespmem:$0x7400] =	vst v63  }
0x143: {  	p1 =	sne.s32 s6, $0x480  }
0x144: {  	[spmem:s2] =	stream.indirect.scatter.add.f32 [tilespmem:s13], [sflag:$0x2], $0x10, s26, s17, $0xb8;
	[tilespmem:$0x7400] =	vst v63  }
.Ltmp2:
0x145: {  	_ = 	snop;
	(pc) =	sbr.rel @p1 .LBB2_6-.Ltmp2, $4  }
0x146: {  	p0 =	por p2, p2  }
0x147: {  	[spmem:s2] =	stream.indirect.scatter.add.f32 [tilespmem:s13], [sflag:$0x2], $0x10, s28, s17, $0xb8;
	[tilespmem:$0x7400] =	vst v63  }
0x148: {  	s1 =	smov.u32 s8;
	s7 =	simm.s32 @!p0 $0x2;
	s9 =	rddreg [dreg:$0x3]  }
0x149: {  	[spmem:s2] =	stream.indirect.scatter.add.f32 [tilespmem:s13], [sflag:$0x2], $0x10, s29, s17, $0xb8;
	[tilespmem:$0x7400] =	vst v63  }
0x14a: {  	[spmem:s2] =	stream.indirect.scatter.add.f32 [tilespmem:s13], [sflag:$0x2], $0x10, s30, s17, $0xb8;
	[tilespmem:$0x7400] =	vst v63  }
0x14b: {  	s6 =	simm.s32 @p0 $0x0;
	s8 =	simm.s32 @p0 $0x2C00  }
0x14c: {  	[tilespmem:s8], [sflag:$0x1] =	stream.linear.gather @p0 [hbm4b:s9+s6], $0x400, $0x38;
	[tilespmem:$0x7400] =	vst v63  }
0x14d: {  	_ =	swait.ge @!p0 [sflag:s7], $0x800  }
0x14e: {  	[sflag:s7] =	ssyncset.done @!p0 $0x0  }
0x14f: {  	[sflag:s7] =	ssyncadd.s32 @!p0 $0xFFFFF800  }
0x150: {  	_ =	swait.ge @!p0 [sflag:s7], $0x800  }
0x151: {  	[sflag:s7] =	ssyncset.done @!p0 $0x0  }
0x152: {  	[sflag:s7] =	ssyncadd.s32 @!p0 $0xFFFFF800  }
0x153: {  	_ =	swait.ge @!p0 [sflag:s7], $0x800  }
0x154: {  	[sflag:s7] =	ssyncset.done @!p0 $0x0  }
0x155: {  	[sflag:s7] =	ssyncadd.s32 @!p0 $0xFFFFF800  }
0x156: {  	_ =	swait.ge @!p0 [sflag:s7], $0x800  }
0x157: {  	[sflag:s7] =	ssyncset.done @!p0 $0x0  }
0x158: {  	[sflag:s7] =	ssyncadd.s32 @!p0 $0xFFFFF800  }
0x159: {  	_ =	swait.ge @!p0 [sflag:s7], $0x800  }
0x15a: {  	[sflag:s7] =	ssyncset.done @!p0 $0x0  }
0x15b: {  	[sflag:s7] =	ssyncadd.s32 @!p0 $0xFFFFF800  }
0x15c: {  	_ =	swait.ge @!p0 [sflag:s7], $0x800  }
0x15d: {  	[sflag:s7] =	ssyncset.done @!p0 $0x0  }
0x15e: {  	[sflag:s7] =	ssyncadd.s32 @!p0 $0xFFFFF800  }
0x15f: {  	_ =	swait.ge @!p0 [sflag:s7], $0x800  }
0x160: {  	[sflag:s7] =	ssyncset.done @!p0 $0x0  }
0x161: {  	[sflag:s7] =	ssyncadd.s32 @!p0 $0xFFFFF800  }
0x162: {  	_ =	swait.ge @!p0 [sflag:s7], $0x800  }
0x163: {  	[sflag:s7] =	ssyncset.done @!p0 $0x0  }
0x164: {  	s6 =	simm.s32 @!p0 $0x0;
	s8 =	simm.s32 @!p0 $0x2C00;
	[sflag:s7] =	ssyncadd.s32 @!p0 $0xFFFFF800  }
0x165: {  	[tilespmem:s8], [sflag:$0x1] =	stream.linear.gather @!p0 [hbm4b:s5+s6], $0x400, $0x38;
	[tilespmem:$0x7400] =	vst v63  }
0x166: {  	s5 =	simm.s32 @!p0 $0x1  }
0x167: {  	_ =	swait.ge @!p0 [sflag:s5], $0x400  }
0x168: {  	[sflag:s5] =	ssyncset.done @!p0 $0x0  }
0x169: {  	[sflag:s5] =	ssyncadd.s32 @!p0 $0xFFFFFC00  }
0x16a: {  	[spmem:s2] =	stream.indirect.scatter.add.f32 [tilespmem:s13], [sflag:$0x2], $0x10, s15, s17, $0xb8;
	[tilespmem:$0x7400] =	vst v63  }
0x16b: {  	_ = 	snop  }
0x16c: {  	[spmem:s2] =	stream.indirect.scatter.add.f32 [tilespmem:s13], [sflag:$0x2], $0x10, s18, s17, $0xb8;
	[tilespmem:$0x7400] =	vst v63  }
0x16d: {  	_ = 	snop  }
0x16e: {  	[spmem:s2] =	stream.indirect.scatter.add.f32 [tilespmem:s13], [sflag:$0x2], $0x10, s19, s17, $0xb8;
	[tilespmem:$0x7400] =	vst v63  }
0x16f: {  	_ = 	snop  }
0x170: {  	[spmem:s2] =	stream.indirect.scatter.add.f32 [tilespmem:s13], [sflag:$0x2], $0x10, s20, s17, $0xb8;
	[tilespmem:$0x7400] =	vst v63  }
0x171: {  	_ = 	snop  }
0x172: {  	[spmem:s2] =	stream.indirect.scatter.add.f32 [tilespmem:s13], [sflag:$0x2], $0x10, s21, s17, $0xb8;
	[tilespmem:$0x7400] =	vst v63  }
0x173: {  	_ = 	snop  }
0x174: {  	[spmem:s2] =	stream.indirect.scatter.add.f32 [tilespmem:s13], [sflag:$0x2], $0x10, s22, s17, $0xb8;
	[tilespmem:$0x7400] =	vst v63  }
0x175: {  	_ = 	snop  }
0x176: {  	[spmem:s2] =	stream.indirect.scatter.add.f32 [tilespmem:s13], [sflag:$0x2], $0x10, s23, s17, $0xb8;
	[tilespmem:$0x7400] =	vst v63  }
0x177: {  	_ = 	snop  }
0x178: {  	[spmem:s2] =	stream.indirect.scatter.add.f32 [tilespmem:s13], [sflag:$0x2], $0x10, s24, s17, $0xb8;
	[tilespmem:$0x7400] =	vst v63  }
0x179: {  	_ =	swait.ge @!p0 [sflag:s7], $0x800  }
0x17a: {  	[sflag:s7] =	ssyncset.done @!p0 $0x0  }
0x17b: {  	[sflag:s7] =	ssyncadd.s32 @!p0 $0xFFFFF800  }
0x17c: {  	_ =	swait.ge @!p0 [sflag:s7], $0x800  }
0x17d: {  	[sflag:s7] =	ssyncset.done @!p0 $0x0  }
0x17e: {  	[sflag:s7] =	ssyncadd.s32 @!p0 $0xFFFFF800  }
0x17f: {  	_ =	swait.ge @!p0 [sflag:s7], $0x800  }
0x180: {  	[sflag:s7] =	ssyncset.done @!p0 $0x0  }
0x181: {  	[sflag:s7] =	ssyncadd.s32 @!p0 $0xFFFFF800  }
0x182: {  	_ =	swait.ge @!p0 [sflag:s7], $0x800  }
0x183: {  	[sflag:s7] =	ssyncset.done @!p0 $0x0  }
0x184: {  	[sflag:s7] =	ssyncadd.s32 @!p0 $0xFFFFF800  }
0x185: {  	_ =	swait.ge @!p0 [sflag:s7], $0x800  }
0x186: {  	[sflag:s7] =	ssyncset.done @!p0 $0x0  }
0x187: {  	[sflag:s7] =	ssyncadd.s32 @!p0 $0xFFFFF800  }
0x188: {  	_ =	swait.ge @!p0 [sflag:s7], $0x800  }
0x189: {  	[sflag:s7] =	ssyncset.done @!p0 $0x0  }
0x18a: {  	[sflag:s7] =	ssyncadd.s32 @!p0 $0xFFFFF800  }
0x18b: {  	_ =	swait.ge @!p0 [sflag:s7], $0x800  }
0x18c: {  	[sflag:s7] =	ssyncset.done @!p0 $0x0  }
0x18d: {  	[sflag:s7] =	ssyncadd.s32 @!p0 $0xFFFFF800  }
0x18e: {  	_ =	swait.ge @!p0 [sflag:s7], $0x800  }
0x18f: {  	s1 =	sadd.s32 s1, s12;
	[sflag:s7] =	ssyncset.done @!p0 $0x0  }
0x190: {  	s10 =	sadd.s32 $0xA100, s1;
	[sflag:s7] =	ssyncadd.s32 @!p0 $0xFFFFF800  }
0x191: {  	[tilespmem:s25], [sflag:$0x1] =	stream.linear.gather [hbm4b:s10+s3], $0x400, $0x38;
	[tilespmem:$0x7400] =	vst v63  }
0x192: {  	_ =	swait.ge [sflag:s16], $0x400  }
0x193: {  	[sflag:s16] =	ssyncset.done $0x0  }
0x194: {  	s11 =	rddreg [dreg:$0x4];
	[sflag:s16] =	ssyncadd.s32 $0xFFFFFC00  }
0x195: {  	[spmem:s2] =	stream.indirect.scatter.add.f32 [tilespmem:s13], [sflag:$0x2], $0x10, s11, s17, $0xb8;
	[tilespmem:$0x7400] =	vst v63  }
0x196: {  	s31 =	rddreg [dreg:$0x5]  }
0x197: {  	[spmem:s2] =	stream.indirect.scatter.add.f32 [tilespmem:s13], [sflag:$0x2], $0x10, s31, s17, $0xb8;
	[tilespmem:$0x7400] =	vst v63  }
0x198: {  	s7 =	rddreg [dreg:$0x6]  }
0x199: {  	[spmem:s2] =	stream.indirect.scatter.add.f32 [tilespmem:s13], [sflag:$0x2], $0x10, s7, s17, $0xb8;
	[tilespmem:$0x7400] =	vst v63  }
0x19a: {  	s8 =	rddreg [dreg:$0x7]  }
0x19b: {  	[spmem:s2] =	stream.indirect.scatter.add.f32 [tilespmem:s13], [sflag:$0x2], $0x10, s8, s17, $0xb8;
	[tilespmem:$0x7400] =	vst v63  }
0x19c: {  	s9 =	rddreg [dreg:$0x8]  }
0x19d: {  	[spmem:s2] =	stream.indirect.scatter.add.f32 [tilespmem:s13], [sflag:$0x2], $0x10, s9, s17, $0xb8;
	[tilespmem:$0x7400] =	vst v63  }
0x19e: {  	s10 =	rddreg [dreg:$0x9]  }
0x19f: {  	[spmem:s2] =	stream.indirect.scatter.add.f32 [tilespmem:s13], [sflag:$0x2], $0x10, s10, s17, $0xb8;
	[tilespmem:$0x7400] =	vst v63  }
0x1a0: {  	s11 =	rddreg [dreg:$0xa]  }
0x1a1: {  	[spmem:s2] =	stream.indirect.scatter.add.f32 [tilespmem:s13], [sflag:$0x2], $0x10, s11, s17, $0xb8;
	[tilespmem:$0x7400] =	vst v63  }
0x1a2: {  	s31 =	rddreg [dreg:$0xb]  }
0x1a3: {  	[spmem:s2] =	stream.indirect.scatter.add.f32 [tilespmem:s13], [sflag:$0x2], $0x10, s31, s17, $0xb8;
	[tilespmem:$0x7400] =	vst v63  }
0x1a4: {  	_ =	swait.ge [sflag:s14], $0x800  }
0x1a5: {  	[sflag:s14] =	ssyncset.done $0x0  }
0x1a6: {  	[sflag:s14] =	ssyncadd.s32 $0xFFFFF800  }
0x1a7: {  	_ =	swait.ge [sflag:s14], $0x800  }
0x1a8: {  	[sflag:s14] =	ssyncset.done $0x0  }
0x1a9: {  	[sflag:s14] =	ssyncadd.s32 $0xFFFFF800  }
0x1aa: {  	_ =	swait.ge [sflag:s14], $0x800  }
0x1ab: {  	[sflag:s14] =	ssyncset.done $0x0  }
0x1ac: {  	[sflag:s14] =	ssyncadd.s32 $0xFFFFF800  }
0x1ad: {  	_ =	swait.ge [sflag:s14], $0x800  }
0x1ae: {  	[sflag:s14] =	ssyncset.done $0x0  }
0x1af: {  	[sflag:s14] =	ssyncadd.s32 $0xFFFFF800  }
0x1b0: {  	_ =	swait.ge [sflag:s14], $0x800  }
0x1b1: {  	[sflag:s14] =	ssyncset.done $0x0  }
0x1b2: {  	[sflag:s14] =	ssyncadd.s32 $0xFFFFF800  }
0x1b3: {  	_ =	swait.ge [sflag:s14], $0x800  }
0x1b4: {  	[sflag:s14] =	ssyncset.done $0x0  }
0x1b5: {  	[sflag:s14] =	ssyncadd.s32 $0xFFFFF800  }
0x1b6: {  	_ =	swait.ge [sflag:s14], $0x800  }
0x1b7: {  	[sflag:s14] =	ssyncset.done $0x0  }
0x1b8: {  	[sflag:s14] =	ssyncadd.s32 $0xFFFFF800  }
0x1b9: {  	_ =	swait.ge [sflag:s14], $0x800  }
0x1ba: {  	[sflag:s14] =	ssyncset.done $0x0  }
0x1bb: {  	s1 =	sadd.s32 $0xA180, s1;
	[sflag:s14] =	ssyncadd.s32 $0xFFFFF800  }
0x1bc: {  	[tilespmem:s15], [sflag:$0x1] =	stream.linear.gather [hbm4b:s1+s3], $0x400, $0x38;
	[tilespmem:$0x7400] =	vst v63  }
0x1bd: {  	_ =	swait.ge [sflag:s16], $0x400  }
0x1be: {  	[sflag:s16] =	ssyncset.done $0x0  }
0x1bf: {  	[sflag:s16] =	ssyncadd.s32 $0xFFFFFC00  }
0x1c0: {  	[spmem:s2] =	stream.indirect.scatter.add.f32 [tilespmem:s13], [sflag:$0x2], $0x10, s25, s17, $0xb8;
	[tilespmem:$0x7400] =	vst v63  }
0x1c1: {  	s5 =	rddreg [dreg:$0xc]  }
0x1c2: {  	[spmem:s2] =	stream.indirect.scatter.add.f32 [tilespmem:s13], [sflag:$0x2], $0x10, s5, s17, $0xb8;
	[tilespmem:$0x7400] =	vst v63  }
0x1c3: {  	s6 =	rddreg [dreg:$0xd]  }
0x1c4: {  	[spmem:s2] =	stream.indirect.scatter.add.f32 [tilespmem:s13], [sflag:$0x2], $0x10, s6, s17, $0xb8;
	[tilespmem:$0x7400] =	vst v63  }
0x1c5: {  	s7 =	rddreg [dreg:$0xe]  }
0x1c6: {  	[spmem:s2] =	stream.indirect.scatter.add.f32 [tilespmem:s13], [sflag:$0x2], $0x10, s7, s17, $0xb8;
	[tilespmem:$0x7400] =	vst v63  }
0x1c7: {  	_ = 	snop  }
0x1c8: {  	[spmem:s2] =	stream.indirect.scatter.add.f32 [tilespmem:s13], [sflag:$0x2], $0x10, s26, s17, $0xb8;
	[tilespmem:$0x7400] =	vst v63  }
0x1c9: {  	_ = 	snop  }
0x1ca: {  	[spmem:s2] =	stream.indirect.scatter.add.f32 [tilespmem:s13], [sflag:$0x2], $0x10, s28, s17, $0xb8;
	[tilespmem:$0x7400] =	vst v63  }
0x1cb: {  	_ = 	snop  }
0x1cc: {  	[spmem:s2] =	stream.indirect.scatter.add.f32 [tilespmem:s13], [sflag:$0x2], $0x10, s29, s17, $0xb8;
	[tilespmem:$0x7400] =	vst v63  }
0x1cd: {  	_ = 	snop  }
0x1ce: {  	[spmem:s2] =	stream.indirect.scatter.add.f32 [tilespmem:s13], [sflag:$0x2], $0x10, s30, s17, $0xb8;
	[tilespmem:$0x7400] =	vst v63  }
0x1cf: {  	_ =	swait.ge [sflag:s14], $0x800  }
0x1d0: {  	[sflag:s14] =	ssyncset.done $0x0  }
0x1d1: {  	[sflag:s14] =	ssyncadd.s32 $0xFFFFF800  }
0x1d2: {  	_ =	swait.ge [sflag:s14], $0x800  }
0x1d3: {  	[sflag:s14] =	ssyncset.done $0x0  }
0x1d4: {  	[sflag:s14] =	ssyncadd.s32 $0xFFFFF800  }
0x1d5: {  	_ =	swait.ge [sflag:s14], $0x800  }
0x1d6: {  	[sflag:s14] =	ssyncset.done $0x0  }
0x1d7: {  	[sflag:s14] =	ssyncadd.s32 $0xFFFFF800  }
0x1d8: {  	_ =	swait.ge [sflag:s14], $0x800  }
0x1d9: {  	[sflag:s14] =	ssyncset.done $0x0  }
0x1da: {  	[sflag:s14] =	ssyncadd.s32 $0xFFFFF800  }
0x1db: {  	_ =	swait.ge [sflag:s14], $0x800  }
0x1dc: {  	[sflag:s14] =	ssyncset.done $0x0  }
0x1dd: {  	[sflag:s14] =	ssyncadd.s32 $0xFFFFF800  }
0x1de: {  	_ =	swait.ge [sflag:s14], $0x800  }
0x1df: {  	[sflag:s14] =	ssyncset.done $0x0  }
0x1e0: {  	[sflag:s14] =	ssyncadd.s32 $0xFFFFF800  }
0x1e1: {  	_ =	swait.ge [sflag:s14], $0x800  }
0x1e2: {  	[sflag:s14] =	ssyncset.done $0x0  }
0x1e3: {  	[sflag:s14] =	ssyncadd.s32 $0xFFFFF800  }
0x1e4: {  	_ =	swait.ge [sflag:s14], $0x800  }
0x1e5: {  	[sflag:s14] =	ssyncset.done $0x0  }
0x1e6: {  	[sflag:s14] =	ssyncadd.s32 $0xFFFFF800  }
0x1e7: {  	_ =	swait.ge [sflag:s16], $0x400  }
0x1e8: {  	[sflag:s16] =	ssyncset.done $0x0  }
0x1e9: {  	[sflag:s16] =	ssyncadd.s32 $0xFFFFFC00  }
0x1ea: {  	[spmem:s2] =	stream.indirect.scatter.add.f32 [tilespmem:s13], [sflag:$0x2], $0x10, s15, s17, $0xb8;
	[tilespmem:$0x7400] =	vst v63  }
0x1eb: {  	_ = 	snop  }
0x1ec: {  	[spmem:s2] =	stream.indirect.scatter.add.f32 [tilespmem:s13], [sflag:$0x2], $0x10, s18, s17, $0xb8;
	[tilespmem:$0x7400] =	vst v63  }
0x1ed: {  	_ = 	snop  }
0x1ee: {  	[spmem:s2] =	stream.indirect.scatter.add.f32 [tilespmem:s13], [sflag:$0x2], $0x10, s19, s17, $0xb8;
	[tilespmem:$0x7400] =	vst v63  }
0x1ef: {  	_ = 	snop  }
0x1f0: {  	[spmem:s2] =	stream.indirect.scatter.add.f32 [tilespmem:s13], [sflag:$0x2], $0x10, s20, s17, $0xb8;
	[tilespmem:$0x7400] =	vst v63  }
0x1f1: {  	_ = 	snop  }
0x1f2: {  	[spmem:s2] =	stream.indirect.scatter.add.f32 [tilespmem:s13], [sflag:$0x2], $0x10, s21, s17, $0xb8;
	[tilespmem:$0x7400] =	vst v63  }
0x1f3: {  	_ = 	snop  }
0x1f4: {  	[spmem:s2] =	stream.indirect.scatter.add.f32 [tilespmem:s13], [sflag:$0x2], $0x10, s22, s17, $0xb8;
	[tilespmem:$0x7400] =	vst v63  }
0x1f5: {  	_ = 	snop  }
0x1f6: {  	[spmem:s2] =	stream.indirect.scatter.add.f32 [tilespmem:s13], [sflag:$0x2], $0x10, s23, s17, $0xb8;
	[tilespmem:$0x7400] =	vst v63  }
0x1f7: {  	_ = 	snop  }
0x1f8: {  	[spmem:s2] =	stream.indirect.scatter.add.f32 [tilespmem:s13], [sflag:$0x2], $0x10, s24, s17, $0xb8;
	[tilespmem:$0x7400] =	vst v63  }
0x1f9: {  	_ =	swait.ge [sflag:s14], $0x800  }
0x1fa: {  	[sflag:s14] =	ssyncset.done $0x0  }
0x1fb: {  	[sflag:s14] =	ssyncadd.s32 $0xFFFFF800  }
0x1fc: {  	_ =	swait.ge [sflag:s14], $0x800  }
0x1fd: {  	[sflag:s14] =	ssyncset.done $0x0  }
0x1fe: {  	[sflag:s14] =	ssyncadd.s32 $0xFFFFF800  }
0x1ff: {  	_ =	swait.ge [sflag:s14], $0x800  }
0x200: {  	[sflag:s14] =	ssyncset.done $0x0  }
0x201: {  	[sflag:s14] =	ssyncadd.s32 $0xFFFFF800  }
0x202: {  	_ =	swait.ge [sflag:s14], $0x800  }
0x203: {  	[sflag:s14] =	ssyncset.done $0x0  }
0x204: {  	[sflag:s14] =	ssyncadd.s32 $0xFFFFF800  }
0x205: {  	_ =	swait.ge [sflag:s14], $0x800  }
0x206: {  	[sflag:s14] =	ssyncset.done $0x0  }
0x207: {  	[sflag:s14] =	ssyncadd.s32 $0xFFFFF800  }
0x208: {  	_ =	swait.ge [sflag:s14], $0x800  }
0x209: {  	[sflag:s14] =	ssyncset.done $0x0  }
0x20a: {  	[sflag:s14] =	ssyncadd.s32 $0xFFFFF800  }
0x20b: {  	_ =	swait.ge [sflag:s14], $0x800  }
0x20c: {  	[sflag:s14] =	ssyncset.done $0x0  }
0x20d: {  	[sflag:s14] =	ssyncadd.s32 $0xFFFFF800  }
0x20e: {  	_ =	swait.ge [sflag:s14], $0x800  }
0x20f: {  	[sflag:s14] =	ssyncset.done $0x0  }
0x210: {  	[sflag:s14] =	ssyncadd.s32 $0xFFFFF800  }
0x211: {  	_ =	swait.ge [sflag:s14], $0x800  }
0x212: {  	[sflag:s14] =	ssyncset.done $0x0  }
0x213: {  	[sflag:s14] =	ssyncadd.s32 $0xFFFFF800  }
0x214: {  	_ =	swait.ge [sflag:s14], $0x800  }
0x215: {  	[sflag:s14] =	ssyncset.done $0x0  }
0x216: {  	[sflag:s14] =	ssyncadd.s32 $0xFFFFF800  }
0x217: {  	_ =	swait.ge [sflag:s14], $0x800  }
0x218: {  	[sflag:s14] =	ssyncset.done $0x0  }
0x219: {  	[sflag:s14] =	ssyncadd.s32 $0xFFFFF800  }
0x21a: {  	_ =	swait.ge [sflag:s14], $0x800  }
0x21b: {  	[sflag:s14] =	ssyncset.done $0x0  }
0x21c: {  	[sflag:s14] =	ssyncadd.s32 $0xFFFFF800  }
0x21d: {  	_ =	swait.ge [sflag:s14], $0x800  }
0x21e: {  	[sflag:s14] =	ssyncset.done $0x0  }
0x21f: {  	[sflag:s14] =	ssyncadd.s32 $0xFFFFF800  }
0x220: {  	_ =	swait.ge [sflag:s14], $0x800  }
0x221: {  	[sflag:s14] =	ssyncset.done $0x0  }
0x222: {  	[sflag:s14] =	ssyncadd.s32 $0xFFFFF800  }
0x223: {  	_ =	swait.ge [sflag:s14], $0x800  }
0x224: {  	[sflag:s14] =	ssyncset.done $0x0  }
0x225: {  	[sflag:s14] =	ssyncadd.s32 $0xFFFFF800  }
0x226: {  	_ =	swait.ge [sflag:s14], $0x800  }
0x227: {  	[sflag:s14] =	ssyncset.done $0x0  }
0x228: {  	s8 =	stileid.u32;
	[sflag:s14] =	ssyncadd.s32 $0xFFFFF800  }
0x229: {  	s9 =	sshrl.u32 s4, $0x3;
	s1 =	sshll.u32 s8, $0x6;
	[bflag:$0x0] =	sbarrier.arrive $0xFFFF  }
0x22a: {  	s11 =	simm.s32 $0x3;
	s1 =	sor.u32 $0x1C03, s1;
	s10 =	rddreg [dreg:$0x14]  }
0x22b: {  	[hbm:s10], [sflag:s1] =	dma.local [spmem:s9], $0x2800  }
0x22c: {  	_ =	swait.ge [sflag:s11], $0x2800  }
0x22d: {  	s0 =	sadd.s32 $0x1, s0;
	s31 =	rddreg [dreg:$0x15]  }
0x22e: {  	p0 =	sne.s32 s0, s31  }
.Ltmp3:
0x22f: {  	_ = 	snop;
	(pc) =	sbr.rel @p0 .LBB2_1-.Ltmp3, $3  }
0x230: {  	_ =	sdelay $0x1  }
0x231: {  	[sflag:s11] =	ssyncset.done $0x0  }
0x232: {  	[sflag:s11] =	ssyncadd.s32 $0xFFFFD800  }
0x233: {  	_ =	sfence.sel $0x180000  }
0x234: {  	[bflag:$0x0] =	sbarrier.arrive $0xFFFF  }
0x235: {  	_ =	strace $0x90000047  }
0x236: {  	s0 =	stileid.u32;
	[bflag:$0x2] =	sbarrier.arrive $0xFFFF  }
0x237: {  	p0 =	sne.s32 s0, $0x0;
	s0 =	rddreg [dreg:$0x2]  }
0x238: {  	s0 =	sadd.s32 @!p0 $0x100000, s0  }
0x239: {  	[sflag:s0] =	ssyncadd.tile.s32 @!p0 $0x1;
	_ =	shalt  }
.Lfunc_end2:
_tile_overlayer_lowered:
.L_overlay_start_2:
0x23a: {  	(tag) =	ssettag $0x2  }
0x23b: {  	s0 =	rddreg [dreg:$0x0];
	s2 =	stileid.u32  }
0x23c: {  	s1 =	rddreg [dreg:$0x1];
	p0 =	sne.s32 s2, $0x0  }
0x23d: {  	s3 =	rddreg [dreg:$0x2];
	[bflag:$0x3] =	sbarrier.arrive $0xFFFF;
	s2 =	simm.s32 @!p0 $0x1C03  }
0x23e: {  	[timem:s3], [sflag:s2] =	dma.local @!p0 [hbm:s0], s1  }
0x23f: {  	s0 =	simm.s32 @!p0 $0x3  }
0x240: {  	_ =	swait.ge @!p0 [sflag:s0], s1  }
0x241: {  	s1 =	ssub.s32 @!p0 $0x0, s1;
	[sflag:s0] =	ssyncset.done @!p0 $0x0  }
0x242: {  	[sflag:s0] =	ssyncadd.s32 @!p0 s1  }
0x243: {  	[bflag:$0x3] =	sbarrier.arrive $0xFFFF  }
0x244: {  	_ =	shalt  }

// kernel: kernel.9.cloned.1.call-start
scs
__scs_entry_jumppad:
0x0: {  	(pc) =	sbr.rel $0x88, $3  }
0x1: {  	(tag) =	ssettag $0x0;
	lr =	simm.s32 $0x1  }
0x2: {  	[smem:$0x3F97] =	sst lr;
	_ =	strace $0xD0000000  }
0x3: {  	_ = 	snop  }
0x4: {  	_ = 	snop  }
0x5: {  	_ = 	snop  }
0x6: {  	_ = 	snop  }
0x7: {  	_ = 	snop  }
__scs_overlays_trampoline_lowered:
0x8: {  	[smem:$0x3FA6] =	sst s0  }
0x9: {  	[smem:$0x3FA7] =	sst s1  }
0xa: {  	[smem:$0x3FA8] =	sst s2  }
0xb: {  	[smem:$0x3FA9] =	sst s3  }
0xc: {  	[smem:$0x3FAA] =	sst s4  }
0xd: {  	[smem:$0x3FAB] =	sst s5  }
0xe: {  	[smem:$0x3FAC] =	sst s6  }
0xf: {  	[smem:$0x3FAD] =	sst s7  }
0x10: {  	[smem:$0x3FAE] =	sst s8  }
0x11: {  	[smem:$0x3FAF] =	sst s9;
	s0 =	simm.s32 @!p0 $0x0  }
0x12: {  	s1 =	sld [smem:$0x3F95];
	s0 =	simm.s32 @p0 $0x1  }
0x13: {  	[smem:$0x3FB0] =	sst s0;
	s0 =	simm.s32 @!p1 $0x0  }
0x14: {  	s2 =	sld [smem:$0x3F94];
	s0 =	simm.s32 @p1 $0x1  }
0x15: {  	[smem:$0x3FB1] =	sst s0;
	s0 =	simm.s32 @!p2 $0x0  }
0x16: {  	s3 =	sld [smem:$0x3FDB];
	s0 =	simm.s32 @p2 $0x1  }
0x17: {  	s4 =	simm.s32 $0x1BF5;
	[smem:$0x3FB3] =	sst s0  }
0x18: {  	s0 =	sld [smem:$0x3F96];
	_ =	swait.ge [sflag:s4], $0x0  }
0x19: {  	s7 =	sld [smem:$0x3F97]  }
0x1a: {  	s8 =	sadd.s32 $0xFFFFE003, lr  }
0x1b: {  	s9 =	sadd.s32 $0xFFFFFEF7, lr;
	s5 =	simm.s32 $0xFFFFFFFF;
	p2 =	slt.u32 s8, $0xFFFFF086  }
0x1c: {  	p1 =	slt.u32 s9, $0xF7A;
	s5 =	simm.s32 @!p2 $0x0  }
0x1d: {  	s5 =	simm.s32 @p1 $0x1;
	p0 =	seq.s32 s7, s2  }
0x1e: {  	s7 =	smul.u32 @!p0 $0xF7A, s2;
	p2 =	seq.s32 @!p0 s5, $0x0  }
0x1f: {  	s9 =	smul.u32 $0xF7A, s1;
	s8 =	simm.s32 @!p0 $0x1BF5;
	p2 =	por !p2, p0  }
0x20: {  	[sflag:s8] =	ssyncset.s32 @!p0 $0xFFFFF086;
	s6 =	sadd.s32 @!p0 s3, s7;
	s7 =	simm.s32 @!p0 $0x108  }
0x21: {  	s3 =	sadd.s32 s3, s9;
	s6 =	sadd.s32 @!p0 $0x88, s6;
	s7 =	simm.s32 @p2 $0x1082  }
0x22: {  	[simem:s7], [sflag:s8] =	dma.local @!p0 [hbm:s6], $0xF7A  }
0x23: {  	s9 =	sor.u32 $0xD0000000, s2;
	s6 =	simm.s32 $0x108;
	_ =	swait.ge @!p0 [sflag:s8], $0x0  }
0x24: {  	s3 =	sadd.s32 $0x88, s3;
	s6 =	simm.s32 @!p1 $0x1082;
	[sflag:s4] =	ssyncset.s32 $0xFFFFF086  }
0x25: {  	[simem:s6], [sflag:s4] =	dma.local [hbm:s3], $0xF7A  }
0x26: {  	[smem:$0x3F97] =	sst s1;
	(tag) =	ssettag s2;
	_ =	strace s9  }
0x27: {  	s1 =	sld [smem:$0x3FA7]  }
0x28: {  	s2 =	sld [smem:$0x3FA8]  }
0x29: {  	s4 =	sld [smem:$0x3FAA]  }
0x2a: {  	p0 =	seq.s32 s5, $0x0;
	s5 =	sld [smem:$0x3FAB]  }
0x2b: {  	s6 =	sld [smem:$0x3FAC]  }
0x2c: {  	s7 =	sld [smem:$0x3FAD]  }
0x2d: {  	s3 =	simm.s32 $0x108;
	s8 =	sld [smem:$0x3FAE]  }
0x2e: {  	s3 =	simm.s32 @!p0 $0x1082;
	s9 =	sld [smem:$0x3FAF]  }
0x2f: {  	lr =	sadd.s32 s0, s3;
	s0 =	sld [smem:$0x3FA6]  }
0x30: {  	s3 =	sld [smem:$0x3FA9]  }
0x31: {  	[smem:$0x3FB2] =	sst s10  }
0x32: {  	s10 =	sld [smem:$0x3FB0];
	_ =	sdelay $0x3  }
0x33: {  	p0 =	seq.s32 s10, $0x1;
	s10 =	sld [smem:$0x3FB2];
	_ =	sdelay $0x3  }
0x34: {  	[smem:$0x3FB2] =	sst s10  }
0x35: {  	s10 =	sld [smem:$0x3FB1];
	_ =	sdelay $0x3  }
0x36: {  	p1 =	seq.s32 s10, $0x1;
	s10 =	sld [smem:$0x3FB2];
	_ =	sdelay $0x3  }
0x37: {  	[smem:$0x3FB2] =	sst s10  }
0x38: {  	s10 =	sld [smem:$0x3FB3]  }
0x39: {  	_ = 	snop;
	(pc) =	sbr.ind lr, $3  }
0x3a: {  	_ = 	snop  }
0x3b: {  	_ = 	snop  }
0x3c: {  	p2 =	seq.s32 s10, $0x1;
	s10 =	sld [smem:$0x3FB2]  }
0x3d: {  	_ =	shalt  }
0x3e: {  	_ =	shalt  }
0x3f: {  	_ =	shalt  }
0x40: {  	_ =	shalt  }
0x41: {  	_ =	shalt  }
0x42: {  	_ =	shalt  }
0x43: {  	_ =	shalt  }
0x44: {  	_ =	shalt  }
0x45: {  	_ =	shalt  }
0x46: {  	_ =	shalt  }
0x47: {  	_ =	shalt  }
0x48: {  	_ =	shalt  }
0x49: {  	_ =	shalt  }
0x4a: {  	_ =	shalt  }
0x4b: {  	_ =	shalt  }
0x4c: {  	_ =	shalt  }
0x4d: {  	_ =	shalt  }
0x4e: {  	_ =	shalt  }
0x4f: {  	_ =	shalt  }
0x50: {  	_ =	shalt  }
0x51: {  	_ =	shalt  }
0x52: {  	_ =	shalt  }
0x53: {  	_ =	shalt  }
0x54: {  	_ =	shalt  }
0x55: {  	_ =	shalt  }
0x56: {  	_ =	shalt  }
0x57: {  	_ =	shalt  }
0x58: {  	_ =	shalt  }
0x59: {  	_ =	shalt  }
0x5a: {  	_ =	shalt  }
0x5b: {  	_ =	shalt  }
0x5c: {  	_ =	shalt  }
0x5d: {  	_ =	shalt  }
0x5e: {  	_ =	shalt  }
0x5f: {  	_ =	shalt  }
0x60: {  	_ =	shalt  }
0x61: {  	_ =	shalt  }
0x62: {  	_ =	shalt  }
0x63: {  	_ =	shalt  }
0x64: {  	_ =	shalt  }
0x65: {  	_ =	shalt  }
0x66: {  	_ =	shalt  }
0x67: {  	_ =	shalt  }
0x68: {  	_ =	shalt  }
0x69: {  	_ =	shalt  }
0x6a: {  	_ =	shalt  }
0x6b: {  	_ =	shalt  }
0x6c: {  	_ =	shalt  }
0x6d: {  	_ =	shalt  }
0x6e: {  	_ =	shalt  }
0x6f: {  	_ =	shalt  }
0x70: {  	_ =	shalt  }
0x71: {  	_ =	shalt  }
0x72: {  	_ =	shalt  }
0x73: {  	_ =	shalt  }
0x74: {  	_ =	shalt  }
0x75: {  	_ =	shalt  }
0x76: {  	_ =	shalt  }
0x77: {  	_ =	shalt  }
0x78: {  	_ =	shalt  }
0x79: {  	_ =	shalt  }
0x7a: {  	_ =	shalt  }
0x7b: {  	_ =	shalt  }
0x7c: {  	_ =	shalt  }
0x7d: {  	_ =	shalt  }
0x7e: {  	_ =	shalt  }
0x7f: {  	_ =	shalt  }
0x80: {  	_ =	shalt  }
0x81: {  	_ =	shalt  }
0x82: {  	_ =	shalt  }
0x83: {  	_ =	shalt  }
0x84: {  	_ =	shalt  }
0x85: {  	_ =	shalt  }
0x86: {  	_ =	shalt  }
0x87: {  	_ =	shalt  }
.Lfunc_end0:
.L_simem_size_0:
called_computation.1_lowered:
.L_overlay_start_0:
0x88: {  	s2 =	sld [smem:$0x3FD9]  }
0x89: {  	s3 =	sld [smem:$0x3FFE];
	_ =	sdelay $0x1  }
0x8a: {  	s1 =	srdreg.scid  }
0x8b: {  	s0 =	sand.u32 $0x1, s1  }
0x8c: {  	s16 =	sshll.u32 s0, $0xA;
	s2 =	sadd.s32 s3, s2  }
0x8d: {  	s2 =	sadd.s32 s2, s16  }
0x8e: {  	[smem:$0x3FBE] =	sst s2  }
0x8f: {  	_ = 	snop  }
0x90: {  	(tm) =	ssettm $0x1  }
0x91: {  	s17 =	sld [smem:$0x3FFB];
	_ =	sdelay $0x3  }
0x92: {  	_ =	strace s17  }
0x93: {  	s2 =	sld [smem:$0x3FFC];
	_ =	sdelay $0x3  }
0x94: {  	_ =	strace s2  }
0x95: {  	s2 =	sld [smem:$0x3FFD];
	_ =	sdelay $0x3  }
0x96: {  	_ =	strace s2  }
0x97: {  	_ =	strace $0x8FFFFFFF  }
0x98: {  	s18 =	sld [smem:$0x3FDB];
	_ =	sdelay $0x1  }
0x99: {  	s19 =	simm.s32 $_scs_section_size  }
0x9a: {  	s4 =	simm.s32 $_size__tile_overlayer_lowered;
	s5 =	simm.s32 $_tile_overlayer_lowered  }
0x9b: {  	s22 =	simm.s32 $0x1BFF;
	s21 =	sshll.u32 s5, $0x1;
	s2 =	sadd.s32 s19, s18  }
0x9c: {  	s6 =	simm.s32 $0x0;
	s20 =	sshll.u32 s4, $0x1;
	s4 =	sadd.s32 s21, s2  }
0x9d: {  	[timem:s6], [sflag:s22] =	dma.local [hbm:s4], s20  }
0x9e: {  	_ =	swait.ge [sflag:s22], s20  }
0x9f: {  	s3 =	ssub.s32 $0x0, s20;
	[sflag:s22] =	ssyncset.done $0x0  }
0xa0: {  	[sflag:s22] =	ssyncadd.s32 s3;
	_ =	sdelay $0x1  }
0xa1: {  	s23 =	simm.s32 $0x1B8B  }
0xa2: {  	_ =	swait.ge [sflag:s23], $0x1  }
0xa3: {  	[sflag:s23] =	ssyncset.done $0x0  }
0xa4: {  	s25 =	simm.s32 $0x1B8E;
	s24 =	sld [smem:$0x3FFE];
	[sflag:s23] =	ssyncadd.s32 $0xFFFFFFFF  }
0xa5: {  	s26 =	simm.s32 $execute0_lowered;
	[smem:$0x3FD2] =	sst s25  }
0xa6: {  	s4 =	sshll.u32 s26, $0x1;
	_ =	strace $0x80000049;
	[dreg:$0x1] =	wrdreg $0xFFFFFFFF  }
0xa7: {  	s28 =	simm.s32 $_size_execute0_lowered;
	s2 =	sadd.s32 s2, s4;
	[dreg:$0x0] =	wrdreg $0x0  }
0xa8: {  	s4 =	sshll.u32 s28, $0x1;
	[dreg:$0x2] =	wrdreg s2  }
0xa9: {  	[dreg:$0x3] =	wrdreg s4  }
0xaa: {  	[dreg:$0x4] =	wrdreg $0xC0  }
0xab: {  	_ =	task [dreg:s6], $0x5FFFF  }
0xac: {  	[dreg:$0x1] =	wrdreg $0xFFFFFFFF  }
0xad: {  	[dreg:$0x0] =	wrdreg $0x60  }
0xae: {  	[dreg:$0x2] =	wrdreg s24  }
0xaf: {  	[dreg:$0x3] =	wrdreg $0x0  }
0xb0: {  	[dreg:$0x4] =	wrdreg $0x9  }
0xb1: {  	_ =	task.clear_ibuf [dreg:s6], $0x5FFFF;
	_ =	strace $0x90000049  }
0xb2: {  	s29 =	simm.s32 $0x9;
	_ =	strace $0x8000004B  }
0xb3: {  	_ =	swait.ge [sflag:s29], $0x1  }
0xb4: {  	[sflag:s29] =	ssyncadd.s32 $0xFFFFFFFF  }
0xb5: {  	_ =	strace $0x9000004B  }
0xb6: {  	_ =	sfence  }
0xb7: {  	s30 =	sld [smem:$0x0];
	_ =	sdelay $0x2  }
0xb8: {  	s31 =	sshll.u32 s1, $0xD;
	s1 =	sshrl.u32 s1, $0x2  }
0xb9: {  	s3 =	sand.u32 $0x4000, s31;
	s1 =	sadd.s32 s1, s30  }
0xba: {  	s0 =	sor.u32 s3, s0;
	s1 =	sshll.u32 s1, $0x11  }
0xbb: {  	s0 =	sor.u32 s1, s0  }
0xbc: {  	s0 =	sadd.s32 $0x8F2B, s0  }
0xbd: {  	[sflag:s0] =	ssyncadd.remote.s32 $0x1  }
0xbe: {  	_ =	sfence.sel $0xFFFF  }
0xbf: {  	[dreg:$0x0] =	wrdreg $0xFFFFFFFF;
	(pc) =	sbr.abs _section_cstart, $3  }
0xc0: {  	[dreg:$0x1] =	wrdreg $0xFFFFFFFF  }
0xc1: {  	_ =	task.clear_ibuf [dreg:s6], $0x2FFFF;
	_ =	strace $0x9FFFFFFF  }
0xc2: {  	(tm) =	ssettm $0x7FFFFFFF  }
0xc3: {  	_ =	shalt  }
tec
execute0_lowered:
.L_overlay_start_1:
0x0: {  	(tag) =	ssettag $0x1  }
0x1: {  	s0 =	rddreg [dreg:$0x0]  }
0x2: {  	s1 =	srdreg.scid;
	s2 =	rddreg [dreg:$0x1];
	s3 =	simm.s32 $0x0  }
0x3: {  	s9 =	stileid.u32;
	s11 =	simm.s32 $0x14180;
	[smem:$0x7FF] =	sst s3  }
0x4: {  	s12 =	simm.s32 $0x14880;
	_ =	strace $0x8000004A;
	[dreg:$0x3] =	wrdreg s11  }
0x5: {  	s13 =	simm.s32 $0x14200;
	s15 =	simm.s32 $0x14900;
	[dreg:$0x4] =	wrdreg s12  }
0x6: {  	s17 =	simm.s32 $0x14280;
	s19 =	simm.s32 $0x14980;
	[dreg:$0x5] =	wrdreg s13  }
0x7: {  	s21 =	simm.s32 $0x14300;
	s23 =	simm.s32 $0x14A00;
	[dreg:$0x6] =	wrdreg s15  }
0x8: {  	s25 =	simm.s32 $0x14380;
	s28 =	simm.s32 $0x5;
	[dreg:$0x7] =	wrdreg s17  }
0x9: {  	s29 =	simm.s32 $0x14400;
	s30 =	simm.s32 $0x14C00;
	[dreg:$0x8] =	wrdreg s19  }
0xa: {  	s31 =	simm.s32 $0x3;
	s1 =	sand.u32 $0x1, s1;
	[dreg:$0x9] =	wrdreg s21  }
0xb: {  	s5 =	smul.u32 $0x14000, s9;
	s6 =	sadd.s32 $0x66E00, s0;
	[dreg:$0xa] =	wrdreg s23  }
0xc: {  	s8 =	smul.u32 $0x50000, s9;
	[dreg:$0xb] =	wrdreg s25;
	s12 =	simm.s32 $0x14480  }
0xd: {  	s9 =	sshll.u32 s9, $0xB;
	s15 =	simm.s32 $0x14500;
	[dreg:$0xe] =	wrdreg s12  }
0xe: {  	s4 =	smul.u32 $0x140000, s1;
	s17 =	simm.s32 $0x14C80;
	[dreg:$0x10] =	wrdreg s15  }
0xf: {  	s7 =	ssub.s32 $0x2, s1;
	s19 =	simm.s32 $0x14D00;
	[dreg:$0x12] =	wrdreg s17  }
0x10: {  	s1 =	sshll.u32 s1, $0xF;
	s21 =	simm.s32 $0x14D80;
	[dreg:$0x14] =	wrdreg s19  }
0x11: {  	s23 =	simm.s32 $0x14E00;
	s25 =	simm.s32 $0x14E80;
	[dreg:$0x16] =	wrdreg s21  }
0x12: {  	s26 =	sshrl.u32 s7, $0x1;
	s10 =	sshrl.u32 s8, $0x2;
	[dreg:$0x18] =	wrdreg s23  }
0x13: {  	[dreg:$0x1a] =	wrdreg s25;
	s4 =	sadd.s32 s5, s4;
	s7 =	ssub.s32 s7, s26  }
0x14: {  	s26 =	simm.s32 $0x14A80;
	s5 =	sshrl.u32 s4, $0x3;
	s4 =	sadd.s32 $0x2E00, s0  }
0x15: {  	[dreg:$0xc] =	wrdreg s26;
	s7 =	smax.u32 s7, $0x1;
	s26 =	simm.s32 $0x14F80  }
0x16: {  	s0 =	sadd.s32 s5, s0;
	s5 =	sadd.s32 s10, s2;
	[smem:$0x7FD] =	sst s7  }
0x17: {  	s11 =	sor.u32 s9, s1;
	[dreg:$0x1b] =	wrdreg s26;
	s10 =	sadd.s32 $0x2800, s5  }
0x18: {  	s1 =	sadd.s32 s1, s6;
	s14 =	sadd.s32 $0x5000, s5;
	[dreg:$0x1c] =	wrdreg s10  }
0x19: {  	s19 =	simm.s32 $0x9;
	s16 =	sadd.s32 $0x7800, s5;
	[dreg:$0x1d] =	wrdreg s14  }
0x1a: {  	s25 =	simm.s32 $0x1C800;
	s18 =	sadd.s32 $0xA000, s5;
	[dreg:$0x1e] =	wrdreg s16  }
0x1b: {  	s21 =	simm.s32 $0x6;
	s20 =	sadd.s32 $0xC800, s5;
	[dreg:$0x1f] =	wrdreg s18  }
0x1c: {  	s23 =	simm.s32 $0x4;
	s22 =	sadd.s32 $0xF000, s5;
	[smem:$0x7F8] =	sst s20  }
0x1d: {  	s8 =	simm.s32 $0xA;
	s24 =	sadd.s32 $0x11800, s5;
	[smem:$0x7F9] =	sst s22  }
0x1e: {  	s13 =	sadd.s32 s6, s11;
	s0 =	sadd.s32 $0x86E00, s0;
	[smem:$0x7FA] =	sst s24  }
0x1f: {  	s17 =	sadd.s32 s9, s1;
	s10 =	simm.s32 $0x14B00;
	[smem:$0x7FC] =	sst s0  }
0x20: {  	s1 =	simm.s32 $0x7;
	s14 =	simm.s32 $0x14B80;
	[dreg:$0xd] =	wrdreg s10  }
0x21: {  	s6 =	simm.s32 $0x1;
	s16 =	simm.s32 $0x14580;
	[dreg:$0xf] =	wrdreg s14  }
0x22: {  	s9 =	simm.s32 $0x0;
	s18 =	simm.s32 $0x14600;
	[dreg:$0x11] =	wrdreg s16  }
0x23: {  	s26 =	simm.s32 $0x2;
	s20 =	simm.s32 $0x14680;
	[dreg:$0x13] =	wrdreg s18  }
0x24: {  	s7 =	simm.s32 $0x8;
	s22 =	simm.s32 $0x14700;
	[dreg:$0x15] =	wrdreg s20  }
0x25: {  	s24 =	simm.s32 $0x14780;
	s0 =	simm.s32 $0x1A000;
	[dreg:$0x17] =	wrdreg s22  }
0x26: {  	s10 =	sadd.s32 $0x10000, s13;
	s18 =	simm.s32 $0x15000;
	[dreg:$0x19] =	wrdreg s24  }
0x27: {  	v0 =	vimm.f32 $0.0e+00;
	s22 =	simm.s32 $0x50;
	s24 =	simm.s32 $0x17800;
	[smem:$0x7FB] =	sst s10  }
.LBB2_1:
0x28: {  	s10 =	simm.s32 $0x0;
	s11 =	simm.s32 $0x200  }
.LBB2_2:
0x29: {  	p0 =	sne.s32 s11, $0x9E00;
	[tilespmem:s10+$0x15070] =	vst v0  }
0x2a: {  	[tilespmem:s10+$0x15000] =	vst v0  }
0x2b: {  	[tilespmem:s10+$0x15010] =	vst v0  }
.Ltmp0:
0x2c: {  	[tilespmem:s10+$0x15020] =	vst v0;
	(pc) =	sbr.rel @p0 .LBB2_2-.Ltmp0, $4  }
0x2d: {  	[tilespmem:s10+$0x15030] =	vst v0  }
0x2e: {  	[tilespmem:s10+$0x15040] =	vst v0  }
0x2f: {  	[tilespmem:s10+$0x15050] =	vst v0  }
0x30: {  	[tilespmem:s10+$0x15060] =	vst v0;
	s10 =	sshra.s32 s11, $0x2;
	s11 =	sadd.s32 $0x200, s11  }
0x31: {  	[tilespmem:s10+$0x15070] =	vst v0  }
0x32: {  	[tilespmem:s10+$0x15000] =	vst v0  }
0x33: {  	[tilespmem:s10+$0x15010] =	vst v0  }
0x34: {  	[tilespmem:s10+$0x15020] =	vst v0  }
0x35: {  	[tilespmem:s10+$0x15030] =	vst v0  }
0x36: {  	[tilespmem:s10+$0x15040] =	vst v0  }
0x37: {  	[tilespmem:s10+$0x15050] =	vst v0  }
0x38: {  	[tilespmem:s10+$0x15060] =	vst v0;
	s16 =	rddreg [dreg:$0x1c]  }
0x39: {  	[spmem:s5] =	stream.linear.scatter [tilespmem:s18], [sflag:$0x9], $0x2800, $0x38;
	[tilespmem:$0x1F000] =	vst v63  }
0x3a: {  	s20 =	rddreg [dreg:$0x1d]  }
0x3b: {  	[spmem:s16] =	stream.linear.scatter [tilespmem:s18], [sflag:$0x9], $0x2800, $0x38;
	[tilespmem:$0x1F000] =	vst v63  }
0x3c: {  	s11 =	rddreg [dreg:$0x1e]  }
0x3d: {  	[spmem:s20] =	stream.linear.scatter [tilespmem:s18], [sflag:$0x9], $0x2800, $0x38;
	[tilespmem:$0x1F000] =	vst v63  }
0x3e: {  	s12 =	rddreg [dreg:$0x1f]  }
0x3f: {  	[spmem:s11] =	stream.linear.scatter [tilespmem:s18], [sflag:$0x9], $0x2800, $0x38;
	[tilespmem:$0x1F000] =	vst v63  }
0x40: {  	s14 =	sld [smem:$0x7F8]  }
0x41: {  	[spmem:s12] =	stream.linear.scatter [tilespmem:s18], [sflag:$0x9], $0x2800, $0x38;
	[tilespmem:$0x1F000] =	vst v63  }
0x42: {  	s15 =	sld [smem:$0x7F9]  }
0x43: {  	[spmem:s14] =	stream.linear.scatter [tilespmem:s18], [sflag:$0x9], $0x2800, $0x38;
	[tilespmem:$0x1F000] =	vst v63  }
0x44: {  	s16 =	sld [smem:$0x7FA]  }
0x45: {  	[spmem:s15] =	stream.linear.scatter [tilespmem:s18], [sflag:$0x9], $0x2800, $0x38;
	[tilespmem:$0x1F000] =	vst v63  }
0x46: {  	_ = 	snop  }
0x47: {  	[spmem:s16] =	stream.linear.scatter [tilespmem:s18], [sflag:$0x9], $0x2800, $0x38;
	[tilespmem:$0x1F000] =	vst v63  }
0x48: {  	_ =	swait.ge [sflag:s19], $0x2800  }
0x49: {  	[sflag:s19] =	ssyncset.done $0x0  }
0x4a: {  	[sflag:s19] =	ssyncadd.s32 $0xFFFFD800  }
0x4b: {  	_ =	swait.ge [sflag:s19], $0x2800  }
0x4c: {  	[sflag:s19] =	ssyncset.done $0x0  }
0x4d: {  	[sflag:s19] =	ssyncadd.s32 $0xFFFFD800  }
0x4e: {  	_ =	swait.ge [sflag:s19], $0x2800  }
0x4f: {  	[sflag:s19] =	ssyncset.done $0x0  }
0x50: {  	[sflag:s19] =	ssyncadd.s32 $0xFFFFD800  }
0x51: {  	_ =	swait.ge [sflag:s19], $0x2800  }
0x52: {  	[sflag:s19] =	ssyncset.done $0x0  }
0x53: {  	[sflag:s19] =	ssyncadd.s32 $0xFFFFD800  }
0x54: {  	_ =	swait.ge [sflag:s19], $0x2800  }
0x55: {  	[sflag:s19] =	ssyncset.done $0x0  }
0x56: {  	[sflag:s19] =	ssyncadd.s32 $0xFFFFD800  }
0x57: {  	_ =	swait.ge [sflag:s19], $0x2800  }
0x58: {  	[sflag:s19] =	ssyncset.done $0x0  }
0x59: {  	[sflag:s19] =	ssyncadd.s32 $0xFFFFD800  }
0x5a: {  	_ =	swait.ge [sflag:s19], $0x2800  }
0x5b: {  	[sflag:s19] =	ssyncset.done $0x0  }
0x5c: {  	[sflag:s19] =	ssyncadd.s32 $0xFFFFD800  }
0x5d: {  	_ =	swait.ge [sflag:s19], $0x2800  }
0x5e: {  	[sflag:s19] =	ssyncset.done $0x0  }
0x5f: {  	[sflag:s19] =	ssyncadd.s32 $0xFFFFD800  }
0x60: {  	[bflag:$0x0] =	sbarrier.arrive $0xFFFF  }
0x61: {  	s20 =	simm.s32 $0x0;
	s12 =	simm.s32 $0x14000;
	s11 =	sld [smem:$0x7FB]  }
0x62: {  	[tilespmem:s12], [sflag:$0x9] =	stream.linear.gather [hbm4b:s13+s20], $0x400, $0x38;
	[tilespmem:$0x1F000] =	vst v63  }
0x63: {  	s14 =	simm.s32 $0x14800  }
0x64: {  	[tilespmem:s14], [sflag:$0x9] =	stream.linear.gather [hbm4b:s11+s20], $0x400, $0x38;
	[tilespmem:$0x1F000] =	vst v63  }
0x65: {  	_ =	swait.ge [sflag:s19], $0x400  }
0x66: {  	[sflag:s19] =	ssyncset.done $0x0  }
0x67: {  	[sflag:s19] =	ssyncadd.s32 $0xFFFFFC00  }
0x68: {  	_ =	swait.ge [sflag:s19], $0x400  }
0x69: {  	[sflag:s19] =	ssyncset.done $0x0  }
0x6a: {  	[sflag:s19] =	ssyncadd.s32 $0xFFFFFC00  }
0x6b: {  	[tilespmem:s18], [sflag:$0x1] =	stream.indirect.gather [hbm4b:s4+s22], $0x80, s12, s22, $0xb8;
	[tilespmem:$0x1F000] =	vst v63  }
0x6c: {  	p0 =	por $0x1, $0x1;
	s14 =	simm.s32 $0x14080  }
0x6d: {  	[tilespmem:s24], [sflag:$0x2] =	stream.indirect.gather [hbm4b:s4+s22], $0x80, s14, s22, $0xb8;
	[tilespmem:$0x1F000] =	vst v63  }
0x6e: {  	s10 =	simm.s32 @p0 $0x50;
	s11 =	simm.s32 @p0 $0x14100;
	s12 =	simm.s32 @p0 $0x1A000  }
0x6f: {  	[tilespmem:s12], [sflag:$0x3] =	stream.indirect.gather @p0 [hbm4b:s4+s10], $0x80, s11, s10, $0xb8;
	[tilespmem:$0x1F000] =	vst v63  }
0x70: {  	s11 =	simm.s32 @p0 $0x1  }
0x71: {  	_ =	swait.ge @p0 [sflag:s11], $0x2800  }
0x72: {  	s14 =	simm.s32 @p0 $0x15000;
	[sflag:s11] =	ssyncset.done @p0 $0x0  }
0x73: {  	s12 =	simm.s32 @p0 $0x14800;
	[sflag:s11] =	ssyncadd.s32 @p0 $0xFFFFD800;
	s11 =	simm.s32 @!p0 $0x7  }
0x74: {  	[spmem:s2] =	stream.indirect.scatter.add.f32 @p0 [tilespmem:s14], [sflag:$0x5], $0x80, s12, s10, $0xb8;
	[tilespmem:$0x1F000] =	vst v63  }
0x75: {  	_ =	swait.ge @!p0 [sflag:s11], $0x2800  }
0x76: {  	s10 =	simm.s32 @!p0 $0x1A000;
	s12 =	simm.s32 @!p0 $0x50;
	[sflag:s11] =	ssyncset.done @!p0 $0x0  }
0x77: {  	s14 =	simm.s32 @!p0 $0x14100;
	[sflag:s11] =	ssyncadd.s32 @!p0 $0xFFFFD800;
	s11 =	simm.s32 @!p0 $0x1  }
0x78: {  	[tilespmem:s10], [sflag:$0x3] =	stream.indirect.gather @!p0 [hbm4b:s4+s12], $0x80, s14, s12, $0xb8;
	[tilespmem:$0x1F000] =	vst v63  }
0x79: {  	_ =	swait.ge @!p0 [sflag:s11], $0x2800  }
0x7a: {  	s10 =	simm.s32 @!p0 $0x14800;
	[sflag:s11] =	ssyncset.done @!p0 $0x0  }
0x7b: {  	s14 =	simm.s32 @!p0 $0x15000;
	[sflag:s11] =	ssyncadd.s32 @!p0 $0xFFFFD800;
	s11 =	simm.s32 @!p0 $0x8  }
0x7c: {  	[spmem:s2] =	stream.indirect.scatter.add.f32 @!p0 [tilespmem:s14], [sflag:$0x5], $0x80, s10, s12, $0xb8;
	[tilespmem:$0x1F000] =	vst v63  }
0x7d: {  	_ =	swait.ge @!p0 [sflag:s11], $0x2800  }
0x7e: {  	[sflag:s11] =	ssyncset.done @!p0 $0x0  }
0x7f: {  	s15 =	rddreg [dreg:$0x3];
	[sflag:s11] =	ssyncadd.s32 @!p0 $0xFFFFD800  }
0x80: {  	[tilespmem:s25], [sflag:$0x4] =	stream.indirect.gather [hbm4b:s4+s22], $0x80, s15, s22, $0xb8;
	[tilespmem:$0x1F000] =	vst v63  }
0x81: {  	_ =	swait.ge [sflag:s26], $0x2800  }
0x82: {  	[sflag:s26] =	ssyncset.done $0x0  }
0x83: {  	s16 =	rddreg [dreg:$0x4];
	[sflag:s26] =	ssyncadd.s32 $0xFFFFD800  }
0x84: {  	[spmem:s2] =	stream.indirect.scatter.add.f32 [tilespmem:s24], [sflag:$0x6], $0x80, s16, s22, $0xb8;
	[tilespmem:$0x1F000] =	vst v63  }
0x85: {  	_ =	swait.ge [sflag:s28], $0x2800  }
0x86: {  	s20 =	sadd.s32 $0x0, s17;
	[sflag:s28] =	ssyncset.done $0x0  }
0x87: {  	s12 =	sadd.s32 $0x80, s20;
	[sflag:s28] =	ssyncadd.s32 $0xFFFFD800  }
0x88: {  	[tilespmem:s29], [sflag:$0x9] =	stream.linear.gather [hbm4b:s12+s3], $0x400, $0x38;
	[tilespmem:$0x1F000] =	vst v63  }
0x89: {  	s10 =	sadd.s32 $0x10080, s20  }
0x8a: {  	[tilespmem:s30], [sflag:$0x9] =	stream.linear.gather [hbm4b:s10+s3], $0x400, $0x38;
	[tilespmem:$0x1F000] =	vst v63  }
0x8b: {  	s14 =	rddreg [dreg:$0x5]  }
0x8c: {  	[tilespmem:s18], [sflag:$0x1] =	stream.indirect.gather [hbm4b:s4+s22], $0x80, s14, s22, $0xb8;
	[tilespmem:$0x1F000] =	vst v63  }
0x8d: {  	_ =	swait.ge [sflag:s31], $0x2800  }
0x8e: {  	[sflag:s31] =	ssyncset.done $0x0  }
0x8f: {  	s15 =	rddreg [dreg:$0x6];
	[sflag:s31] =	ssyncadd.s32 $0xFFFFD800  }
0x90: {  	[spmem:s2] =	stream.indirect.scatter.add.f32 [tilespmem:s0], [sflag:$0x7], $0x80, s15, s22, $0xb8;
	[tilespmem:$0x1F000] =	vst v63  }
0x91: {  	_ =	swait.ge [sflag:s21], $0x2800  }
0x92: {  	[sflag:s21] =	ssyncset.done $0x0  }
0x93: {  	s16 =	rddreg [dreg:$0x7];
	[sflag:s21] =	ssyncadd.s32 $0xFFFFD800  }
0x94: {  	[tilespmem:s24], [sflag:$0x2] =	stream.indirect.gather [hbm4b:s4+s22], $0x80, s16, s22, $0xb8;
	[tilespmem:$0x1F000] =	vst v63  }
0x95: {  	_ =	swait.ge [sflag:s23], $0x2800  }
0x96: {  	[sflag:s23] =	ssyncset.done $0x0  }
0x97: {  	s20 =	rddreg [dreg:$0x8];
	[sflag:s23] =	ssyncadd.s32 $0xFFFFD800  }
0x98: {  	[spmem:s2] =	stream.indirect.scatter.add.f32 [tilespmem:s25], [sflag:$0x8], $0x80, s20, s22, $0xb8;
	[tilespmem:$0x1F000] =	vst v63  }
0x99: {  	_ =	swait.ge [sflag:s1], $0x2800  }
0x9a: {  	[sflag:s1] =	ssyncset.done $0x0  }
0x9b: {  	s11 =	rddreg [dreg:$0x9];
	[sflag:s1] =	ssyncadd.s32 $0xFFFFD800  }
0x9c: {  	[tilespmem:s0], [sflag:$0x3] =	stream.indirect.gather [hbm4b:s4+s22], $0x80, s11, s22, $0xb8;
	[tilespmem:$0x1F000] =	vst v63  }
0x9d: {  	_ =	swait.ge [sflag:s6], $0x2800  }
0x9e: {  	[sflag:s6] =	ssyncset.done $0x0  }
0x9f: {  	s12 =	rddreg [dreg:$0xa];
	[sflag:s6] =	ssyncadd.s32 $0xFFFFD800  }
0xa0: {  	[spmem:s2] =	stream.indirect.scatter.add.f32 [tilespmem:s18], [sflag:$0x5], $0x80, s12, s22, $0xb8;
	[tilespmem:$0x1F000] =	vst v63  }
0xa1: {  	_ =	swait.ge [sflag:s7], $0x2800  }
0xa2: {  	[sflag:s7] =	ssyncset.done $0x0  }
0xa3: {  	s14 =	rddreg [dreg:$0xb];
	[sflag:s7] =	ssyncadd.s32 $0xFFFFD800  }
0xa4: {  	[tilespmem:s25], [sflag:$0x4] =	stream.indirect.gather [hbm4b:s4+s22], $0x80, s14, s22, $0xb8;
	[tilespmem:$0x1F000] =	vst v63  }
0xa5: {  	_ =	swait.ge [sflag:s26], $0x2800  }
0xa6: {  	[sflag:s26] =	ssyncset.done $0x0  }
0xa7: {  	s15 =	rddreg [dreg:$0xc];
	[sflag:s26] =	ssyncadd.s32 $0xFFFFD800  }
0xa8: {  	[spmem:s2] =	stream.indirect.scatter.add.f32 [tilespmem:s24], [sflag:$0x6], $0x80, s15, s22, $0xb8;
	[tilespmem:$0x1F000] =	vst v63  }
0xa9: {  	_ =	swait.ge [sflag:s28], $0x2800  }
0xaa: {  	[sflag:s28] =	ssyncset.done $0x0  }
0xab: {  	[sflag:s28] =	ssyncadd.s32 $0xFFFFD800  }
0xac: {  	_ =	swait.ge [sflag:s19], $0x400  }
0xad: {  	[sflag:s19] =	ssyncset.done $0x0  }
0xae: {  	[sflag:s19] =	ssyncadd.s32 $0xFFFFFC00  }
0xaf: {  	_ =	swait.ge [sflag:s19], $0x400  }
0xb0: {  	[sflag:s19] =	ssyncset.done $0x0  }
0xb1: {  	[sflag:s19] =	ssyncadd.s32 $0xFFFFFC00  }
0xb2: {  	[tilespmem:s18], [sflag:$0x1] =	stream.indirect.gather [hbm4b:s4+s22], $0x80, s29, s22, $0xb8;
	[tilespmem:$0x1F000] =	vst v63  }
0xb3: {  	_ =	swait.ge [sflag:s31], $0x2800  }
0xb4: {  	[sflag:s31] =	ssyncset.done $0x0  }
0xb5: {  	s16 =	rddreg [dreg:$0xd];
	[sflag:s31] =	ssyncadd.s32 $0xFFFFD800  }
0xb6: {  	[spmem:s2] =	stream.indirect.scatter.add.f32 [tilespmem:s0], [sflag:$0x7], $0x80, s16, s22, $0xb8;
	[tilespmem:$0x1F000] =	vst v63  }
0xb7: {  	_ =	swait.ge [sflag:s21], $0x2800  }
0xb8: {  	[sflag:s21] =	ssyncset.done $0x0  }
0xb9: {  	s20 =	rddreg [dreg:$0xe];
	[sflag:s21] =	ssyncadd.s32 $0xFFFFD800  }
0xba: {  	[tilespmem:s24], [sflag:$0x2] =	stream.indirect.gather [hbm4b:s4+s22], $0x80, s20, s22, $0xb8;
	[tilespmem:$0x1F000] =	vst v63  }
0xbb: {  	_ =	swait.ge [sflag:s23], $0x2800  }
0xbc: {  	[sflag:s23] =	ssyncset.done $0x0  }
0xbd: {  	s11 =	rddreg [dreg:$0xf];
	[sflag:s23] =	ssyncadd.s32 $0xFFFFD800  }
0xbe: {  	[spmem:s2] =	stream.indirect.scatter.add.f32 [tilespmem:s25], [sflag:$0x8], $0x80, s11, s22, $0xb8;
	[tilespmem:$0x1F000] =	vst v63  }
0xbf: {  	_ =	swait.ge [sflag:s1], $0x2800  }
0xc0: {  	[sflag:s1] =	ssyncset.done $0x0  }
0xc1: {  	s12 =	rddreg [dreg:$0x10];
	[sflag:s1] =	ssyncadd.s32 $0xFFFFD800  }
0xc2: {  	[tilespmem:s0], [sflag:$0x3] =	stream.indirect.gather [hbm4b:s4+s22], $0x80, s12, s22, $0xb8;
	[tilespmem:$0x1F000] =	vst v63  }
0xc3: {  	_ =	swait.ge [sflag:s6], $0x2800  }
0xc4: {  	[sflag:s6] =	ssyncset.done $0x0  }
0xc5: {  	[sflag:s6] =	ssyncadd.s32 $0xFFFFD800  }
0xc6: {  	[spmem:s2] =	stream.indirect.scatter.add.f32 [tilespmem:s18], [sflag:$0x5], $0x80, s30, s22, $0xb8;
	[tilespmem:$0x1F000] =	vst v63  }
0xc7: {  	_ =	swait.ge [sflag:s7], $0x2800  }
0xc8: {  	[sflag:s7] =	ssyncset.done $0x0  }
0xc9: {  	s14 =	rddreg [dreg:$0x11];
	[sflag:s7] =	ssyncadd.s32 $0xFFFFD800  }
0xca: {  	[tilespmem:s25], [sflag:$0x4] =	stream.indirect.gather [hbm4b:s4+s22], $0x80, s14, s22, $0xb8;
	[tilespmem:$0x1F000] =	vst v63  }
0xcb: {  	_ =	swait.ge [sflag:s26], $0x2800  }
0xcc: {  	[sflag:s26] =	ssyncset.done $0x0  }
0xcd: {  	s15 =	rddreg [dreg:$0x12];
	[sflag:s26] =	ssyncadd.s32 $0xFFFFD800  }
0xce: {  	[spmem:s2] =	stream.indirect.scatter.add.f32 [tilespmem:s24], [sflag:$0x6], $0x80, s15, s22, $0xb8;
	[tilespmem:$0x1F000] =	vst v63  }
0xcf: {  	p0 =	por $0x0, $0x0;
	_ =	swait.ge [sflag:s28], $0x2800  }
0xd0: {  	s10 =	sadd.s32 @!p0 $0x0, s17;
	s11 =	simm.s32 @!p0 $0x14000;
	[sflag:s28] =	ssyncset.done $0x0  }
0xd1: {  	s12 =	sadd.s32 @!p0 $0x100, s10;
	s14 =	simm.s32 @!p0 $0x0;
	[sflag:s28] =	ssyncadd.s32 $0xFFFFD800  }
0xd2: {  	[tilespmem:s11], [sflag:$0x9] =	stream.linear.gather @!p0 [hbm4b:s12+s14], $0x400, $0x38;
	[tilespmem:$0x1F000] =	vst v63  }
0xd3: {  	s10 =	sadd.s32 @!p0 $0x10100, s10;
	s12 =	simm.s32 @!p0 $0x14800  }
0xd4: {  	[tilespmem:s12], [sflag:$0x9] =	stream.linear.gather @!p0 [hbm4b:s10+s14], $0x400, $0x38;
	[tilespmem:$0x1F000] =	vst v63  }
0xd5: {  	s16 =	rddreg [dreg:$0x13]  }
0xd6: {  	[tilespmem:s18], [sflag:$0x1] =	stream.indirect.gather [hbm4b:s4+s22], $0x80, s16, s22, $0xb8;
	[tilespmem:$0x1F000] =	vst v63  }
0xd7: {  	_ =	swait.ge [sflag:s31], $0x2800  }
0xd8: {  	[sflag:s31] =	ssyncset.done $0x0  }
0xd9: {  	s20 =	rddreg [dreg:$0x14];
	[sflag:s31] =	ssyncadd.s32 $0xFFFFD800  }
0xda: {  	[spmem:s2] =	stream.indirect.scatter.add.f32 [tilespmem:s0], [sflag:$0x7], $0x80, s20, s22, $0xb8;
	[tilespmem:$0x1F000] =	vst v63  }
0xdb: {  	_ =	swait.ge [sflag:s21], $0x2800  }
0xdc: {  	[sflag:s21] =	ssyncset.done $0x0  }
0xdd: {  	s11 =	rddreg [dreg:$0x15];
	[sflag:s21] =	ssyncadd.s32 $0xFFFFD800  }
0xde: {  	[tilespmem:s24], [sflag:$0x2] =	stream.indirect.gather [hbm4b:s4+s22], $0x80, s11, s22, $0xb8;
	[tilespmem:$0x1F000] =	vst v63  }
0xdf: {  	_ =	swait.ge [sflag:s23], $0x2800  }
0xe0: {  	[sflag:s23] =	ssyncset.done $0x0  }
0xe1: {  	s12 =	rddreg [dreg:$0x16];
	[sflag:s23] =	ssyncadd.s32 $0xFFFFD800  }
0xe2: {  	[spmem:s2] =	stream.indirect.scatter.add.f32 [tilespmem:s25], [sflag:$0x8], $0x80, s12, s22, $0xb8;
	[tilespmem:$0x1F000] =	vst v63  }
0xe3: {  	_ =	swait.ge [sflag:s1], $0x2800  }
0xe4: {  	[sflag:s1] =	ssyncset.done $0x0  }
0xe5: {  	s14 =	rddreg [dreg:$0x17];
	[sflag:s1] =	ssyncadd.s32 $0xFFFFD800  }
0xe6: {  	[tilespmem:s0], [sflag:$0x3] =	stream.indirect.gather [hbm4b:s4+s22], $0x80, s14, s22, $0xb8;
	[tilespmem:$0x1F000] =	vst v63  }
0xe7: {  	_ =	swait.ge [sflag:s6], $0x2800  }
0xe8: {  	[sflag:s6] =	ssyncset.done $0x0  }
0xe9: {  	s15 =	rddreg [dreg:$0x18];
	[sflag:s6] =	ssyncadd.s32 $0xFFFFD800  }
0xea: {  	[spmem:s2] =	stream.indirect.scatter.add.f32 [tilespmem:s18], [sflag:$0x5], $0x80, s15, s22, $0xb8;
	[tilespmem:$0x1F000] =	vst v63  }
0xeb: {  	_ =	swait.ge [sflag:s7], $0x2800  }
0xec: {  	[sflag:s7] =	ssyncset.done $0x0  }
0xed: {  	s16 =	rddreg [dreg:$0x19];
	[sflag:s7] =	ssyncadd.s32 $0xFFFFD800  }
0xee: {  	[tilespmem:s25], [sflag:$0x4] =	stream.indirect.gather [hbm4b:s4+s22], $0x80, s16, s22, $0xb8;
	[tilespmem:$0x1F000] =	vst v63  }
0xef: {  	_ =	swait.ge [sflag:s26], $0x2800  }
0xf0: {  	[sflag:s26] =	ssyncset.done $0x0  }
0xf1: {  	s20 =	rddreg [dreg:$0x1a];
	[sflag:s26] =	ssyncadd.s32 $0xFFFFD800  }
0xf2: {  	[spmem:s2] =	stream.indirect.scatter.add.f32 [tilespmem:s24], [sflag:$0x6], $0x80, s20, s22, $0xb8;
	[tilespmem:$0x1F000] =	vst v63  }
0xf3: {  	_ =	swait.ge [sflag:s28], $0x2800  }
0xf4: {  	p0 =	por $0x0, $0x0;
	[sflag:s28] =	ssyncset.done $0x0  }
0xf5: {  	s10 =	simm.s32 @p0 $0x3;
	[sflag:s28] =	ssyncadd.s32 $0xFFFFD800  }
0xf6: {  	_ =	swait.ge @p0 [sflag:s10], $0x2800  }
0xf7: {  	s11 =	simm.s32 @p0 $0x1A000;
	[sflag:s10] =	ssyncset.done @p0 $0x0  }
0xf8: {  	s12 =	simm.s32 @p0 $0x50;
	[sflag:s10] =	ssyncadd.s32 @p0 $0xFFFFD800;
	s10 =	simm.s32 @p0 $0x14F00  }
0xf9: {  	[spmem:s2] =	stream.indirect.scatter.add.f32 @p0 [tilespmem:s11], [sflag:$0x7], $0x80, s10, s12, $0xb8;
	[tilespmem:$0x1F000] =	vst v63  }
0xfa: {  	s10 =	simm.s32 @p0 $0x6  }
0xfb: {  	_ =	swait.ge @p0 [sflag:s10], $0x2800  }
0xfc: {  	[sflag:s10] =	ssyncset.done @p0 $0x0  }
0xfd: {  	s11 =	simm.s32 @!p0 $0x9;
	[sflag:s10] =	ssyncadd.s32 @p0 $0xFFFFD800  }
0xfe: {  	_ =	swait.ge @!p0 [sflag:s11], $0x400  }
0xff: {  	[sflag:s11] =	ssyncset.done @!p0 $0x0  }
0x100: {  	[sflag:s11] =	ssyncadd.s32 @!p0 $0xFFFFFC00  }
0x101: {  	_ =	swait.ge @!p0 [sflag:s11], $0x400  }
0x102: {  	s12 =	simm.s32 @!p0 $0x50;
	[sflag:s11] =	ssyncset.done @!p0 $0x0  }
0x103: {  	s10 =	simm.s32 @!p0 $0x15000;
	[sflag:s11] =	ssyncadd.s32 @!p0 $0xFFFFFC00;
	s11 =	simm.s32 @!p0 $0x14000  }
0x104: {  	[tilespmem:s10], [sflag:$0x1] =	stream.indirect.gather @!p0 [hbm4b:s4+s12], $0x80, s11, s12, $0xb8;
	[tilespmem:$0x1F000] =	vst v63  }
0x105: {  	s10 =	simm.s32 @!p0 $0x3  }
0x106: {  	_ =	swait.ge @!p0 [sflag:s10], $0x2800  }
0x107: {  	[sflag:s10] =	ssyncset.done @!p0 $0x0  }
0x108: {  	s11 =	simm.s32 @!p0 $0x14F00;
	[sflag:s10] =	ssyncadd.s32 @!p0 $0xFFFFD800;
	s10 =	simm.s32 @!p0 $0x1A000  }
0x109: {  	[spmem:s2] =	stream.indirect.scatter.add.f32 @!p0 [tilespmem:s10], [sflag:$0x7], $0x80, s11, s12, $0xb8;
	[tilespmem:$0x1F000] =	vst v63  }
0x10a: {  	s10 =	simm.s32 @!p0 $0x6  }
0x10b: {  	_ =	swait.ge @!p0 [sflag:s10], $0x2800  }
0x10c: {  	[sflag:s10] =	ssyncset.done @!p0 $0x0  }
0x10d: {  	s11 =	simm.s32 @!p0 $0x14080;
	[sflag:s10] =	ssyncadd.s32 @!p0 $0xFFFFD800;
	s10 =	simm.s32 @!p0 $0x17800  }
0x10e: {  	[tilespmem:s10], [sflag:$0x2] =	stream.indirect.gather @!p0 [hbm4b:s4+s12], $0x80, s11, s12, $0xb8;
	[tilespmem:$0x1F000] =	vst v63  }
0x10f: {  	_ =	swait.ge [sflag:s23], $0x2800  }
0x110: {  	s10 =	simm.s32 $0x1;
	[sflag:s23] =	ssyncset.done $0x0  }
0x111: {  	s11 =	simm.s32 $0x100;
	s14 =	rddreg [dreg:$0x1b];
	[sflag:s23] =	ssyncadd.s32 $0xFFFFD800  }
.LBB2_4:
0x112: {  	p1 =	seq.s32 s11, $0x0  }
0x113: {  	[spmem:s2] =	stream.indirect.scatter.add.f32 [tilespmem:s25], [sflag:$0x8], $0x80, s14, s22, $0xb8;
	[tilespmem:$0x1F000] =	vst v63  }
0x114: {  	s14 =	simm.s32 @p1 $0x50;
	s15 =	simm.s32 @p1 $0x14100;
	s16 =	simm.s32 @p1 $0x1A000  }
0x115: {  	[tilespmem:s16], [sflag:$0x3] =	stream.indirect.gather @p1 [hbm4b:s4+s14], $0x80, s15, s14, $0xb8;
	[tilespmem:$0x1F000] =	vst v63  }
0x116: {  	s15 =	simm.s32 @p1 $0x1  }
0x117: {  	_ =	swait.ge @p1 [sflag:s15], $0x2800  }
0x118: {  	s20 =	simm.s32 @p1 $0x15000;
	[sflag:s15] =	ssyncset.done @p1 $0x0  }
0x119: {  	s16 =	simm.s32 @p1 $0x14800;
	[sflag:s15] =	ssyncadd.s32 @p1 $0xFFFFD800;
	s15 =	simm.s32 @!p1 $0x7  }
0x11a: {  	[spmem:s2] =	stream.indirect.scatter.add.f32 @p1 [tilespmem:s20], [sflag:$0x5], $0x80, s16, s14, $0xb8;
	[tilespmem:$0x1F000] =	vst v63  }
0x11b: {  	_ =	swait.ge @!p1 [sflag:s15], $0x2800  }
0x11c: {  	s14 =	simm.s32 @!p1 $0x1A000;
	s16 =	simm.s32 @!p1 $0x50;
	[sflag:s15] =	ssyncset.done @!p1 $0x0  }
0x11d: {  	s20 =	simm.s32 @!p1 $0x14100;
	[sflag:s15] =	ssyncadd.s32 @!p1 $0xFFFFD800;
	s15 =	simm.s32 @!p1 $0x1  }
0x11e: {  	[tilespmem:s14], [sflag:$0x3] =	stream.indirect.gather @!p1 [hbm4b:s4+s16], $0x80, s20, s16, $0xb8;
	[tilespmem:$0x1F000] =	vst v63  }
0x11f: {  	_ =	swait.ge @!p1 [sflag:s15], $0x2800  }
0x120: {  	s14 =	simm.s32 @!p1 $0x14800;
	[sflag:s15] =	ssyncset.done @!p1 $0x0  }
0x121: {  	s20 =	simm.s32 @!p1 $0x15000;
	[sflag:s15] =	ssyncadd.s32 @!p1 $0xFFFFD800;
	s15 =	simm.s32 @!p1 $0x8  }
0x122: {  	[spmem:s2] =	stream.indirect.scatter.add.f32 @!p1 [tilespmem:s20], [sflag:$0x5], $0x80, s14, s16, $0xb8;
	[tilespmem:$0x1F000] =	vst v63  }
0x123: {  	_ =	swait.ge @!p1 [sflag:s15], $0x2800  }
0x124: {  	[sflag:s15] =	ssyncset.done @!p1 $0x0  }
0x125: {  	s16 =	rddreg [dreg:$0x3];
	[sflag:s15] =	ssyncadd.s32 @!p1 $0xFFFFD800  }
0x126: {  	[tilespmem:s25], [sflag:$0x4] =	stream.indirect.gather [hbm4b:s4+s22], $0x80, s16, s22, $0xb8;
	[tilespmem:$0x1F000] =	vst v63  }
0x127: {  	_ =	swait.ge [sflag:s26], $0x2800  }
0x128: {  	[sflag:s26] =	ssyncset.done $0x0  }
0x129: {  	s20 =	rddreg [dreg:$0x4];
	[sflag:s26] =	ssyncadd.s32 $0xFFFFD800  }
0x12a: {  	[spmem:s2] =	stream.indirect.scatter.add.f32 [tilespmem:s24], [sflag:$0x6], $0x80, s20, s22, $0xb8;
	[tilespmem:$0x1F000] =	vst v63  }
0x12b: {  	s12 =	smov.u32 s11;
	_ =	swait.ge [sflag:s28], $0x2800  }
0x12c: {  	s15 =	sadd.s32 s12, s17;
	[sflag:s28] =	ssyncset.done $0x0  }
0x12d: {  	s16 =	sadd.s32 $0x80, s15;
	[sflag:s28] =	ssyncadd.s32 $0xFFFFD800  }
0x12e: {  	[tilespmem:s29], [sflag:$0x9] =	stream.linear.gather [hbm4b:s16+s3], $0x400, $0x38;
	[tilespmem:$0x1F000] =	vst v63  }
0x12f: {  	s14 =	sadd.s32 $0x10080, s15  }
0x130: {  	[tilespmem:s30], [sflag:$0x9] =	stream.linear.gather [hbm4b:s14+s3], $0x400, $0x38;
	[tilespmem:$0x1F000] =	vst v63  }
0x131: {  	s20 =	rddreg [dreg:$0x5]  }
0x132: {  	[tilespmem:s18], [sflag:$0x1] =	stream.indirect.gather [hbm4b:s4+s22], $0x80, s20, s22, $0xb8;
	[tilespmem:$0x1F000] =	vst v63  }
0x133: {  	_ =	swait.ge [sflag:s31], $0x2800  }
0x134: {  	[sflag:s31] =	ssyncset.done $0x0  }
0x135: {  	s20 =	rddreg [dreg:$0x6];
	[sflag:s31] =	ssyncadd.s32 $0xFFFFD800  }
0x136: {  	[spmem:s2] =	stream.indirect.scatter.add.f32 [tilespmem:s0], [sflag:$0x7], $0x80, s20, s22, $0xb8;
	[tilespmem:$0x1F000] =	vst v63  }
0x137: {  	_ =	swait.ge [sflag:s21], $0x2800  }
0x138: {  	[sflag:s21] =	ssyncset.done $0x0  }
0x139: {  	s15 =	rddreg [dreg:$0x7];
	[sflag:s21] =	ssyncadd.s32 $0xFFFFD800  }
0x13a: {  	[tilespmem:s24], [sflag:$0x2] =	stream.indirect.gather [hbm4b:s4+s22], $0x80, s15, s22, $0xb8;
	[tilespmem:$0x1F000] =	vst v63  }
0x13b: {  	_ =	swait.ge [sflag:s23], $0x2800  }
0x13c: {  	[sflag:s23] =	ssyncset.done $0x0  }
0x13d: {  	s16 =	rddreg [dreg:$0x8];
	[sflag:s23] =	ssyncadd.s32 $0xFFFFD800  }
0x13e: {  	[spmem:s2] =	stream.indirect.scatter.add.f32 [tilespmem:s25], [sflag:$0x8], $0x80, s16, s22, $0xb8;
	[tilespmem:$0x1F000] =	vst v63  }
0x13f: {  	_ =	swait.ge [sflag:s1], $0x2800  }
0x140: {  	[sflag:s1] =	ssyncset.done $0x0  }
0x141: {  	s20 =	rddreg [dreg:$0x9];
	[sflag:s1] =	ssyncadd.s32 $0xFFFFD800  }
0x142: {  	[tilespmem:s0], [sflag:$0x3] =	stream.indirect.gather [hbm4b:s4+s22], $0x80, s20, s22, $0xb8;
	[tilespmem:$0x1F000] =	vst v63  }
0x143: {  	_ =	swait.ge [sflag:s6], $0x2800  }
0x144: {  	[sflag:s6] =	ssyncset.done $0x0  }
0x145: {  	s15 =	rddreg [dreg:$0xa];
	[sflag:s6] =	ssyncadd.s32 $0xFFFFD800  }
0x146: {  	[spmem:s2] =	stream.indirect.scatter.add.f32 [tilespmem:s18], [sflag:$0x5], $0x80, s15, s22, $0xb8;
	[tilespmem:$0x1F000] =	vst v63  }
0x147: {  	_ =	swait.ge [sflag:s7], $0x2800  }
0x148: {  	[sflag:s7] =	ssyncset.done $0x0  }
0x149: {  	s16 =	rddreg [dreg:$0xb];
	[sflag:s7] =	ssyncadd.s32 $0xFFFFD800  }
0x14a: {  	[tilespmem:s25], [sflag:$0x4] =	stream.indirect.gather [hbm4b:s4+s22], $0x80, s16, s22, $0xb8;
	[tilespmem:$0x1F000] =	vst v63  }
0x14b: {  	_ =	swait.ge [sflag:s26], $0x2800  }
0x14c: {  	[sflag:s26] =	ssyncset.done $0x0  }
0x14d: {  	s20 =	rddreg [dreg:$0xc];
	[sflag:s26] =	ssyncadd.s32 $0xFFFFD800  }
0x14e: {  	[spmem:s2] =	stream.indirect.scatter.add.f32 [tilespmem:s24], [sflag:$0x6], $0x80, s20, s22, $0xb8;
	[tilespmem:$0x1F000] =	vst v63  }
0x14f: {  	_ =	swait.ge [sflag:s28], $0x2800  }
0x150: {  	[sflag:s28] =	ssyncset.done $0x0  }
0x151: {  	[sflag:s28] =	ssyncadd.s32 $0xFFFFD800  }
0x152: {  	_ =	swait.ge [sflag:s19], $0x400  }
0x153: {  	[sflag:s19] =	ssyncset.done $0x0  }
0x154: {  	[sflag:s19] =	ssyncadd.s32 $0xFFFFFC00  }
0x155: {  	_ =	swait.ge [sflag:s19], $0x400  }
0x156: {  	[sflag:s19] =	ssyncset.done $0x0  }
0x157: {  	[sflag:s19] =	ssyncadd.s32 $0xFFFFFC00  }
0x158: {  	[tilespmem:s18], [sflag:$0x1] =	stream.indirect.gather [hbm4b:s4+s22], $0x80, s29, s22, $0xb8;
	[tilespmem:$0x1F000] =	vst v63  }
0x159: {  	_ =	swait.ge [sflag:s31], $0x2800  }
0x15a: {  	[sflag:s31] =	ssyncset.done $0x0  }
0x15b: {  	s15 =	rddreg [dreg:$0xd];
	[sflag:s31] =	ssyncadd.s32 $0xFFFFD800  }
0x15c: {  	[spmem:s2] =	stream.indirect.scatter.add.f32 [tilespmem:s0], [sflag:$0x7], $0x80, s15, s22, $0xb8;
	[tilespmem:$0x1F000] =	vst v63  }
0x15d: {  	_ =	swait.ge [sflag:s21], $0x2800  }
0x15e: {  	[sflag:s21] =	ssyncset.done $0x0  }
0x15f: {  	s16 =	rddreg [dreg:$0xe];
	[sflag:s21] =	ssyncadd.s32 $0xFFFFD800  }
0x160: {  	[tilespmem:s24], [sflag:$0x2] =	stream.indirect.gather [hbm4b:s4+s22], $0x80, s16, s22, $0xb8;
	[tilespmem:$0x1F000] =	vst v63  }
0x161: {  	_ =	swait.ge [sflag:s23], $0x2800  }
0x162: {  	[sflag:s23] =	ssyncset.done $0x0  }
0x163: {  	s20 =	rddreg [dreg:$0xf];
	[sflag:s23] =	ssyncadd.s32 $0xFFFFD800  }
0x164: {  	[spmem:s2] =	stream.indirect.scatter.add.f32 [tilespmem:s25], [sflag:$0x8], $0x80, s20, s22, $0xb8;
	[tilespmem:$0x1F000] =	vst v63  }
0x165: {  	_ =	swait.ge [sflag:s1], $0x2800  }
0x166: {  	[sflag:s1] =	ssyncset.done $0x0  }
0x167: {  	s15 =	rddreg [dreg:$0x10];
	[sflag:s1] =	ssyncadd.s32 $0xFFFFD800  }
0x168: {  	[tilespmem:s0], [sflag:$0x3] =	stream.indirect.gather [hbm4b:s4+s22], $0x80, s15, s22, $0xb8;
	[tilespmem:$0x1F000] =	vst v63  }
0x169: {  	_ =	swait.ge [sflag:s6], $0x2800  }
0x16a: {  	[sflag:s6] =	ssyncset.done $0x0  }
0x16b: {  	[sflag:s6] =	ssyncadd.s32 $0xFFFFD800  }
0x16c: {  	[spmem:s2] =	stream.indirect.scatter.add.f32 [tilespmem:s18], [sflag:$0x5], $0x80, s30, s22, $0xb8;
	[tilespmem:$0x1F000] =	vst v63  }
0x16d: {  	_ =	swait.ge [sflag:s7], $0x2800  }
0x16e: {  	[sflag:s7] =	ssyncset.done $0x0  }
0x16f: {  	s16 =	rddreg [dreg:$0x11];
	[sflag:s7] =	ssyncadd.s32 $0xFFFFD800  }
0x170: {  	[tilespmem:s25], [sflag:$0x4] =	stream.indirect.gather [hbm4b:s4+s22], $0x80, s16, s22, $0xb8;
	[tilespmem:$0x1F000] =	vst v63  }
0x171: {  	_ =	swait.ge [sflag:s26], $0x2800  }
0x172: {  	[sflag:s26] =	ssyncset.done $0x0  }
0x173: {  	s20 =	rddreg [dreg:$0x12];
	[sflag:s26] =	ssyncadd.s32 $0xFFFFD800  }
0x174: {  	[spmem:s2] =	stream.indirect.scatter.add.f32 [tilespmem:s24], [sflag:$0x6], $0x80, s20, s22, $0xb8;
	[tilespmem:$0x1F000] =	vst v63  }
0x175: {  	p1 =	seq.s32 s12, $0x700;
	_ =	swait.ge [sflag:s28], $0x2800  }
0x176: {  	s12 =	sadd.s32 @!p1 s12, s17;
	s14 =	simm.s32 @!p1 $0x14000;
	[sflag:s28] =	ssyncset.done $0x0  }
0x177: {  	s15 =	sadd.s32 @!p1 $0x100, s12;
	s16 =	simm.s32 @!p1 $0x0;
	[sflag:s28] =	ssyncadd.s32 $0xFFFFD800  }
0x178: {  	[tilespmem:s14], [sflag:$0x9] =	stream.linear.gather @!p1 [hbm4b:s15+s16], $0x400, $0x38;
	[tilespmem:$0x1F000] =	vst v63  }
0x179: {  	s12 =	sadd.s32 @!p1 $0x10100, s12;
	s14 =	simm.s32 @!p1 $0x14800  }
0x17a: {  	[tilespmem:s14], [sflag:$0x9] =	stream.linear.gather @!p1 [hbm4b:s12+s16], $0x400, $0x38;
	[tilespmem:$0x1F000] =	vst v63  }
0x17b: {  	s20 =	rddreg [dreg:$0x13]  }
0x17c: {  	[tilespmem:s18], [sflag:$0x1] =	stream.indirect.gather [hbm4b:s4+s22], $0x80, s20, s22, $0xb8;
	[tilespmem:$0x1F000] =	vst v63  }
0x17d: {  	_ =	swait.ge [sflag:s31], $0x2800  }
0x17e: {  	[sflag:s31] =	ssyncset.done $0x0  }
0x17f: {  	s15 =	rddreg [dreg:$0x14];
	[sflag:s31] =	ssyncadd.s32 $0xFFFFD800  }
0x180: {  	[spmem:s2] =	stream.indirect.scatter.add.f32 [tilespmem:s0], [sflag:$0x7], $0x80, s15, s22, $0xb8;
	[tilespmem:$0x1F000] =	vst v63  }
0x181: {  	_ =	swait.ge [sflag:s21], $0x2800  }
0x182: {  	[sflag:s21] =	ssyncset.done $0x0  }
0x183: {  	s16 =	rddreg [dreg:$0x15];
	[sflag:s21] =	ssyncadd.s32 $0xFFFFD800  }
0x184: {  	[tilespmem:s24], [sflag:$0x2] =	stream.indirect.gather [hbm4b:s4+s22], $0x80, s16, s22, $0xb8;
	[tilespmem:$0x1F000] =	vst v63  }
0x185: {  	_ =	swait.ge [sflag:s23], $0x2800  }
0x186: {  	[sflag:s23] =	ssyncset.done $0x0  }
0x187: {  	s20 =	rddreg [dreg:$0x16];
	[sflag:s23] =	ssyncadd.s32 $0xFFFFD800  }
0x188: {  	[spmem:s2] =	stream.indirect.scatter.add.f32 [tilespmem:s25], [sflag:$0x8], $0x80, s20, s22, $0xb8;
	[tilespmem:$0x1F000] =	vst v63  }
0x189: {  	_ =	swait.ge [sflag:s1], $0x2800  }
0x18a: {  	[sflag:s1] =	ssyncset.done $0x0  }
0x18b: {  	s14 =	rddreg [dreg:$0x17];
	[sflag:s1] =	ssyncadd.s32 $0xFFFFD800  }
0x18c: {  	[tilespmem:s0], [sflag:$0x3] =	stream.indirect.gather [hbm4b:s4+s22], $0x80, s14, s22, $0xb8;
	[tilespmem:$0x1F000] =	vst v63  }
0x18d: {  	_ =	swait.ge [sflag:s6], $0x2800  }
0x18e: {  	[sflag:s6] =	ssyncset.done $0x0  }
0x18f: {  	s15 =	rddreg [dreg:$0x18];
	[sflag:s6] =	ssyncadd.s32 $0xFFFFD800  }
0x190: {  	[spmem:s2] =	stream.indirect.scatter.add.f32 [tilespmem:s18], [sflag:$0x5], $0x80, s15, s22, $0xb8;
	[tilespmem:$0x1F000] =	vst v63  }
0x191: {  	_ =	swait.ge [sflag:s7], $0x2800  }
0x192: {  	[sflag:s7] =	ssyncset.done $0x0  }
0x193: {  	s16 =	rddreg [dreg:$0x19];
	[sflag:s7] =	ssyncadd.s32 $0xFFFFD800  }
0x194: {  	[tilespmem:s25], [sflag:$0x4] =	stream.indirect.gather [hbm4b:s4+s22], $0x80, s16, s22, $0xb8;
	[tilespmem:$0x1F000] =	vst v63  }
0x195: {  	_ =	swait.ge [sflag:s26], $0x2800  }
0x196: {  	[sflag:s26] =	ssyncset.done $0x0  }
0x197: {  	s20 =	rddreg [dreg:$0x1a];
	[sflag:s26] =	ssyncadd.s32 $0xFFFFD800  }
0x198: {  	[spmem:s2] =	stream.indirect.scatter.add.f32 [tilespmem:s24], [sflag:$0x6], $0x80, s20, s22, $0xb8;
	[tilespmem:$0x1F000] =	vst v63  }
0x199: {  	s10 =	sadd.s32 $0x2, s10;
	_ =	swait.ge [sflag:s28], $0x2800  }
0x19a: {  	p1 =	sgt.u32 s10, $0xE;
	[sflag:s28] =	ssyncset.done $0x0  }
0x19b: {  	s12 =	simm.s32 @p1 $0x3;
	[sflag:s28] =	ssyncadd.s32 $0xFFFFD800  }
0x19c: {  	_ =	swait.ge @p1 [sflag:s12], $0x2800  }
0x19d: {  	s14 =	simm.s32 @p1 $0x1A000;
	s15 =	simm.s32 @p1 $0x50;
	[sflag:s12] =	ssyncset.done @p1 $0x0  }
0x19e: {  	s16 =	simm.s32 @p1 $0x14F00;
	[sflag:s12] =	ssyncadd.s32 @p1 $0xFFFFD800;
	s12 =	simm.s32 @p1 $0x6  }
0x19f: {  	[spmem:s2] =	stream.indirect.scatter.add.f32 @p1 [tilespmem:s14], [sflag:$0x7], $0x80, s16, s15, $0xb8;
	[tilespmem:$0x1F000] =	vst v63  }
0x1a0: {  	_ =	swait.ge @p1 [sflag:s12], $0x2800  }
0x1a1: {  	[sflag:s12] =	ssyncset.done @p1 $0x0  }
0x1a2: {  	s14 =	simm.s32 @!p1 $0x9;
	[sflag:s12] =	ssyncadd.s32 @p1 $0xFFFFD800  }
0x1a3: {  	_ =	swait.ge @!p1 [sflag:s14], $0x400  }
0x1a4: {  	[sflag:s14] =	ssyncset.done @!p1 $0x0  }
0x1a5: {  	[sflag:s14] =	ssyncadd.s32 @!p1 $0xFFFFFC00  }
0x1a6: {  	_ =	swait.ge @!p1 [sflag:s14], $0x400  }
0x1a7: {  	s15 =	simm.s32 @!p1 $0x50;
	s16 =	simm.s32 @!p1 $0x14000;
	[sflag:s14] =	ssyncset.done @!p1 $0x0  }
0x1a8: {  	s12 =	simm.s32 @!p1 $0x15000;
	[sflag:s14] =	ssyncadd.s32 @!p1 $0xFFFFFC00;
	s14 =	simm.s32 @!p1 $0x3  }
0x1a9: {  	[tilespmem:s12], [sflag:$0x1] =	stream.indirect.gather @!p1 [hbm4b:s4+s15], $0x80, s16, s15, $0xb8;
	[tilespmem:$0x1F000] =	vst v63  }
0x1aa: {  	_ =	swait.ge @!p1 [sflag:s14], $0x2800  }
0x1ab: {  	s12 =	simm.s32 @!p1 $0x14F00;
	[sflag:s14] =	ssyncset.done @!p1 $0x0  }
0x1ac: {  	s16 =	simm.s32 @!p1 $0x1A000;
	[sflag:s14] =	ssyncadd.s32 @!p1 $0xFFFFD800;
	s14 =	simm.s32 @!p1 $0x6  }
0x1ad: {  	[spmem:s2] =	stream.indirect.scatter.add.f32 @!p1 [tilespmem:s16], [sflag:$0x7], $0x80, s12, s15, $0xb8;
	[tilespmem:$0x1F000] =	vst v63  }
0x1ae: {  	s11 =	sadd.s32 $0x100, s11;
	_ =	swait.ge @!p1 [sflag:s14], $0x2800  }
0x1af: {  	p0 =	sne.s32 s11, $0x800;
	s12 =	simm.s32 @!p1 $0x14080;
	[sflag:s14] =	ssyncset.done @!p1 $0x0  }
.Ltmp1:
0x1b0: {  	s16 =	simm.s32 @!p1 $0x17800;
	[sflag:s14] =	ssyncadd.s32 @!p1 $0xFFFFD800;
	(pc) =	sbr.rel @p0 .LBB2_4-.Ltmp1, $4  }
0x1b1: {  	[tilespmem:s16], [sflag:$0x2] =	stream.indirect.gather @!p1 [hbm4b:s4+s15], $0x80, s12, s15, $0xb8;
	[tilespmem:$0x1F000] =	vst v63  }
0x1b2: {  	_ =	swait.ge [sflag:s23], $0x2800  }
0x1b3: {  	[sflag:s23] =	ssyncset.done $0x0  }
0x1b4: {  	s14 =	rddreg [dreg:$0x1b];
	[sflag:s23] =	ssyncadd.s32 $0xFFFFD800  }
0x1b5: {  	[spmem:s2] =	stream.indirect.scatter.add.f32 [tilespmem:s25], [sflag:$0x8], $0x80, s14, s22, $0xb8;
	[tilespmem:$0x1F000] =	vst v63  }
0x1b6: {  	_ =	swait.ge [sflag:s1], $0x2800  }
0x1b7: {  	[sflag:s1] =	ssyncset.done $0x0  }
0x1b8: {  	[sflag:s1] =	ssyncadd.s32 $0xFFFFD800  }
0x1b9: {  	_ =	swait.ge [sflag:s7], $0x2800  }
0x1ba: {  	[sflag:s7] =	ssyncset.done $0x0  }
0x1bb: {  	[sflag:s7] =	ssyncadd.s32 $0xFFFFD800  }
0x1bc: {  	[bflag:$0x0] =	sbarrier.arrive $0xFFFF  }
0x1bd: {  	s10 =	stileid.u32;
	s12 =	sld [smem:$0x7FC]  }
0x1be: {  	s10 =	sshll.u32 s10, $0x6  }
0x1bf: {  	s11 =	sshrl.u32 s5, $0x3;
	s10 =	sor.u32 $0x1C0A, s10  }
0x1c0: {  	[hbm:s12], [sflag:s10] =	dma.local [spmem:s11], $0x2800  }
0x1c1: {  	_ =	swait.ge [sflag:s8], $0x2800  }
0x1c2: {  	s20 =	sld [smem:$0x7FD];
	_ =	sdelay $0x1  }
0x1c3: {  	s9 =	sadd.s32 $0x1, s9  }
0x1c4: {  	p0 =	sne.s32 s9, s20  }
.Ltmp2:
0x1c5: {  	_ = 	snop;
	(pc) =	sbr.rel @p0 .LBB2_1-.Ltmp2, $3  }
0x1c6: {  	_ =	sdelay $0x1  }
0x1c7: {  	[sflag:s8] =	ssyncset.done $0x0  }
0x1c8: {  	[sflag:s8] =	ssyncadd.s32 $0xFFFFD800  }
0x1c9: {  	_ =	sfence.sel $0x180000  }
0x1ca: {  	[bflag:$0x0] =	sbarrier.arrive $0xFFFF  }
0x1cb: {  	_ =	strace $0x9000004A  }
0x1cc: {  	s0 =	stileid.u32;
	[bflag:$0x2] =	sbarrier.arrive $0xFFFF  }
0x1cd: {  	p0 =	sne.s32 s0, $0x0;
	s0 =	rddreg [dreg:$0x2]  }
0x1ce: {  	s0 =	sadd.s32 @!p0 $0x100000, s0  }
0x1cf: {  	[sflag:s0] =	ssyncadd.tile.s32 @!p0 $0x1;
	_ =	shalt  }
.Lfunc_end2:
_tile_overlayer_lowered:
.L_overlay_start_2:
0x1d0: {  	(tag) =	ssettag $0x2  }
0x1d1: {  	s0 =	rddreg [dreg:$0x0];
	s2 =	stileid.u32  }
0x1d2: {  	s1 =	rddreg [dreg:$0x1];
	p0 =	sne.s32 s2, $0x0  }
0x1d3: {  	s3 =	rddreg [dreg:$0x2];
	[bflag:$0x3] =	sbarrier.arrive $0xFFFF;
	s2 =	simm.s32 @!p0 $0x1C0A  }
0x1d4: {  	[timem:s3], [sflag:s2] =	dma.local @!p0 [hbm:s0], s1  }
0x1d5: {  	s0 =	simm.s32 @!p0 $0xA  }
0x1d6: {  	_ =	swait.ge @!p0 [sflag:s0], s1  }
0x1d7: {  	s1 =	ssub.s32 @!p0 $0x0, s1;
	[sflag:s0] =	ssyncset.done @!p0 $0x0  }
0x1d8: {  	[sflag:s0] =	ssyncadd.s32 @!p0 s1  }
0x1d9: {  	[bflag:$0x3] =	sbarrier.arrive $0xFFFF  }
0x1da: {  	_ =	shalt  }

</sc_bundles>
